<compile_context>
chip_gen: v7x
topology: tpu7x:2x2x1
jax: 0.10.2.dev20260603
libtpu: 0.0.44.dev20260713+nightly
codegen_flags: <defaults>
</compile_context>

<pallas_src>
import functools

import jax
import jax.numpy as jnp
from jax import lax
from jax.experimental import pallas as pl
from jax.experimental.pallas import tpu as pltpu
from jax.experimental.pallas import tpu_sc as plsc

N = 10000
E = 320000
D = 128
NP = 10240
NW = 32
CHUNK = 100
EPW = E // NW
NCHUNKS = EPW // CHUNK
NPAIRS = NCHUNKS // 2
ROWS_PER_TILE = NP // 16


def _edge_body(h_hbm, src_hbm, dst_hbm, attr_hbm, zeros_hbm, out_hbm,
               acc, src_v, dst_v, rows_v, attr_v,
               sem_g, sem_i, sem_sa, sem_sb):
    cid = lax.axis_index("c")
    sid = lax.axis_index("s")
    wid = cid * 16 + sid

    pltpu.sync_copy(zeros_hbm.at[pl.ds(sid * ROWS_PER_TILE, ROWS_PER_TILE)],
                    acc.at[pl.ds(sid * ROWS_PER_TILE, ROWS_PER_TILE)])
    plsc.subcore_barrier()

    def compute(slot):
        def row_body(r, c2):
            for rr in range(4):
                for cc in range(D // 16):
                    sl = pl.ds(cc * 16, 16)
                    v = rows_v[slot, 4 * r + rr, sl] + attr_v[4 * r + rr, sl]
                    rows_v[slot, 4 * r + rr, sl] = jnp.maximum(v, 0.0)
            return c2
        lax.fori_loop(0, CHUNK // 4, row_body, 0)

    def drain_scatter(slot, sem):
        pltpu.make_async_copy(attr_hbm.at[wid, 0], rows_v.at[slot], sem).wait()

    def do_chunk(i, slot, sem_s, first, drain, tail_guard):
        if first:
            pltpu.sync_copy(src_hbm.at[wid, 0], src_v)
        else:
            pltpu.make_async_copy(src_hbm.at[wid, 0], src_v, sem_i).wait()

        if drain:
            drain_scatter(slot, sem_s)
        pltpu.sync_copy(dst_hbm.at[wid, i], dst_v.at[slot])

        g = pltpu.async_copy(h_hbm.at[src_v], rows_v.at[slot], sem_g)
        pltpu.sync_copy(attr_hbm.at[wid, i], attr_v)
        g.wait()

        if tail_guard:
            @pl.when(i < NCHUNKS - 1)
            def _():
                pltpu.async_copy(src_hbm.at[wid, i + 1], src_v, sem_i)
        else:
            pltpu.async_copy(src_hbm.at[wid, i + 1], src_v, sem_i)

        compute(slot)
        pltpu.async_copy(rows_v.at[slot], acc.at[dst_v.at[slot]], sem_s,
                         add=True)

    def pair_body(j, carry):
        do_chunk(2 * j, 0, sem_sa, False, True, False)
        do_chunk(2 * j + 1, 1, sem_sb, False, True, True)
        return carry

    do_chunk(0, 0, sem_sa, True, False, False)
    do_chunk(1, 1, sem_sb, False, False, False)
    lax.fori_loop(1, NPAIRS, pair_body, 0)
    drain_scatter(0, sem_sa)
    drain_scatter(1, sem_sb)
    plsc.subcore_barrier()

    pltpu.sync_copy(acc.at[pl.ds(sid * ROWS_PER_TILE, ROWS_PER_TILE)],
                    out_hbm.at[cid, pl.ds(sid * ROWS_PER_TILE, ROWS_PER_TILE)])


@jax.jit
def _edge_aggregate(h, src, dst, edge_attr, zeros):
    mesh = plsc.VectorSubcoreMesh(core_axis_name="c", subcore_axis_name="s")
    return pl.kernel(
        _edge_body,
        out_type=jax.ShapeDtypeStruct((2, NP, D), jnp.float32),
        mesh=mesh,
        scratch_types=[
            pltpu.VMEM_SHARED((NP, D), jnp.float32),
            pltpu.VMEM((CHUNK,), jnp.int32),
            pltpu.VMEM((2, CHUNK), jnp.int32),
            pltpu.VMEM((2, CHUNK, D), jnp.float32),
            pltpu.VMEM((CHUNK, D), jnp.float32),
            pltpu.SemaphoreType.DMA,
            pltpu.SemaphoreType.DMA,
            pltpu.SemaphoreType.DMA,
            pltpu.SemaphoreType.DMA,
        ],
    )(h, src, dst, edge_attr, zeros)


def _mlp_body(h_ref, a0_ref, a1_ref, w1_ref, b1_ref, g1_ref, be1_ref,
              w2_ref, b2_ref, g2_ref, be2_ref, out_ref):
    z = h_ref[...] + a0_ref[...] + a1_ref[...]
    z = jnp.dot(z, w1_ref[...], preferred_element_type=jnp.float32) + b1_ref[...]
    mu = jnp.mean(z, axis=0, keepdims=True)
    var = jnp.mean((z - mu) * (z - mu), axis=0, keepdims=True)
    z = g1_ref[...] * (z - mu) / jnp.sqrt(var + 1e-5) + be1_ref[...]
    z = jnp.maximum(z, 0.0)
    z = jnp.dot(z, w2_ref[...], preferred_element_type=jnp.float32) + b2_ref[...]
    z = jnp.maximum(z, 0.0)
    mu = jnp.mean(z, axis=0, keepdims=True)
    var = jnp.mean((z - mu) * (z - mu), axis=0, keepdims=True)
    z = g2_ref[...] * (z - mu) / jnp.sqrt(var + 1e-5) + be2_ref[...]
    out_ref[...] = jnp.maximum(z, 0.0)


@jax.jit
def _mlp(h, a0, a1, w1, b1, g1, be1, w2, b2, g2, be2):
    return pl.pallas_call(
        _mlp_body,
        out_shape=jax.ShapeDtypeStruct((N, D), jnp.float32),
    )(h, a0, a1, w1, b1, g1, be1, w2, b2, g2, be2)


def kernel(x, edge_index, edge_attr, params):
    src = edge_index[0].astype(jnp.int32).reshape(NW, NCHUNKS, CHUNK)
    dst = edge_index[1].astype(jnp.int32).reshape(NW, NCHUNKS, CHUNK)
    attr = edge_attr.reshape(NW, NCHUNKS, CHUNK, D)
    zeros = jnp.zeros((NP, D), jnp.float32)
    h = x
    for p in params:
        parts = _edge_aggregate(h, src, dst, attr, zeros)
        h = _mlp(h, parts[0, :N], parts[1, :N],
                 p['W1'], p['b1'].reshape(1, D), p['g1'].reshape(1, D),
                 p['be1'].reshape(1, D),
                 p['W2'], p['b2'].reshape(1, D), p['g2'].reshape(1, D),
                 p['be2'].reshape(1, D))
    return h

# --- scband reference (transcript-rebuilt; emitter-appended) ---
"""Pipeline reference for scband-gin-32796370273146 (READ-ONLY COPY).

The authoritative reference and input builder live on the scoring server;
editing this copy changes nothing except your own understanding.
"""

import jax, jax.numpy as jnp
import numpy as np

N, E, D, L = 10000, 320000, 128, 3


def _batch_norm(h, gamma, beta, eps=1e-5):
    mu = jnp.mean(h, axis=0)
    var = jnp.var(h, axis=0)
    return gamma * (h - mu) / jnp.sqrt(var + eps) + beta


def _make_params(key):
    params = []
    for i in range(L):
        key, k1, k2 = jax.random.split(key, 3)
        scale = 1.0 / np.sqrt(D)
        p = {
            'W1': jax.random.normal(k1, (D, D), jnp.float32) * scale,
            'b1': jnp.zeros((D,), jnp.float32),
            'g1': jnp.ones((D,), jnp.float32),
            'be1': jnp.zeros((D,), jnp.float32),
            'W2': jax.random.normal(k2, (D, D), jnp.float32) * scale,
            'b2': jnp.zeros((D,), jnp.float32),
            'g2': jnp.ones((D,), jnp.float32),
            'be2': jnp.zeros((D,), jnp.float32),
        }
        params.append(p)
    return params


def setup_inputs(seed: int = 0) -> dict:
    key = jax.random.key(seed)
    kx, ke, ka, kp = jax.random.split(key, 4)
    x = jax.random.normal(kx, (N, D), jnp.float32)
    edge_index = jax.random.randint(ke, (2, E), 0, N)
    edge_attr = jax.random.normal(ka, (E, D), jnp.float32)
    params = _make_params(kp)
    return {'x': x, 'edge_index': edge_index, 'edge_attr': edge_attr, 'params': params}


def reference(x, edge_index, edge_attr, params):
    # GIN stack of GINEConv layers: for each layer
    #   msg_e = relu(x[src_e] + edge_attr_e)
    #   aggr_i = sum_{e: dst_e = i} msg_e   (scatter-add)
    #   h = MLP((1 + eps) * x + aggr), eps = 0
    #   MLP = Linear -> BN -> relu -> Linear -> relu
    # followed by outer BatchNorm1d and activation.
    src = edge_index[0]
    dst = edge_index[1]
    h = x
    for p in params:
        msg = jax.nn.relu(h[src] + edge_attr)
        aggr = jnp.zeros_like(h).at[dst].add(msg)
        z = h + aggr
        z = z @ p['W1'] + p['b1']
        z = _batch_norm(z, p['g1'], p['be1'])
        z = jax.nn.relu(z)
        z = z @ p['W2'] + p['b2']
        z = jax.nn.relu(z)
        z = _batch_norm(z, p['g2'], p['be2'])
        h = jax.nn.relu(z)
    return h

if __name__ == "__main__":
    import jax
    _d = setup_inputs()
    print(jax.jit(kernel)(*tuple(_d.values())))

</pallas_src>

<mosaic_0001>
#map = affine_map<(d0, d1) -> (0, 0)>
#map1 = affine_map<(d0, d1) -> (0, 0, 0)>
#map2 = affine_map<(d0, d1) -> (0, 0, 0, 0)>
module attributes {stable_mosaic.version = 14 : i64} {
  func.func @_edge_body(%arg0: i32, %arg1: i32, %arg2: memref<10000x128xf32, #tpu.memory_space<hbm>>, %arg3: memref<32x100x100xi32, #tpu.memory_space<hbm>>, %arg4: memref<32x100x100xi32, #tpu.memory_space<hbm>>, %arg5: memref<32x100x100x128xf32, #tpu.memory_space<hbm>>, %arg6: memref<10240x128xf32, #tpu.memory_space<hbm>>, %arg7: memref<2x10240x128xf32, #tpu.memory_space<hbm>>, %arg8: memref<10240x128xf32, #tpu.memory_space<vmem_shared>>, %arg9: memref<100xi32, #tpu.memory_space<vmem>>, %arg10: memref<2x100xi32, #tpu.memory_space<vmem>>, %arg11: memref<2x100x128xf32, #tpu.memory_space<vmem>>, %arg12: memref<100x128xf32, #tpu.memory_space<vmem>>, %arg13: memref<!tpu.dma_semaphore, #tpu.memory_space<semaphore_mem>>, %arg14: memref<!tpu.dma_semaphore, #tpu.memory_space<semaphore_mem>>, %arg15: memref<!tpu.dma_semaphore, #tpu.memory_space<semaphore_mem>>, %arg16: memref<!tpu.dma_semaphore, #tpu.memory_space<semaphore_mem>>) attributes {dimension_semantics = [#tpu.dimension_semantics<core_parallel>, #tpu.dimension_semantics<subcore_parallel>], iteration_bounds = array<i64: 2, 16>, scalar_prefetch = 0 : i64, scratch_operands = 9 : i64, tpu.core_type = #tpu.core_type<sc_vector_subcore>, window_params = [{transform_indices = #map}, {transform_indices = #map1}, {transform_indices = #map1}, {transform_indices = #map2}, {transform_indices = #map}, {transform_indices = #map1}]} {
    %mul3A = arith.constant 16 : i32
    %mul3A_0 = arith.muli %arg0, %mul3A : i32
    %add3A = arith.addi %mul3A_0, %arg1 : i32
    %mul3A_1 = arith.constant 640 : i32
    %mul3A_2 = arith.muli %arg1, %mul3A_1 : i32
    %mul3A_3 = arith.constant 640 : i32
    %mul3A_4 = arith.muli %arg1, %mul3A_3 : i32
    "tpu.region"() ({
      %run_scoped3A_144 = tpu.sem_alloc : memref<!tpu.dma_semaphore, #tpu.memory_space<semaphore_mem>>
      %dma_start3A_145 = arith.constant 0 : i32
      %dma_start3A_146 = tpu.memref_slice %arg8[%mul3A_4, %dma_start3A_145] : memref<10240x128xf32, #tpu.memory_space<vmem_shared>> -> memref<640x128xf32, #tpu.memory_space<vmem_shared>>
      %dma_start3A_147 = arith.constant 0 : i32
      %dma_start3A_148 = tpu.memref_slice %arg6[%mul3A_2, %dma_start3A_147] : memref<10240x128xf32, #tpu.memory_space<hbm>> -> memref<640x128xf32, #tpu.memory_space<hbm>>
      tpu.enqueue_dma source(%dma_start3A_148 : memref<640x128xf32, #tpu.memory_space<hbm>>) target(%dma_start3A_146 : memref<640x128xf32, #tpu.memory_space<vmem_shared>>) target_semaphore(%run_scoped3A_144 : memref<!tpu.dma_semaphore, #tpu.memory_space<semaphore_mem>>)
      %dma_wait3A_149 = arith.constant 0 : i32
      %dma_wait3A_150 = tpu.memref_slice %arg8[%mul3A_4, %dma_wait3A_149] : memref<10240x128xf32, #tpu.memory_space<vmem_shared>> -> memref<640x128xf32, #tpu.memory_space<vmem_shared>>
      %dma_wait3A_151 = arith.constant 0 : i32
      %dma_wait3A_152 = tpu.memref_slice %arg6[%mul3A_2, %dma_wait3A_151] : memref<10240x128xf32, #tpu.memory_space<hbm>> -> memref<640x128xf32, #tpu.memory_space<hbm>>
      tpu.wait_dma2 semaphore(%run_scoped3A_144 : memref<!tpu.dma_semaphore, #tpu.memory_space<semaphore_mem>>) src(%dma_wait3A_152 : memref<640x128xf32, #tpu.memory_space<hbm>>) dst(%dma_wait3A_150 : memref<640x128xf32, #tpu.memory_space<vmem_shared>>)
      tpu.yield
    }) : () -> ()
    %barrier3A = arith.constant 0 : index
    tpu.barrier barrier_id(%barrier3A)
    %run_scoped3A = arith.constant 0 : i32
    "tpu.region"() ({
      %run_scoped3A_144 = tpu.sem_alloc : memref<!tpu.dma_semaphore, #tpu.memory_space<semaphore_mem>>
      %dma_start3A_145 = arith.constant 0 : i32
      %dma_start3A_146 = tpu.memref_slice %arg3[%add3A, %run_scoped3A, %dma_start3A_145] : memref<32x100x100xi32, #tpu.memory_space<hbm>> -> memref<1x1x100xi32, #tpu.memory_space<hbm>>
      %dma_start3A_147 = tpu.memref_squeeze %dma_start3A_146 : memref<1x1x100xi32, #tpu.memory_space<hbm>> -> memref<100xi32, #tpu.memory_space<hbm>>
      %dma_start3A_148 = arith.constant 0 : i32
      %dma_start3A_149 = tpu.memref_slice %arg3[%add3A, %run_scoped3A, %dma_start3A_148] : memref<32x100x100xi32, #tpu.memory_space<hbm>> -> memref<1x1x100xi32, #tpu.memory_space<hbm>>
      %dma_start3A_150 = tpu.memref_squeeze %dma_start3A_149 : memref<1x1x100xi32, #tpu.memory_space<hbm>> -> memref<100xi32, #tpu.memory_space<hbm>>
      tpu.enqueue_dma source(%dma_start3A_150 : memref<100xi32, #tpu.memory_space<hbm>>) target(%arg9 : memref<100xi32, #tpu.memory_space<vmem>>) target_semaphore(%run_scoped3A_144 : memref<!tpu.dma_semaphore, #tpu.memory_space<semaphore_mem>>)
      %dma_wait3A_151 = arith.constant 0 : i32
      %dma_wait3A_152 = tpu.memref_slice %arg3[%add3A, %run_scoped3A, %dma_wait3A_151] : memref<32x100x100xi32, #tpu.memory_space<hbm>> -> memref<1x1x100xi32, #tpu.memory_space<hbm>>
      %dma_wait3A_153 = tpu.memref_squeeze %dma_wait3A_152 : memref<1x1x100xi32, #tpu.memory_space<hbm>> -> memref<100xi32, #tpu.memory_space<hbm>>
      %dma_wait3A_154 = arith.constant 0 : i32
      %dma_wait3A_155 = tpu.memref_slice %arg3[%add3A, %run_scoped3A, %dma_wait3A_154] : memref<32x100x100xi32, #tpu.memory_space<hbm>> -> memref<1x1x100xi32, #tpu.memory_space<hbm>>
      %dma_wait3A_156 = tpu.memref_squeeze %dma_wait3A_155 : memref<1x1x100xi32, #tpu.memory_space<hbm>> -> memref<100xi32, #tpu.memory_space<hbm>>
      tpu.wait_dma2 semaphore(%run_scoped3A_144 : memref<!tpu.dma_semaphore, #tpu.memory_space<semaphore_mem>>) src(%dma_wait3A_156 : memref<100xi32, #tpu.memory_space<hbm>>) dst(%arg9 : memref<100xi32, #tpu.memory_space<vmem>>)
      tpu.yield
    }) : () -> ()
    %run_scoped3A_5 = arith.constant 0 : i32
    %run_scoped3A_6 = arith.constant 0 : i32
    "tpu.region"() ({
      %run_scoped3A_144 = tpu.sem_alloc : memref<!tpu.dma_semaphore, #tpu.memory_space<semaphore_mem>>
      %dma_start3A_145 = arith.constant 0 : i32
      %dma_start3A_146 = tpu.memref_slice %arg10[%run_scoped3A_6, %dma_start3A_145] : memref<2x100xi32, #tpu.memory_space<vmem>> -> memref<1x100xi32, #tpu.memory_space<vmem>>
      %dma_start3A_147 = tpu.memref_squeeze %dma_start3A_146 : memref<1x100xi32, #tpu.memory_space<vmem>> -> memref<100xi32, #tpu.memory_space<vmem>>
      %dma_start3A_148 = arith.constant 0 : i32
      %dma_start3A_149 = tpu.memref_slice %arg4[%add3A, %run_scoped3A_5, %dma_start3A_148] : memref<32x100x100xi32, #tpu.memory_space<hbm>> -> memref<1x1x100xi32, #tpu.memory_space<hbm>>
      %dma_start3A_150 = tpu.memref_squeeze %dma_start3A_149 : memref<1x1x100xi32, #tpu.memory_space<hbm>> -> memref<100xi32, #tpu.memory_space<hbm>>
      %dma_start3A_151 = arith.constant 0 : i32
      %dma_start3A_152 = tpu.memref_slice %arg10[%run_scoped3A_6, %dma_start3A_151] : memref<2x100xi32, #tpu.memory_space<vmem>> -> memref<1x100xi32, #tpu.memory_space<vmem>>
      %dma_start3A_153 = tpu.memref_squeeze %dma_start3A_152 : memref<1x100xi32, #tpu.memory_space<vmem>> -> memref<100xi32, #tpu.memory_space<vmem>>
      %dma_start3A_154 = arith.constant 0 : i32
      %dma_start3A_155 = tpu.memref_slice %arg4[%add3A, %run_scoped3A_5, %dma_start3A_154] : memref<32x100x100xi32, #tpu.memory_space<hbm>> -> memref<1x1x100xi32, #tpu.memory_space<hbm>>
      %dma_start3A_156 = tpu.memref_squeeze %dma_start3A_155 : memref<1x1x100xi32, #tpu.memory_space<hbm>> -> memref<100xi32, #tpu.memory_space<hbm>>
      tpu.enqueue_dma source(%dma_start3A_156 : memref<100xi32, #tpu.memory_space<hbm>>) target(%dma_start3A_153 : memref<100xi32, #tpu.memory_space<vmem>>) target_semaphore(%run_scoped3A_144 : memref<!tpu.dma_semaphore, #tpu.memory_space<semaphore_mem>>)
      %dma_wait3A_157 = arith.constant 0 : i32
      %dma_wait3A_158 = tpu.memref_slice %arg10[%run_scoped3A_6, %dma_wait3A_157] : memref<2x100xi32, #tpu.memory_space<vmem>> -> memref<1x100xi32, #tpu.memory_space<vmem>>
      %dma_wait3A_159 = tpu.memref_squeeze %dma_wait3A_158 : memref<1x100xi32, #tpu.memory_space<vmem>> -> memref<100xi32, #tpu.memory_space<vmem>>
      %dma_wait3A_160 = arith.constant 0 : i32
      %dma_wait3A_161 = tpu.memref_slice %arg4[%add3A, %run_scoped3A_5, %dma_wait3A_160] : memref<32x100x100xi32, #tpu.memory_space<hbm>> -> memref<1x1x100xi32, #tpu.memory_space<hbm>>
      %dma_wait3A_162 = tpu.memref_squeeze %dma_wait3A_161 : memref<1x1x100xi32, #tpu.memory_space<hbm>> -> memref<100xi32, #tpu.memory_space<hbm>>
      %dma_wait3A_163 = arith.constant 0 : i32
      %dma_wait3A_164 = tpu.memref_slice %arg10[%run_scoped3A_6, %dma_wait3A_163] : memref<2x100xi32, #tpu.memory_space<vmem>> -> memref<1x100xi32, #tpu.memory_space<vmem>>
      %dma_wait3A_165 = tpu.memref_squeeze %dma_wait3A_164 : memref<1x100xi32, #tpu.memory_space<vmem>> -> memref<100xi32, #tpu.memory_space<vmem>>
      %dma_wait3A_166 = arith.constant 0 : i32
      %dma_wait3A_167 = tpu.memref_slice %arg4[%add3A, %run_scoped3A_5, %dma_wait3A_166] : memref<32x100x100xi32, #tpu.memory_space<hbm>> -> memref<1x1x100xi32, #tpu.memory_space<hbm>>
      %dma_wait3A_168 = tpu.memref_squeeze %dma_wait3A_167 : memref<1x1x100xi32, #tpu.memory_space<hbm>> -> memref<100xi32, #tpu.memory_space<hbm>>
      tpu.wait_dma2 semaphore(%run_scoped3A_144 : memref<!tpu.dma_semaphore, #tpu.memory_space<semaphore_mem>>) src(%dma_wait3A_168 : memref<100xi32, #tpu.memory_space<hbm>>) dst(%dma_wait3A_165 : memref<100xi32, #tpu.memory_space<vmem>>)
      tpu.yield
    }) : () -> ()
    %dma_start3A = arith.constant 0 : i32
    %dma_start3A_7 = arith.constant 0 : i32
    %dma_start3A_8 = arith.constant 0 : i32
    %dma_start3A_9 = tpu.memref_slice %arg11[%dma_start3A, %dma_start3A_7, %dma_start3A_8] : memref<2x100x128xf32, #tpu.memory_space<vmem>> -> memref<1x100x128xf32, #tpu.memory_space<vmem>>
    %dma_start3A_10 = tpu.memref_squeeze %dma_start3A_9 : memref<1x100x128xf32, #tpu.memory_space<vmem>> -> memref<100x128xf32, #tpu.memory_space<vmem>>
    %dma_start3A_11 = arith.constant 0 : i32
    %dma_start3A_12 = arith.constant 0 : i32
    %dma_start3A_13 = tpu.memref_slice %arg2[%dma_start3A_11, %dma_start3A_12] : memref<10000x128xf32, #tpu.memory_space<hbm>> -> memref<10000x128xf32, #tpu.memory_space<hbm>>
    tpu.enqueue_indirect_dma source(%dma_start3A_13 : memref<10000x128xf32, #tpu.memory_space<hbm>>) target(%dma_start3A_10 : memref<100x128xf32, #tpu.memory_space<vmem>>) offsets(%arg9 : memref<100xi32, #tpu.memory_space<vmem>>) semaphore(%arg13 : memref<!tpu.dma_semaphore, #tpu.memory_space<semaphore_mem>>)
    %run_scoped3A_14 = arith.constant 0 : i32
    "tpu.region"() ({
      %run_scoped3A_144 = tpu.sem_alloc : memref<!tpu.dma_semaphore, #tpu.memory_space<semaphore_mem>>
      %dma_start3A_145 = arith.constant 0 : i32
      %dma_start3A_146 = arith.constant 0 : i32
      %dma_start3A_147 = tpu.memref_slice %arg5[%add3A, %run_scoped3A_14, %dma_start3A_145, %dma_start3A_146] : memref<32x100x100x128xf32, #tpu.memory_space<hbm>> -> memref<1x1x100x128xf32, #tpu.memory_space<hbm>>
      %dma_start3A_148 = tpu.memref_squeeze %dma_start3A_147 : memref<1x1x100x128xf32, #tpu.memory_space<hbm>> -> memref<100x128xf32, #tpu.memory_space<hbm>>
      %dma_start3A_149 = arith.constant 0 : i32
      %dma_start3A_150 = arith.constant 0 : i32
      %dma_start3A_151 = tpu.memref_slice %arg5[%add3A, %run_scoped3A_14, %dma_start3A_149, %dma_start3A_150] : memref<32x100x100x128xf32, #tpu.memory_space<hbm>> -> memref<1x1x100x128xf32, #tpu.memory_space<hbm>>
      %dma_start3A_152 = tpu.memref_squeeze %dma_start3A_151 : memref<1x1x100x128xf32, #tpu.memory_space<hbm>> -> memref<100x128xf32, #tpu.memory_space<hbm>>
      tpu.enqueue_dma source(%dma_start3A_152 : memref<100x128xf32, #tpu.memory_space<hbm>>) target(%arg12 : memref<100x128xf32, #tpu.memory_space<vmem>>) target_semaphore(%run_scoped3A_144 : memref<!tpu.dma_semaphore, #tpu.memory_space<semaphore_mem>>)
      %dma_wait3A_153 = arith.constant 0 : i32
      %dma_wait3A_154 = arith.constant 0 : i32
      %dma_wait3A_155 = tpu.memref_slice %arg5[%add3A, %run_scoped3A_14, %dma_wait3A_153, %dma_wait3A_154] : memref<32x100x100x128xf32, #tpu.memory_space<hbm>> -> memref<1x1x100x128xf32, #tpu.memory_space<hbm>>
      %dma_wait3A_156 = tpu.memref_squeeze %dma_wait3A_155 : memref<1x1x100x128xf32, #tpu.memory_space<hbm>> -> memref<100x128xf32, #tpu.memory_space<hbm>>
      %dma_wait3A_157 = arith.constant 0 : i32
      %dma_wait3A_158 = arith.constant 0 : i32
      %dma_wait3A_159 = tpu.memref_slice %arg5[%add3A, %run_scoped3A_14, %dma_wait3A_157, %dma_wait3A_158] : memref<32x100x100x128xf32, #tpu.memory_space<hbm>> -> memref<1x1x100x128xf32, #tpu.memory_space<hbm>>
      %dma_wait3A_160 = tpu.memref_squeeze %dma_wait3A_159 : memref<1x1x100x128xf32, #tpu.memory_space<hbm>> -> memref<100x128xf32, #tpu.memory_space<hbm>>
      tpu.wait_dma2 semaphore(%run_scoped3A_144 : memref<!tpu.dma_semaphore, #tpu.memory_space<semaphore_mem>>) src(%dma_wait3A_160 : memref<100x128xf32, #tpu.memory_space<hbm>>) dst(%arg12 : memref<100x128xf32, #tpu.memory_space<vmem>>)
      tpu.yield
    }) : () -> ()
    %dma_wait3A = arith.constant 0 : i32
    %dma_wait3A_15 = arith.constant 0 : i32
    %dma_wait3A_16 = arith.constant 0 : i32
    %dma_wait3A_17 = tpu.memref_slice %arg11[%dma_wait3A, %dma_wait3A_15, %dma_wait3A_16] : memref<2x100x128xf32, #tpu.memory_space<vmem>> -> memref<1x100x128xf32, #tpu.memory_space<vmem>>
    %dma_wait3A_18 = tpu.memref_squeeze %dma_wait3A_17 : memref<1x100x128xf32, #tpu.memory_space<vmem>> -> memref<100x128xf32, #tpu.memory_space<vmem>>
    %dma_wait3A_19 = arith.constant 0 : i32
    %dma_wait3A_20 = arith.constant 0 : i32
    %dma_wait3A_21 = tpu.memref_slice %arg2[%dma_wait3A_19, %dma_wait3A_20] : memref<10000x128xf32, #tpu.memory_space<hbm>> -> memref<10000x128xf32, #tpu.memory_space<hbm>>
    tpu.wait_indirect_dma semaphore(%arg13 : memref<!tpu.dma_semaphore, #tpu.memory_space<semaphore_mem>>) src(%dma_wait3A_21 : memref<10000x128xf32, #tpu.memory_space<hbm>>) dst(%dma_wait3A_18 : memref<100x128xf32, #tpu.memory_space<vmem>>)
    %dma_start3A_22 = arith.constant 1 : i32
    %dma_start3A_23 = arith.constant 0 : i32
    %dma_start3A_24 = tpu.memref_slice %arg3[%add3A, %dma_start3A_22, %dma_start3A_23] : memref<32x100x100xi32, #tpu.memory_space<hbm>> -> memref<1x1x100xi32, #tpu.memory_space<hbm>>
    %dma_start3A_25 = tpu.memref_squeeze %dma_start3A_24 : memref<1x1x100xi32, #tpu.memory_space<hbm>> -> memref<100xi32, #tpu.memory_space<hbm>>
    %dma_start3A_26 = arith.constant 0 : i32
    %dma_start3A_27 = tpu.memref_slice %arg3[%add3A, %dma_start3A_22, %dma_start3A_26] : memref<32x100x100xi32, #tpu.memory_space<hbm>> -> memref<1x1x100xi32, #tpu.memory_space<hbm>>
    %dma_start3A_28 = tpu.memref_squeeze %dma_start3A_27 : memref<1x1x100xi32, #tpu.memory_space<hbm>> -> memref<100xi32, #tpu.memory_space<hbm>>
    tpu.enqueue_dma source(%dma_start3A_28 : memref<100xi32, #tpu.memory_space<hbm>>) target(%arg9 : memref<100xi32, #tpu.memory_space<vmem>>) target_semaphore(%arg14 : memref<!tpu.dma_semaphore, #tpu.memory_space<semaphore_mem>>)
    %scan3A = arith.constant 0 : i32
    %scan3A_29 = arith.constant 0 : i32
    %scan3A_30 = arith.constant 25 : i32
    %scan3A_31 = arith.addi %scan3A_29, %scan3A_30 : i32
    %scan3A_32 = arith.constant 1 : i32
    scf.for %scan3A_144 = %scan3A_29 to %scan3A_31 step %scan3A_32  : i32 {
      %mul3A_145 = arith.constant 4 : i32
      %mul3A_146 = arith.muli %mul3A_145, %scan3A_144 : i32
      %add3A_147 = arith.constant 0 : i32
      %add3A_148 = arith.addi %mul3A_146, %add3A_147 : i32
      %get3A = arith.constant 0 : i32
      %get3A_149 = arith.index_cast %get3A : i32 to index
      %get3A_150 = arith.index_cast %add3A_148 : i32 to index
      %get3A_151 = arith.constant 0 : index
      %get3A_152 = tpu.vector_load %arg11[%get3A_149, %get3A_150, %get3A_151] {strides = array<i32>} : memref<2x100x128xf32, #tpu.memory_space<vmem>>, vector<1x1x16xf32>,
      %get3A_153 = vector.shape_cast %get3A_152 : vector<1x1x16xf32> to vector<16xf32>
      %mul3A_154 = arith.constant 4 : i32
      %mul3A_155 = arith.muli %mul3A_154, %scan3A_144 : i32
      %add3A_156 = arith.constant 0 : i32
      %add3A_157 = arith.addi %mul3A_155, %add3A_156 : i32
      %get3A_158 = arith.index_cast %add3A_157 : i32 to index
      %get3A_159 = arith.constant 0 : index
      %get3A_160 = tpu.vector_load %arg12[%get3A_158, %get3A_159] {strides = array<i32>} : memref<100x128xf32, #tpu.memory_space<vmem>>, vector<1x16xf32>,
      %get3A_161 = vector.shape_cast %get3A_160 : vector<1x16xf32> to vector<16xf32>
      %add3A_162 = arith.addf %get3A_153, %get3A_161 : vector<16xf32>
      %max3A = arith.constant 0.000000e+00 : f32
      %max3A_163 = vector.broadcast %max3A : f32 to vector<16xf32>
      %max3A_164 = arith.maximumf %add3A_162, %max3A_163 : vector<16xf32>
      %mul3A_165 = arith.constant 4 : i32
      %mul3A_166 = arith.muli %mul3A_165, %scan3A_144 : i32
      %add3A_167 = arith.constant 0 : i32
      %add3A_168 = arith.addi %mul3A_166, %add3A_167 : i32
      %swap3A = arith.constant 0 : i32
      %swap3A_169 = arith.index_cast %swap3A : i32 to index
      %swap3A_170 = arith.index_cast %add3A_168 : i32 to index
      %swap3A_171 = arith.constant 0 : index
      %swap3A_172 = tpu.vector_load %arg11[%swap3A_169, %swap3A_170, %swap3A_171] {strides = array<i32>} : memref<2x100x128xf32, #tpu.memory_space<vmem>>, vector<1x1x16xf32>,
      %swap3A_173 = vector.shape_cast %swap3A_172 : vector<1x1x16xf32> to vector<16xf32>
      %swap3A_174 = vector.shape_cast %max3A_164 : vector<16xf32> to vector<1x1x16xf32>
      tpu.vector_store %arg11[%swap3A_169, %swap3A_170, %swap3A_171], %swap3A_174 {strides = array<i32>} : memref<2x100x128xf32, #tpu.memory_space<vmem>>, vector<1x1x16xf32>,
      %mul3A_175 = arith.constant 4 : i32
      %mul3A_176 = arith.muli %mul3A_175, %scan3A_144 : i32
      %add3A_177 = arith.constant 0 : i32
      %add3A_178 = arith.addi %mul3A_176, %add3A_177 : i32
      %get3A_179 = arith.constant 0 : i32
      %get3A_180 = arith.index_cast %get3A_179 : i32 to index
      %get3A_181 = arith.index_cast %add3A_178 : i32 to index
      %get3A_182 = arith.constant 16 : index
      %get3A_183 = tpu.vector_load %arg11[%get3A_180, %get3A_181, %get3A_182] {strides = array<i32>} : memref<2x100x128xf32, #tpu.memory_space<vmem>>, vector<1x1x16xf32>,
      %get3A_184 = vector.shape_cast %get3A_183 : vector<1x1x16xf32> to vector<16xf32>
      %mul3A_185 = arith.constant 4 : i32
      %mul3A_186 = arith.muli %mul3A_185, %scan3A_144 : i32
      %add3A_187 = arith.constant 0 : i32
      %add3A_188 = arith.addi %mul3A_186, %add3A_187 : i32
      %get3A_189 = arith.index_cast %add3A_188 : i32 to index
      %get3A_190 = arith.constant 16 : index
      %get3A_191 = tpu.vector_load %arg12[%get3A_189, %get3A_190] {strides = array<i32>} : memref<100x128xf32, #tpu.memory_space<vmem>>, vector<1x16xf32>,
      %get3A_192 = vector.shape_cast %get3A_191 : vector<1x16xf32> to vector<16xf32>
      %add3A_193 = arith.addf %get3A_184, %get3A_192 : vector<16xf32>
      %max3A_194 = arith.constant 0.000000e+00 : f32
      %max3A_195 = vector.broadcast %max3A_194 : f32 to vector<16xf32>
      %max3A_196 = arith.maximumf %add3A_193, %max3A_195 : vector<16xf32>
      %mul3A_197 = arith.constant 4 : i32
      %mul3A_198 = arith.muli %mul3A_197, %scan3A_144 : i32
      %add3A_199 = arith.constant 0 : i32
      %add3A_200 = arith.addi %mul3A_198, %add3A_199 : i32
      %swap3A_201 = arith.constant 0 : i32
      %swap3A_202 = arith.index_cast %swap3A_201 : i32 to index
      %swap3A_203 = arith.index_cast %add3A_200 : i32 to index
      %swap3A_204 = arith.constant 16 : index
      %swap3A_205 = tpu.vector_load %arg11[%swap3A_202, %swap3A_203, %swap3A_204] {strides = array<i32>} : memref<2x100x128xf32, #tpu.memory_space<vmem>>, vector<1x1x16xf32>,
      %swap3A_206 = vector.shape_cast %swap3A_205 : vector<1x1x16xf32> to vector<16xf32>
      %swap3A_207 = vector.shape_cast %max3A_196 : vector<16xf32> to vector<1x1x16xf32>
      tpu.vector_store %arg11[%swap3A_202, %swap3A_203, %swap3A_204], %swap3A_207 {strides = array<i32>} : memref<2x100x128xf32, #tpu.memory_space<vmem>>, vector<1x1x16xf32>,
      %mul3A_208 = arith.constant 4 : i32
      %mul3A_209 = arith.muli %mul3A_208, %scan3A_144 : i32
      %add3A_210 = arith.constant 0 : i32
      %add3A_211 = arith.addi %mul3A_209, %add3A_210 : i32
      %get3A_212 = arith.constant 0 : i32
      %get3A_213 = arith.index_cast %get3A_212 : i32 to index
      %get3A_214 = arith.index_cast %add3A_211 : i32 to index
      %get3A_215 = arith.constant 32 : index
      %get3A_216 = tpu.vector_load %arg11[%get3A_213, %get3A_214, %get3A_215] {strides = array<i32>} : memref<2x100x128xf32, #tpu.memory_space<vmem>>, vector<1x1x16xf32>,
      %get3A_217 = vector.shape_cast %get3A_216 : vector<1x1x16xf32> to vector<16xf32>
      %mul3A_218 = arith.constant 4 : i32
      %mul3A_219 = arith.muli %mul3A_218, %scan3A_144 : i32
      %add3A_220 = arith.constant 0 : i32
      %add3A_221 = arith.addi %mul3A_219, %add3A_220 : i32
      %get3A_222 = arith.index_cast %add3A_221 : i32 to index
      %get3A_223 = arith.constant 32 : index
      %get3A_224 = tpu.vector_load %arg12[%get3A_222, %get3A_223] {strides = array<i32>} : memref<100x128xf32, #tpu.memory_space<vmem>>, vector<1x16xf32>,
      %get3A_225 = vector.shape_cast %get3A_224 : vector<1x16xf32> to vector<16xf32>
      %add3A_226 = arith.addf %get3A_217, %get3A_225 : vector<16xf32>
      %max3A_227 = arith.constant 0.000000e+00 : f32
      %max3A_228 = vector.broadcast %max3A_227 : f32 to vector<16xf32>
      %max3A_229 = arith.maximumf %add3A_226, %max3A_228 : vector<16xf32>
      %mul3A_230 = arith.constant 4 : i32
      %mul3A_231 = arith.muli %mul3A_230, %scan3A_144 : i32
      %add3A_232 = arith.constant 0 : i32
      %add3A_233 = arith.addi %mul3A_231, %add3A_232 : i32
      %swap3A_234 = arith.constant 0 : i32
      %swap3A_235 = arith.index_cast %swap3A_234 : i32 to index
      %swap3A_236 = arith.index_cast %add3A_233 : i32 to index
      %swap3A_237 = arith.constant 32 : index
      %swap3A_238 = tpu.vector_load %arg11[%swap3A_235, %swap3A_236, %swap3A_237] {strides = array<i32>} : memref<2x100x128xf32, #tpu.memory_space<vmem>>, vector<1x1x16xf32>,
      %swap3A_239 = vector.shape_cast %swap3A_238 : vector<1x1x16xf32> to vector<16xf32>
      %swap3A_240 = vector.shape_cast %max3A_229 : vector<16xf32> to vector<1x1x16xf32>
      tpu.vector_store %arg11[%swap3A_235, %swap3A_236, %swap3A_237], %swap3A_240 {strides = array<i32>} : memref<2x100x128xf32, #tpu.memory_space<vmem>>, vector<1x1x16xf32>,
      %mul3A_241 = arith.constant 4 : i32
      %mul3A_242 = arith.muli %mul3A_241, %scan3A_144 : i32
      %add3A_243 = arith.constant 0 : i32
      %add3A_244 = arith.addi %mul3A_242, %add3A_243 : i32
      %get3A_245 = arith.constant 0 : i32
      %get3A_246 = arith.index_cast %get3A_245 : i32 to index
      %get3A_247 = arith.index_cast %add3A_244 : i32 to index
      %get3A_248 = arith.constant 48 : index
      %get3A_249 = tpu.vector_load %arg11[%get3A_246, %get3A_247, %get3A_248] {strides = array<i32>} : memref<2x100x128xf32, #tpu.memory_space<vmem>>, vector<1x1x16xf32>,
      %get3A_250 = vector.shape_cast %get3A_249 : vector<1x1x16xf32> to vector<16xf32>
      %mul3A_251 = arith.constant 4 : i32
      %mul3A_252 = arith.muli %mul3A_251, %scan3A_144 : i32
      %add3A_253 = arith.constant 0 : i32
      %add3A_254 = arith.addi %mul3A_252, %add3A_253 : i32
      %get3A_255 = arith.index_cast %add3A_254 : i32 to index
      %get3A_256 = arith.constant 48 : index
      %get3A_257 = tpu.vector_load %arg12[%get3A_255, %get3A_256] {strides = array<i32>} : memref<100x128xf32, #tpu.memory_space<vmem>>, vector<1x16xf32>,
      %get3A_258 = vector.shape_cast %get3A_257 : vector<1x16xf32> to vector<16xf32>
      %add3A_259 = arith.addf %get3A_250, %get3A_258 : vector<16xf32>
      %max3A_260 = arith.constant 0.000000e+00 : f32
      %max3A_261 = vector.broadcast %max3A_260 : f32 to vector<16xf32>
      %max3A_262 = arith.maximumf %add3A_259, %max3A_261 : vector<16xf32>
      %mul3A_263 = arith.constant 4 : i32
      %mul3A_264 = arith.muli %mul3A_263, %scan3A_144 : i32
      %add3A_265 = arith.constant 0 : i32
      %add3A_266 = arith.addi %mul3A_264, %add3A_265 : i32
      %swap3A_267 = arith.constant 0 : i32
      %swap3A_268 = arith.index_cast %swap3A_267 : i32 to index
      %swap3A_269 = arith.index_cast %add3A_266 : i32 to index
      %swap3A_270 = arith.constant 48 : index
      %swap3A_271 = tpu.vector_load %arg11[%swap3A_268, %swap3A_269, %swap3A_270] {strides = array<i32>} : memref<2x100x128xf32, #tpu.memory_space<vmem>>, vector<1x1x16xf32>,
      %swap3A_272 = vector.shape_cast %swap3A_271 : vector<1x1x16xf32> to vector<16xf32>
      %swap3A_273 = vector.shape_cast %max3A_262 : vector<16xf32> to vector<1x1x16xf32>
      tpu.vector_store %arg11[%swap3A_268, %swap3A_269, %swap3A_270], %swap3A_273 {strides = array<i32>} : memref<2x100x128xf32, #tpu.memory_space<vmem>>, vector<1x1x16xf32>,
      %mul3A_274 = arith.constant 4 : i32
      %mul3A_275 = arith.muli %mul3A_274, %scan3A_144 : i32
      %add3A_276 = arith.constant 0 : i32
      %add3A_277 = arith.addi %mul3A_275, %add3A_276 : i32
      %get3A_278 = arith.constant 0 : i32
      %get3A_279 = arith.index_cast %get3A_278 : i32 to index
      %get3A_280 = arith.index_cast %add3A_277 : i32 to index
      %get3A_281 = arith.constant 64 : index
      %get3A_282 = tpu.vector_load %arg11[%get3A_279, %get3A_280, %get3A_281] {strides = array<i32>} : memref<2x100x128xf32, #tpu.memory_space<vmem>>, vector<1x1x16xf32>,
      %get3A_283 = vector.shape_cast %get3A_282 : vector<1x1x16xf32> to vector<16xf32>
      %mul3A_284 = arith.constant 4 : i32
      %mul3A_285 = arith.muli %mul3A_284, %scan3A_144 : i32
      %add3A_286 = arith.constant 0 : i32
      %add3A_287 = arith.addi %mul3A_285, %add3A_286 : i32
      %get3A_288 = arith.index_cast %add3A_287 : i32 to index
      %get3A_289 = arith.constant 64 : index
      %get3A_290 = tpu.vector_load %arg12[%get3A_288, %get3A_289] {strides = array<i32>} : memref<100x128xf32, #tpu.memory_space<vmem>>, vector<1x16xf32>,
      %get3A_291 = vector.shape_cast %get3A_290 : vector<1x16xf32> to vector<16xf32>
      %add3A_292 = arith.addf %get3A_283, %get3A_291 : vector<16xf32>
      %max3A_293 = arith.constant 0.000000e+00 : f32
      %max3A_294 = vector.broadcast %max3A_293 : f32 to vector<16xf32>
      %max3A_295 = arith.maximumf %add3A_292, %max3A_294 : vector<16xf32>
      %mul3A_296 = arith.constant 4 : i32
      %mul3A_297 = arith.muli %mul3A_296, %scan3A_144 : i32
      %add3A_298 = arith.constant 0 : i32
      %add3A_299 = arith.addi %mul3A_297, %add3A_298 : i32
      %swap3A_300 = arith.constant 0 : i32
      %swap3A_301 = arith.index_cast %swap3A_300 : i32 to index
      %swap3A_302 = arith.index_cast %add3A_299 : i32 to index
      %swap3A_303 = arith.constant 64 : index
      %swap3A_304 = tpu.vector_load %arg11[%swap3A_301, %swap3A_302, %swap3A_303] {strides = array<i32>} : memref<2x100x128xf32, #tpu.memory_space<vmem>>, vector<1x1x16xf32>,
      %swap3A_305 = vector.shape_cast %swap3A_304 : vector<1x1x16xf32> to vector<16xf32>
      %swap3A_306 = vector.shape_cast %max3A_295 : vector<16xf32> to vector<1x1x16xf32>
      tpu.vector_store %arg11[%swap3A_301, %swap3A_302, %swap3A_303], %swap3A_306 {strides = array<i32>} : memref<2x100x128xf32, #tpu.memory_space<vmem>>, vector<1x1x16xf32>,
      %mul3A_307 = arith.constant 4 : i32
      %mul3A_308 = arith.muli %mul3A_307, %scan3A_144 : i32
      %add3A_309 = arith.constant 0 : i32
      %add3A_310 = arith.addi %mul3A_308, %add3A_309 : i32
      %get3A_311 = arith.constant 0 : i32
      %get3A_312 = arith.index_cast %get3A_311 : i32 to index
      %get3A_313 = arith.index_cast %add3A_310 : i32 to index
      %get3A_314 = arith.constant 80 : index
      %get3A_315 = tpu.vector_load %arg11[%get3A_312, %get3A_313, %get3A_314] {strides = array<i32>} : memref<2x100x128xf32, #tpu.memory_space<vmem>>, vector<1x1x16xf32>,
      %get3A_316 = vector.shape_cast %get3A_315 : vector<1x1x16xf32> to vector<16xf32>
      %mul3A_317 = arith.constant 4 : i32
      %mul3A_318 = arith.muli %mul3A_317, %scan3A_144 : i32
      %add3A_319 = arith.constant 0 : i32
      %add3A_320 = arith.addi %mul3A_318, %add3A_319 : i32
      %get3A_321 = arith.index_cast %add3A_320 : i32 to index
      %get3A_322 = arith.constant 80 : index
      %get3A_323 = tpu.vector_load %arg12[%get3A_321, %get3A_322] {strides = array<i32>} : memref<100x128xf32, #tpu.memory_space<vmem>>, vector<1x16xf32>,
      %get3A_324 = vector.shape_cast %get3A_323 : vector<1x16xf32> to vector<16xf32>
      %add3A_325 = arith.addf %get3A_316, %get3A_324 : vector<16xf32>
      %max3A_326 = arith.constant 0.000000e+00 : f32
      %max3A_327 = vector.broadcast %max3A_326 : f32 to vector<16xf32>
      %max3A_328 = arith.maximumf %add3A_325, %max3A_327 : vector<16xf32>
      %mul3A_329 = arith.constant 4 : i32
      %mul3A_330 = arith.muli %mul3A_329, %scan3A_144 : i32
      %add3A_331 = arith.constant 0 : i32
      %add3A_332 = arith.addi %mul3A_330, %add3A_331 : i32
      %swap3A_333 = arith.constant 0 : i32
      %swap3A_334 = arith.index_cast %swap3A_333 : i32 to index
      %swap3A_335 = arith.index_cast %add3A_332 : i32 to index
      %swap3A_336 = arith.constant 80 : index
      %swap3A_337 = tpu.vector_load %arg11[%swap3A_334, %swap3A_335, %swap3A_336] {strides = array<i32>} : memref<2x100x128xf32, #tpu.memory_space<vmem>>, vector<1x1x16xf32>,
      %swap3A_338 = vector.shape_cast %swap3A_337 : vector<1x1x16xf32> to vector<16xf32>
      %swap3A_339 = vector.shape_cast %max3A_328 : vector<16xf32> to vector<1x1x16xf32>
      tpu.vector_store %arg11[%swap3A_334, %swap3A_335, %swap3A_336], %swap3A_339 {strides = array<i32>} : memref<2x100x128xf32, #tpu.memory_space<vmem>>, vector<1x1x16xf32>,
      %mul3A_340 = arith.constant 4 : i32
      %mul3A_341 = arith.muli %mul3A_340, %scan3A_144 : i32
      %add3A_342 = arith.constant 0 : i32
      %add3A_343 = arith.addi %mul3A_341, %add3A_342 : i32
      %get3A_344 = arith.constant 0 : i32
      %get3A_345 = arith.index_cast %get3A_344 : i32 to index
      %get3A_346 = arith.index_cast %add3A_343 : i32 to index
      %get3A_347 = arith.constant 96 : index
      %get3A_348 = tpu.vector_load %arg11[%get3A_345, %get3A_346, %get3A_347] {strides = array<i32>} : memref<2x100x128xf32, #tpu.memory_space<vmem>>, vector<1x1x16xf32>,
      %get3A_349 = vector.shape_cast %get3A_348 : vector<1x1x16xf32> to vector<16xf32>
      %mul3A_350 = arith.constant 4 : i32
      %mul3A_351 = arith.muli %mul3A_350, %scan3A_144 : i32
      %add3A_352 = arith.constant 0 : i32
      %add3A_353 = arith.addi %mul3A_351, %add3A_352 : i32
      %get3A_354 = arith.index_cast %add3A_353 : i32 to index
      %get3A_355 = arith.constant 96 : index
      %get3A_356 = tpu.vector_load %arg12[%get3A_354, %get3A_355] {strides = array<i32>} : memref<100x128xf32, #tpu.memory_space<vmem>>, vector<1x16xf32>,
      %get3A_357 = vector.shape_cast %get3A_356 : vector<1x16xf32> to vector<16xf32>
      %add3A_358 = arith.addf %get3A_349, %get3A_357 : vector<16xf32>
      %max3A_359 = arith.constant 0.000000e+00 : f32
      %max3A_360 = vector.broadcast %max3A_359 : f32 to vector<16xf32>
      %max3A_361 = arith.maximumf %add3A_358, %max3A_360 : vector<16xf32>
      %mul3A_362 = arith.constant 4 : i32
      %mul3A_363 = arith.muli %mul3A_362, %scan3A_144 : i32
      %add3A_364 = arith.constant 0 : i32
      %add3A_365 = arith.addi %mul3A_363, %add3A_364 : i32
      %swap3A_366 = arith.constant 0 : i32
      %swap3A_367 = arith.index_cast %swap3A_366 : i32 to index
      %swap3A_368 = arith.index_cast %add3A_365 : i32 to index
      %swap3A_369 = arith.constant 96 : index
      %swap3A_370 = tpu.vector_load %arg11[%swap3A_367, %swap3A_368, %swap3A_369] {strides = array<i32>} : memref<2x100x128xf32, #tpu.memory_space<vmem>>, vector<1x1x16xf32>,
      %swap3A_371 = vector.shape_cast %swap3A_370 : vector<1x1x16xf32> to vector<16xf32>
      %swap3A_372 = vector.shape_cast %max3A_361 : vector<16xf32> to vector<1x1x16xf32>
      tpu.vector_store %arg11[%swap3A_367, %swap3A_368, %swap3A_369], %swap3A_372 {strides = array<i32>} : memref<2x100x128xf32, #tpu.memory_space<vmem>>, vector<1x1x16xf32>,
      %mul3A_373 = arith.constant 4 : i32
      %mul3A_374 = arith.muli %mul3A_373, %scan3A_144 : i32
      %add3A_375 = arith.constant 0 : i32
      %add3A_376 = arith.addi %mul3A_374, %add3A_375 : i32
      %get3A_377 = arith.constant 0 : i32
      %get3A_378 = arith.index_cast %get3A_377 : i32 to index
      %get3A_379 = arith.index_cast %add3A_376 : i32 to index
      %get3A_380 = arith.constant 112 : index
      %get3A_381 = tpu.vector_load %arg11[%get3A_378, %get3A_379, %get3A_380] {strides = array<i32>} : memref<2x100x128xf32, #tpu.memory_space<vmem>>, vector<1x1x16xf32>,
      %get3A_382 = vector.shape_cast %get3A_381 : vector<1x1x16xf32> to vector<16xf32>
      %mul3A_383 = arith.constant 4 : i32
      %mul3A_384 = arith.muli %mul3A_383, %scan3A_144 : i32
      %add3A_385 = arith.constant 0 : i32
      %add3A_386 = arith.addi %mul3A_384, %add3A_385 : i32
      %get3A_387 = arith.index_cast %add3A_386 : i32 to index
      %get3A_388 = arith.constant 112 : index
      %get3A_389 = tpu.vector_load %arg12[%get3A_387, %get3A_388] {strides = array<i32>} : memref<100x128xf32, #tpu.memory_space<vmem>>, vector<1x16xf32>,
      %get3A_390 = vector.shape_cast %get3A_389 : vector<1x16xf32> to vector<16xf32>
      %add3A_391 = arith.addf %get3A_382, %get3A_390 : vector<16xf32>
      %max3A_392 = arith.constant 0.000000e+00 : f32
      %max3A_393 = vector.broadcast %max3A_392 : f32 to vector<16xf32>
      %max3A_394 = arith.maximumf %add3A_391, %max3A_393 : vector<16xf32>
      %mul3A_395 = arith.constant 4 : i32
      %mul3A_396 = arith.muli %mul3A_395, %scan3A_144 : i32
      %add3A_397 = arith.constant 0 : i32
      %add3A_398 = arith.addi %mul3A_396, %add3A_397 : i32
      %swap3A_399 = arith.constant 0 : i32
      %swap3A_400 = arith.index_cast %swap3A_399 : i32 to index
      %swap3A_401 = arith.index_cast %add3A_398 : i32 to index
      %swap3A_402 = arith.constant 112 : index
      %swap3A_403 = tpu.vector_load %arg11[%swap3A_400, %swap3A_401, %swap3A_402] {strides = array<i32>} : memref<2x100x128xf32, #tpu.memory_space<vmem>>, vector<1x1x16xf32>,
      %swap3A_404 = vector.shape_cast %swap3A_403 : vector<1x1x16xf32> to vector<16xf32>
      %swap3A_405 = vector.shape_cast %max3A_394 : vector<16xf32> to vector<1x1x16xf32>
      tpu.vector_store %arg11[%swap3A_400, %swap3A_401, %swap3A_402], %swap3A_405 {strides = array<i32>} : memref<2x100x128xf32, #tpu.memory_space<vmem>>, vector<1x1x16xf32>,
      %mul3A_406 = arith.constant 4 : i32
      %mul3A_407 = arith.muli %mul3A_406, %scan3A_144 : i32
      %add3A_408 = arith.constant 1 : i32
      %add3A_409 = arith.addi %mul3A_407, %add3A_408 : i32
      %get3A_410 = arith.constant 0 : i32
      %get3A_411 = arith.index_cast %get3A_410 : i32 to index
      %get3A_412 = arith.index_cast %add3A_409 : i32 to index
      %get3A_413 = arith.constant 0 : index
      %get3A_414 = tpu.vector_load %arg11[%get3A_411, %get3A_412, %get3A_413] {strides = array<i32>} : memref<2x100x128xf32, #tpu.memory_space<vmem>>, vector<1x1x16xf32>,
      %get3A_415 = vector.shape_cast %get3A_414 : vector<1x1x16xf32> to vector<16xf32>
      %mul3A_416 = arith.constant 4 : i32
      %mul3A_417 = arith.muli %mul3A_416, %scan3A_144 : i32
      %add3A_418 = arith.constant 1 : i32
      %add3A_419 = arith.addi %mul3A_417, %add3A_418 : i32
      %get3A_420 = arith.index_cast %add3A_419 : i32 to index
      %get3A_421 = arith.constant 0 : index
      %get3A_422 = tpu.vector_load %arg12[%get3A_420, %get3A_421] {strides = array<i32>} : memref<100x128xf32, #tpu.memory_space<vmem>>, vector<1x16xf32>,
      %get3A_423 = vector.shape_cast %get3A_422 : vector<1x16xf32> to vector<16xf32>
      %add3A_424 = arith.addf %get3A_415, %get3A_423 : vector<16xf32>
      %max3A_425 = arith.constant 0.000000e+00 : f32
      %max3A_426 = vector.broadcast %max3A_425 : f32 to vector<16xf32>
      %max3A_427 = arith.maximumf %add3A_424, %max3A_426 : vector<16xf32>
      %mul3A_428 = arith.constant 4 : i32
      %mul3A_429 = arith.muli %mul3A_428, %scan3A_144 : i32
      %add3A_430 = arith.constant 1 : i32
      %add3A_431 = arith.addi %mul3A_429, %add3A_430 : i32
      %swap3A_432 = arith.constant 0 : i32
      %swap3A_433 = arith.index_cast %swap3A_432 : i32 to index
      %swap3A_434 = arith.index_cast %add3A_431 : i32 to index
      %swap3A_435 = arith.constant 0 : index
      %swap3A_436 = tpu.vector_load %arg11[%swap3A_433, %swap3A_434, %swap3A_435] {strides = array<i32>} : memref<2x100x128xf32, #tpu.memory_space<vmem>>, vector<1x1x16xf32>,
      %swap3A_437 = vector.shape_cast %swap3A_436 : vector<1x1x16xf32> to vector<16xf32>
      %swap3A_438 = vector.shape_cast %max3A_427 : vector<16xf32> to vector<1x1x16xf32>
      tpu.vector_store %arg11[%swap3A_433, %swap3A_434, %swap3A_435], %swap3A_438 {strides = array<i32>} : memref<2x100x128xf32, #tpu.memory_space<vmem>>, vector<1x1x16xf32>,
      %mul3A_439 = arith.constant 4 : i32
      %mul3A_440 = arith.muli %mul3A_439, %scan3A_144 : i32
      %add3A_441 = arith.constant 1 : i32
      %add3A_442 = arith.addi %mul3A_440, %add3A_441 : i32
      %get3A_443 = arith.constant 0 : i32
      %get3A_444 = arith.index_cast %get3A_443 : i32 to index
      %get3A_445 = arith.index_cast %add3A_442 : i32 to index
      %get3A_446 = arith.constant 16 : index
      %get3A_447 = tpu.vector_load %arg11[%get3A_444, %get3A_445, %get3A_446] {strides = array<i32>} : memref<2x100x128xf32, #tpu.memory_space<vmem>>, vector<1x1x16xf32>,
      %get3A_448 = vector.shape_cast %get3A_447 : vector<1x1x16xf32> to vector<16xf32>
      %mul3A_449 = arith.constant 4 : i32
      %mul3A_450 = arith.muli %mul3A_449, %scan3A_144 : i32
      %add3A_451 = arith.constant 1 : i32
      %add3A_452 = arith.addi %mul3A_450, %add3A_451 : i32
      %get3A_453 = arith.index_cast %add3A_452 : i32 to index
      %get3A_454 = arith.constant 16 : index
      %get3A_455 = tpu.vector_load %arg12[%get3A_453, %get3A_454] {strides = array<i32>} : memref<100x128xf32, #tpu.memory_space<vmem>>, vector<1x16xf32>,
      %get3A_456 = vector.shape_cast %get3A_455 : vector<1x16xf32> to vector<16xf32>
      %add3A_457 = arith.addf %get3A_448, %get3A_456 : vector<16xf32>
      %max3A_458 = arith.constant 0.000000e+00 : f32
      %max3A_459 = vector.broadcast %max3A_458 : f32 to vector<16xf32>
      %max3A_460 = arith.maximumf %add3A_457, %max3A_459 : vector<16xf32>
      %mul3A_461 = arith.constant 4 : i32
      %mul3A_462 = arith.muli %mul3A_461, %scan3A_144 : i32
      %add3A_463 = arith.constant 1 : i32
      %add3A_464 = arith.addi %mul3A_462, %add3A_463 : i32
      %swap3A_465 = arith.constant 0 : i32
      %swap3A_466 = arith.index_cast %swap3A_465 : i32 to index
      %swap3A_467 = arith.index_cast %add3A_464 : i32 to index
      %swap3A_468 = arith.constant 16 : index
      %swap3A_469 = tpu.vector_load %arg11[%swap3A_466, %swap3A_467, %swap3A_468] {strides = array<i32>} : memref<2x100x128xf32, #tpu.memory_space<vmem>>, vector<1x1x16xf32>,
      %swap3A_470 = vector.shape_cast %swap3A_469 : vector<1x1x16xf32> to vector<16xf32>
      %swap3A_471 = vector.shape_cast %max3A_460 : vector<16xf32> to vector<1x1x16xf32>
      tpu.vector_store %arg11[%swap3A_466, %swap3A_467, %swap3A_468], %swap3A_471 {strides = array<i32>} : memref<2x100x128xf32, #tpu.memory_space<vmem>>, vector<1x1x16xf32>,
      %mul3A_472 = arith.constant 4 : i32
      %mul3A_473 = arith.muli %mul3A_472, %scan3A_144 : i32
      %add3A_474 = arith.constant 1 : i32
      %add3A_475 = arith.addi %mul3A_473, %add3A_474 : i32
      %get3A_476 = arith.constant 0 : i32
      %get3A_477 = arith.index_cast %get3A_476 : i32 to index
      %get3A_478 = arith.index_cast %add3A_475 : i32 to index
      %get3A_479 = arith.constant 32 : index
      %get3A_480 = tpu.vector_load %arg11[%get3A_477, %get3A_478, %get3A_479] {strides = array<i32>} : memref<2x100x128xf32, #tpu.memory_space<vmem>>, vector<1x1x16xf32>,
      %get3A_481 = vector.shape_cast %get3A_480 : vector<1x1x16xf32> to vector<16xf32>
      %mul3A_482 = arith.constant 4 : i32
      %mul3A_483 = arith.muli %mul3A_482, %scan3A_144 : i32
      %add3A_484 = arith.constant 1 : i32
      %add3A_485 = arith.addi %mul3A_483, %add3A_484 : i32
      %get3A_486 = arith.index_cast %add3A_485 : i32 to index
      %get3A_487 = arith.constant 32 : index
      %get3A_488 = tpu.vector_load %arg12[%get3A_486, %get3A_487] {strides = array<i32>} : memref<100x128xf32, #tpu.memory_space<vmem>>, vector<1x16xf32>,
      %get3A_489 = vector.shape_cast %get3A_488 : vector<1x16xf32> to vector<16xf32>
      %add3A_490 = arith.addf %get3A_481, %get3A_489 : vector<16xf32>
      %max3A_491 = arith.constant 0.000000e+00 : f32
      %max3A_492 = vector.broadcast %max3A_491 : f32 to vector<16xf32>
      %max3A_493 = arith.maximumf %add3A_490, %max3A_492 : vector<16xf32>
      %mul3A_494 = arith.constant 4 : i32
      %mul3A_495 = arith.muli %mul3A_494, %scan3A_144 : i32
      %add3A_496 = arith.constant 1 : i32
      %add3A_497 = arith.addi %mul3A_495, %add3A_496 : i32
      %swap3A_498 = arith.constant 0 : i32
      %swap3A_499 = arith.index_cast %swap3A_498 : i32 to index
      %swap3A_500 = arith.index_cast %add3A_497 : i32 to index
      %swap3A_501 = arith.constant 32 : index
      %swap3A_502 = tpu.vector_load %arg11[%swap3A_499, %swap3A_500, %swap3A_501] {strides = array<i32>} : memref<2x100x128xf32, #tpu.memory_space<vmem>>, vector<1x1x16xf32>,
      %swap3A_503 = vector.shape_cast %swap3A_502 : vector<1x1x16xf32> to vector<16xf32>
      %swap3A_504 = vector.shape_cast %max3A_493 : vector<16xf32> to vector<1x1x16xf32>
      tpu.vector_store %arg11[%swap3A_499, %swap3A_500, %swap3A_501], %swap3A_504 {strides = array<i32>} : memref<2x100x128xf32, #tpu.memory_space<vmem>>, vector<1x1x16xf32>,
      %mul3A_505 = arith.constant 4 : i32
      %mul3A_506 = arith.muli %mul3A_505, %scan3A_144 : i32
      %add3A_507 = arith.constant 1 : i32
      %add3A_508 = arith.addi %mul3A_506, %add3A_507 : i32
      %get3A_509 = arith.constant 0 : i32
      %get3A_510 = arith.index_cast %get3A_509 : i32 to index
      %get3A_511 = arith.index_cast %add3A_508 : i32 to index
      %get3A_512 = arith.constant 48 : index
      %get3A_513 = tpu.vector_load %arg11[%get3A_510, %get3A_511, %get3A_512] {strides = array<i32>} : memref<2x100x128xf32, #tpu.memory_space<vmem>>, vector<1x1x16xf32>,
      %get3A_514 = vector.shape_cast %get3A_513 : vector<1x1x16xf32> to vector<16xf32>
      %mul3A_515 = arith.constant 4 : i32
      %mul3A_516 = arith.muli %mul3A_515, %scan3A_144 : i32
      %add3A_517 = arith.constant 1 : i32
      %add3A_518 = arith.addi %mul3A_516, %add3A_517 : i32
      %get3A_519 = arith.index_cast %add3A_518 : i32 to index
      %get3A_520 = arith.constant 48 : index
      %get3A_521 = tpu.vector_load %arg12[%get3A_519, %get3A_520] {strides = array<i32>} : memref<100x128xf32, #tpu.memory_space<vmem>>, vector<1x16xf32>,
      %get3A_522 = vector.shape_cast %get3A_521 : vector<1x16xf32> to vector<16xf32>
      %add3A_523 = arith.addf %get3A_514, %get3A_522 : vector<16xf32>
      %max3A_524 = arith.constant 0.000000e+00 : f32
      %max3A_525 = vector.broadcast %max3A_524 : f32 to vector<16xf32>
      %max3A_526 = arith.maximumf %add3A_523, %max3A_525 : vector<16xf32>
      %mul3A_527 = arith.constant 4 : i32
      %mul3A_528 = arith.muli %mul3A_527, %scan3A_144 : i32
      %add3A_529 = arith.constant 1 : i32
      %add3A_530 = arith.addi %mul3A_528, %add3A_529 : i32
      %swap3A_531 = arith.constant 0 : i32
      %swap3A_532 = arith.index_cast %swap3A_531 : i32 to index
      %swap3A_533 = arith.index_cast %add3A_530 : i32 to index
      %swap3A_534 = arith.constant 48 : index
      %swap3A_535 = tpu.vector_load %arg11[%swap3A_532, %swap3A_533, %swap3A_534] {strides = array<i32>} : memref<2x100x128xf32, #tpu.memory_space<vmem>>, vector<1x1x16xf32>,
      %swap3A_536 = vector.shape_cast %swap3A_535 : vector<1x1x16xf32> to vector<16xf32>
      %swap3A_537 = vector.shape_cast %max3A_526 : vector<16xf32> to vector<1x1x16xf32>
      tpu.vector_store %arg11[%swap3A_532, %swap3A_533, %swap3A_534], %swap3A_537 {strides = array<i32>} : memref<2x100x128xf32, #tpu.memory_space<vmem>>, vector<1x1x16xf32>,
      %mul3A_538 = arith.constant 4 : i32
      %mul3A_539 = arith.muli %mul3A_538, %scan3A_144 : i32
      %add3A_540 = arith.constant 1 : i32
      %add3A_541 = arith.addi %mul3A_539, %add3A_540 : i32
      %get3A_542 = arith.constant 0 : i32
      %get3A_543 = arith.index_cast %get3A_542 : i32 to index
      %get3A_544 = arith.index_cast %add3A_541 : i32 to index
      %get3A_545 = arith.constant 64 : index
      %get3A_546 = tpu.vector_load %arg11[%get3A_543, %get3A_544, %get3A_545] {strides = array<i32>} : memref<2x100x128xf32, #tpu.memory_space<vmem>>, vector<1x1x16xf32>,
      %get3A_547 = vector.shape_cast %get3A_546 : vector<1x1x16xf32> to vector<16xf32>
      %mul3A_548 = arith.constant 4 : i32
      %mul3A_549 = arith.muli %mul3A_548, %scan3A_144 : i32
      %add3A_550 = arith.constant 1 : i32
      %add3A_551 = arith.addi %mul3A_549, %add3A_550 : i32
      %get3A_552 = arith.index_cast %add3A_551 : i32 to index
      %get3A_553 = arith.constant 64 : index
      %get3A_554 = tpu.vector_load %arg12[%get3A_552, %get3A_553] {strides = array<i32>} : memref<100x128xf32, #tpu.memory_space<vmem>>, vector<1x16xf32>,
      %get3A_555 = vector.shape_cast %get3A_554 : vector<1x16xf32> to vector<16xf32>
      %add3A_556 = arith.addf %get3A_547, %get3A_555 : vector<16xf32>
      %max3A_557 = arith.constant 0.000000e+00 : f32
      %max3A_558 = vector.broadcast %max3A_557 : f32 to vector<16xf32>
      %max3A_559 = arith.maximumf %add3A_556, %max3A_558 : vector<16xf32>
      %mul3A_560 = arith.constant 4 : i32
      %mul3A_561 = arith.muli %mul3A_560, %scan3A_144 : i32
      %add3A_562 = arith.constant 1 : i32
      %add3A_563 = arith.addi %mul3A_561, %add3A_562 : i32
      %swap3A_564 = arith.constant 0 : i32
      %swap3A_565 = arith.index_cast %swap3A_564 : i32 to index
      %swap3A_566 = arith.index_cast %add3A_563 : i32 to index
      %swap3A_567 = arith.constant 64 : index
      %swap3A_568 = tpu.vector_load %arg11[%swap3A_565, %swap3A_566, %swap3A_567] {strides = array<i32>} : memref<2x100x128xf32, #tpu.memory_space<vmem>>, vector<1x1x16xf32>,
      %swap3A_569 = vector.shape_cast %swap3A_568 : vector<1x1x16xf32> to vector<16xf32>
      %swap3A_570 = vector.shape_cast %max3A_559 : vector<16xf32> to vector<1x1x16xf32>
      tpu.vector_store %arg11[%swap3A_565, %swap3A_566, %swap3A_567], %swap3A_570 {strides = array<i32>} : memref<2x100x128xf32, #tpu.memory_space<vmem>>, vector<1x1x16xf32>,
      %mul3A_571 = arith.constant 4 : i32
      %mul3A_572 = arith.muli %mul3A_571, %scan3A_144 : i32
      %add3A_573 = arith.constant 1 : i32
      %add3A_574 = arith.addi %mul3A_572, %add3A_573 : i32
      %get3A_575 = arith.constant 0 : i32
      %get3A_576 = arith.index_cast %get3A_575 : i32 to index
      %get3A_577 = arith.index_cast %add3A_574 : i32 to index
      %get3A_578 = arith.constant 80 : index
      %get3A_579 = tpu.vector_load %arg11[%get3A_576, %get3A_577, %get3A_578] {strides = array<i32>} : memref<2x100x128xf32, #tpu.memory_space<vmem>>, vector<1x1x16xf32>,
      %get3A_580 = vector.shape_cast %get3A_579 : vector<1x1x16xf32> to vector<16xf32>
      %mul3A_581 = arith.constant 4 : i32
      %mul3A_582 = arith.muli %mul3A_581, %scan3A_144 : i32
      %add3A_583 = arith.constant 1 : i32
      %add3A_584 = arith.addi %mul3A_582, %add3A_583 : i32
      %get3A_585 = arith.index_cast %add3A_584 : i32 to index
      %get3A_586 = arith.constant 80 : index
      %get3A_587 = tpu.vector_load %arg12[%get3A_585, %get3A_586] {strides = array<i32>} : memref<100x128xf32, #tpu.memory_space<vmem>>, vector<1x16xf32>,
      %get3A_588 = vector.shape_cast %get3A_587 : vector<1x16xf32> to vector<16xf32>
      %add3A_589 = arith.addf %get3A_580, %get3A_588 : vector<16xf32>
      %max3A_590 = arith.constant 0.000000e+00 : f32
      %max3A_591 = vector.broadcast %max3A_590 : f32 to vector<16xf32>
      %max3A_592 = arith.maximumf %add3A_589, %max3A_591 : vector<16xf32>
      %mul3A_593 = arith.constant 4 : i32
      %mul3A_594 = arith.muli %mul3A_593, %scan3A_144 : i32
      %add3A_595 = arith.constant 1 : i32
      %add3A_596 = arith.addi %mul3A_594, %add3A_595 : i32
      %swap3A_597 = arith.constant 0 : i32
      %swap3A_598 = arith.index_cast %swap3A_597 : i32 to index
      %swap3A_599 = arith.index_cast %add3A_596 : i32 to index
      %swap3A_600 = arith.constant 80 : index
      %swap3A_601 = tpu.vector_load %arg11[%swap3A_598, %swap3A_599, %swap3A_600] {strides = array<i32>} : memref<2x100x128xf32, #tpu.memory_space<vmem>>, vector<1x1x16xf32>,
      %swap3A_602 = vector.shape_cast %swap3A_601 : vector<1x1x16xf32> to vector<16xf32>
      %swap3A_603 = vector.shape_cast %max3A_592 : vector<16xf32> to vector<1x1x16xf32>
      tpu.vector_store %arg11[%swap3A_598, %swap3A_599, %swap3A_600], %swap3A_603 {strides = array<i32>} : memref<2x100x128xf32, #tpu.memory_space<vmem>>, vector<1x1x16xf32>,
      %mul3A_604 = arith.constant 4 : i32
      %mul3A_605 = arith.muli %mul3A_604, %scan3A_144 : i32
      %add3A_606 = arith.constant 1 : i32
      %add3A_607 = arith.addi %mul3A_605, %add3A_606 : i32
      %get3A_608 = arith.constant 0 : i32
      %get3A_609 = arith.index_cast %get3A_608 : i32 to index
      %get3A_610 = arith.index_cast %add3A_607 : i32 to index
      %get3A_611 = arith.constant 96 : index
      %get3A_612 = tpu.vector_load %arg11[%get3A_609, %get3A_610, %get3A_611] {strides = array<i32>} : memref<2x100x128xf32, #tpu.memory_space<vmem>>, vector<1x1x16xf32>,
      %get3A_613 = vector.shape_cast %get3A_612 : vector<1x1x16xf32> to vector<16xf32>
      %mul3A_614 = arith.constant 4 : i32
      %mul3A_615 = arith.muli %mul3A_614, %scan3A_144 : i32
      %add3A_616 = arith.constant 1 : i32
      %add3A_617 = arith.addi %mul3A_615, %add3A_616 : i32
      %get3A_618 = arith.index_cast %add3A_617 : i32 to index
      %get3A_619 = arith.constant 96 : index
      %get3A_620 = tpu.vector_load %arg12[%get3A_618, %get3A_619] {strides = array<i32>} : memref<100x128xf32, #tpu.memory_space<vmem>>, vector<1x16xf32>,
      %get3A_621 = vector.shape_cast %get3A_620 : vector<1x16xf32> to vector<16xf32>
      %add3A_622 = arith.addf %get3A_613, %get3A_621 : vector<16xf32>
      %max3A_623 = arith.constant 0.000000e+00 : f32
      %max3A_624 = vector.broadcast %max3A_623 : f32 to vector<16xf32>
      %max3A_625 = arith.maximumf %add3A_622, %max3A_624 : vector<16xf32>
      %mul3A_626 = arith.constant 4 : i32
      %mul3A_627 = arith.muli %mul3A_626, %scan3A_144 : i32
      %add3A_628 = arith.constant 1 : i32
      %add3A_629 = arith.addi %mul3A_627, %add3A_628 : i32
      %swap3A_630 = arith.constant 0 : i32
      %swap3A_631 = arith.index_cast %swap3A_630 : i32 to index
      %swap3A_632 = arith.index_cast %add3A_629 : i32 to index
      %swap3A_633 = arith.constant 96 : index
      %swap3A_634 = tpu.vector_load %arg11[%swap3A_631, %swap3A_632, %swap3A_633] {strides = array<i32>} : memref<2x100x128xf32, #tpu.memory_space<vmem>>, vector<1x1x16xf32>,
      %swap3A_635 = vector.shape_cast %swap3A_634 : vector<1x1x16xf32> to vector<16xf32>
      %swap3A_636 = vector.shape_cast %max3A_625 : vector<16xf32> to vector<1x1x16xf32>
      tpu.vector_store %arg11[%swap3A_631, %swap3A_632, %swap3A_633], %swap3A_636 {strides = array<i32>} : memref<2x100x128xf32, #tpu.memory_space<vmem>>, vector<1x1x16xf32>,
      %mul3A_637 = arith.constant 4 : i32
      %mul3A_638 = arith.muli %mul3A_637, %scan3A_144 : i32
      %add3A_639 = arith.constant 1 : i32
      %add3A_640 = arith.addi %mul3A_638, %add3A_639 : i32
      %get3A_641 = arith.constant 0 : i32
      %get3A_642 = arith.index_cast %get3A_641 : i32 to index
      %get3A_643 = arith.index_cast %add3A_640 : i32 to index
      %get3A_644 = arith.constant 112 : index
      %get3A_645 = tpu.vector_load %arg11[%get3A_642, %get3A_643, %get3A_644] {strides = array<i32>} : memref<2x100x128xf32, #tpu.memory_space<vmem>>, vector<1x1x16xf32>,
      %get3A_646 = vector.shape_cast %get3A_645 : vector<1x1x16xf32> to vector<16xf32>
      %mul3A_647 = arith.constant 4 : i32
      %mul3A_648 = arith.muli %mul3A_647, %scan3A_144 : i32
      %add3A_649 = arith.constant 1 : i32
      %add3A_650 = arith.addi %mul3A_648, %add3A_649 : i32
      %get3A_651 = arith.index_cast %add3A_650 : i32 to index
      %get3A_652 = arith.constant 112 : index
      %get3A_653 = tpu.vector_load %arg12[%get3A_651, %get3A_652] {strides = array<i32>} : memref<100x128xf32, #tpu.memory_space<vmem>>, vector<1x16xf32>,
      %get3A_654 = vector.shape_cast %get3A_653 : vector<1x16xf32> to vector<16xf32>
      %add3A_655 = arith.addf %get3A_646, %get3A_654 : vector<16xf32>
      %max3A_656 = arith.constant 0.000000e+00 : f32
      %max3A_657 = vector.broadcast %max3A_656 : f32 to vector<16xf32>
      %max3A_658 = arith.maximumf %add3A_655, %max3A_657 : vector<16xf32>
      %mul3A_659 = arith.constant 4 : i32
      %mul3A_660 = arith.muli %mul3A_659, %scan3A_144 : i32
      %add3A_661 = arith.constant 1 : i32
      %add3A_662 = arith.addi %mul3A_660, %add3A_661 : i32
      %swap3A_663 = arith.constant 0 : i32
      %swap3A_664 = arith.index_cast %swap3A_663 : i32 to index
      %swap3A_665 = arith.index_cast %add3A_662 : i32 to index
      %swap3A_666 = arith.constant 112 : index
      %swap3A_667 = tpu.vector_load %arg11[%swap3A_664, %swap3A_665, %swap3A_666] {strides = array<i32>} : memref<2x100x128xf32, #tpu.memory_space<vmem>>, vector<1x1x16xf32>,
      %swap3A_668 = vector.shape_cast %swap3A_667 : vector<1x1x16xf32> to vector<16xf32>
      %swap3A_669 = vector.shape_cast %max3A_658 : vector<16xf32> to vector<1x1x16xf32>
      tpu.vector_store %arg11[%swap3A_664, %swap3A_665, %swap3A_666], %swap3A_669 {strides = array<i32>} : memref<2x100x128xf32, #tpu.memory_space<vmem>>, vector<1x1x16xf32>,
      %mul3A_670 = arith.constant 4 : i32
      %mul3A_671 = arith.muli %mul3A_670, %scan3A_144 : i32
      %add3A_672 = arith.constant 2 : i32
      %add3A_673 = arith.addi %mul3A_671, %add3A_672 : i32
      %get3A_674 = arith.constant 0 : i32
      %get3A_675 = arith.index_cast %get3A_674 : i32 to index
      %get3A_676 = arith.index_cast %add3A_673 : i32 to index
      %get3A_677 = arith.constant 0 : index
      %get3A_678 = tpu.vector_load %arg11[%get3A_675, %get3A_676, %get3A_677] {strides = array<i32>} : memref<2x100x128xf32, #tpu.memory_space<vmem>>, vector<1x1x16xf32>,
      %get3A_679 = vector.shape_cast %get3A_678 : vector<1x1x16xf32> to vector<16xf32>
      %mul3A_680 = arith.constant 4 : i32
      %mul3A_681 = arith.muli %mul3A_680, %scan3A_144 : i32
      %add3A_682 = arith.constant 2 : i32
      %add3A_683 = arith.addi %mul3A_681, %add3A_682 : i32
      %get3A_684 = arith.index_cast %add3A_683 : i32 to index
      %get3A_685 = arith.constant 0 : index
      %get3A_686 = tpu.vector_load %arg12[%get3A_684, %get3A_685] {strides = array<i32>} : memref<100x128xf32, #tpu.memory_space<vmem>>, vector<1x16xf32>,
      %get3A_687 = vector.shape_cast %get3A_686 : vector<1x16xf32> to vector<16xf32>
      %add3A_688 = arith.addf %get3A_679, %get3A_687 : vector<16xf32>
      %max3A_689 = arith.constant 0.000000e+00 : f32
      %max3A_690 = vector.broadcast %max3A_689 : f32 to vector<16xf32>
      %max3A_691 = arith.maximumf %add3A_688, %max3A_690 : vector<16xf32>
      %mul3A_692 = arith.constant 4 : i32
      %mul3A_693 = arith.muli %mul3A_692, %scan3A_144 : i32
      %add3A_694 = arith.constant 2 : i32
      %add3A_695 = arith.addi %mul3A_693, %add3A_694 : i32
      %swap3A_696 = arith.constant 0 : i32
      %swap3A_697 = arith.index_cast %swap3A_696 : i32 to index
      %swap3A_698 = arith.index_cast %add3A_695 : i32 to index
      %swap3A_699 = arith.constant 0 : index
      %swap3A_700 = tpu.vector_load %arg11[%swap3A_697, %swap3A_698, %swap3A_699] {strides = array<i32>} : memref<2x100x128xf32, #tpu.memory_space<vmem>>, vector<1x1x16xf32>,
      %swap3A_701 = vector.shape_cast %swap3A_700 : vector<1x1x16xf32> to vector<16xf32>
      %swap3A_702 = vector.shape_cast %max3A_691 : vector<16xf32> to vector<1x1x16xf32>
      tpu.vector_store %arg11[%swap3A_697, %swap3A_698, %swap3A_699], %swap3A_702 {strides = array<i32>} : memref<2x100x128xf32, #tpu.memory_space<vmem>>, vector<1x1x16xf32>,
      %mul3A_703 = arith.constant 4 : i32
      %mul3A_704 = arith.muli %mul3A_703, %scan3A_144 : i32
      %add3A_705 = arith.constant 2 : i32
      %add3A_706 = arith.addi %mul3A_704, %add3A_705 : i32
      %get3A_707 = arith.constant 0 : i32
      %get3A_708 = arith.index_cast %get3A_707 : i32 to index
      %get3A_709 = arith.index_cast %add3A_706 : i32 to index
      %get3A_710 = arith.constant 16 : index
      %get3A_711 = tpu.vector_load %arg11[%get3A_708, %get3A_709, %get3A_710] {strides = array<i32>} : memref<2x100x128xf32, #tpu.memory_space<vmem>>, vector<1x1x16xf32>,
      %get3A_712 = vector.shape_cast %get3A_711 : vector<1x1x16xf32> to vector<16xf32>
      %mul3A_713 = arith.constant 4 : i32
      %mul3A_714 = arith.muli %mul3A_713, %scan3A_144 : i32
      %add3A_715 = arith.constant 2 : i32
      %add3A_716 = arith.addi %mul3A_714, %add3A_715 : i32
      %get3A_717 = arith.index_cast %add3A_716 : i32 to index
      %get3A_718 = arith.constant 16 : index
      %get3A_719 = tpu.vector_load %arg12[%get3A_717, %get3A_718] {strides = array<i32>} : memref<100x128xf32, #tpu.memory_space<vmem>>, vector<1x16xf32>,
      %get3A_720 = vector.shape_cast %get3A_719 : vector<1x16xf32> to vector<16xf32>
      %add3A_721 = arith.addf %get3A_712, %get3A_720 : vector<16xf32>
      %max3A_722 = arith.constant 0.000000e+00 : f32
      %max3A_723 = vector.broadcast %max3A_722 : f32 to vector<16xf32>
      %max3A_724 = arith.maximumf %add3A_721, %max3A_723 : vector<16xf32>
      %mul3A_725 = arith.constant 4 : i32
      %mul3A_726 = arith.muli %mul3A_725, %scan3A_144 : i32
      %add3A_727 = arith.constant 2 : i32
      %add3A_728 = arith.addi %mul3A_726, %add3A_727 : i32
      %swap3A_729 = arith.constant 0 : i32
      %swap3A_730 = arith.index_cast %swap3A_729 : i32 to index
      %swap3A_731 = arith.index_cast %add3A_728 : i32 to index
      %swap3A_732 = arith.constant 16 : index
      %swap3A_733 = tpu.vector_load %arg11[%swap3A_730, %swap3A_731, %swap3A_732] {strides = array<i32>} : memref<2x100x128xf32, #tpu.memory_space<vmem>>, vector<1x1x16xf32>,
      %swap3A_734 = vector.shape_cast %swap3A_733 : vector<1x1x16xf32> to vector<16xf32>
      %swap3A_735 = vector.shape_cast %max3A_724 : vector<16xf32> to vector<1x1x16xf32>
      tpu.vector_store %arg11[%swap3A_730, %swap3A_731, %swap3A_732], %swap3A_735 {strides = array<i32>} : memref<2x100x128xf32, #tpu.memory_space<vmem>>, vector<1x1x16xf32>,
      %mul3A_736 = arith.constant 4 : i32
      %mul3A_737 = arith.muli %mul3A_736, %scan3A_144 : i32
      %add3A_738 = arith.constant 2 : i32
      %add3A_739 = arith.addi %mul3A_737, %add3A_738 : i32
      %get3A_740 = arith.constant 0 : i32
      %get3A_741 = arith.index_cast %get3A_740 : i32 to index
      %get3A_742 = arith.index_cast %add3A_739 : i32 to index
      %get3A_743 = arith.constant 32 : index
      %get3A_744 = tpu.vector_load %arg11[%get3A_741, %get3A_742, %get3A_743] {strides = array<i32>} : memref<2x100x128xf32, #tpu.memory_space<vmem>>, vector<1x1x16xf32>,
      %get3A_745 = vector.shape_cast %get3A_744 : vector<1x1x16xf32> to vector<16xf32>
      %mul3A_746 = arith.constant 4 : i32
      %mul3A_747 = arith.muli %mul3A_746, %scan3A_144 : i32
      %add3A_748 = arith.constant 2 : i32
      %add3A_749 = arith.addi %mul3A_747, %add3A_748 : i32
      %get3A_750 = arith.index_cast %add3A_749 : i32 to index
      %get3A_751 = arith.constant 32 : index
      %get3A_752 = tpu.vector_load %arg12[%get3A_750, %get3A_751] {strides = array<i32>} : memref<100x128xf32, #tpu.memory_space<vmem>>, vector<1x16xf32>,
      %get3A_753 = vector.shape_cast %get3A_752 : vector<1x16xf32> to vector<16xf32>
      %add3A_754 = arith.addf %get3A_745, %get3A_753 : vector<16xf32>
      %max3A_755 = arith.constant 0.000000e+00 : f32
      %max3A_756 = vector.broadcast %max3A_755 : f32 to vector<16xf32>
      %max3A_757 = arith.maximumf %add3A_754, %max3A_756 : vector<16xf32>
      %mul3A_758 = arith.constant 4 : i32
      %mul3A_759 = arith.muli %mul3A_758, %scan3A_144 : i32
      %add3A_760 = arith.constant 2 : i32
      %add3A_761 = arith.addi %mul3A_759, %add3A_760 : i32
      %swap3A_762 = arith.constant 0 : i32
      %swap3A_763 = arith.index_cast %swap3A_762 : i32 to index
      %swap3A_764 = arith.index_cast %add3A_761 : i32 to index
      %swap3A_765 = arith.constant 32 : index
      %swap3A_766 = tpu.vector_load %arg11[%swap3A_763, %swap3A_764, %swap3A_765] {strides = array<i32>} : memref<2x100x128xf32, #tpu.memory_space<vmem>>, vector<1x1x16xf32>,
      %swap3A_767 = vector.shape_cast %swap3A_766 : vector<1x1x16xf32> to vector<16xf32>
      %swap3A_768 = vector.shape_cast %max3A_757 : vector<16xf32> to vector<1x1x16xf32>
      tpu.vector_store %arg11[%swap3A_763, %swap3A_764, %swap3A_765], %swap3A_768 {strides = array<i32>} : memref<2x100x128xf32, #tpu.memory_space<vmem>>, vector<1x1x16xf32>,
      %mul3A_769 = arith.constant 4 : i32
      %mul3A_770 = arith.muli %mul3A_769, %scan3A_144 : i32
      %add3A_771 = arith.constant 2 : i32
      %add3A_772 = arith.addi %mul3A_770, %add3A_771 : i32
      %get3A_773 = arith.constant 0 : i32
      %get3A_774 = arith.index_cast %get3A_773 : i32 to index
      %get3A_775 = arith.index_cast %add3A_772 : i32 to index
      %get3A_776 = arith.constant 48 : index
      %get3A_777 = tpu.vector_load %arg11[%get3A_774, %get3A_775, %get3A_776] {strides = array<i32>} : memref<2x100x128xf32, #tpu.memory_space<vmem>>, vector<1x1x16xf32>,
      %get3A_778 = vector.shape_cast %get3A_777 : vector<1x1x16xf32> to vector<16xf32>
      %mul3A_779 = arith.constant 4 : i32
      %mul3A_780 = arith.muli %mul3A_779, %scan3A_144 : i32
      %add3A_781 = arith.constant 2 : i32
      %add3A_782 = arith.addi %mul3A_780, %add3A_781 : i32
      %get3A_783 = arith.index_cast %add3A_782 : i32 to index
      %get3A_784 = arith.constant 48 : index
      %get3A_785 = tpu.vector_load %arg12[%get3A_783, %get3A_784] {strides = array<i32>} : memref<100x128xf32, #tpu.memory_space<vmem>>, vector<1x16xf32>,
      %get3A_786 = vector.shape_cast %get3A_785 : vector<1x16xf32> to vector<16xf32>
      %add3A_787 = arith.addf %get3A_778, %get3A_786 : vector<16xf32>
      %max3A_788 = arith.constant 0.000000e+00 : f32
      %max3A_789 = vector.broadcast %max3A_788 : f32 to vector<16xf32>
      %max3A_790 = arith.maximumf %add3A_787, %max3A_789 : vector<16xf32>
      %mul3A_791 = arith.constant 4 : i32
      %mul3A_792 = arith.muli %mul3A_791, %scan3A_144 : i32
      %add3A_793 = arith.constant 2 : i32
      %add3A_794 = arith.addi %mul3A_792, %add3A_793 : i32
      %swap3A_795 = arith.constant 0 : i32
      %swap3A_796 = arith.index_cast %swap3A_795 : i32 to index
      %swap3A_797 = arith.index_cast %add3A_794 : i32 to index
      %swap3A_798 = arith.constant 48 : index
      %swap3A_799 = tpu.vector_load %arg11[%swap3A_796, %swap3A_797, %swap3A_798] {strides = array<i32>} : memref<2x100x128xf32, #tpu.memory_space<vmem>>, vector<1x1x16xf32>,
      %swap3A_800 = vector.shape_cast %swap3A_799 : vector<1x1x16xf32> to vector<16xf32>
      %swap3A_801 = vector.shape_cast %max3A_790 : vector<16xf32> to vector<1x1x16xf32>
      tpu.vector_store %arg11[%swap3A_796, %swap3A_797, %swap3A_798], %swap3A_801 {strides = array<i32>} : memref<2x100x128xf32, #tpu.memory_space<vmem>>, vector<1x1x16xf32>,
      %mul3A_802 = arith.constant 4 : i32
      %mul3A_803 = arith.muli %mul3A_802, %scan3A_144 : i32
      %add3A_804 = arith.constant 2 : i32
      %add3A_805 = arith.addi %mul3A_803, %add3A_804 : i32
      %get3A_806 = arith.constant 0 : i32
      %get3A_807 = arith.index_cast %get3A_806 : i32 to index
      %get3A_808 = arith.index_cast %add3A_805 : i32 to index
      %get3A_809 = arith.constant 64 : index
      %get3A_810 = tpu.vector_load %arg11[%get3A_807, %get3A_808, %get3A_809] {strides = array<i32>} : memref<2x100x128xf32, #tpu.memory_space<vmem>>, vector<1x1x16xf32>,
      %get3A_811 = vector.shape_cast %get3A_810 : vector<1x1x16xf32> to vector<16xf32>
      %mul3A_812 = arith.constant 4 : i32
      %mul3A_813 = arith.muli %mul3A_812, %scan3A_144 : i32
      %add3A_814 = arith.constant 2 : i32
      %add3A_815 = arith.addi %mul3A_813, %add3A_814 : i32
      %get3A_816 = arith.index_cast %add3A_815 : i32 to index
      %get3A_817 = arith.constant 64 : index
      %get3A_818 = tpu.vector_load %arg12[%get3A_816, %get3A_817] {strides = array<i32>} : memref<100x128xf32, #tpu.memory_space<vmem>>, vector<1x16xf32>,
      %get3A_819 = vector.shape_cast %get3A_818 : vector<1x16xf32> to vector<16xf32>
      %add3A_820 = arith.addf %get3A_811, %get3A_819 : vector<16xf32>
      %max3A_821 = arith.constant 0.000000e+00 : f32
      %max3A_822 = vector.broadcast %max3A_821 : f32 to vector<16xf32>
      %max3A_823 = arith.maximumf %add3A_820, %max3A_822 : vector<16xf32>
      %mul3A_824 = arith.constant 4 : i32
      %mul3A_825 = arith.muli %mul3A_824, %scan3A_144 : i32
      %add3A_826 = arith.constant 2 : i32
      %add3A_827 = arith.addi %mul3A_825, %add3A_826 : i32
      %swap3A_828 = arith.constant 0 : i32
      %swap3A_829 = arith.index_cast %swap3A_828 : i32 to index
      %swap3A_830 = arith.index_cast %add3A_827 : i32 to index
      %swap3A_831 = arith.constant 64 : index
      %swap3A_832 = tpu.vector_load %arg11[%swap3A_829, %swap3A_830, %swap3A_831] {strides = array<i32>} : memref<2x100x128xf32, #tpu.memory_space<vmem>>, vector<1x1x16xf32>,
      %swap3A_833 = vector.shape_cast %swap3A_832 : vector<1x1x16xf32> to vector<16xf32>
      %swap3A_834 = vector.shape_cast %max3A_823 : vector<16xf32> to vector<1x1x16xf32>
      tpu.vector_store %arg11[%swap3A_829, %swap3A_830, %swap3A_831], %swap3A_834 {strides = array<i32>} : memref<2x100x128xf32, #tpu.memory_space<vmem>>, vector<1x1x16xf32>,
      %mul3A_835 = arith.constant 4 : i32
      %mul3A_836 = arith.muli %mul3A_835, %scan3A_144 : i32
      %add3A_837 = arith.constant 2 : i32
      %add3A_838 = arith.addi %mul3A_836, %add3A_837 : i32
      %get3A_839 = arith.constant 0 : i32
      %get3A_840 = arith.index_cast %get3A_839 : i32 to index
      %get3A_841 = arith.index_cast %add3A_838 : i32 to index
      %get3A_842 = arith.constant 80 : index
      %get3A_843 = tpu.vector_load %arg11[%get3A_840, %get3A_841, %get3A_842] {strides = array<i32>} : memref<2x100x128xf32, #tpu.memory_space<vmem>>, vector<1x1x16xf32>,
      %get3A_844 = vector.shape_cast %get3A_843 : vector<1x1x16xf32> to vector<16xf32>
      %mul3A_845 = arith.constant 4 : i32
      %mul3A_846 = arith.muli %mul3A_845, %scan3A_144 : i32
      %add3A_847 = arith.constant 2 : i32
      %add3A_848 = arith.addi %mul3A_846, %add3A_847 : i32
      %get3A_849 = arith.index_cast %add3A_848 : i32 to index
      %get3A_850 = arith.constant 80 : index
      %get3A_851 = tpu.vector_load %arg12[%get3A_849, %get3A_850] {strides = array<i32>} : memref<100x128xf32, #tpu.memory_space<vmem>>, vector<1x16xf32>,
      %get3A_852 = vector.shape_cast %get3A_851 : vector<1x16xf32> to vector<16xf32>
      %add3A_853 = arith.addf %get3A_844, %get3A_852 : vector<16xf32>
      %max3A_854 = arith.constant 0.000000e+00 : f32
      %max3A_855 = vector.broadcast %max3A_854 : f32 to vector<16xf32>
      %max3A_856 = arith.maximumf %add3A_853, %max3A_855 : vector<16xf32>
      %mul3A_857 = arith.constant 4 : i32
      %mul3A_858 = arith.muli %mul3A_857, %scan3A_144 : i32
      %add3A_859 = arith.constant 2 : i32
      %add3A_860 = arith.addi %mul3A_858, %add3A_859 : i32
      %swap3A_861 = arith.constant 0 : i32
      %swap3A_862 = arith.index_cast %swap3A_861 : i32 to index
      %swap3A_863 = arith.index_cast %add3A_860 : i32 to index
      %swap3A_864 = arith.constant 80 : index
      %swap3A_865 = tpu.vector_load %arg11[%swap3A_862, %swap3A_863, %swap3A_864] {strides = array<i32>} : memref<2x100x128xf32, #tpu.memory_space<vmem>>, vector<1x1x16xf32>,
      %swap3A_866 = vector.shape_cast %swap3A_865 : vector<1x1x16xf32> to vector<16xf32>
      %swap3A_867 = vector.shape_cast %max3A_856 : vector<16xf32> to vector<1x1x16xf32>
      tpu.vector_store %arg11[%swap3A_862, %swap3A_863, %swap3A_864], %swap3A_867 {strides = array<i32>} : memref<2x100x128xf32, #tpu.memory_space<vmem>>, vector<1x1x16xf32>,
      %mul3A_868 = arith.constant 4 : i32
      %mul3A_869 = arith.muli %mul3A_868, %scan3A_144 : i32
      %add3A_870 = arith.constant 2 : i32
      %add3A_871 = arith.addi %mul3A_869, %add3A_870 : i32
      %get3A_872 = arith.constant 0 : i32
      %get3A_873 = arith.index_cast %get3A_872 : i32 to index
      %get3A_874 = arith.index_cast %add3A_871 : i32 to index
      %get3A_875 = arith.constant 96 : index
      %get3A_876 = tpu.vector_load %arg11[%get3A_873, %get3A_874, %get3A_875] {strides = array<i32>} : memref<2x100x128xf32, #tpu.memory_space<vmem>>, vector<1x1x16xf32>,
      %get3A_877 = vector.shape_cast %get3A_876 : vector<1x1x16xf32> to vector<16xf32>
      %mul3A_878 = arith.constant 4 : i32
      %mul3A_879 = arith.muli %mul3A_878, %scan3A_144 : i32
      %add3A_880 = arith.constant 2 : i32
      %add3A_881 = arith.addi %mul3A_879, %add3A_880 : i32
      %get3A_882 = arith.index_cast %add3A_881 : i32 to index
      %get3A_883 = arith.constant 96 : index
      %get3A_884 = tpu.vector_load %arg12[%get3A_882, %get3A_883] {strides = array<i32>} : memref<100x128xf32, #tpu.memory_space<vmem>>, vector<1x16xf32>,
      %get3A_885 = vector.shape_cast %get3A_884 : vector<1x16xf32> to vector<16xf32>
      %add3A_886 = arith.addf %get3A_877, %get3A_885 : vector<16xf32>
      %max3A_887 = arith.constant 0.000000e+00 : f32
      %max3A_888 = vector.broadcast %max3A_887 : f32 to vector<16xf32>
      %max3A_889 = arith.maximumf %add3A_886, %max3A_888 : vector<16xf32>
      %mul3A_890 = arith.constant 4 : i32
      %mul3A_891 = arith.muli %mul3A_890, %scan3A_144 : i32
      %add3A_892 = arith.constant 2 : i32
      %add3A_893 = arith.addi %mul3A_891, %add3A_892 : i32
      %swap3A_894 = arith.constant 0 : i32
      %swap3A_895 = arith.index_cast %swap3A_894 : i32 to index
      %swap3A_896 = arith.index_cast %add3A_893 : i32 to index
      %swap3A_897 = arith.constant 96 : index
      %swap3A_898 = tpu.vector_load %arg11[%swap3A_895, %swap3A_896, %swap3A_897] {strides = array<i32>} : memref<2x100x128xf32, #tpu.memory_space<vmem>>, vector<1x1x16xf32>,
      %swap3A_899 = vector.shape_cast %swap3A_898 : vector<1x1x16xf32> to vector<16xf32>
      %swap3A_900 = vector.shape_cast %max3A_889 : vector<16xf32> to vector<1x1x16xf32>
      tpu.vector_store %arg11[%swap3A_895, %swap3A_896, %swap3A_897], %swap3A_900 {strides = array<i32>} : memref<2x100x128xf32, #tpu.memory_space<vmem>>, vector<1x1x16xf32>,
      %mul3A_901 = arith.constant 4 : i32
      %mul3A_902 = arith.muli %mul3A_901, %scan3A_144 : i32
      %add3A_903 = arith.constant 2 : i32
      %add3A_904 = arith.addi %mul3A_902, %add3A_903 : i32
      %get3A_905 = arith.constant 0 : i32
      %get3A_906 = arith.index_cast %get3A_905 : i32 to index
      %get3A_907 = arith.index_cast %add3A_904 : i32 to index
      %get3A_908 = arith.constant 112 : index
      %get3A_909 = tpu.vector_load %arg11[%get3A_906, %get3A_907, %get3A_908] {strides = array<i32>} : memref<2x100x128xf32, #tpu.memory_space<vmem>>, vector<1x1x16xf32>,
      %get3A_910 = vector.shape_cast %get3A_909 : vector<1x1x16xf32> to vector<16xf32>
      %mul3A_911 = arith.constant 4 : i32
      %mul3A_912 = arith.muli %mul3A_911, %scan3A_144 : i32
      %add3A_913 = arith.constant 2 : i32
      %add3A_914 = arith.addi %mul3A_912, %add3A_913 : i32
      %get3A_915 = arith.index_cast %add3A_914 : i32 to index
      %get3A_916 = arith.constant 112 : index
      %get3A_917 = tpu.vector_load %arg12[%get3A_915, %get3A_916] {strides = array<i32>} : memref<100x128xf32, #tpu.memory_space<vmem>>, vector<1x16xf32>,
      %get3A_918 = vector.shape_cast %get3A_917 : vector<1x16xf32> to vector<16xf32>
      %add3A_919 = arith.addf %get3A_910, %get3A_918 : vector<16xf32>
      %max3A_920 = arith.constant 0.000000e+00 : f32
      %max3A_921 = vector.broadcast %max3A_920 : f32 to vector<16xf32>
      %max3A_922 = arith.maximumf %add3A_919, %max3A_921 : vector<16xf32>
      %mul3A_923 = arith.constant 4 : i32
      %mul3A_924 = arith.muli %mul3A_923, %scan3A_144 : i32
      %add3A_925 = arith.constant 2 : i32
      %add3A_926 = arith.addi %mul3A_924, %add3A_925 : i32
      %swap3A_927 = arith.constant 0 : i32
      %swap3A_928 = arith.index_cast %swap3A_927 : i32 to index
      %swap3A_929 = arith.index_cast %add3A_926 : i32 to index
      %swap3A_930 = arith.constant 112 : index
      %swap3A_931 = tpu.vector_load %arg11[%swap3A_928, %swap3A_929, %swap3A_930] {strides = array<i32>} : memref<2x100x128xf32, #tpu.memory_space<vmem>>, vector<1x1x16xf32>,
      %swap3A_932 = vector.shape_cast %swap3A_931 : vector<1x1x16xf32> to vector<16xf32>
      %swap3A_933 = vector.shape_cast %max3A_922 : vector<16xf32> to vector<1x1x16xf32>
      tpu.vector_store %arg11[%swap3A_928, %swap3A_929, %swap3A_930], %swap3A_933 {strides = array<i32>} : memref<2x100x128xf32, #tpu.memory_space<vmem>>, vector<1x1x16xf32>,
      %mul3A_934 = arith.constant 4 : i32
      %mul3A_935 = arith.muli %mul3A_934, %scan3A_144 : i32
      %add3A_936 = arith.constant 3 : i32
      %add3A_937 = arith.addi %mul3A_935, %add3A_936 : i32
      %get3A_938 = arith.constant 0 : i32
      %get3A_939 = arith.index_cast %get3A_938 : i32 to index
      %get3A_940 = arith.index_cast %add3A_937 : i32 to index
      %get3A_941 = arith.constant 0 : index
      %get3A_942 = tpu.vector_load %arg11[%get3A_939, %get3A_940, %get3A_941] {strides = array<i32>} : memref<2x100x128xf32, #tpu.memory_space<vmem>>, vector<1x1x16xf32>,
      %get3A_943 = vector.shape_cast %get3A_942 : vector<1x1x16xf32> to vector<16xf32>
      %mul3A_944 = arith.constant 4 : i32
      %mul3A_945 = arith.muli %mul3A_944, %scan3A_144 : i32
      %add3A_946 = arith.constant 3 : i32
      %add3A_947 = arith.addi %mul3A_945, %add3A_946 : i32
      %get3A_948 = arith.index_cast %add3A_947 : i32 to index
      %get3A_949 = arith.constant 0 : index
      %get3A_950 = tpu.vector_load %arg12[%get3A_948, %get3A_949] {strides = array<i32>} : memref<100x128xf32, #tpu.memory_space<vmem>>, vector<1x16xf32>,
      %get3A_951 = vector.shape_cast %get3A_950 : vector<1x16xf32> to vector<16xf32>
      %add3A_952 = arith.addf %get3A_943, %get3A_951 : vector<16xf32>
      %max3A_953 = arith.constant 0.000000e+00 : f32
      %max3A_954 = vector.broadcast %max3A_953 : f32 to vector<16xf32>
      %max3A_955 = arith.maximumf %add3A_952, %max3A_954 : vector<16xf32>
      %mul3A_956 = arith.constant 4 : i32
      %mul3A_957 = arith.muli %mul3A_956, %scan3A_144 : i32
      %add3A_958 = arith.constant 3 : i32
      %add3A_959 = arith.addi %mul3A_957, %add3A_958 : i32
      %swap3A_960 = arith.constant 0 : i32
      %swap3A_961 = arith.index_cast %swap3A_960 : i32 to index
      %swap3A_962 = arith.index_cast %add3A_959 : i32 to index
      %swap3A_963 = arith.constant 0 : index
      %swap3A_964 = tpu.vector_load %arg11[%swap3A_961, %swap3A_962, %swap3A_963] {strides = array<i32>} : memref<2x100x128xf32, #tpu.memory_space<vmem>>, vector<1x1x16xf32>,
      %swap3A_965 = vector.shape_cast %swap3A_964 : vector<1x1x16xf32> to vector<16xf32>
      %swap3A_966 = vector.shape_cast %max3A_955 : vector<16xf32> to vector<1x1x16xf32>
      tpu.vector_store %arg11[%swap3A_961, %swap3A_962, %swap3A_963], %swap3A_966 {strides = array<i32>} : memref<2x100x128xf32, #tpu.memory_space<vmem>>, vector<1x1x16xf32>,
      %mul3A_967 = arith.constant 4 : i32
      %mul3A_968 = arith.muli %mul3A_967, %scan3A_144 : i32
      %add3A_969 = arith.constant 3 : i32
      %add3A_970 = arith.addi %mul3A_968, %add3A_969 : i32
      %get3A_971 = arith.constant 0 : i32
      %get3A_972 = arith.index_cast %get3A_971 : i32 to index
      %get3A_973 = arith.index_cast %add3A_970 : i32 to index
      %get3A_974 = arith.constant 16 : index
      %get3A_975 = tpu.vector_load %arg11[%get3A_972, %get3A_973, %get3A_974] {strides = array<i32>} : memref<2x100x128xf32, #tpu.memory_space<vmem>>, vector<1x1x16xf32>,
      %get3A_976 = vector.shape_cast %get3A_975 : vector<1x1x16xf32> to vector<16xf32>
      %mul3A_977 = arith.constant 4 : i32
      %mul3A_978 = arith.muli %mul3A_977, %scan3A_144 : i32
      %add3A_979 = arith.constant 3 : i32
      %add3A_980 = arith.addi %mul3A_978, %add3A_979 : i32
      %get3A_981 = arith.index_cast %add3A_980 : i32 to index
      %get3A_982 = arith.constant 16 : index
      %get3A_983 = tpu.vector_load %arg12[%get3A_981, %get3A_982] {strides = array<i32>} : memref<100x128xf32, #tpu.memory_space<vmem>>, vector<1x16xf32>,
      %get3A_984 = vector.shape_cast %get3A_983 : vector<1x16xf32> to vector<16xf32>
      %add3A_985 = arith.addf %get3A_976, %get3A_984 : vector<16xf32>
      %max3A_986 = arith.constant 0.000000e+00 : f32
      %max3A_987 = vector.broadcast %max3A_986 : f32 to vector<16xf32>
      %max3A_988 = arith.maximumf %add3A_985, %max3A_987 : vector<16xf32>
      %mul3A_989 = arith.constant 4 : i32
      %mul3A_990 = arith.muli %mul3A_989, %scan3A_144 : i32
      %add3A_991 = arith.constant 3 : i32
      %add3A_992 = arith.addi %mul3A_990, %add3A_991 : i32
      %swap3A_993 = arith.constant 0 : i32
      %swap3A_994 = arith.index_cast %swap3A_993 : i32 to index
      %swap3A_995 = arith.index_cast %add3A_992 : i32 to index
      %swap3A_996 = arith.constant 16 : index
      %swap3A_997 = tpu.vector_load %arg11[%swap3A_994, %swap3A_995, %swap3A_996] {strides = array<i32>} : memref<2x100x128xf32, #tpu.memory_space<vmem>>, vector<1x1x16xf32>,
      %swap3A_998 = vector.shape_cast %swap3A_997 : vector<1x1x16xf32> to vector<16xf32>
      %swap3A_999 = vector.shape_cast %max3A_988 : vector<16xf32> to vector<1x1x16xf32>
      tpu.vector_store %arg11[%swap3A_994, %swap3A_995, %swap3A_996], %swap3A_999 {strides = array<i32>} : memref<2x100x128xf32, #tpu.memory_space<vmem>>, vector<1x1x16xf32>,
      %mul3A_1000 = arith.constant 4 : i32
      %mul3A_1001 = arith.muli %mul3A_1000, %scan3A_144 : i32
      %add3A_1002 = arith.constant 3 : i32
      %add3A_1003 = arith.addi %mul3A_1001, %add3A_1002 : i32
      %get3A_1004 = arith.constant 0 : i32
      %get3A_1005 = arith.index_cast %get3A_1004 : i32 to index
      %get3A_1006 = arith.index_cast %add3A_1003 : i32 to index
      %get3A_1007 = arith.constant 32 : index
      %get3A_1008 = tpu.vector_load %arg11[%get3A_1005, %get3A_1006, %get3A_1007] {strides = array<i32>} : memref<2x100x128xf32, #tpu.memory_space<vmem>>, vector<1x1x16xf32>,
      %get3A_1009 = vector.shape_cast %get3A_1008 : vector<1x1x16xf32> to vector<16xf32>
      %mul3A_1010 = arith.constant 4 : i32
      %mul3A_1011 = arith.muli %mul3A_1010, %scan3A_144 : i32
      %add3A_1012 = arith.constant 3 : i32
      %add3A_1013 = arith.addi %mul3A_1011, %add3A_1012 : i32
      %get3A_1014 = arith.index_cast %add3A_1013 : i32 to index
      %get3A_1015 = arith.constant 32 : index
      %get3A_1016 = tpu.vector_load %arg12[%get3A_1014, %get3A_1015] {strides = array<i32>} : memref<100x128xf32, #tpu.memory_space<vmem>>, vector<1x16xf32>,
      %get3A_1017 = vector.shape_cast %get3A_1016 : vector<1x16xf32> to vector<16xf32>
      %add3A_1018 = arith.addf %get3A_1009, %get3A_1017 : vector<16xf32>
      %max3A_1019 = arith.constant 0.000000e+00 : f32
      %max3A_1020 = vector.broadcast %max3A_1019 : f32 to vector<16xf32>
      %max3A_1021 = arith.maximumf %add3A_1018, %max3A_1020 : vector<16xf32>
      %mul3A_1022 = arith.constant 4 : i32
      %mul3A_1023 = arith.muli %mul3A_1022, %scan3A_144 : i32
      %add3A_1024 = arith.constant 3 : i32
      %add3A_1025 = arith.addi %mul3A_1023, %add3A_1024 : i32
      %swap3A_1026 = arith.constant 0 : i32
      %swap3A_1027 = arith.index_cast %swap3A_1026 : i32 to index
      %swap3A_1028 = arith.index_cast %add3A_1025 : i32 to index
      %swap3A_1029 = arith.constant 32 : index
      %swap3A_1030 = tpu.vector_load %arg11[%swap3A_1027, %swap3A_1028, %swap3A_1029] {strides = array<i32>} : memref<2x100x128xf32, #tpu.memory_space<vmem>>, vector<1x1x16xf32>,
      %swap3A_1031 = vector.shape_cast %swap3A_1030 : vector<1x1x16xf32> to vector<16xf32>
      %swap3A_1032 = vector.shape_cast %max3A_1021 : vector<16xf32> to vector<1x1x16xf32>
      tpu.vector_store %arg11[%swap3A_1027, %swap3A_1028, %swap3A_1029], %swap3A_1032 {strides = array<i32>} : memref<2x100x128xf32, #tpu.memory_space<vmem>>, vector<1x1x16xf32>,
      %mul3A_1033 = arith.constant 4 : i32
      %mul3A_1034 = arith.muli %mul3A_1033, %scan3A_144 : i32
      %add3A_1035 = arith.constant 3 : i32
      %add3A_1036 = arith.addi %mul3A_1034, %add3A_1035 : i32
      %get3A_1037 = arith.constant 0 : i32
      %get3A_1038 = arith.index_cast %get3A_1037 : i32 to index
      %get3A_1039 = arith.index_cast %add3A_1036 : i32 to index
      %get3A_1040 = arith.constant 48 : index
      %get3A_1041 = tpu.vector_load %arg11[%get3A_1038, %get3A_1039, %get3A_1040] {strides = array<i32>} : memref<2x100x128xf32, #tpu.memory_space<vmem>>, vector<1x1x16xf32>,
      %get3A_1042 = vector.shape_cast %get3A_1041 : vector<1x1x16xf32> to vector<16xf32>
      %mul3A_1043 = arith.constant 4 : i32
      %mul3A_1044 = arith.muli %mul3A_1043, %scan3A_144 : i32
      %add3A_1045 = arith.constant 3 : i32
      %add3A_1046 = arith.addi %mul3A_1044, %add3A_1045 : i32
      %get3A_1047 = arith.index_cast %add3A_1046 : i32 to index
      %get3A_1048 = arith.constant 48 : index
      %get3A_1049 = tpu.vector_load %arg12[%get3A_1047, %get3A_1048] {strides = array<i32>} : memref<100x128xf32, #tpu.memory_space<vmem>>, vector<1x16xf32>,
      %get3A_1050 = vector.shape_cast %get3A_1049 : vector<1x16xf32> to vector<16xf32>
      %add3A_1051 = arith.addf %get3A_1042, %get3A_1050 : vector<16xf32>
      %max3A_1052 = arith.constant 0.000000e+00 : f32
      %max3A_1053 = vector.broadcast %max3A_1052 : f32 to vector<16xf32>
      %max3A_1054 = arith.maximumf %add3A_1051, %max3A_1053 : vector<16xf32>
      %mul3A_1055 = arith.constant 4 : i32
      %mul3A_1056 = arith.muli %mul3A_1055, %scan3A_144 : i32
      %add3A_1057 = arith.constant 3 : i32
      %add3A_1058 = arith.addi %mul3A_1056, %add3A_1057 : i32
      %swap3A_1059 = arith.constant 0 : i32
      %swap3A_1060 = arith.index_cast %swap3A_1059 : i32 to index
      %swap3A_1061 = arith.index_cast %add3A_1058 : i32 to index
      %swap3A_1062 = arith.constant 48 : index
      %swap3A_1063 = tpu.vector_load %arg11[%swap3A_1060, %swap3A_1061, %swap3A_1062] {strides = array<i32>} : memref<2x100x128xf32, #tpu.memory_space<vmem>>, vector<1x1x16xf32>,
      %swap3A_1064 = vector.shape_cast %swap3A_1063 : vector<1x1x16xf32> to vector<16xf32>
      %swap3A_1065 = vector.shape_cast %max3A_1054 : vector<16xf32> to vector<1x1x16xf32>
      tpu.vector_store %arg11[%swap3A_1060, %swap3A_1061, %swap3A_1062], %swap3A_1065 {strides = array<i32>} : memref<2x100x128xf32, #tpu.memory_space<vmem>>, vector<1x1x16xf32>,
      %mul3A_1066 = arith.constant 4 : i32
      %mul3A_1067 = arith.muli %mul3A_1066, %scan3A_144 : i32
      %add3A_1068 = arith.constant 3 : i32
      %add3A_1069 = arith.addi %mul3A_1067, %add3A_1068 : i32
      %get3A_1070 = arith.constant 0 : i32
      %get3A_1071 = arith.index_cast %get3A_1070 : i32 to index
      %get3A_1072 = arith.index_cast %add3A_1069 : i32 to index
      %get3A_1073 = arith.constant 64 : index
      %get3A_1074 = tpu.vector_load %arg11[%get3A_1071, %get3A_1072, %get3A_1073] {strides = array<i32>} : memref<2x100x128xf32, #tpu.memory_space<vmem>>, vector<1x1x16xf32>,
      %get3A_1075 = vector.shape_cast %get3A_1074 : vector<1x1x16xf32> to vector<16xf32>
      %mul3A_1076 = arith.constant 4 : i32
      %mul3A_1077 = arith.muli %mul3A_1076, %scan3A_144 : i32
      %add3A_1078 = arith.constant 3 : i32
      %add3A_1079 = arith.addi %mul3A_1077, %add3A_1078 : i32
      %get3A_1080 = arith.index_cast %add3A_1079 : i32 to index
      %get3A_1081 = arith.constant 64 : index
      %get3A_1082 = tpu.vector_load %arg12[%get3A_1080, %get3A_1081] {strides = array<i32>} : memref<100x128xf32, #tpu.memory_space<vmem>>, vector<1x16xf32>,
      %get3A_1083 = vector.shape_cast %get3A_1082 : vector<1x16xf32> to vector<16xf32>
      %add3A_1084 = arith.addf %get3A_1075, %get3A_1083 : vector<16xf32>
      %max3A_1085 = arith.constant 0.000000e+00 : f32
      %max3A_1086 = vector.broadcast %max3A_1085 : f32 to vector<16xf32>
      %max3A_1087 = arith.maximumf %add3A_1084, %max3A_1086 : vector<16xf32>
      %mul3A_1088 = arith.constant 4 : i32
      %mul3A_1089 = arith.muli %mul3A_1088, %scan3A_144 : i32
      %add3A_1090 = arith.constant 3 : i32
      %add3A_1091 = arith.addi %mul3A_1089, %add3A_1090 : i32
      %swap3A_1092 = arith.constant 0 : i32
      %swap3A_1093 = arith.index_cast %swap3A_1092 : i32 to index
      %swap3A_1094 = arith.index_cast %add3A_1091 : i32 to index
      %swap3A_1095 = arith.constant 64 : index
      %swap3A_1096 = tpu.vector_load %arg11[%swap3A_1093, %swap3A_1094, %swap3A_1095] {strides = array<i32>} : memref<2x100x128xf32, #tpu.memory_space<vmem>>, vector<1x1x16xf32>,
      %swap3A_1097 = vector.shape_cast %swap3A_1096 : vector<1x1x16xf32> to vector<16xf32>
      %swap3A_1098 = vector.shape_cast %max3A_1087 : vector<16xf32> to vector<1x1x16xf32>
      tpu.vector_store %arg11[%swap3A_1093, %swap3A_1094, %swap3A_1095], %swap3A_1098 {strides = array<i32>} : memref<2x100x128xf32, #tpu.memory_space<vmem>>, vector<1x1x16xf32>,
      %mul3A_1099 = arith.constant 4 : i32
      %mul3A_1100 = arith.muli %mul3A_1099, %scan3A_144 : i32
      %add3A_1101 = arith.constant 3 : i32
      %add3A_1102 = arith.addi %mul3A_1100, %add3A_1101 : i32
      %get3A_1103 = arith.constant 0 : i32
      %get3A_1104 = arith.index_cast %get3A_1103 : i32 to index
      %get3A_1105 = arith.index_cast %add3A_1102 : i32 to index
      %get3A_1106 = arith.constant 80 : index
      %get3A_1107 = tpu.vector_load %arg11[%get3A_1104, %get3A_1105, %get3A_1106] {strides = array<i32>} : memref<2x100x128xf32, #tpu.memory_space<vmem>>, vector<1x1x16xf32>,
      %get3A_1108 = vector.shape_cast %get3A_1107 : vector<1x1x16xf32> to vector<16xf32>
      %mul3A_1109 = arith.constant 4 : i32
      %mul3A_1110 = arith.muli %mul3A_1109, %scan3A_144 : i32
      %add3A_1111 = arith.constant 3 : i32
      %add3A_1112 = arith.addi %mul3A_1110, %add3A_1111 : i32
      %get3A_1113 = arith.index_cast %add3A_1112 : i32 to index
      %get3A_1114 = arith.constant 80 : index
      %get3A_1115 = tpu.vector_load %arg12[%get3A_1113, %get3A_1114] {strides = array<i32>} : memref<100x128xf32, #tpu.memory_space<vmem>>, vector<1x16xf32>,
      %get3A_1116 = vector.shape_cast %get3A_1115 : vector<1x16xf32> to vector<16xf32>
      %add3A_1117 = arith.addf %get3A_1108, %get3A_1116 : vector<16xf32>
      %max3A_1118 = arith.constant 0.000000e+00 : f32
      %max3A_1119 = vector.broadcast %max3A_1118 : f32 to vector<16xf32>
      %max3A_1120 = arith.maximumf %add3A_1117, %max3A_1119 : vector<16xf32>
      %mul3A_1121 = arith.constant 4 : i32
      %mul3A_1122 = arith.muli %mul3A_1121, %scan3A_144 : i32
      %add3A_1123 = arith.constant 3 : i32
      %add3A_1124 = arith.addi %mul3A_1122, %add3A_1123 : i32
      %swap3A_1125 = arith.constant 0 : i32
      %swap3A_1126 = arith.index_cast %swap3A_1125 : i32 to index
      %swap3A_1127 = arith.index_cast %add3A_1124 : i32 to index
      %swap3A_1128 = arith.constant 80 : index
      %swap3A_1129 = tpu.vector_load %arg11[%swap3A_1126, %swap3A_1127, %swap3A_1128] {strides = array<i32>} : memref<2x100x128xf32, #tpu.memory_space<vmem>>, vector<1x1x16xf32>,
      %swap3A_1130 = vector.shape_cast %swap3A_1129 : vector<1x1x16xf32> to vector<16xf32>
      %swap3A_1131 = vector.shape_cast %max3A_1120 : vector<16xf32> to vector<1x1x16xf32>
      tpu.vector_store %arg11[%swap3A_1126, %swap3A_1127, %swap3A_1128], %swap3A_1131 {strides = array<i32>} : memref<2x100x128xf32, #tpu.memory_space<vmem>>, vector<1x1x16xf32>,
      %mul3A_1132 = arith.constant 4 : i32
      %mul3A_1133 = arith.muli %mul3A_1132, %scan3A_144 : i32
      %add3A_1134 = arith.constant 3 : i32
      %add3A_1135 = arith.addi %mul3A_1133, %add3A_1134 : i32
      %get3A_1136 = arith.constant 0 : i32
      %get3A_1137 = arith.index_cast %get3A_1136 : i32 to index
      %get3A_1138 = arith.index_cast %add3A_1135 : i32 to index
      %get3A_1139 = arith.constant 96 : index
      %get3A_1140 = tpu.vector_load %arg11[%get3A_1137, %get3A_1138, %get3A_1139] {strides = array<i32>} : memref<2x100x128xf32, #tpu.memory_space<vmem>>, vector<1x1x16xf32>,
      %get3A_1141 = vector.shape_cast %get3A_1140 : vector<1x1x16xf32> to vector<16xf32>
      %mul3A_1142 = arith.constant 4 : i32
      %mul3A_1143 = arith.muli %mul3A_1142, %scan3A_144 : i32
      %add3A_1144 = arith.constant 3 : i32
      %add3A_1145 = arith.addi %mul3A_1143, %add3A_1144 : i32
      %get3A_1146 = arith.index_cast %add3A_1145 : i32 to index
      %get3A_1147 = arith.constant 96 : index
      %get3A_1148 = tpu.vector_load %arg12[%get3A_1146, %get3A_1147] {strides = array<i32>} : memref<100x128xf32, #tpu.memory_space<vmem>>, vector<1x16xf32>,
      %get3A_1149 = vector.shape_cast %get3A_1148 : vector<1x16xf32> to vector<16xf32>
      %add3A_1150 = arith.addf %get3A_1141, %get3A_1149 : vector<16xf32>
      %max3A_1151 = arith.constant 0.000000e+00 : f32
      %max3A_1152 = vector.broadcast %max3A_1151 : f32 to vector<16xf32>
      %max3A_1153 = arith.maximumf %add3A_1150, %max3A_1152 : vector<16xf32>
      %mul3A_1154 = arith.constant 4 : i32
      %mul3A_1155 = arith.muli %mul3A_1154, %scan3A_144 : i32
      %add3A_1156 = arith.constant 3 : i32
      %add3A_1157 = arith.addi %mul3A_1155, %add3A_1156 : i32
      %swap3A_1158 = arith.constant 0 : i32
      %swap3A_1159 = arith.index_cast %swap3A_1158 : i32 to index
      %swap3A_1160 = arith.index_cast %add3A_1157 : i32 to index
      %swap3A_1161 = arith.constant 96 : index
      %swap3A_1162 = tpu.vector_load %arg11[%swap3A_1159, %swap3A_1160, %swap3A_1161] {strides = array<i32>} : memref<2x100x128xf32, #tpu.memory_space<vmem>>, vector<1x1x16xf32>,
      %swap3A_1163 = vector.shape_cast %swap3A_1162 : vector<1x1x16xf32> to vector<16xf32>
      %swap3A_1164 = vector.shape_cast %max3A_1153 : vector<16xf32> to vector<1x1x16xf32>
      tpu.vector_store %arg11[%swap3A_1159, %swap3A_1160, %swap3A_1161], %swap3A_1164 {strides = array<i32>} : memref<2x100x128xf32, #tpu.memory_space<vmem>>, vector<1x1x16xf32>,
      %mul3A_1165 = arith.constant 4 : i32
      %mul3A_1166 = arith.muli %mul3A_1165, %scan3A_144 : i32
      %add3A_1167 = arith.constant 3 : i32
      %add3A_1168 = arith.addi %mul3A_1166, %add3A_1167 : i32
      %get3A_1169 = arith.constant 0 : i32
      %get3A_1170 = arith.index_cast %get3A_1169 : i32 to index
      %get3A_1171 = arith.index_cast %add3A_1168 : i32 to index
      %get3A_1172 = arith.constant 112 : index
      %get3A_1173 = tpu.vector_load %arg11[%get3A_1170, %get3A_1171, %get3A_1172] {strides = array<i32>} : memref<2x100x128xf32, #tpu.memory_space<vmem>>, vector<1x1x16xf32>,
      %get3A_1174 = vector.shape_cast %get3A_1173 : vector<1x1x16xf32> to vector<16xf32>
      %mul3A_1175 = arith.constant 4 : i32
      %mul3A_1176 = arith.muli %mul3A_1175, %scan3A_144 : i32
      %add3A_1177 = arith.constant 3 : i32
      %add3A_1178 = arith.addi %mul3A_1176, %add3A_1177 : i32
      %get3A_1179 = arith.index_cast %add3A_1178 : i32 to index
      %get3A_1180 = arith.constant 112 : index
      %get3A_1181 = tpu.vector_load %arg12[%get3A_1179, %get3A_1180] {strides = array<i32>} : memref<100x128xf32, #tpu.memory_space<vmem>>, vector<1x16xf32>,
      %get3A_1182 = vector.shape_cast %get3A_1181 : vector<1x16xf32> to vector<16xf32>
      %add3A_1183 = arith.addf %get3A_1174, %get3A_1182 : vector<16xf32>
      %max3A_1184 = arith.constant 0.000000e+00 : f32
      %max3A_1185 = vector.broadcast %max3A_1184 : f32 to vector<16xf32>
      %max3A_1186 = arith.maximumf %add3A_1183, %max3A_1185 : vector<16xf32>
      %mul3A_1187 = arith.constant 4 : i32
      %mul3A_1188 = arith.muli %mul3A_1187, %scan3A_144 : i32
      %add3A_1189 = arith.constant 3 : i32
      %add3A_1190 = arith.addi %mul3A_1188, %add3A_1189 : i32
      %swap3A_1191 = arith.constant 0 : i32
      %swap3A_1192 = arith.index_cast %swap3A_1191 : i32 to index
      %swap3A_1193 = arith.index_cast %add3A_1190 : i32 to index
      %swap3A_1194 = arith.constant 112 : index
      %swap3A_1195 = tpu.vector_load %arg11[%swap3A_1192, %swap3A_1193, %swap3A_1194] {strides = array<i32>} : memref<2x100x128xf32, #tpu.memory_space<vmem>>, vector<1x1x16xf32>,
      %swap3A_1196 = vector.shape_cast %swap3A_1195 : vector<1x1x16xf32> to vector<16xf32>
      %swap3A_1197 = vector.shape_cast %max3A_1186 : vector<16xf32> to vector<1x1x16xf32>
      tpu.vector_store %arg11[%swap3A_1192, %swap3A_1193, %swap3A_1194], %swap3A_1197 {strides = array<i32>} : memref<2x100x128xf32, #tpu.memory_space<vmem>>, vector<1x1x16xf32>,
    }
    %scan3A_33 = arith.constant 25 : i32
    %dma_start3A_34 = arith.constant 0 : i32
    %dma_start3A_35 = arith.constant 0 : i32
    %dma_start3A_36 = arith.constant 0 : i32
    %dma_start3A_37 = arith.constant 0 : i32
    %dma_start3A_38 = tpu.memref_slice %arg11[%dma_start3A_34, %dma_start3A_36, %dma_start3A_37] : memref<2x100x128xf32, #tpu.memory_space<vmem>> -> memref<1x100x128xf32, #tpu.memory_space<vmem>>
    %dma_start3A_39 = tpu.memref_squeeze %dma_start3A_38 : memref<1x100x128xf32, #tpu.memory_space<vmem>> -> memref<100x128xf32, #tpu.memory_space<vmem>>
    %dma_start3A_40 = arith.constant 0 : i32
    %dma_start3A_41 = tpu.memref_slice %arg10[%dma_start3A_35, %dma_start3A_40] : memref<2x100xi32, #tpu.memory_space<vmem>> -> memref<1x100xi32, #tpu.memory_space<vmem>>
    %dma_start3A_42 = tpu.memref_squeeze %dma_start3A_41 : memref<1x100xi32, #tpu.memory_space<vmem>> -> memref<100xi32, #tpu.memory_space<vmem>>
    %dma_start3A_43 = arith.constant 0 : i32
    %dma_start3A_44 = arith.constant 0 : i32
    %dma_start3A_45 = tpu.memref_slice %arg8[%dma_start3A_43, %dma_start3A_44] : memref<10240x128xf32, #tpu.memory_space<vmem_shared>> -> memref<10240x128xf32, #tpu.memory_space<vmem_shared>>
    tpu.enqueue_indirect_dma source(%dma_start3A_39 : memref<100x128xf32, #tpu.memory_space<vmem>>) target(%dma_start3A_45 : memref<10240x128xf32, #tpu.memory_space<vmem_shared>>) offsets(%dma_start3A_42 : memref<100xi32, #tpu.memory_space<vmem>>) semaphore(%arg15 : memref<!tpu.dma_semaphore, #tpu.memory_space<semaphore_mem>>) {add = true}
    %dma_wait3A_46 = arith.constant 0 : i32
    %dma_wait3A_47 = arith.constant 0 : i32
    %dma_wait3A_48 = tpu.memref_slice %arg3[%add3A, %dma_wait3A_46, %dma_wait3A_47] : memref<32x100x100xi32, #tpu.memory_space<hbm>> -> memref<1x1x100xi32, #tpu.memory_space<hbm>>
    %dma_wait3A_49 = tpu.memref_squeeze %dma_wait3A_48 : memref<1x1x100xi32, #tpu.memory_space<hbm>> -> memref<100xi32, #tpu.memory_space<hbm>>
    %dma_wait3A_50 = arith.constant 0 : i32
    %dma_wait3A_51 = tpu.memref_slice %arg3[%add3A, %dma_wait3A_46, %dma_wait3A_50] : memref<32x100x100xi32, #tpu.memory_space<hbm>> -> memref<1x1x100xi32, #tpu.memory_space<hbm>>
    %dma_wait3A_52 = tpu.memref_squeeze %dma_wait3A_51 : memref<1x1x100xi32, #tpu.memory_space<hbm>> -> memref<100xi32, #tpu.memory_space<hbm>>
    tpu.wait_dma2 semaphore(%arg14 : memref<!tpu.dma_semaphore, #tpu.memory_space<semaphore_mem>>) src(%dma_wait3A_52 : memref<100xi32, #tpu.memory_space<hbm>>) dst(%arg9 : memref<100xi32, #tpu.memory_space<vmem>>)
    %run_scoped3A_53 = arith.constant 1 : i32
    %run_scoped3A_54 = arith.constant 1 : i32
    "tpu.region"() ({
      %run_scoped3A_144 = tpu.sem_alloc : memref<!tpu.dma_semaphore, #tpu.memory_space<semaphore_mem>>
      %dma_start3A_145 = arith.constant 0 : i32
      %dma_start3A_146 = tpu.memref_slice %arg10[%run_scoped3A_54, %dma_start3A_145] : memref<2x100xi32, #tpu.memory_space<vmem>> -> memref<1x100xi32, #tpu.memory_space<vmem>>
      %dma_start3A_147 = tpu.memref_squeeze %dma_start3A_146 : memref<1x100xi32, #tpu.memory_space<vmem>> -> memref<100xi32, #tpu.memory_space<vmem>>
      %dma_start3A_148 = arith.constant 0 : i32
      %dma_start3A_149 = tpu.memref_slice %arg4[%add3A, %run_scoped3A_53, %dma_start3A_148] : memref<32x100x100xi32, #tpu.memory_space<hbm>> -> memref<1x1x100xi32, #tpu.memory_space<hbm>>
      %dma_start3A_150 = tpu.memref_squeeze %dma_start3A_149 : memref<1x1x100xi32, #tpu.memory_space<hbm>> -> memref<100xi32, #tpu.memory_space<hbm>>
      %dma_start3A_151 = arith.constant 0 : i32
      %dma_start3A_152 = tpu.memref_slice %arg10[%run_scoped3A_54, %dma_start3A_151] : memref<2x100xi32, #tpu.memory_space<vmem>> -> memref<1x100xi32, #tpu.memory_space<vmem>>
      %dma_start3A_153 = tpu.memref_squeeze %dma_start3A_152 : memref<1x100xi32, #tpu.memory_space<vmem>> -> memref<100xi32, #tpu.memory_space<vmem>>
      %dma_start3A_154 = arith.constant 0 : i32
      %dma_start3A_155 = tpu.memref_slice %arg4[%add3A, %run_scoped3A_53, %dma_start3A_154] : memref<32x100x100xi32, #tpu.memory_space<hbm>> -> memref<1x1x100xi32, #tpu.memory_space<hbm>>
      %dma_start3A_156 = tpu.memref_squeeze %dma_start3A_155 : memref<1x1x100xi32, #tpu.memory_space<hbm>> -> memref<100xi32, #tpu.memory_space<hbm>>
      tpu.enqueue_dma source(%dma_start3A_156 : memref<100xi32, #tpu.memory_space<hbm>>) target(%dma_start3A_153 : memref<100xi32, #tpu.memory_space<vmem>>) target_semaphore(%run_scoped3A_144 : memref<!tpu.dma_semaphore, #tpu.memory_space<semaphore_mem>>)
      %dma_wait3A_157 = arith.constant 0 : i32
      %dma_wait3A_158 = tpu.memref_slice %arg10[%run_scoped3A_54, %dma_wait3A_157] : memref<2x100xi32, #tpu.memory_space<vmem>> -> memref<1x100xi32, #tpu.memory_space<vmem>>
      %dma_wait3A_159 = tpu.memref_squeeze %dma_wait3A_158 : memref<1x100xi32, #tpu.memory_space<vmem>> -> memref<100xi32, #tpu.memory_space<vmem>>
      %dma_wait3A_160 = arith.constant 0 : i32
      %dma_wait3A_161 = tpu.memref_slice %arg4[%add3A, %run_scoped3A_53, %dma_wait3A_160] : memref<32x100x100xi32, #tpu.memory_space<hbm>> -> memref<1x1x100xi32, #tpu.memory_space<hbm>>
      %dma_wait3A_162 = tpu.memref_squeeze %dma_wait3A_161 : memref<1x1x100xi32, #tpu.memory_space<hbm>> -> memref<100xi32, #tpu.memory_space<hbm>>
      %dma_wait3A_163 = arith.constant 0 : i32
      %dma_wait3A_164 = tpu.memref_slice %arg10[%run_scoped3A_54, %dma_wait3A_163] : memref<2x100xi32, #tpu.memory_space<vmem>> -> memref<1x100xi32, #tpu.memory_space<vmem>>
      %dma_wait3A_165 = tpu.memref_squeeze %dma_wait3A_164 : memref<1x100xi32, #tpu.memory_space<vmem>> -> memref<100xi32, #tpu.memory_space<vmem>>
      %dma_wait3A_166 = arith.constant 0 : i32
      %dma_wait3A_167 = tpu.memref_slice %arg4[%add3A, %run_scoped3A_53, %dma_wait3A_166] : memref<32x100x100xi32, #tpu.memory_space<hbm>> -> memref<1x1x100xi32, #tpu.memory_space<hbm>>
      %dma_wait3A_168 = tpu.memref_squeeze %dma_wait3A_167 : memref<1x1x100xi32, #tpu.memory_space<hbm>> -> memref<100xi32, #tpu.memory_space<hbm>>
      tpu.wait_dma2 semaphore(%run_scoped3A_144 : memref<!tpu.dma_semaphore, #tpu.memory_space<semaphore_mem>>) src(%dma_wait3A_168 : memref<100xi32, #tpu.memory_space<hbm>>) dst(%dma_wait3A_165 : memref<100xi32, #tpu.memory_space<vmem>>)
      tpu.yield
    }) : () -> ()
    %dma_start3A_55 = arith.constant 1 : i32
    %dma_start3A_56 = arith.constant 0 : i32
    %dma_start3A_57 = arith.constant 0 : i32
    %dma_start3A_58 = tpu.memref_slice %arg11[%dma_start3A_55, %dma_start3A_56, %dma_start3A_57] : memref<2x100x128xf32, #tpu.memory_space<vmem>> -> memref<1x100x128xf32, #tpu.memory_space<vmem>>
    %dma_start3A_59 = tpu.memref_squeeze %dma_start3A_58 : memref<1x100x128xf32, #tpu.memory_space<vmem>> -> memref<100x128xf32, #tpu.memory_space<vmem>>
    %dma_start3A_60 = arith.constant 0 : i32
    %dma_start3A_61 = arith.constant 0 : i32
    %dma_start3A_62 = tpu.memref_slice %arg2[%dma_start3A_60, %dma_start3A_61] : memref<10000x128xf32, #tpu.memory_space<hbm>> -> memref<10000x128xf32, #tpu.memory_space<hbm>>
    tpu.enqueue_indirect_dma source(%dma_start3A_62 : memref<10000x128xf32, #tpu.memory_space<hbm>>) target(%dma_start3A_59 : memref<100x128xf32, #tpu.memory_space<vmem>>) offsets(%arg9 : memref<100xi32, #tpu.memory_space<vmem>>) semaphore(%arg13 : memref<!tpu.dma_semaphore, #tpu.memory_space<semaphore_mem>>)
    %run_scoped3A_63 = arith.constant 1 : i32
    "tpu.region"() ({
      %run_scoped3A_144 = tpu.sem_alloc : memref<!tpu.dma_semaphore, #tpu.memory_space<semaphore_mem>>
      %dma_start3A_145 = arith.constant 0 : i32
      %dma_start3A_146 = arith.constant 0 : i32
      %dma_start3A_147 = tpu.memref_slice %arg5[%add3A, %run_scoped3A_63, %dma_start3A_145, %dma_start3A_146] : memref<32x100x100x128xf32, #tpu.memory_space<hbm>> -> memref<1x1x100x128xf32, #tpu.memory_space<hbm>>
      %dma_start3A_148 = tpu.memref_squeeze %dma_start3A_147 : memref<1x1x100x128xf32, #tpu.memory_space<hbm>> -> memref<100x128xf32, #tpu.memory_space<hbm>>
      %dma_start3A_149 = arith.constant 0 : i32
      %dma_start3A_150 = arith.constant 0 : i32
      %dma_start3A_151 = tpu.memref_slice %arg5[%add3A, %run_scoped3A_63, %dma_start3A_149, %dma_start3A_150] : memref<32x100x100x128xf32, #tpu.memory_space<hbm>> -> memref<1x1x100x128xf32, #tpu.memory_space<hbm>>
      %dma_start3A_152 = tpu.memref_squeeze %dma_start3A_151 : memref<1x1x100x128xf32, #tpu.memory_space<hbm>> -> memref<100x128xf32, #tpu.memory_space<hbm>>
      tpu.enqueue_dma source(%dma_start3A_152 : memref<100x128xf32, #tpu.memory_space<hbm>>) target(%arg12 : memref<100x128xf32, #tpu.memory_space<vmem>>) target_semaphore(%run_scoped3A_144 : memref<!tpu.dma_semaphore, #tpu.memory_space<semaphore_mem>>)
      %dma_wait3A_153 = arith.constant 0 : i32
      %dma_wait3A_154 = arith.constant 0 : i32
      %dma_wait3A_155 = tpu.memref_slice %arg5[%add3A, %run_scoped3A_63, %dma_wait3A_153, %dma_wait3A_154] : memref<32x100x100x128xf32, #tpu.memory_space<hbm>> -> memref<1x1x100x128xf32, #tpu.memory_space<hbm>>
      %dma_wait3A_156 = tpu.memref_squeeze %dma_wait3A_155 : memref<1x1x100x128xf32, #tpu.memory_space<hbm>> -> memref<100x128xf32, #tpu.memory_space<hbm>>
      %dma_wait3A_157 = arith.constant 0 : i32
      %dma_wait3A_158 = arith.constant 0 : i32
      %dma_wait3A_159 = tpu.memref_slice %arg5[%add3A, %run_scoped3A_63, %dma_wait3A_157, %dma_wait3A_158] : memref<32x100x100x128xf32, #tpu.memory_space<hbm>> -> memref<1x1x100x128xf32, #tpu.memory_space<hbm>>
      %dma_wait3A_160 = tpu.memref_squeeze %dma_wait3A_159 : memref<1x1x100x128xf32, #tpu.memory_space<hbm>> -> memref<100x128xf32, #tpu.memory_space<hbm>>
      tpu.wait_dma2 semaphore(%run_scoped3A_144 : memref<!tpu.dma_semaphore, #tpu.memory_space<semaphore_mem>>) src(%dma_wait3A_160 : memref<100x128xf32, #tpu.memory_space<hbm>>) dst(%arg12 : memref<100x128xf32, #tpu.memory_space<vmem>>)
      tpu.yield
    }) : () -> ()
    %dma_wait3A_64 = arith.constant 1 : i32
    %dma_wait3A_65 = arith.constant 0 : i32
    %dma_wait3A_66 = arith.constant 0 : i32
    %dma_wait3A_67 = tpu.memref_slice %arg11[%dma_wait3A_64, %dma_wait3A_65, %dma_wait3A_66] : memref<2x100x128xf32, #tpu.memory_space<vmem>> -> memref<1x100x128xf32, #tpu.memory_space<vmem>>
    %dma_wait3A_68 = tpu.memref_squeeze %dma_wait3A_67 : memref<1x100x128xf32, #tpu.memory_space<vmem>> -> memref<100x128xf32, #tpu.memory_space<vmem>>
    %dma_wait3A_69 = arith.constant 0 : i32
    %dma_wait3A_70 = arith.constant 0 : i32
    %dma_wait3A_71 = tpu.memref_slice %arg2[%dma_wait3A_69, %dma_wait3A_70] : memref<10000x128xf32, #tpu.memory_space<hbm>> -> memref<10000x128xf32, #tpu.memory_space<hbm>>
    tpu.wait_indirect_dma semaphore(%arg13 : memref<!tpu.dma_semaphore, #tpu.memory_space<semaphore_mem>>) src(%dma_wait3A_71 : memref<10000x128xf32, #tpu.memory_space<hbm>>) dst(%dma_wait3A_68 : memref<100x128xf32, #tpu.memory_space<vmem>>)
    %dma_start3A_72 = arith.constant 2 : i32
    %dma_start3A_73 = arith.constant 0 : i32
    %dma_start3A_74 = tpu.memref_slice %arg3[%add3A, %dma_start3A_72, %dma_start3A_73] : memref<32x100x100xi32, #tpu.memory_space<hbm>> -> memref<1x1x100xi32, #tpu.memory_space<hbm>>
    %dma_start3A_75 = tpu.memref_squeeze %dma_start3A_74 : memref<1x1x100xi32, #tpu.memory_space<hbm>> -> memref<100xi32, #tpu.memory_space<hbm>>
    %dma_start3A_76 = arith.constant 0 : i32
    %dma_start3A_77 = tpu.memref_slice %arg3[%add3A, %dma_start3A_72, %dma_start3A_76] : memref<32x100x100xi32, #tpu.memory_space<hbm>> -> memref<1x1x100xi32, #tpu.memory_space<hbm>>
    %dma_start3A_78 = tpu.memref_squeeze %dma_start3A_77 : memref<1x1x100xi32, #tpu.memory_space<hbm>> -> memref<100xi32, #tpu.memory_space<hbm>>
    tpu.enqueue_dma source(%dma_start3A_78 : memref<100xi32, #tpu.memory_space<hbm>>) target(%arg9 : memref<100xi32, #tpu.memory_space<vmem>>) target_semaphore(%arg14 : memref<!tpu.dma_semaphore, #tpu.memory_space<semaphore_mem>>)
    %scan3A_79 = arith.constant 0 : i32
    %scan3A_80 = arith.constant 0 : i32
    %scan3A_81 = arith.constant 25 : i32
    %scan3A_82 = arith.addi %scan3A_80, %scan3A_81 : i32
    %scan3A_83 = arith.constant 1 : i32
    scf.for %scan3A_144 = %scan3A_80 to %scan3A_82 step %scan3A_83  : i32 {
      %mul3A_145 = arith.constant 4 : i32
      %mul3A_146 = arith.muli %mul3A_145, %scan3A_144 : i32
      %add3A_147 = arith.constant 0 : i32
      %add3A_148 = arith.addi %mul3A_146, %add3A_147 : i32
      %get3A = arith.constant 1 : i32
      %get3A_149 = arith.index_cast %get3A : i32 to index
      %get3A_150 = arith.index_cast %add3A_148 : i32 to index
      %get3A_151 = arith.constant 0 : index
      %get3A_152 = tpu.vector_load %arg11[%get3A_149, %get3A_150, %get3A_151] {strides = array<i32>} : memref<2x100x128xf32, #tpu.memory_space<vmem>>, vector<1x1x16xf32>,
      %get3A_153 = vector.shape_cast %get3A_152 : vector<1x1x16xf32> to vector<16xf32>
      %mul3A_154 = arith.constant 4 : i32
      %mul3A_155 = arith.muli %mul3A_154, %scan3A_144 : i32
      %add3A_156 = arith.constant 0 : i32
      %add3A_157 = arith.addi %mul3A_155, %add3A_156 : i32
      %get3A_158 = arith.index_cast %add3A_157 : i32 to index
      %get3A_159 = arith.constant 0 : index
      %get3A_160 = tpu.vector_load %arg12[%get3A_158, %get3A_159] {strides = array<i32>} : memref<100x128xf32, #tpu.memory_space<vmem>>, vector<1x16xf32>,
      %get3A_161 = vector.shape_cast %get3A_160 : vector<1x16xf32> to vector<16xf32>
      %add3A_162 = arith.addf %get3A_153, %get3A_161 : vector<16xf32>
      %max3A = arith.constant 0.000000e+00 : f32
      %max3A_163 = vector.broadcast %max3A : f32 to vector<16xf32>
      %max3A_164 = arith.maximumf %add3A_162, %max3A_163 : vector<16xf32>
      %mul3A_165 = arith.constant 4 : i32
      %mul3A_166 = arith.muli %mul3A_165, %scan3A_144 : i32
      %add3A_167 = arith.constant 0 : i32
      %add3A_168 = arith.addi %mul3A_166, %add3A_167 : i32
      %swap3A = arith.constant 1 : i32
      %swap3A_169 = arith.index_cast %swap3A : i32 to index
      %swap3A_170 = arith.index_cast %add3A_168 : i32 to index
      %swap3A_171 = arith.constant 0 : index
      %swap3A_172 = tpu.vector_load %arg11[%swap3A_169, %swap3A_170, %swap3A_171] {strides = array<i32>} : memref<2x100x128xf32, #tpu.memory_space<vmem>>, vector<1x1x16xf32>,
      %swap3A_173 = vector.shape_cast %swap3A_172 : vector<1x1x16xf32> to vector<16xf32>
      %swap3A_174 = vector.shape_cast %max3A_164 : vector<16xf32> to vector<1x1x16xf32>
      tpu.vector_store %arg11[%swap3A_169, %swap3A_170, %swap3A_171], %swap3A_174 {strides = array<i32>} : memref<2x100x128xf32, #tpu.memory_space<vmem>>, vector<1x1x16xf32>,
      %mul3A_175 = arith.constant 4 : i32
      %mul3A_176 = arith.muli %mul3A_175, %scan3A_144 : i32
      %add3A_177 = arith.constant 0 : i32
      %add3A_178 = arith.addi %mul3A_176, %add3A_177 : i32
      %get3A_179 = arith.constant 1 : i32
      %get3A_180 = arith.index_cast %get3A_179 : i32 to index
      %get3A_181 = arith.index_cast %add3A_178 : i32 to index
      %get3A_182 = arith.constant 16 : index
      %get3A_183 = tpu.vector_load %arg11[%get3A_180, %get3A_181, %get3A_182] {strides = array<i32>} : memref<2x100x128xf32, #tpu.memory_space<vmem>>, vector<1x1x16xf32>,
      %get3A_184 = vector.shape_cast %get3A_183 : vector<1x1x16xf32> to vector<16xf32>
      %mul3A_185 = arith.constant 4 : i32
      %mul3A_186 = arith.muli %mul3A_185, %scan3A_144 : i32
      %add3A_187 = arith.constant 0 : i32
      %add3A_188 = arith.addi %mul3A_186, %add3A_187 : i32
      %get3A_189 = arith.index_cast %add3A_188 : i32 to index
      %get3A_190 = arith.constant 16 : index
      %get3A_191 = tpu.vector_load %arg12[%get3A_189, %get3A_190] {strides = array<i32>} : memref<100x128xf32, #tpu.memory_space<vmem>>, vector<1x16xf32>,
      %get3A_192 = vector.shape_cast %get3A_191 : vector<1x16xf32> to vector<16xf32>
      %add3A_193 = arith.addf %get3A_184, %get3A_192 : vector<16xf32>
      %max3A_194 = arith.constant 0.000000e+00 : f32
      %max3A_195 = vector.broadcast %max3A_194 : f32 to vector<16xf32>
      %max3A_196 = arith.maximumf %add3A_193, %max3A_195 : vector<16xf32>
      %mul3A_197 = arith.constant 4 : i32
      %mul3A_198 = arith.muli %mul3A_197, %scan3A_144 : i32
      %add3A_199 = arith.constant 0 : i32
      %add3A_200 = arith.addi %mul3A_198, %add3A_199 : i32
      %swap3A_201 = arith.constant 1 : i32
      %swap3A_202 = arith.index_cast %swap3A_201 : i32 to index
      %swap3A_203 = arith.index_cast %add3A_200 : i32 to index
      %swap3A_204 = arith.constant 16 : index
      %swap3A_205 = tpu.vector_load %arg11[%swap3A_202, %swap3A_203, %swap3A_204] {strides = array<i32>} : memref<2x100x128xf32, #tpu.memory_space<vmem>>, vector<1x1x16xf32>,
      %swap3A_206 = vector.shape_cast %swap3A_205 : vector<1x1x16xf32> to vector<16xf32>
      %swap3A_207 = vector.shape_cast %max3A_196 : vector<16xf32> to vector<1x1x16xf32>
      tpu.vector_store %arg11[%swap3A_202, %swap3A_203, %swap3A_204], %swap3A_207 {strides = array<i32>} : memref<2x100x128xf32, #tpu.memory_space<vmem>>, vector<1x1x16xf32>,
      %mul3A_208 = arith.constant 4 : i32
      %mul3A_209 = arith.muli %mul3A_208, %scan3A_144 : i32
      %add3A_210 = arith.constant 0 : i32
      %add3A_211 = arith.addi %mul3A_209, %add3A_210 : i32
      %get3A_212 = arith.constant 1 : i32
      %get3A_213 = arith.index_cast %get3A_212 : i32 to index
      %get3A_214 = arith.index_cast %add3A_211 : i32 to index
      %get3A_215 = arith.constant 32 : index
      %get3A_216 = tpu.vector_load %arg11[%get3A_213, %get3A_214, %get3A_215] {strides = array<i32>} : memref<2x100x128xf32, #tpu.memory_space<vmem>>, vector<1x1x16xf32>,
      %get3A_217 = vector.shape_cast %get3A_216 : vector<1x1x16xf32> to vector<16xf32>
      %mul3A_218 = arith.constant 4 : i32
      %mul3A_219 = arith.muli %mul3A_218, %scan3A_144 : i32
      %add3A_220 = arith.constant 0 : i32
      %add3A_221 = arith.addi %mul3A_219, %add3A_220 : i32
      %get3A_222 = arith.index_cast %add3A_221 : i32 to index
      %get3A_223 = arith.constant 32 : index
      %get3A_224 = tpu.vector_load %arg12[%get3A_222, %get3A_223] {strides = array<i32>} : memref<100x128xf32, #tpu.memory_space<vmem>>, vector<1x16xf32>,
      %get3A_225 = vector.shape_cast %get3A_224 : vector<1x16xf32> to vector<16xf32>
      %add3A_226 = arith.addf %get3A_217, %get3A_225 : vector<16xf32>
      %max3A_227 = arith.constant 0.000000e+00 : f32
      %max3A_228 = vector.broadcast %max3A_227 : f32 to vector<16xf32>
      %max3A_229 = arith.maximumf %add3A_226, %max3A_228 : vector<16xf32>
      %mul3A_230 = arith.constant 4 : i32
      %mul3A_231 = arith.muli %mul3A_230, %scan3A_144 : i32
      %add3A_232 = arith.constant 0 : i32
      %add3A_233 = arith.addi %mul3A_231, %add3A_232 : i32
      %swap3A_234 = arith.constant 1 : i32
      %swap3A_235 = arith.index_cast %swap3A_234 : i32 to index
      %swap3A_236 = arith.index_cast %add3A_233 : i32 to index
      %swap3A_237 = arith.constant 32 : index
      %swap3A_238 = tpu.vector_load %arg11[%swap3A_235, %swap3A_236, %swap3A_237] {strides = array<i32>} : memref<2x100x128xf32, #tpu.memory_space<vmem>>, vector<1x1x16xf32>,
      %swap3A_239 = vector.shape_cast %swap3A_238 : vector<1x1x16xf32> to vector<16xf32>
      %swap3A_240 = vector.shape_cast %max3A_229 : vector<16xf32> to vector<1x1x16xf32>
      tpu.vector_store %arg11[%swap3A_235, %swap3A_236, %swap3A_237], %swap3A_240 {strides = array<i32>} : memref<2x100x128xf32, #tpu.memory_space<vmem>>, vector<1x1x16xf32>,
      %mul3A_241 = arith.constant 4 : i32
      %mul3A_242 = arith.muli %mul3A_241, %scan3A_144 : i32
      %add3A_243 = arith.constant 0 : i32
      %add3A_244 = arith.addi %mul3A_242, %add3A_243 : i32
      %get3A_245 = arith.constant 1 : i32
      %get3A_246 = arith.index_cast %get3A_245 : i32 to index
      %get3A_247 = arith.index_cast %add3A_244 : i32 to index
      %get3A_248 = arith.constant 48 : index
      %get3A_249 = tpu.vector_load %arg11[%get3A_246, %get3A_247, %get3A_248] {strides = array<i32>} : memref<2x100x128xf32, #tpu.memory_space<vmem>>, vector<1x1x16xf32>,
      %get3A_250 = vector.shape_cast %get3A_249 : vector<1x1x16xf32> to vector<16xf32>
      %mul3A_251 = arith.constant 4 : i32
      %mul3A_252 = arith.muli %mul3A_251, %scan3A_144 : i32
      %add3A_253 = arith.constant 0 : i32
      %add3A_254 = arith.addi %mul3A_252, %add3A_253 : i32
      %get3A_255 = arith.index_cast %add3A_254 : i32 to index
      %get3A_256 = arith.constant 48 : index
      %get3A_257 = tpu.vector_load %arg12[%get3A_255, %get3A_256] {strides = array<i32>} : memref<100x128xf32, #tpu.memory_space<vmem>>, vector<1x16xf32>,
      %get3A_258 = vector.shape_cast %get3A_257 : vector<1x16xf32> to vector<16xf32>
      %add3A_259 = arith.addf %get3A_250, %get3A_258 : vector<16xf32>
      %max3A_260 = arith.constant 0.000000e+00 : f32
      %max3A_261 = vector.broadcast %max3A_260 : f32 to vector<16xf32>
      %max3A_262 = arith.maximumf %add3A_259, %max3A_261 : vector<16xf32>
      %mul3A_263 = arith.constant 4 : i32
      %mul3A_264 = arith.muli %mul3A_263, %scan3A_144 : i32
      %add3A_265 = arith.constant 0 : i32
      %add3A_266 = arith.addi %mul3A_264, %add3A_265 : i32
      %swap3A_267 = arith.constant 1 : i32
      %swap3A_268 = arith.index_cast %swap3A_267 : i32 to index
      %swap3A_269 = arith.index_cast %add3A_266 : i32 to index
      %swap3A_270 = arith.constant 48 : index
      %swap3A_271 = tpu.vector_load %arg11[%swap3A_268, %swap3A_269, %swap3A_270] {strides = array<i32>} : memref<2x100x128xf32, #tpu.memory_space<vmem>>, vector<1x1x16xf32>,
      %swap3A_272 = vector.shape_cast %swap3A_271 : vector<1x1x16xf32> to vector<16xf32>
      %swap3A_273 = vector.shape_cast %max3A_262 : vector<16xf32> to vector<1x1x16xf32>
      tpu.vector_store %arg11[%swap3A_268, %swap3A_269, %swap3A_270], %swap3A_273 {strides = array<i32>} : memref<2x100x128xf32, #tpu.memory_space<vmem>>, vector<1x1x16xf32>,
      %mul3A_274 = arith.constant 4 : i32
      %mul3A_275 = arith.muli %mul3A_274, %scan3A_144 : i32
      %add3A_276 = arith.constant 0 : i32
      %add3A_277 = arith.addi %mul3A_275, %add3A_276 : i32
      %get3A_278 = arith.constant 1 : i32
      %get3A_279 = arith.index_cast %get3A_278 : i32 to index
      %get3A_280 = arith.index_cast %add3A_277 : i32 to index
      %get3A_281 = arith.constant 64 : index
      %get3A_282 = tpu.vector_load %arg11[%get3A_279, %get3A_280, %get3A_281] {strides = array<i32>} : memref<2x100x128xf32, #tpu.memory_space<vmem>>, vector<1x1x16xf32>,
      %get3A_283 = vector.shape_cast %get3A_282 : vector<1x1x16xf32> to vector<16xf32>
      %mul3A_284 = arith.constant 4 : i32
      %mul3A_285 = arith.muli %mul3A_284, %scan3A_144 : i32
      %add3A_286 = arith.constant 0 : i32
      %add3A_287 = arith.addi %mul3A_285, %add3A_286 : i32
      %get3A_288 = arith.index_cast %add3A_287 : i32 to index
      %get3A_289 = arith.constant 64 : index
      %get3A_290 = tpu.vector_load %arg12[%get3A_288, %get3A_289] {strides = array<i32>} : memref<100x128xf32, #tpu.memory_space<vmem>>, vector<1x16xf32>,
      %get3A_291 = vector.shape_cast %get3A_290 : vector<1x16xf32> to vector<16xf32>
      %add3A_292 = arith.addf %get3A_283, %get3A_291 : vector<16xf32>
      %max3A_293 = arith.constant 0.000000e+00 : f32
      %max3A_294 = vector.broadcast %max3A_293 : f32 to vector<16xf32>
      %max3A_295 = arith.maximumf %add3A_292, %max3A_294 : vector<16xf32>
      %mul3A_296 = arith.constant 4 : i32
      %mul3A_297 = arith.muli %mul3A_296, %scan3A_144 : i32
      %add3A_298 = arith.constant 0 : i32
      %add3A_299 = arith.addi %mul3A_297, %add3A_298 : i32
      %swap3A_300 = arith.constant 1 : i32
      %swap3A_301 = arith.index_cast %swap3A_300 : i32 to index
      %swap3A_302 = arith.index_cast %add3A_299 : i32 to index
      %swap3A_303 = arith.constant 64 : index
      %swap3A_304 = tpu.vector_load %arg11[%swap3A_301, %swap3A_302, %swap3A_303] {strides = array<i32>} : memref<2x100x128xf32, #tpu.memory_space<vmem>>, vector<1x1x16xf32>,
      %swap3A_305 = vector.shape_cast %swap3A_304 : vector<1x1x16xf32> to vector<16xf32>
      %swap3A_306 = vector.shape_cast %max3A_295 : vector<16xf32> to vector<1x1x16xf32>
      tpu.vector_store %arg11[%swap3A_301, %swap3A_302, %swap3A_303], %swap3A_306 {strides = array<i32>} : memref<2x100x128xf32, #tpu.memory_space<vmem>>, vector<1x1x16xf32>,
      %mul3A_307 = arith.constant 4 : i32
      %mul3A_308 = arith.muli %mul3A_307, %scan3A_144 : i32
      %add3A_309 = arith.constant 0 : i32
      %add3A_310 = arith.addi %mul3A_308, %add3A_309 : i32
      %get3A_311 = arith.constant 1 : i32
      %get3A_312 = arith.index_cast %get3A_311 : i32 to index
      %get3A_313 = arith.index_cast %add3A_310 : i32 to index
      %get3A_314 = arith.constant 80 : index
      %get3A_315 = tpu.vector_load %arg11[%get3A_312, %get3A_313, %get3A_314] {strides = array<i32>} : memref<2x100x128xf32, #tpu.memory_space<vmem>>, vector<1x1x16xf32>,
      %get3A_316 = vector.shape_cast %get3A_315 : vector<1x1x16xf32> to vector<16xf32>
      %mul3A_317 = arith.constant 4 : i32
      %mul3A_318 = arith.muli %mul3A_317, %scan3A_144 : i32
      %add3A_319 = arith.constant 0 : i32
      %add3A_320 = arith.addi %mul3A_318, %add3A_319 : i32
      %get3A_321 = arith.index_cast %add3A_320 : i32 to index
      %get3A_322 = arith.constant 80 : index
      %get3A_323 = tpu.vector_load %arg12[%get3A_321, %get3A_322] {strides = array<i32>} : memref<100x128xf32, #tpu.memory_space<vmem>>, vector<1x16xf32>,
      %get3A_324 = vector.shape_cast %get3A_323 : vector<1x16xf32> to vector<16xf32>
      %add3A_325 = arith.addf %get3A_316, %get3A_324 : vector<16xf32>
      %max3A_326 = arith.constant 0.000000e+00 : f32
      %max3A_327 = vector.broadcast %max3A_326 : f32 to vector<16xf32>
      %max3A_328 = arith.maximumf %add3A_325, %max3A_327 : vector<16xf32>
      %mul3A_329 = arith.constant 4 : i32
      %mul3A_330 = arith.muli %mul3A_329, %scan3A_144 : i32
      %add3A_331 = arith.constant 0 : i32
      %add3A_332 = arith.addi %mul3A_330, %add3A_331 : i32
      %swap3A_333 = arith.constant 1 : i32
      %swap3A_334 = arith.index_cast %swap3A_333 : i32 to index
      %swap3A_335 = arith.index_cast %add3A_332 : i32 to index
      %swap3A_336 = arith.constant 80 : index
      %swap3A_337 = tpu.vector_load %arg11[%swap3A_334, %swap3A_335, %swap3A_336] {strides = array<i32>} : memref<2x100x128xf32, #tpu.memory_space<vmem>>, vector<1x1x16xf32>,
      %swap3A_338 = vector.shape_cast %swap3A_337 : vector<1x1x16xf32> to vector<16xf32>
      %swap3A_339 = vector.shape_cast %max3A_328 : vector<16xf32> to vector<1x1x16xf32>
      tpu.vector_store %arg11[%swap3A_334, %swap3A_335, %swap3A_336], %swap3A_339 {strides = array<i32>} : memref<2x100x128xf32, #tpu.memory_space<vmem>>, vector<1x1x16xf32>,
      %mul3A_340 = arith.constant 4 : i32
      %mul3A_341 = arith.muli %mul3A_340, %scan3A_144 : i32
      %add3A_342 = arith.constant 0 : i32
      %add3A_343 = arith.addi %mul3A_341, %add3A_342 : i32
      %get3A_344 = arith.constant 1 : i32
      %get3A_345 = arith.index_cast %get3A_344 : i32 to index
      %get3A_346 = arith.index_cast %add3A_343 : i32 to index
      %get3A_347 = arith.constant 96 : index
      %get3A_348 = tpu.vector_load %arg11[%get3A_345, %get3A_346, %get3A_347] {strides = array<i32>} : memref<2x100x128xf32, #tpu.memory_space<vmem>>, vector<1x1x16xf32>,
      %get3A_349 = vector.shape_cast %get3A_348 : vector<1x1x16xf32> to vector<16xf32>
      %mul3A_350 = arith.constant 4 : i32
      %mul3A_351 = arith.muli %mul3A_350, %scan3A_144 : i32
      %add3A_352 = arith.constant 0 : i32
      %add3A_353 = arith.addi %mul3A_351, %add3A_352 : i32
      %get3A_354 = arith.index_cast %add3A_353 : i32 to index
      %get3A_355 = arith.constant 96 : index
      %get3A_356 = tpu.vector_load %arg12[%get3A_354, %get3A_355] {strides = array<i32>} : memref<100x128xf32, #tpu.memory_space<vmem>>, vector<1x16xf32>,
      %get3A_357 = vector.shape_cast %get3A_356 : vector<1x16xf32> to vector<16xf32>
      %add3A_358 = arith.addf %get3A_349, %get3A_357 : vector<16xf32>
      %max3A_359 = arith.constant 0.000000e+00 : f32
      %max3A_360 = vector.broadcast %max3A_359 : f32 to vector<16xf32>
      %max3A_361 = arith.maximumf %add3A_358, %max3A_360 : vector<16xf32>
      %mul3A_362 = arith.constant 4 : i32
      %mul3A_363 = arith.muli %mul3A_362, %scan3A_144 : i32
      %add3A_364 = arith.constant 0 : i32
      %add3A_365 = arith.addi %mul3A_363, %add3A_364 : i32
      %swap3A_366 = arith.constant 1 : i32
      %swap3A_367 = arith.index_cast %swap3A_366 : i32 to index
      %swap3A_368 = arith.index_cast %add3A_365 : i32 to index
      %swap3A_369 = arith.constant 96 : index
      %swap3A_370 = tpu.vector_load %arg11[%swap3A_367, %swap3A_368, %swap3A_369] {strides = array<i32>} : memref<2x100x128xf32, #tpu.memory_space<vmem>>, vector<1x1x16xf32>,
      %swap3A_371 = vector.shape_cast %swap3A_370 : vector<1x1x16xf32> to vector<16xf32>
      %swap3A_372 = vector.shape_cast %max3A_361 : vector<16xf32> to vector<1x1x16xf32>
      tpu.vector_store %arg11[%swap3A_367, %swap3A_368, %swap3A_369], %swap3A_372 {strides = array<i32>} : memref<2x100x128xf32, #tpu.memory_space<vmem>>, vector<1x1x16xf32>,
      %mul3A_373 = arith.constant 4 : i32
      %mul3A_374 = arith.muli %mul3A_373, %scan3A_144 : i32
      %add3A_375 = arith.constant 0 : i32
      %add3A_376 = arith.addi %mul3A_374, %add3A_375 : i32
      %get3A_377 = arith.constant 1 : i32
      %get3A_378 = arith.index_cast %get3A_377 : i32 to index
      %get3A_379 = arith.index_cast %add3A_376 : i32 to index
      %get3A_380 = arith.constant 112 : index
      %get3A_381 = tpu.vector_load %arg11[%get3A_378, %get3A_379, %get3A_380] {strides = array<i32>} : memref<2x100x128xf32, #tpu.memory_space<vmem>>, vector<1x1x16xf32>,
      %get3A_382 = vector.shape_cast %get3A_381 : vector<1x1x16xf32> to vector<16xf32>
      %mul3A_383 = arith.constant 4 : i32
      %mul3A_384 = arith.muli %mul3A_383, %scan3A_144 : i32
      %add3A_385 = arith.constant 0 : i32
      %add3A_386 = arith.addi %mul3A_384, %add3A_385 : i32
      %get3A_387 = arith.index_cast %add3A_386 : i32 to index
      %get3A_388 = arith.constant 112 : index
      %get3A_389 = tpu.vector_load %arg12[%get3A_387, %get3A_388] {strides = array<i32>} : memref<100x128xf32, #tpu.memory_space<vmem>>, vector<1x16xf32>,
      %get3A_390 = vector.shape_cast %get3A_389 : vector<1x16xf32> to vector<16xf32>
      %add3A_391 = arith.addf %get3A_382, %get3A_390 : vector<16xf32>
      %max3A_392 = arith.constant 0.000000e+00 : f32
      %max3A_393 = vector.broadcast %max3A_392 : f32 to vector<16xf32>
      %max3A_394 = arith.maximumf %add3A_391, %max3A_393 : vector<16xf32>
      %mul3A_395 = arith.constant 4 : i32
      %mul3A_396 = arith.muli %mul3A_395, %scan3A_144 : i32
      %add3A_397 = arith.constant 0 : i32
      %add3A_398 = arith.addi %mul3A_396, %add3A_397 : i32
      %swap3A_399 = arith.constant 1 : i32
      %swap3A_400 = arith.index_cast %swap3A_399 : i32 to index
      %swap3A_401 = arith.index_cast %add3A_398 : i32 to index
      %swap3A_402 = arith.constant 112 : index
      %swap3A_403 = tpu.vector_load %arg11[%swap3A_400, %swap3A_401, %swap3A_402] {strides = array<i32>} : memref<2x100x128xf32, #tpu.memory_space<vmem>>, vector<1x1x16xf32>,
      %swap3A_404 = vector.shape_cast %swap3A_403 : vector<1x1x16xf32> to vector<16xf32>
      %swap3A_405 = vector.shape_cast %max3A_394 : vector<16xf32> to vector<1x1x16xf32>
      tpu.vector_store %arg11[%swap3A_400, %swap3A_401, %swap3A_402], %swap3A_405 {strides = array<i32>} : memref<2x100x128xf32, #tpu.memory_space<vmem>>, vector<1x1x16xf32>,
      %mul3A_406 = arith.constant 4 : i32
      %mul3A_407 = arith.muli %mul3A_406, %scan3A_144 : i32
      %add3A_408 = arith.constant 1 : i32
      %add3A_409 = arith.addi %mul3A_407, %add3A_408 : i32
      %get3A_410 = arith.constant 1 : i32
      %get3A_411 = arith.index_cast %get3A_410 : i32 to index
      %get3A_412 = arith.index_cast %add3A_409 : i32 to index
      %get3A_413 = arith.constant 0 : index
      %get3A_414 = tpu.vector_load %arg11[%get3A_411, %get3A_412, %get3A_413] {strides = array<i32>} : memref<2x100x128xf32, #tpu.memory_space<vmem>>, vector<1x1x16xf32>,
      %get3A_415 = vector.shape_cast %get3A_414 : vector<1x1x16xf32> to vector<16xf32>
      %mul3A_416 = arith.constant 4 : i32
      %mul3A_417 = arith.muli %mul3A_416, %scan3A_144 : i32
      %add3A_418 = arith.constant 1 : i32
      %add3A_419 = arith.addi %mul3A_417, %add3A_418 : i32
      %get3A_420 = arith.index_cast %add3A_419 : i32 to index
      %get3A_421 = arith.constant 0 : index
      %get3A_422 = tpu.vector_load %arg12[%get3A_420, %get3A_421] {strides = array<i32>} : memref<100x128xf32, #tpu.memory_space<vmem>>, vector<1x16xf32>,
      %get3A_423 = vector.shape_cast %get3A_422 : vector<1x16xf32> to vector<16xf32>
      %add3A_424 = arith.addf %get3A_415, %get3A_423 : vector<16xf32>
      %max3A_425 = arith.constant 0.000000e+00 : f32
      %max3A_426 = vector.broadcast %max3A_425 : f32 to vector<16xf32>
      %max3A_427 = arith.maximumf %add3A_424, %max3A_426 : vector<16xf32>
      %mul3A_428 = arith.constant 4 : i32
      %mul3A_429 = arith.muli %mul3A_428, %scan3A_144 : i32
      %add3A_430 = arith.constant 1 : i32
      %add3A_431 = arith.addi %mul3A_429, %add3A_430 : i32
      %swap3A_432 = arith.constant 1 : i32
      %swap3A_433 = arith.index_cast %swap3A_432 : i32 to index
      %swap3A_434 = arith.index_cast %add3A_431 : i32 to index
      %swap3A_435 = arith.constant 0 : index
      %swap3A_436 = tpu.vector_load %arg11[%swap3A_433, %swap3A_434, %swap3A_435] {strides = array<i32>} : memref<2x100x128xf32, #tpu.memory_space<vmem>>, vector<1x1x16xf32>,
      %swap3A_437 = vector.shape_cast %swap3A_436 : vector<1x1x16xf32> to vector<16xf32>
      %swap3A_438 = vector.shape_cast %max3A_427 : vector<16xf32> to vector<1x1x16xf32>
      tpu.vector_store %arg11[%swap3A_433, %swap3A_434, %swap3A_435], %swap3A_438 {strides = array<i32>} : memref<2x100x128xf32, #tpu.memory_space<vmem>>, vector<1x1x16xf32>,
      %mul3A_439 = arith.constant 4 : i32
      %mul3A_440 = arith.muli %mul3A_439, %scan3A_144 : i32
      %add3A_441 = arith.constant 1 : i32
      %add3A_442 = arith.addi %mul3A_440, %add3A_441 : i32
      %get3A_443 = arith.constant 1 : i32
      %get3A_444 = arith.index_cast %get3A_443 : i32 to index
      %get3A_445 = arith.index_cast %add3A_442 : i32 to index
      %get3A_446 = arith.constant 16 : index
      %get3A_447 = tpu.vector_load %arg11[%get3A_444, %get3A_445, %get3A_446] {strides = array<i32>} : memref<2x100x128xf32, #tpu.memory_space<vmem>>, vector<1x1x16xf32>,
      %get3A_448 = vector.shape_cast %get3A_447 : vector<1x1x16xf32> to vector<16xf32>
      %mul3A_449 = arith.constant 4 : i32
      %mul3A_450 = arith.muli %mul3A_449, %scan3A_144 : i32
      %add3A_451 = arith.constant 1 : i32
      %add3A_452 = arith.addi %mul3A_450, %add3A_451 : i32
      %get3A_453 = arith.index_cast %add3A_452 : i32 to index
      %get3A_454 = arith.constant 16 : index
      %get3A_455 = tpu.vector_load %arg12[%get3A_453, %get3A_454] {strides = array<i32>} : memref<100x128xf32, #tpu.memory_space<vmem>>, vector<1x16xf32>,
      %get3A_456 = vector.shape_cast %get3A_455 : vector<1x16xf32> to vector<16xf32>
      %add3A_457 = arith.addf %get3A_448, %get3A_456 : vector<16xf32>
      %max3A_458 = arith.constant 0.000000e+00 : f32
      %max3A_459 = vector.broadcast %max3A_458 : f32 to vector<16xf32>
      %max3A_460 = arith.maximumf %add3A_457, %max3A_459 : vector<16xf32>
      %mul3A_461 = arith.constant 4 : i32
      %mul3A_462 = arith.muli %mul3A_461, %scan3A_144 : i32
      %add3A_463 = arith.constant 1 : i32
      %add3A_464 = arith.addi %mul3A_462, %add3A_463 : i32
      %swap3A_465 = arith.constant 1 : i32
      %swap3A_466 = arith.index_cast %swap3A_465 : i32 to index
      %swap3A_467 = arith.index_cast %add3A_464 : i32 to index
      %swap3A_468 = arith.constant 16 : index
      %swap3A_469 = tpu.vector_load %arg11[%swap3A_466, %swap3A_467, %swap3A_468] {strides = array<i32>} : memref<2x100x128xf32, #tpu.memory_space<vmem>>, vector<1x1x16xf32>,
      %swap3A_470 = vector.shape_cast %swap3A_469 : vector<1x1x16xf32> to vector<16xf32>
      %swap3A_471 = vector.shape_cast %max3A_460 : vector<16xf32> to vector<1x1x16xf32>
      tpu.vector_store %arg11[%swap3A_466, %swap3A_467, %swap3A_468], %swap3A_471 {strides = array<i32>} : memref<2x100x128xf32, #tpu.memory_space<vmem>>, vector<1x1x16xf32>,
      %mul3A_472 = arith.constant 4 : i32
      %mul3A_473 = arith.muli %mul3A_472, %scan3A_144 : i32
      %add3A_474 = arith.constant 1 : i32
      %add3A_475 = arith.addi %mul3A_473, %add3A_474 : i32
      %get3A_476 = arith.constant 1 : i32
      %get3A_477 = arith.index_cast %get3A_476 : i32 to index
      %get3A_478 = arith.index_cast %add3A_475 : i32 to index
      %get3A_479 = arith.constant 32 : index
      %get3A_480 = tpu.vector_load %arg11[%get3A_477, %get3A_478, %get3A_479] {strides = array<i32>} : memref<2x100x128xf32, #tpu.memory_space<vmem>>, vector<1x1x16xf32>,
      %get3A_481 = vector.shape_cast %get3A_480 : vector<1x1x16xf32> to vector<16xf32>
      %mul3A_482 = arith.constant 4 : i32
      %mul3A_483 = arith.muli %mul3A_482, %scan3A_144 : i32
      %add3A_484 = arith.constant 1 : i32
      %add3A_485 = arith.addi %mul3A_483, %add3A_484 : i32
      %get3A_486 = arith.index_cast %add3A_485 : i32 to index
      %get3A_487 = arith.constant 32 : index
      %get3A_488 = tpu.vector_load %arg12[%get3A_486, %get3A_487] {strides = array<i32>} : memref<100x128xf32, #tpu.memory_space<vmem>>, vector<1x16xf32>,
      %get3A_489 = vector.shape_cast %get3A_488 : vector<1x16xf32> to vector<16xf32>
      %add3A_490 = arith.addf %get3A_481, %get3A_489 : vector<16xf32>
      %max3A_491 = arith.constant 0.000000e+00 : f32
      %max3A_492 = vector.broadcast %max3A_491 : f32 to vector<16xf32>
      %max3A_493 = arith.maximumf %add3A_490, %max3A_492 : vector<16xf32>
      %mul3A_494 = arith.constant 4 : i32
      %mul3A_495 = arith.muli %mul3A_494, %scan3A_144 : i32
      %add3A_496 = arith.constant 1 : i32
      %add3A_497 = arith.addi %mul3A_495, %add3A_496 : i32
      %swap3A_498 = arith.constant 1 : i32
      %swap3A_499 = arith.index_cast %swap3A_498 : i32 to index
      %swap3A_500 = arith.index_cast %add3A_497 : i32 to index
      %swap3A_501 = arith.constant 32 : index
      %swap3A_502 = tpu.vector_load %arg11[%swap3A_499, %swap3A_500, %swap3A_501] {strides = array<i32>} : memref<2x100x128xf32, #tpu.memory_space<vmem>>, vector<1x1x16xf32>,
      %swap3A_503 = vector.shape_cast %swap3A_502 : vector<1x1x16xf32> to vector<16xf32>
      %swap3A_504 = vector.shape_cast %max3A_493 : vector<16xf32> to vector<1x1x16xf32>
      tpu.vector_store %arg11[%swap3A_499, %swap3A_500, %swap3A_501], %swap3A_504 {strides = array<i32>} : memref<2x100x128xf32, #tpu.memory_space<vmem>>, vector<1x1x16xf32>,
      %mul3A_505 = arith.constant 4 : i32
      %mul3A_506 = arith.muli %mul3A_505, %scan3A_144 : i32
      %add3A_507 = arith.constant 1 : i32
      %add3A_508 = arith.addi %mul3A_506, %add3A_507 : i32
      %get3A_509 = arith.constant 1 : i32
      %get3A_510 = arith.index_cast %get3A_509 : i32 to index
      %get3A_511 = arith.index_cast %add3A_508 : i32 to index
      %get3A_512 = arith.constant 48 : index
      %get3A_513 = tpu.vector_load %arg11[%get3A_510, %get3A_511, %get3A_512] {strides = array<i32>} : memref<2x100x128xf32, #tpu.memory_space<vmem>>, vector<1x1x16xf32>,
      %get3A_514 = vector.shape_cast %get3A_513 : vector<1x1x16xf32> to vector<16xf32>
      %mul3A_515 = arith.constant 4 : i32
      %mul3A_516 = arith.muli %mul3A_515, %scan3A_144 : i32
      %add3A_517 = arith.constant 1 : i32
      %add3A_518 = arith.addi %mul3A_516, %add3A_517 : i32
      %get3A_519 = arith.index_cast %add3A_518 : i32 to index
      %get3A_520 = arith.constant 48 : index
      %get3A_521 = tpu.vector_load %arg12[%get3A_519, %get3A_520] {strides = array<i32>} : memref<100x128xf32, #tpu.memory_space<vmem>>, vector<1x16xf32>,
      %get3A_522 = vector.shape_cast %get3A_521 : vector<1x16xf32> to vector<16xf32>
      %add3A_523 = arith.addf %get3A_514, %get3A_522 : vector<16xf32>
      %max3A_524 = arith.constant 0.000000e+00 : f32
      %max3A_525 = vector.broadcast %max3A_524 : f32 to vector<16xf32>
      %max3A_526 = arith.maximumf %add3A_523, %max3A_525 : vector<16xf32>
      %mul3A_527 = arith.constant 4 : i32
      %mul3A_528 = arith.muli %mul3A_527, %scan3A_144 : i32
      %add3A_529 = arith.constant 1 : i32
      %add3A_530 = arith.addi %mul3A_528, %add3A_529 : i32
      %swap3A_531 = arith.constant 1 : i32
      %swap3A_532 = arith.index_cast %swap3A_531 : i32 to index
      %swap3A_533 = arith.index_cast %add3A_530 : i32 to index
      %swap3A_534 = arith.constant 48 : index
      %swap3A_535 = tpu.vector_load %arg11[%swap3A_532, %swap3A_533, %swap3A_534] {strides = array<i32>} : memref<2x100x128xf32, #tpu.memory_space<vmem>>, vector<1x1x16xf32>,
      %swap3A_536 = vector.shape_cast %swap3A_535 : vector<1x1x16xf32> to vector<16xf32>
      %swap3A_537 = vector.shape_cast %max3A_526 : vector<16xf32> to vector<1x1x16xf32>
      tpu.vector_store %arg11[%swap3A_532, %swap3A_533, %swap3A_534], %swap3A_537 {strides = array<i32>} : memref<2x100x128xf32, #tpu.memory_space<vmem>>, vector<1x1x16xf32>,
      %mul3A_538 = arith.constant 4 : i32
      %mul3A_539 = arith.muli %mul3A_538, %scan3A_144 : i32
      %add3A_540 = arith.constant 1 : i32
      %add3A_541 = arith.addi %mul3A_539, %add3A_540 : i32
      %get3A_542 = arith.constant 1 : i32
      %get3A_543 = arith.index_cast %get3A_542 : i32 to index
      %get3A_544 = arith.index_cast %add3A_541 : i32 to index
      %get3A_545 = arith.constant 64 : index
      %get3A_546 = tpu.vector_load %arg11[%get3A_543, %get3A_544, %get3A_545] {strides = array<i32>} : memref<2x100x128xf32, #tpu.memory_space<vmem>>, vector<1x1x16xf32>,
      %get3A_547 = vector.shape_cast %get3A_546 : vector<1x1x16xf32> to vector<16xf32>
      %mul3A_548 = arith.constant 4 : i32
      %mul3A_549 = arith.muli %mul3A_548, %scan3A_144 : i32
      %add3A_550 = arith.constant 1 : i32
      %add3A_551 = arith.addi %mul3A_549, %add3A_550 : i32
      %get3A_552 = arith.index_cast %add3A_551 : i32 to index
      %get3A_553 = arith.constant 64 : index
      %get3A_554 = tpu.vector_load %arg12[%get3A_552, %get3A_553] {strides = array<i32>} : memref<100x128xf32, #tpu.memory_space<vmem>>, vector<1x16xf32>,
      %get3A_555 = vector.shape_cast %get3A_554 : vector<1x16xf32> to vector<16xf32>
      %add3A_556 = arith.addf %get3A_547, %get3A_555 : vector<16xf32>
      %max3A_557 = arith.constant 0.000000e+00 : f32
      %max3A_558 = vector.broadcast %max3A_557 : f32 to vector<16xf32>
      %max3A_559 = arith.maximumf %add3A_556, %max3A_558 : vector<16xf32>
      %mul3A_560 = arith.constant 4 : i32
      %mul3A_561 = arith.muli %mul3A_560, %scan3A_144 : i32
      %add3A_562 = arith.constant 1 : i32
      %add3A_563 = arith.addi %mul3A_561, %add3A_562 : i32
      %swap3A_564 = arith.constant 1 : i32
      %swap3A_565 = arith.index_cast %swap3A_564 : i32 to index
      %swap3A_566 = arith.index_cast %add3A_563 : i32 to index
      %swap3A_567 = arith.constant 64 : index
      %swap3A_568 = tpu.vector_load %arg11[%swap3A_565, %swap3A_566, %swap3A_567] {strides = array<i32>} : memref<2x100x128xf32, #tpu.memory_space<vmem>>, vector<1x1x16xf32>,
      %swap3A_569 = vector.shape_cast %swap3A_568 : vector<1x1x16xf32> to vector<16xf32>
      %swap3A_570 = vector.shape_cast %max3A_559 : vector<16xf32> to vector<1x1x16xf32>
      tpu.vector_store %arg11[%swap3A_565, %swap3A_566, %swap3A_567], %swap3A_570 {strides = array<i32>} : memref<2x100x128xf32, #tpu.memory_space<vmem>>, vector<1x1x16xf32>,
      %mul3A_571 = arith.constant 4 : i32
      %mul3A_572 = arith.muli %mul3A_571, %scan3A_144 : i32
      %add3A_573 = arith.constant 1 : i32
      %add3A_574 = arith.addi %mul3A_572, %add3A_573 : i32
      %get3A_575 = arith.constant 1 : i32
      %get3A_576 = arith.index_cast %get3A_575 : i32 to index
      %get3A_577 = arith.index_cast %add3A_574 : i32 to index
      %get3A_578 = arith.constant 80 : index
      %get3A_579 = tpu.vector_load %arg11[%get3A_576, %get3A_577, %get3A_578] {strides = array<i32>} : memref<2x100x128xf32, #tpu.memory_space<vmem>>, vector<1x1x16xf32>,
      %get3A_580 = vector.shape_cast %get3A_579 : vector<1x1x16xf32> to vector<16xf32>
      %mul3A_581 = arith.constant 4 : i32
      %mul3A_582 = arith.muli %mul3A_581, %scan3A_144 : i32
      %add3A_583 = arith.constant 1 : i32
      %add3A_584 = arith.addi %mul3A_582, %add3A_583 : i32
      %get3A_585 = arith.index_cast %add3A_584 : i32 to index
      %get3A_586 = arith.constant 80 : index
      %get3A_587 = tpu.vector_load %arg12[%get3A_585, %get3A_586] {strides = array<i32>} : memref<100x128xf32, #tpu.memory_space<vmem>>, vector<1x16xf32>,
      %get3A_588 = vector.shape_cast %get3A_587 : vector<1x16xf32> to vector<16xf32>
      %add3A_589 = arith.addf %get3A_580, %get3A_588 : vector<16xf32>
      %max3A_590 = arith.constant 0.000000e+00 : f32
      %max3A_591 = vector.broadcast %max3A_590 : f32 to vector<16xf32>
      %max3A_592 = arith.maximumf %add3A_589, %max3A_591 : vector<16xf32>
      %mul3A_593 = arith.constant 4 : i32
      %mul3A_594 = arith.muli %mul3A_593, %scan3A_144 : i32
      %add3A_595 = arith.constant 1 : i32
      %add3A_596 = arith.addi %mul3A_594, %add3A_595 : i32
      %swap3A_597 = arith.constant 1 : i32
      %swap3A_598 = arith.index_cast %swap3A_597 : i32 to index
      %swap3A_599 = arith.index_cast %add3A_596 : i32 to index
      %swap3A_600 = arith.constant 80 : index
      %swap3A_601 = tpu.vector_load %arg11[%swap3A_598, %swap3A_599, %swap3A_600] {strides = array<i32>} : memref<2x100x128xf32, #tpu.memory_space<vmem>>, vector<1x1x16xf32>,
      %swap3A_602 = vector.shape_cast %swap3A_601 : vector<1x1x16xf32> to vector<16xf32>
      %swap3A_603 = vector.shape_cast %max3A_592 : vector<16xf32> to vector<1x1x16xf32>
      tpu.vector_store %arg11[%swap3A_598, %swap3A_599, %swap3A_600], %swap3A_603 {strides = array<i32>} : memref<2x100x128xf32, #tpu.memory_space<vmem>>, vector<1x1x16xf32>,
      %mul3A_604 = arith.constant 4 : i32
      %mul3A_605 = arith.muli %mul3A_604, %scan3A_144 : i32
      %add3A_606 = arith.constant 1 : i32
      %add3A_607 = arith.addi %mul3A_605, %add3A_606 : i32
      %get3A_608 = arith.constant 1 : i32
      %get3A_609 = arith.index_cast %get3A_608 : i32 to index
      %get3A_610 = arith.index_cast %add3A_607 : i32 to index
      %get3A_611 = arith.constant 96 : index
      %get3A_612 = tpu.vector_load %arg11[%get3A_609, %get3A_610, %get3A_611] {strides = array<i32>} : memref<2x100x128xf32, #tpu.memory_space<vmem>>, vector<1x1x16xf32>,
      %get3A_613 = vector.shape_cast %get3A_612 : vector<1x1x16xf32> to vector<16xf32>
      %mul3A_614 = arith.constant 4 : i32
      %mul3A_615 = arith.muli %mul3A_614, %scan3A_144 : i32
      %add3A_616 = arith.constant 1 : i32
      %add3A_617 = arith.addi %mul3A_615, %add3A_616 : i32
      %get3A_618 = arith.index_cast %add3A_617 : i32 to index
      %get3A_619 = arith.constant 96 : index
      %get3A_620 = tpu.vector_load %arg12[%get3A_618, %get3A_619] {strides = array<i32>} : memref<100x128xf32, #tpu.memory_space<vmem>>, vector<1x16xf32>,
      %get3A_621 = vector.shape_cast %get3A_620 : vector<1x16xf32> to vector<16xf32>
      %add3A_622 = arith.addf %get3A_613, %get3A_621 : vector<16xf32>
      %max3A_623 = arith.constant 0.000000e+00 : f32
      %max3A_624 = vector.broadcast %max3A_623 : f32 to vector<16xf32>
      %max3A_625 = arith.maximumf %add3A_622, %max3A_624 : vector<16xf32>
      %mul3A_626 = arith.constant 4 : i32
      %mul3A_627 = arith.muli %mul3A_626, %scan3A_144 : i32
      %add3A_628 = arith.constant 1 : i32
      %add3A_629 = arith.addi %mul3A_627, %add3A_628 : i32
      %swap3A_630 = arith.constant 1 : i32
      %swap3A_631 = arith.index_cast %swap3A_630 : i32 to index
      %swap3A_632 = arith.index_cast %add3A_629 : i32 to index
      %swap3A_633 = arith.constant 96 : index
      %swap3A_634 = tpu.vector_load %arg11[%swap3A_631, %swap3A_632, %swap3A_633] {strides = array<i32>} : memref<2x100x128xf32, #tpu.memory_space<vmem>>, vector<1x1x16xf32>,
      %swap3A_635 = vector.shape_cast %swap3A_634 : vector<1x1x16xf32> to vector<16xf32>
      %swap3A_636 = vector.shape_cast %max3A_625 : vector<16xf32> to vector<1x1x16xf32>
      tpu.vector_store %arg11[%swap3A_631, %swap3A_632, %swap3A_633], %swap3A_636 {strides = array<i32>} : memref<2x100x128xf32, #tpu.memory_space<vmem>>, vector<1x1x16xf32>,
      %mul3A_637 = arith.constant 4 : i32
      %mul3A_638 = arith.muli %mul3A_637, %scan3A_144 : i32
      %add3A_639 = arith.constant 1 : i32
      %add3A_640 = arith.addi %mul3A_638, %add3A_639 : i32
      %get3A_641 = arith.constant 1 : i32
      %get3A_642 = arith.index_cast %get3A_641 : i32 to index
      %get3A_643 = arith.index_cast %add3A_640 : i32 to index
      %get3A_644 = arith.constant 112 : index
      %get3A_645 = tpu.vector_load %arg11[%get3A_642, %get3A_643, %get3A_644] {strides = array<i32>} : memref<2x100x128xf32, #tpu.memory_space<vmem>>, vector<1x1x16xf32>,
      %get3A_646 = vector.shape_cast %get3A_645 : vector<1x1x16xf32> to vector<16xf32>
      %mul3A_647 = arith.constant 4 : i32
      %mul3A_648 = arith.muli %mul3A_647, %scan3A_144 : i32
      %add3A_649 = arith.constant 1 : i32
      %add3A_650 = arith.addi %mul3A_648, %add3A_649 : i32
      %get3A_651 = arith.index_cast %add3A_650 : i32 to index
      %get3A_652 = arith.constant 112 : index
      %get3A_653 = tpu.vector_load %arg12[%get3A_651, %get3A_652] {strides = array<i32>} : memref<100x128xf32, #tpu.memory_space<vmem>>, vector<1x16xf32>,
      %get3A_654 = vector.shape_cast %get3A_653 : vector<1x16xf32> to vector<16xf32>
      %add3A_655 = arith.addf %get3A_646, %get3A_654 : vector<16xf32>
      %max3A_656 = arith.constant 0.000000e+00 : f32
      %max3A_657 = vector.broadcast %max3A_656 : f32 to vector<16xf32>
      %max3A_658 = arith.maximumf %add3A_655, %max3A_657 : vector<16xf32>
      %mul3A_659 = arith.constant 4 : i32
      %mul3A_660 = arith.muli %mul3A_659, %scan3A_144 : i32
      %add3A_661 = arith.constant 1 : i32
      %add3A_662 = arith.addi %mul3A_660, %add3A_661 : i32
      %swap3A_663 = arith.constant 1 : i32
      %swap3A_664 = arith.index_cast %swap3A_663 : i32 to index
      %swap3A_665 = arith.index_cast %add3A_662 : i32 to index
      %swap3A_666 = arith.constant 112 : index
      %swap3A_667 = tpu.vector_load %arg11[%swap3A_664, %swap3A_665, %swap3A_666] {strides = array<i32>} : memref<2x100x128xf32, #tpu.memory_space<vmem>>, vector<1x1x16xf32>,
      %swap3A_668 = vector.shape_cast %swap3A_667 : vector<1x1x16xf32> to vector<16xf32>
      %swap3A_669 = vector.shape_cast %max3A_658 : vector<16xf32> to vector<1x1x16xf32>
      tpu.vector_store %arg11[%swap3A_664, %swap3A_665, %swap3A_666], %swap3A_669 {strides = array<i32>} : memref<2x100x128xf32, #tpu.memory_space<vmem>>, vector<1x1x16xf32>,
      %mul3A_670 = arith.constant 4 : i32
      %mul3A_671 = arith.muli %mul3A_670, %scan3A_144 : i32
      %add3A_672 = arith.constant 2 : i32
      %add3A_673 = arith.addi %mul3A_671, %add3A_672 : i32
      %get3A_674 = arith.constant 1 : i32
      %get3A_675 = arith.index_cast %get3A_674 : i32 to index
      %get3A_676 = arith.index_cast %add3A_673 : i32 to index
      %get3A_677 = arith.constant 0 : index
      %get3A_678 = tpu.vector_load %arg11[%get3A_675, %get3A_676, %get3A_677] {strides = array<i32>} : memref<2x100x128xf32, #tpu.memory_space<vmem>>, vector<1x1x16xf32>,
      %get3A_679 = vector.shape_cast %get3A_678 : vector<1x1x16xf32> to vector<16xf32>
      %mul3A_680 = arith.constant 4 : i32
      %mul3A_681 = arith.muli %mul3A_680, %scan3A_144 : i32
      %add3A_682 = arith.constant 2 : i32
      %add3A_683 = arith.addi %mul3A_681, %add3A_682 : i32
      %get3A_684 = arith.index_cast %add3A_683 : i32 to index
      %get3A_685 = arith.constant 0 : index
      %get3A_686 = tpu.vector_load %arg12[%get3A_684, %get3A_685] {strides = array<i32>} : memref<100x128xf32, #tpu.memory_space<vmem>>, vector<1x16xf32>,
      %get3A_687 = vector.shape_cast %get3A_686 : vector<1x16xf32> to vector<16xf32>
      %add3A_688 = arith.addf %get3A_679, %get3A_687 : vector<16xf32>
      %max3A_689 = arith.constant 0.000000e+00 : f32
      %max3A_690 = vector.broadcast %max3A_689 : f32 to vector<16xf32>
      %max3A_691 = arith.maximumf %add3A_688, %max3A_690 : vector<16xf32>
      %mul3A_692 = arith.constant 4 : i32
      %mul3A_693 = arith.muli %mul3A_692, %scan3A_144 : i32
      %add3A_694 = arith.constant 2 : i32
      %add3A_695 = arith.addi %mul3A_693, %add3A_694 : i32
      %swap3A_696 = arith.constant 1 : i32
      %swap3A_697 = arith.index_cast %swap3A_696 : i32 to index
      %swap3A_698 = arith.index_cast %add3A_695 : i32 to index
      %swap3A_699 = arith.constant 0 : index
      %swap3A_700 = tpu.vector_load %arg11[%swap3A_697, %swap3A_698, %swap3A_699] {strides = array<i32>} : memref<2x100x128xf32, #tpu.memory_space<vmem>>, vector<1x1x16xf32>,
      %swap3A_701 = vector.shape_cast %swap3A_700 : vector<1x1x16xf32> to vector<16xf32>
      %swap3A_702 = vector.shape_cast %max3A_691 : vector<16xf32> to vector<1x1x16xf32>
      tpu.vector_store %arg11[%swap3A_697, %swap3A_698, %swap3A_699], %swap3A_702 {strides = array<i32>} : memref<2x100x128xf32, #tpu.memory_space<vmem>>, vector<1x1x16xf32>,
      %mul3A_703 = arith.constant 4 : i32
      %mul3A_704 = arith.muli %mul3A_703, %scan3A_144 : i32
      %add3A_705 = arith.constant 2 : i32
      %add3A_706 = arith.addi %mul3A_704, %add3A_705 : i32
      %get3A_707 = arith.constant 1 : i32
      %get3A_708 = arith.index_cast %get3A_707 : i32 to index
      %get3A_709 = arith.index_cast %add3A_706 : i32 to index
      %get3A_710 = arith.constant 16 : index
      %get3A_711 = tpu.vector_load %arg11[%get3A_708, %get3A_709, %get3A_710] {strides = array<i32>} : memref<2x100x128xf32, #tpu.memory_space<vmem>>, vector<1x1x16xf32>,
      %get3A_712 = vector.shape_cast %get3A_711 : vector<1x1x16xf32> to vector<16xf32>
      %mul3A_713 = arith.constant 4 : i32
      %mul3A_714 = arith.muli %mul3A_713, %scan3A_144 : i32
      %add3A_715 = arith.constant 2 : i32
      %add3A_716 = arith.addi %mul3A_714, %add3A_715 : i32
      %get3A_717 = arith.index_cast %add3A_716 : i32 to index
      %get3A_718 = arith.constant 16 : index
      %get3A_719 = tpu.vector_load %arg12[%get3A_717, %get3A_718] {strides = array<i32>} : memref<100x128xf32, #tpu.memory_space<vmem>>, vector<1x16xf32>,
      %get3A_720 = vector.shape_cast %get3A_719 : vector<1x16xf32> to vector<16xf32>
      %add3A_721 = arith.addf %get3A_712, %get3A_720 : vector<16xf32>
      %max3A_722 = arith.constant 0.000000e+00 : f32
      %max3A_723 = vector.broadcast %max3A_722 : f32 to vector<16xf32>
      %max3A_724 = arith.maximumf %add3A_721, %max3A_723 : vector<16xf32>
      %mul3A_725 = arith.constant 4 : i32
      %mul3A_726 = arith.muli %mul3A_725, %scan3A_144 : i32
      %add3A_727 = arith.constant 2 : i32
      %add3A_728 = arith.addi %mul3A_726, %add3A_727 : i32
      %swap3A_729 = arith.constant 1 : i32
      %swap3A_730 = arith.index_cast %swap3A_729 : i32 to index
      %swap3A_731 = arith.index_cast %add3A_728 : i32 to index
      %swap3A_732 = arith.constant 16 : index
      %swap3A_733 = tpu.vector_load %arg11[%swap3A_730, %swap3A_731, %swap3A_732] {strides = array<i32>} : memref<2x100x128xf32, #tpu.memory_space<vmem>>, vector<1x1x16xf32>,
      %swap3A_734 = vector.shape_cast %swap3A_733 : vector<1x1x16xf32> to vector<16xf32>
      %swap3A_735 = vector.shape_cast %max3A_724 : vector<16xf32> to vector<1x1x16xf32>
      tpu.vector_store %arg11[%swap3A_730, %swap3A_731, %swap3A_732], %swap3A_735 {strides = array<i32>} : memref<2x100x128xf32, #tpu.memory_space<vmem>>, vector<1x1x16xf32>,
      %mul3A_736 = arith.constant 4 : i32
      %mul3A_737 = arith.muli %mul3A_736, %scan3A_144 : i32
      %add3A_738 = arith.constant 2 : i32
      %add3A_739 = arith.addi %mul3A_737, %add3A_738 : i32
      %get3A_740 = arith.constant 1 : i32
      %get3A_741 = arith.index_cast %get3A_740 : i32 to index
      %get3A_742 = arith.index_cast %add3A_739 : i32 to index
      %get3A_743 = arith.constant 32 : index
      %get3A_744 = tpu.vector_load %arg11[%get3A_741, %get3A_742, %get3A_743] {strides = array<i32>} : memref<2x100x128xf32, #tpu.memory_space<vmem>>, vector<1x1x16xf32>,
      %get3A_745 = vector.shape_cast %get3A_744 : vector<1x1x16xf32> to vector<16xf32>
      %mul3A_746 = arith.constant 4 : i32
      %mul3A_747 = arith.muli %mul3A_746, %scan3A_144 : i32
      %add3A_748 = arith.constant 2 : i32
      %add3A_749 = arith.addi %mul3A_747, %add3A_748 : i32
      %get3A_750 = arith.index_cast %add3A_749 : i32 to index
      %get3A_751 = arith.constant 32 : index
      %get3A_752 = tpu.vector_load %arg12[%get3A_750, %get3A_751] {strides = array<i32>} : memref<100x128xf32, #tpu.memory_space<vmem>>, vector<1x16xf32>,
      %get3A_753 = vector.shape_cast %get3A_752 : vector<1x16xf32> to vector<16xf32>
      %add3A_754 = arith.addf %get3A_745, %get3A_753 : vector<16xf32>
      %max3A_755 = arith.constant 0.000000e+00 : f32
      %max3A_756 = vector.broadcast %max3A_755 : f32 to vector<16xf32>
      %max3A_757 = arith.maximumf %add3A_754, %max3A_756 : vector<16xf32>
      %mul3A_758 = arith.constant 4 : i32
      %mul3A_759 = arith.muli %mul3A_758, %scan3A_144 : i32
      %add3A_760 = arith.constant 2 : i32
      %add3A_761 = arith.addi %mul3A_759, %add3A_760 : i32
      %swap3A_762 = arith.constant 1 : i32
      %swap3A_763 = arith.index_cast %swap3A_762 : i32 to index
      %swap3A_764 = arith.index_cast %add3A_761 : i32 to index
      %swap3A_765 = arith.constant 32 : index
      %swap3A_766 = tpu.vector_load %arg11[%swap3A_763, %swap3A_764, %swap3A_765] {strides = array<i32>} : memref<2x100x128xf32, #tpu.memory_space<vmem>>, vector<1x1x16xf32>,
      %swap3A_767 = vector.shape_cast %swap3A_766 : vector<1x1x16xf32> to vector<16xf32>
      %swap3A_768 = vector.shape_cast %max3A_757 : vector<16xf32> to vector<1x1x16xf32>
      tpu.vector_store %arg11[%swap3A_763, %swap3A_764, %swap3A_765], %swap3A_768 {strides = array<i32>} : memref<2x100x128xf32, #tpu.memory_space<vmem>>, vector<1x1x16xf32>,
      %mul3A_769 = arith.constant 4 : i32
      %mul3A_770 = arith.muli %mul3A_769, %scan3A_144 : i32
      %add3A_771 = arith.constant 2 : i32
      %add3A_772 = arith.addi %mul3A_770, %add3A_771 : i32
      %get3A_773 = arith.constant 1 : i32
      %get3A_774 = arith.index_cast %get3A_773 : i32 to index
      %get3A_775 = arith.index_cast %add3A_772 : i32 to index
      %get3A_776 = arith.constant 48 : index
      %get3A_777 = tpu.vector_load %arg11[%get3A_774, %get3A_775, %get3A_776] {strides = array<i32>} : memref<2x100x128xf32, #tpu.memory_space<vmem>>, vector<1x1x16xf32>,
      %get3A_778 = vector.shape_cast %get3A_777 : vector<1x1x16xf32> to vector<16xf32>
      %mul3A_779 = arith.constant 4 : i32
      %mul3A_780 = arith.muli %mul3A_779, %scan3A_144 : i32
      %add3A_781 = arith.constant 2 : i32
      %add3A_782 = arith.addi %mul3A_780, %add3A_781 : i32
      %get3A_783 = arith.index_cast %add3A_782 : i32 to index
      %get3A_784 = arith.constant 48 : index
      %get3A_785 = tpu.vector_load %arg12[%get3A_783, %get3A_784] {strides = array<i32>} : memref<100x128xf32, #tpu.memory_space<vmem>>, vector<1x16xf32>,
      %get3A_786 = vector.shape_cast %get3A_785 : vector<1x16xf32> to vector<16xf32>
      %add3A_787 = arith.addf %get3A_778, %get3A_786 : vector<16xf32>
      %max3A_788 = arith.constant 0.000000e+00 : f32
      %max3A_789 = vector.broadcast %max3A_788 : f32 to vector<16xf32>
      %max3A_790 = arith.maximumf %add3A_787, %max3A_789 : vector<16xf32>
      %mul3A_791 = arith.constant 4 : i32
      %mul3A_792 = arith.muli %mul3A_791, %scan3A_144 : i32
      %add3A_793 = arith.constant 2 : i32
      %add3A_794 = arith.addi %mul3A_792, %add3A_793 : i32
      %swap3A_795 = arith.constant 1 : i32
      %swap3A_796 = arith.index_cast %swap3A_795 : i32 to index
      %swap3A_797 = arith.index_cast %add3A_794 : i32 to index
      %swap3A_798 = arith.constant 48 : index
      %swap3A_799 = tpu.vector_load %arg11[%swap3A_796, %swap3A_797, %swap3A_798] {strides = array<i32>} : memref<2x100x128xf32, #tpu.memory_space<vmem>>, vector<1x1x16xf32>,
      %swap3A_800 = vector.shape_cast %swap3A_799 : vector<1x1x16xf32> to vector<16xf32>
      %swap3A_801 = vector.shape_cast %max3A_790 : vector<16xf32> to vector<1x1x16xf32>
      tpu.vector_store %arg11[%swap3A_796, %swap3A_797, %swap3A_798], %swap3A_801 {strides = array<i32>} : memref<2x100x128xf32, #tpu.memory_space<vmem>>, vector<1x1x16xf32>,
      %mul3A_802 = arith.constant 4 : i32
      %mul3A_803 = arith.muli %mul3A_802, %scan3A_144 : i32
      %add3A_804 = arith.constant 2 : i32
      %add3A_805 = arith.addi %mul3A_803, %add3A_804 : i32
      %get3A_806 = arith.constant 1 : i32
      %get3A_807 = arith.index_cast %get3A_806 : i32 to index
      %get3A_808 = arith.index_cast %add3A_805 : i32 to index
      %get3A_809 = arith.constant 64 : index
      %get3A_810 = tpu.vector_load %arg11[%get3A_807, %get3A_808, %get3A_809] {strides = array<i32>} : memref<2x100x128xf32, #tpu.memory_space<vmem>>, vector<1x1x16xf32>,
      %get3A_811 = vector.shape_cast %get3A_810 : vector<1x1x16xf32> to vector<16xf32>
      %mul3A_812 = arith.constant 4 : i32
      %mul3A_813 = arith.muli %mul3A_812, %scan3A_144 : i32
      %add3A_814 = arith.constant 2 : i32
      %add3A_815 = arith.addi %mul3A_813, %add3A_814 : i32
      %get3A_816 = arith.index_cast %add3A_815 : i32 to index
      %get3A_817 = arith.constant 64 : index
      %get3A_818 = tpu.vector_load %arg12[%get3A_816, %get3A_817] {strides = array<i32>} : memref<100x128xf32, #tpu.memory_space<vmem>>, vector<1x16xf32>,
      %get3A_819 = vector.shape_cast %get3A_818 : vector<1x16xf32> to vector<16xf32>
      %add3A_820 = arith.addf %get3A_811, %get3A_819 : vector<16xf32>
      %max3A_821 = arith.constant 0.000000e+00 : f32
      %max3A_822 = vector.broadcast %max3A_821 : f32 to vector<16xf32>
      %max3A_823 = arith.maximumf %add3A_820, %max3A_822 : vector<16xf32>
      %mul3A_824 = arith.constant 4 : i32
      %mul3A_825 = arith.muli %mul3A_824, %scan3A_144 : i32
      %add3A_826 = arith.constant 2 : i32
      %add3A_827 = arith.addi %mul3A_825, %add3A_826 : i32
      %swap3A_828 = arith.constant 1 : i32
      %swap3A_829 = arith.index_cast %swap3A_828 : i32 to index
      %swap3A_830 = arith.index_cast %add3A_827 : i32 to index
      %swap3A_831 = arith.constant 64 : index
      %swap3A_832 = tpu.vector_load %arg11[%swap3A_829, %swap3A_830, %swap3A_831] {strides = array<i32>} : memref<2x100x128xf32, #tpu.memory_space<vmem>>, vector<1x1x16xf32>,
      %swap3A_833 = vector.shape_cast %swap3A_832 : vector<1x1x16xf32> to vector<16xf32>
      %swap3A_834 = vector.shape_cast %max3A_823 : vector<16xf32> to vector<1x1x16xf32>
      tpu.vector_store %arg11[%swap3A_829, %swap3A_830, %swap3A_831], %swap3A_834 {strides = array<i32>} : memref<2x100x128xf32, #tpu.memory_space<vmem>>, vector<1x1x16xf32>,
      %mul3A_835 = arith.constant 4 : i32
      %mul3A_836 = arith.muli %mul3A_835, %scan3A_144 : i32
      %add3A_837 = arith.constant 2 : i32
      %add3A_838 = arith.addi %mul3A_836, %add3A_837 : i32
      %get3A_839 = arith.constant 1 : i32
      %get3A_840 = arith.index_cast %get3A_839 : i32 to index
      %get3A_841 = arith.index_cast %add3A_838 : i32 to index
      %get3A_842 = arith.constant 80 : index
      %get3A_843 = tpu.vector_load %arg11[%get3A_840, %get3A_841, %get3A_842] {strides = array<i32>} : memref<2x100x128xf32, #tpu.memory_space<vmem>>, vector<1x1x16xf32>,
      %get3A_844 = vector.shape_cast %get3A_843 : vector<1x1x16xf32> to vector<16xf32>
      %mul3A_845 = arith.constant 4 : i32
      %mul3A_846 = arith.muli %mul3A_845, %scan3A_144 : i32
      %add3A_847 = arith.constant 2 : i32
      %add3A_848 = arith.addi %mul3A_846, %add3A_847 : i32
      %get3A_849 = arith.index_cast %add3A_848 : i32 to index
      %get3A_850 = arith.constant 80 : index
      %get3A_851 = tpu.vector_load %arg12[%get3A_849, %get3A_850] {strides = array<i32>} : memref<100x128xf32, #tpu.memory_space<vmem>>, vector<1x16xf32>,
      %get3A_852 = vector.shape_cast %get3A_851 : vector<1x16xf32> to vector<16xf32>
      %add3A_853 = arith.addf %get3A_844, %get3A_852 : vector<16xf32>
      %max3A_854 = arith.constant 0.000000e+00 : f32
      %max3A_855 = vector.broadcast %max3A_854 : f32 to vector<16xf32>
      %max3A_856 = arith.maximumf %add3A_853, %max3A_855 : vector<16xf32>
      %mul3A_857 = arith.constant 4 : i32
      %mul3A_858 = arith.muli %mul3A_857, %scan3A_144 : i32
      %add3A_859 = arith.constant 2 : i32
      %add3A_860 = arith.addi %mul3A_858, %add3A_859 : i32
      %swap3A_861 = arith.constant 1 : i32
      %swap3A_862 = arith.index_cast %swap3A_861 : i32 to index
      %swap3A_863 = arith.index_cast %add3A_860 : i32 to index
      %swap3A_864 = arith.constant 80 : index
      %swap3A_865 = tpu.vector_load %arg11[%swap3A_862, %swap3A_863, %swap3A_864] {strides = array<i32>} : memref<2x100x128xf32, #tpu.memory_space<vmem>>, vector<1x1x16xf32>,
      %swap3A_866 = vector.shape_cast %swap3A_865 : vector<1x1x16xf32> to vector<16xf32>
      %swap3A_867 = vector.shape_cast %max3A_856 : vector<16xf32> to vector<1x1x16xf32>
      tpu.vector_store %arg11[%swap3A_862, %swap3A_863, %swap3A_864], %swap3A_867 {strides = array<i32>} : memref<2x100x128xf32, #tpu.memory_space<vmem>>, vector<1x1x16xf32>,
      %mul3A_868 = arith.constant 4 : i32
      %mul3A_869 = arith.muli %mul3A_868, %scan3A_144 : i32
      %add3A_870 = arith.constant 2 : i32
      %add3A_871 = arith.addi %mul3A_869, %add3A_870 : i32
      %get3A_872 = arith.constant 1 : i32
      %get3A_873 = arith.index_cast %get3A_872 : i32 to index
      %get3A_874 = arith.index_cast %add3A_871 : i32 to index
      %get3A_875 = arith.constant 96 : index
      %get3A_876 = tpu.vector_load %arg11[%get3A_873, %get3A_874, %get3A_875] {strides = array<i32>} : memref<2x100x128xf32, #tpu.memory_space<vmem>>, vector<1x1x16xf32>,
      %get3A_877 = vector.shape_cast %get3A_876 : vector<1x1x16xf32> to vector<16xf32>
      %mul3A_878 = arith.constant 4 : i32
      %mul3A_879 = arith.muli %mul3A_878, %scan3A_144 : i32
      %add3A_880 = arith.constant 2 : i32
      %add3A_881 = arith.addi %mul3A_879, %add3A_880 : i32
      %get3A_882 = arith.index_cast %add3A_881 : i32 to index
      %get3A_883 = arith.constant 96 : index
      %get3A_884 = tpu.vector_load %arg12[%get3A_882, %get3A_883] {strides = array<i32>} : memref<100x128xf32, #tpu.memory_space<vmem>>, vector<1x16xf32>,
      %get3A_885 = vector.shape_cast %get3A_884 : vector<1x16xf32> to vector<16xf32>
      %add3A_886 = arith.addf %get3A_877, %get3A_885 : vector<16xf32>
      %max3A_887 = arith.constant 0.000000e+00 : f32
      %max3A_888 = vector.broadcast %max3A_887 : f32 to vector<16xf32>
      %max3A_889 = arith.maximumf %add3A_886, %max3A_888 : vector<16xf32>
      %mul3A_890 = arith.constant 4 : i32
      %mul3A_891 = arith.muli %mul3A_890, %scan3A_144 : i32
      %add3A_892 = arith.constant 2 : i32
      %add3A_893 = arith.addi %mul3A_891, %add3A_892 : i32
      %swap3A_894 = arith.constant 1 : i32
      %swap3A_895 = arith.index_cast %swap3A_894 : i32 to index
      %swap3A_896 = arith.index_cast %add3A_893 : i32 to index
      %swap3A_897 = arith.constant 96 : index
      %swap3A_898 = tpu.vector_load %arg11[%swap3A_895, %swap3A_896, %swap3A_897] {strides = array<i32>} : memref<2x100x128xf32, #tpu.memory_space<vmem>>, vector<1x1x16xf32>,
      %swap3A_899 = vector.shape_cast %swap3A_898 : vector<1x1x16xf32> to vector<16xf32>
      %swap3A_900 = vector.shape_cast %max3A_889 : vector<16xf32> to vector<1x1x16xf32>
      tpu.vector_store %arg11[%swap3A_895, %swap3A_896, %swap3A_897], %swap3A_900 {strides = array<i32>} : memref<2x100x128xf32, #tpu.memory_space<vmem>>, vector<1x1x16xf32>,
      %mul3A_901 = arith.constant 4 : i32
      %mul3A_902 = arith.muli %mul3A_901, %scan3A_144 : i32
      %add3A_903 = arith.constant 2 : i32
      %add3A_904 = arith.addi %mul3A_902, %add3A_903 : i32
      %get3A_905 = arith.constant 1 : i32
      %get3A_906 = arith.index_cast %get3A_905 : i32 to index
      %get3A_907 = arith.index_cast %add3A_904 : i32 to index
      %get3A_908 = arith.constant 112 : index
      %get3A_909 = tpu.vector_load %arg11[%get3A_906, %get3A_907, %get3A_908] {strides = array<i32>} : memref<2x100x128xf32, #tpu.memory_space<vmem>>, vector<1x1x16xf32>,
      %get3A_910 = vector.shape_cast %get3A_909 : vector<1x1x16xf32> to vector<16xf32>
      %mul3A_911 = arith.constant 4 : i32
      %mul3A_912 = arith.muli %mul3A_911, %scan3A_144 : i32
      %add3A_913 = arith.constant 2 : i32
      %add3A_914 = arith.addi %mul3A_912, %add3A_913 : i32
      %get3A_915 = arith.index_cast %add3A_914 : i32 to index
      %get3A_916 = arith.constant 112 : index
      %get3A_917 = tpu.vector_load %arg12[%get3A_915, %get3A_916] {strides = array<i32>} : memref<100x128xf32, #tpu.memory_space<vmem>>, vector<1x16xf32>,
      %get3A_918 = vector.shape_cast %get3A_917 : vector<1x16xf32> to vector<16xf32>
      %add3A_919 = arith.addf %get3A_910, %get3A_918 : vector<16xf32>
      %max3A_920 = arith.constant 0.000000e+00 : f32
      %max3A_921 = vector.broadcast %max3A_920 : f32 to vector<16xf32>
      %max3A_922 = arith.maximumf %add3A_919, %max3A_921 : vector<16xf32>
      %mul3A_923 = arith.constant 4 : i32
      %mul3A_924 = arith.muli %mul3A_923, %scan3A_144 : i32
      %add3A_925 = arith.constant 2 : i32
      %add3A_926 = arith.addi %mul3A_924, %add3A_925 : i32
      %swap3A_927 = arith.constant 1 : i32
      %swap3A_928 = arith.index_cast %swap3A_927 : i32 to index
      %swap3A_929 = arith.index_cast %add3A_926 : i32 to index
      %swap3A_930 = arith.constant 112 : index
      %swap3A_931 = tpu.vector_load %arg11[%swap3A_928, %swap3A_929, %swap3A_930] {strides = array<i32>} : memref<2x100x128xf32, #tpu.memory_space<vmem>>, vector<1x1x16xf32>,
      %swap3A_932 = vector.shape_cast %swap3A_931 : vector<1x1x16xf32> to vector<16xf32>
      %swap3A_933 = vector.shape_cast %max3A_922 : vector<16xf32> to vector<1x1x16xf32>
      tpu.vector_store %arg11[%swap3A_928, %swap3A_929, %swap3A_930], %swap3A_933 {strides = array<i32>} : memref<2x100x128xf32, #tpu.memory_space<vmem>>, vector<1x1x16xf32>,
      %mul3A_934 = arith.constant 4 : i32
      %mul3A_935 = arith.muli %mul3A_934, %scan3A_144 : i32
      %add3A_936 = arith.constant 3 : i32
      %add3A_937 = arith.addi %mul3A_935, %add3A_936 : i32
      %get3A_938 = arith.constant 1 : i32
      %get3A_939 = arith.index_cast %get3A_938 : i32 to index
      %get3A_940 = arith.index_cast %add3A_937 : i32 to index
      %get3A_941 = arith.constant 0 : index
      %get3A_942 = tpu.vector_load %arg11[%get3A_939, %get3A_940, %get3A_941] {strides = array<i32>} : memref<2x100x128xf32, #tpu.memory_space<vmem>>, vector<1x1x16xf32>,
      %get3A_943 = vector.shape_cast %get3A_942 : vector<1x1x16xf32> to vector<16xf32>
      %mul3A_944 = arith.constant 4 : i32
      %mul3A_945 = arith.muli %mul3A_944, %scan3A_144 : i32
      %add3A_946 = arith.constant 3 : i32
      %add3A_947 = arith.addi %mul3A_945, %add3A_946 : i32
      %get3A_948 = arith.index_cast %add3A_947 : i32 to index
      %get3A_949 = arith.constant 0 : index
      %get3A_950 = tpu.vector_load %arg12[%get3A_948, %get3A_949] {strides = array<i32>} : memref<100x128xf32, #tpu.memory_space<vmem>>, vector<1x16xf32>,
      %get3A_951 = vector.shape_cast %get3A_950 : vector<1x16xf32> to vector<16xf32>
      %add3A_952 = arith.addf %get3A_943, %get3A_951 : vector<16xf32>
      %max3A_953 = arith.constant 0.000000e+00 : f32
      %max3A_954 = vector.broadcast %max3A_953 : f32 to vector<16xf32>
      %max3A_955 = arith.maximumf %add3A_952, %max3A_954 : vector<16xf32>
      %mul3A_956 = arith.constant 4 : i32
      %mul3A_957 = arith.muli %mul3A_956, %scan3A_144 : i32
      %add3A_958 = arith.constant 3 : i32
      %add3A_959 = arith.addi %mul3A_957, %add3A_958 : i32
      %swap3A_960 = arith.constant 1 : i32
      %swap3A_961 = arith.index_cast %swap3A_960 : i32 to index
      %swap3A_962 = arith.index_cast %add3A_959 : i32 to index
      %swap3A_963 = arith.constant 0 : index
      %swap3A_964 = tpu.vector_load %arg11[%swap3A_961, %swap3A_962, %swap3A_963] {strides = array<i32>} : memref<2x100x128xf32, #tpu.memory_space<vmem>>, vector<1x1x16xf32>,
      %swap3A_965 = vector.shape_cast %swap3A_964 : vector<1x1x16xf32> to vector<16xf32>
      %swap3A_966 = vector.shape_cast %max3A_955 : vector<16xf32> to vector<1x1x16xf32>
      tpu.vector_store %arg11[%swap3A_961, %swap3A_962, %swap3A_963], %swap3A_966 {strides = array<i32>} : memref<2x100x128xf32, #tpu.memory_space<vmem>>, vector<1x1x16xf32>,
      %mul3A_967 = arith.constant 4 : i32
      %mul3A_968 = arith.muli %mul3A_967, %scan3A_144 : i32
      %add3A_969 = arith.constant 3 : i32
      %add3A_970 = arith.addi %mul3A_968, %add3A_969 : i32
      %get3A_971 = arith.constant 1 : i32
      %get3A_972 = arith.index_cast %get3A_971 : i32 to index
      %get3A_973 = arith.index_cast %add3A_970 : i32 to index
      %get3A_974 = arith.constant 16 : index
      %get3A_975 = tpu.vector_load %arg11[%get3A_972, %get3A_973, %get3A_974] {strides = array<i32>} : memref<2x100x128xf32, #tpu.memory_space<vmem>>, vector<1x1x16xf32>,
      %get3A_976 = vector.shape_cast %get3A_975 : vector<1x1x16xf32> to vector<16xf32>
      %mul3A_977 = arith.constant 4 : i32
      %mul3A_978 = arith.muli %mul3A_977, %scan3A_144 : i32
      %add3A_979 = arith.constant 3 : i32
      %add3A_980 = arith.addi %mul3A_978, %add3A_979 : i32
      %get3A_981 = arith.index_cast %add3A_980 : i32 to index
      %get3A_982 = arith.constant 16 : index
      %get3A_983 = tpu.vector_load %arg12[%get3A_981, %get3A_982] {strides = array<i32>} : memref<100x128xf32, #tpu.memory_space<vmem>>, vector<1x16xf32>,
      %get3A_984 = vector.shape_cast %get3A_983 : vector<1x16xf32> to vector<16xf32>
      %add3A_985 = arith.addf %get3A_976, %get3A_984 : vector<16xf32>
      %max3A_986 = arith.constant 0.000000e+00 : f32
      %max3A_987 = vector.broadcast %max3A_986 : f32 to vector<16xf32>
      %max3A_988 = arith.maximumf %add3A_985, %max3A_987 : vector<16xf32>
      %mul3A_989 = arith.constant 4 : i32
      %mul3A_990 = arith.muli %mul3A_989, %scan3A_144 : i32
      %add3A_991 = arith.constant 3 : i32
      %add3A_992 = arith.addi %mul3A_990, %add3A_991 : i32
      %swap3A_993 = arith.constant 1 : i32
      %swap3A_994 = arith.index_cast %swap3A_993 : i32 to index
      %swap3A_995 = arith.index_cast %add3A_992 : i32 to index
      %swap3A_996 = arith.constant 16 : index
      %swap3A_997 = tpu.vector_load %arg11[%swap3A_994, %swap3A_995, %swap3A_996] {strides = array<i32>} : memref<2x100x128xf32, #tpu.memory_space<vmem>>, vector<1x1x16xf32>,
      %swap3A_998 = vector.shape_cast %swap3A_997 : vector<1x1x16xf32> to vector<16xf32>
      %swap3A_999 = vector.shape_cast %max3A_988 : vector<16xf32> to vector<1x1x16xf32>
      tpu.vector_store %arg11[%swap3A_994, %swap3A_995, %swap3A_996], %swap3A_999 {strides = array<i32>} : memref<2x100x128xf32, #tpu.memory_space<vmem>>, vector<1x1x16xf32>,
      %mul3A_1000 = arith.constant 4 : i32
      %mul3A_1001 = arith.muli %mul3A_1000, %scan3A_144 : i32
      %add3A_1002 = arith.constant 3 : i32
      %add3A_1003 = arith.addi %mul3A_1001, %add3A_1002 : i32
      %get3A_1004 = arith.constant 1 : i32
      %get3A_1005 = arith.index_cast %get3A_1004 : i32 to index
      %get3A_1006 = arith.index_cast %add3A_1003 : i32 to index
      %get3A_1007 = arith.constant 32 : index
      %get3A_1008 = tpu.vector_load %arg11[%get3A_1005, %get3A_1006, %get3A_1007] {strides = array<i32>} : memref<2x100x128xf32, #tpu.memory_space<vmem>>, vector<1x1x16xf32>,
      %get3A_1009 = vector.shape_cast %get3A_1008 : vector<1x1x16xf32> to vector<16xf32>
      %mul3A_1010 = arith.constant 4 : i32
      %mul3A_1011 = arith.muli %mul3A_1010, %scan3A_144 : i32
      %add3A_1012 = arith.constant 3 : i32
      %add3A_1013 = arith.addi %mul3A_1011, %add3A_1012 : i32
      %get3A_1014 = arith.index_cast %add3A_1013 : i32 to index
      %get3A_1015 = arith.constant 32 : index
      %get3A_1016 = tpu.vector_load %arg12[%get3A_1014, %get3A_1015] {strides = array<i32>} : memref<100x128xf32, #tpu.memory_space<vmem>>, vector<1x16xf32>,
      %get3A_1017 = vector.shape_cast %get3A_1016 : vector<1x16xf32> to vector<16xf32>
      %add3A_1018 = arith.addf %get3A_1009, %get3A_1017 : vector<16xf32>
      %max3A_1019 = arith.constant 0.000000e+00 : f32
      %max3A_1020 = vector.broadcast %max3A_1019 : f32 to vector<16xf32>
      %max3A_1021 = arith.maximumf %add3A_1018, %max3A_1020 : vector<16xf32>
      %mul3A_1022 = arith.constant 4 : i32
      %mul3A_1023 = arith.muli %mul3A_1022, %scan3A_144 : i32
      %add3A_1024 = arith.constant 3 : i32
      %add3A_1025 = arith.addi %mul3A_1023, %add3A_1024 : i32
      %swap3A_1026 = arith.constant 1 : i32
      %swap3A_1027 = arith.index_cast %swap3A_1026 : i32 to index
      %swap3A_1028 = arith.index_cast %add3A_1025 : i32 to index
      %swap3A_1029 = arith.constant 32 : index
      %swap3A_1030 = tpu.vector_load %arg11[%swap3A_1027, %swap3A_1028, %swap3A_1029] {strides = array<i32>} : memref<2x100x128xf32, #tpu.memory_space<vmem>>, vector<1x1x16xf32>,
      %swap3A_1031 = vector.shape_cast %swap3A_1030 : vector<1x1x16xf32> to vector<16xf32>
      %swap3A_1032 = vector.shape_cast %max3A_1021 : vector<16xf32> to vector<1x1x16xf32>
      tpu.vector_store %arg11[%swap3A_1027, %swap3A_1028, %swap3A_1029], %swap3A_1032 {strides = array<i32>} : memref<2x100x128xf32, #tpu.memory_space<vmem>>, vector<1x1x16xf32>,
      %mul3A_1033 = arith.constant 4 : i32
      %mul3A_1034 = arith.muli %mul3A_1033, %scan3A_144 : i32
      %add3A_1035 = arith.constant 3 : i32
      %add3A_1036 = arith.addi %mul3A_1034, %add3A_1035 : i32
      %get3A_1037 = arith.constant 1 : i32
      %get3A_1038 = arith.index_cast %get3A_1037 : i32 to index
      %get3A_1039 = arith.index_cast %add3A_1036 : i32 to index
      %get3A_1040 = arith.constant 48 : index
      %get3A_1041 = tpu.vector_load %arg11[%get3A_1038, %get3A_1039, %get3A_1040] {strides = array<i32>} : memref<2x100x128xf32, #tpu.memory_space<vmem>>, vector<1x1x16xf32>,
      %get3A_1042 = vector.shape_cast %get3A_1041 : vector<1x1x16xf32> to vector<16xf32>
      %mul3A_1043 = arith.constant 4 : i32
      %mul3A_1044 = arith.muli %mul3A_1043, %scan3A_144 : i32
      %add3A_1045 = arith.constant 3 : i32
      %add3A_1046 = arith.addi %mul3A_1044, %add3A_1045 : i32
      %get3A_1047 = arith.index_cast %add3A_1046 : i32 to index
      %get3A_1048 = arith.constant 48 : index
      %get3A_1049 = tpu.vector_load %arg12[%get3A_1047, %get3A_1048] {strides = array<i32>} : memref<100x128xf32, #tpu.memory_space<vmem>>, vector<1x16xf32>,
      %get3A_1050 = vector.shape_cast %get3A_1049 : vector<1x16xf32> to vector<16xf32>
      %add3A_1051 = arith.addf %get3A_1042, %get3A_1050 : vector<16xf32>
      %max3A_1052 = arith.constant 0.000000e+00 : f32
      %max3A_1053 = vector.broadcast %max3A_1052 : f32 to vector<16xf32>
      %max3A_1054 = arith.maximumf %add3A_1051, %max3A_1053 : vector<16xf32>
      %mul3A_1055 = arith.constant 4 : i32
      %mul3A_1056 = arith.muli %mul3A_1055, %scan3A_144 : i32
      %add3A_1057 = arith.constant 3 : i32
      %add3A_1058 = arith.addi %mul3A_1056, %add3A_1057 : i32
      %swap3A_1059 = arith.constant 1 : i32
      %swap3A_1060 = arith.index_cast %swap3A_1059 : i32 to index
      %swap3A_1061 = arith.index_cast %add3A_1058 : i32 to index
      %swap3A_1062 = arith.constant 48 : index
      %swap3A_1063 = tpu.vector_load %arg11[%swap3A_1060, %swap3A_1061, %swap3A_1062] {strides = array<i32>} : memref<2x100x128xf32, #tpu.memory_space<vmem>>, vector<1x1x16xf32>,
      %swap3A_1064 = vector.shape_cast %swap3A_1063 : vector<1x1x16xf32> to vector<16xf32>
      %swap3A_1065 = vector.shape_cast %max3A_1054 : vector<16xf32> to vector<1x1x16xf32>
      tpu.vector_store %arg11[%swap3A_1060, %swap3A_1061, %swap3A_1062], %swap3A_1065 {strides = array<i32>} : memref<2x100x128xf32, #tpu.memory_space<vmem>>, vector<1x1x16xf32>,
      %mul3A_1066 = arith.constant 4 : i32
      %mul3A_1067 = arith.muli %mul3A_1066, %scan3A_144 : i32
      %add3A_1068 = arith.constant 3 : i32
      %add3A_1069 = arith.addi %mul3A_1067, %add3A_1068 : i32
      %get3A_1070 = arith.constant 1 : i32
      %get3A_1071 = arith.index_cast %get3A_1070 : i32 to index
      %get3A_1072 = arith.index_cast %add3A_1069 : i32 to index
      %get3A_1073 = arith.constant 64 : index
      %get3A_1074 = tpu.vector_load %arg11[%get3A_1071, %get3A_1072, %get3A_1073] {strides = array<i32>} : memref<2x100x128xf32, #tpu.memory_space<vmem>>, vector<1x1x16xf32>,
      %get3A_1075 = vector.shape_cast %get3A_1074 : vector<1x1x16xf32> to vector<16xf32>
      %mul3A_1076 = arith.constant 4 : i32
      %mul3A_1077 = arith.muli %mul3A_1076, %scan3A_144 : i32
      %add3A_1078 = arith.constant 3 : i32
      %add3A_1079 = arith.addi %mul3A_1077, %add3A_1078 : i32
      %get3A_1080 = arith.index_cast %add3A_1079 : i32 to index
      %get3A_1081 = arith.constant 64 : index
      %get3A_1082 = tpu.vector_load %arg12[%get3A_1080, %get3A_1081] {strides = array<i32>} : memref<100x128xf32, #tpu.memory_space<vmem>>, vector<1x16xf32>,
      %get3A_1083 = vector.shape_cast %get3A_1082 : vector<1x16xf32> to vector<16xf32>
      %add3A_1084 = arith.addf %get3A_1075, %get3A_1083 : vector<16xf32>
      %max3A_1085 = arith.constant 0.000000e+00 : f32
      %max3A_1086 = vector.broadcast %max3A_1085 : f32 to vector<16xf32>
      %max3A_1087 = arith.maximumf %add3A_1084, %max3A_1086 : vector<16xf32>
      %mul3A_1088 = arith.constant 4 : i32
      %mul3A_1089 = arith.muli %mul3A_1088, %scan3A_144 : i32
      %add3A_1090 = arith.constant 3 : i32
      %add3A_1091 = arith.addi %mul3A_1089, %add3A_1090 : i32
      %swap3A_1092 = arith.constant 1 : i32
      %swap3A_1093 = arith.index_cast %swap3A_1092 : i32 to index
      %swap3A_1094 = arith.index_cast %add3A_1091 : i32 to index
      %swap3A_1095 = arith.constant 64 : index
      %swap3A_1096 = tpu.vector_load %arg11[%swap3A_1093, %swap3A_1094, %swap3A_1095] {strides = array<i32>} : memref<2x100x128xf32, #tpu.memory_space<vmem>>, vector<1x1x16xf32>,
      %swap3A_1097 = vector.shape_cast %swap3A_1096 : vector<1x1x16xf32> to vector<16xf32>
      %swap3A_1098 = vector.shape_cast %max3A_1087 : vector<16xf32> to vector<1x1x16xf32>
      tpu.vector_store %arg11[%swap3A_1093, %swap3A_1094, %swap3A_1095], %swap3A_1098 {strides = array<i32>} : memref<2x100x128xf32, #tpu.memory_space<vmem>>, vector<1x1x16xf32>,
      %mul3A_1099 = arith.constant 4 : i32
      %mul3A_1100 = arith.muli %mul3A_1099, %scan3A_144 : i32
      %add3A_1101 = arith.constant 3 : i32
      %add3A_1102 = arith.addi %mul3A_1100, %add3A_1101 : i32
      %get3A_1103 = arith.constant 1 : i32
      %get3A_1104 = arith.index_cast %get3A_1103 : i32 to index
      %get3A_1105 = arith.index_cast %add3A_1102 : i32 to index
      %get3A_1106 = arith.constant 80 : index
      %get3A_1107 = tpu.vector_load %arg11[%get3A_1104, %get3A_1105, %get3A_1106] {strides = array<i32>} : memref<2x100x128xf32, #tpu.memory_space<vmem>>, vector<1x1x16xf32>,
      %get3A_1108 = vector.shape_cast %get3A_1107 : vector<1x1x16xf32> to vector<16xf32>
      %mul3A_1109 = arith.constant 4 : i32
      %mul3A_1110 = arith.muli %mul3A_1109, %scan3A_144 : i32
      %add3A_1111 = arith.constant 3 : i32
      %add3A_1112 = arith.addi %mul3A_1110, %add3A_1111 : i32
      %get3A_1113 = arith.index_cast %add3A_1112 : i32 to index
      %get3A_1114 = arith.constant 80 : index
      %get3A_1115 = tpu.vector_load %arg12[%get3A_1113, %get3A_1114] {strides = array<i32>} : memref<100x128xf32, #tpu.memory_space<vmem>>, vector<1x16xf32>,
      %get3A_1116 = vector.shape_cast %get3A_1115 : vector<1x16xf32> to vector<16xf32>
      %add3A_1117 = arith.addf %get3A_1108, %get3A_1116 : vector<16xf32>
      %max3A_1118 = arith.constant 0.000000e+00 : f32
      %max3A_1119 = vector.broadcast %max3A_1118 : f32 to vector<16xf32>
      %max3A_1120 = arith.maximumf %add3A_1117, %max3A_1119 : vector<16xf32>
      %mul3A_1121 = arith.constant 4 : i32
      %mul3A_1122 = arith.muli %mul3A_1121, %scan3A_144 : i32
      %add3A_1123 = arith.constant 3 : i32
      %add3A_1124 = arith.addi %mul3A_1122, %add3A_1123 : i32
      %swap3A_1125 = arith.constant 1 : i32
      %swap3A_1126 = arith.index_cast %swap3A_1125 : i32 to index
      %swap3A_1127 = arith.index_cast %add3A_1124 : i32 to index
      %swap3A_1128 = arith.constant 80 : index
      %swap3A_1129 = tpu.vector_load %arg11[%swap3A_1126, %swap3A_1127, %swap3A_1128] {strides = array<i32>} : memref<2x100x128xf32, #tpu.memory_space<vmem>>, vector<1x1x16xf32>,
      %swap3A_1130 = vector.shape_cast %swap3A_1129 : vector<1x1x16xf32> to vector<16xf32>
      %swap3A_1131 = vector.shape_cast %max3A_1120 : vector<16xf32> to vector<1x1x16xf32>
      tpu.vector_store %arg11[%swap3A_1126, %swap3A_1127, %swap3A_1128], %swap3A_1131 {strides = array<i32>} : memref<2x100x128xf32, #tpu.memory_space<vmem>>, vector<1x1x16xf32>,
      %mul3A_1132 = arith.constant 4 : i32
      %mul3A_1133 = arith.muli %mul3A_1132, %scan3A_144 : i32
      %add3A_1134 = arith.constant 3 : i32
      %add3A_1135 = arith.addi %mul3A_1133, %add3A_1134 : i32
      %get3A_1136 = arith.constant 1 : i32
      %get3A_1137 = arith.index_cast %get3A_1136 : i32 to index
      %get3A_1138 = arith.index_cast %add3A_1135 : i32 to index
      %get3A_1139 = arith.constant 96 : index
      %get3A_1140 = tpu.vector_load %arg11[%get3A_1137, %get3A_1138, %get3A_1139] {strides = array<i32>} : memref<2x100x128xf32, #tpu.memory_space<vmem>>, vector<1x1x16xf32>,
      %get3A_1141 = vector.shape_cast %get3A_1140 : vector<1x1x16xf32> to vector<16xf32>
      %mul3A_1142 = arith.constant 4 : i32
      %mul3A_1143 = arith.muli %mul3A_1142, %scan3A_144 : i32
      %add3A_1144 = arith.constant 3 : i32
      %add3A_1145 = arith.addi %mul3A_1143, %add3A_1144 : i32
      %get3A_1146 = arith.index_cast %add3A_1145 : i32 to index
      %get3A_1147 = arith.constant 96 : index
      %get3A_1148 = tpu.vector_load %arg12[%get3A_1146, %get3A_1147] {strides = array<i32>} : memref<100x128xf32, #tpu.memory_space<vmem>>, vector<1x16xf32>,
      %get3A_1149 = vector.shape_cast %get3A_1148 : vector<1x16xf32> to vector<16xf32>
      %add3A_1150 = arith.addf %get3A_1141, %get3A_1149 : vector<16xf32>
      %max3A_1151 = arith.constant 0.000000e+00 : f32
      %max3A_1152 = vector.broadcast %max3A_1151 : f32 to vector<16xf32>
      %max3A_1153 = arith.maximumf %add3A_1150, %max3A_1152 : vector<16xf32>
      %mul3A_1154 = arith.constant 4 : i32
      %mul3A_1155 = arith.muli %mul3A_1154, %scan3A_144 : i32
      %add3A_1156 = arith.constant 3 : i32
      %add3A_1157 = arith.addi %mul3A_1155, %add3A_1156 : i32
      %swap3A_1158 = arith.constant 1 : i32
      %swap3A_1159 = arith.index_cast %swap3A_1158 : i32 to index
      %swap3A_1160 = arith.index_cast %add3A_1157 : i32 to index
      %swap3A_1161 = arith.constant 96 : index
      %swap3A_1162 = tpu.vector_load %arg11[%swap3A_1159, %swap3A_1160, %swap3A_1161] {strides = array<i32>} : memref<2x100x128xf32, #tpu.memory_space<vmem>>, vector<1x1x16xf32>,
      %swap3A_1163 = vector.shape_cast %swap3A_1162 : vector<1x1x16xf32> to vector<16xf32>
      %swap3A_1164 = vector.shape_cast %max3A_1153 : vector<16xf32> to vector<1x1x16xf32>
      tpu.vector_store %arg11[%swap3A_1159, %swap3A_1160, %swap3A_1161], %swap3A_1164 {strides = array<i32>} : memref<2x100x128xf32, #tpu.memory_space<vmem>>, vector<1x1x16xf32>,
      %mul3A_1165 = arith.constant 4 : i32
      %mul3A_1166 = arith.muli %mul3A_1165, %scan3A_144 : i32
      %add3A_1167 = arith.constant 3 : i32
      %add3A_1168 = arith.addi %mul3A_1166, %add3A_1167 : i32
      %get3A_1169 = arith.constant 1 : i32
      %get3A_1170 = arith.index_cast %get3A_1169 : i32 to index
      %get3A_1171 = arith.index_cast %add3A_1168 : i32 to index
      %get3A_1172 = arith.constant 112 : index
      %get3A_1173 = tpu.vector_load %arg11[%get3A_1170, %get3A_1171, %get3A_1172] {strides = array<i32>} : memref<2x100x128xf32, #tpu.memory_space<vmem>>, vector<1x1x16xf32>,
      %get3A_1174 = vector.shape_cast %get3A_1173 : vector<1x1x16xf32> to vector<16xf32>
      %mul3A_1175 = arith.constant 4 : i32
      %mul3A_1176 = arith.muli %mul3A_1175, %scan3A_144 : i32
      %add3A_1177 = arith.constant 3 : i32
      %add3A_1178 = arith.addi %mul3A_1176, %add3A_1177 : i32
      %get3A_1179 = arith.index_cast %add3A_1178 : i32 to index
      %get3A_1180 = arith.constant 112 : index
      %get3A_1181 = tpu.vector_load %arg12[%get3A_1179, %get3A_1180] {strides = array<i32>} : memref<100x128xf32, #tpu.memory_space<vmem>>, vector<1x16xf32>,
      %get3A_1182 = vector.shape_cast %get3A_1181 : vector<1x16xf32> to vector<16xf32>
      %add3A_1183 = arith.addf %get3A_1174, %get3A_1182 : vector<16xf32>
      %max3A_1184 = arith.constant 0.000000e+00 : f32
      %max3A_1185 = vector.broadcast %max3A_1184 : f32 to vector<16xf32>
      %max3A_1186 = arith.maximumf %add3A_1183, %max3A_1185 : vector<16xf32>
      %mul3A_1187 = arith.constant 4 : i32
      %mul3A_1188 = arith.muli %mul3A_1187, %scan3A_144 : i32
      %add3A_1189 = arith.constant 3 : i32
      %add3A_1190 = arith.addi %mul3A_1188, %add3A_1189 : i32
      %swap3A_1191 = arith.constant 1 : i32
      %swap3A_1192 = arith.index_cast %swap3A_1191 : i32 to index
      %swap3A_1193 = arith.index_cast %add3A_1190 : i32 to index
      %swap3A_1194 = arith.constant 112 : index
      %swap3A_1195 = tpu.vector_load %arg11[%swap3A_1192, %swap3A_1193, %swap3A_1194] {strides = array<i32>} : memref<2x100x128xf32, #tpu.memory_space<vmem>>, vector<1x1x16xf32>,
      %swap3A_1196 = vector.shape_cast %swap3A_1195 : vector<1x1x16xf32> to vector<16xf32>
      %swap3A_1197 = vector.shape_cast %max3A_1186 : vector<16xf32> to vector<1x1x16xf32>
      tpu.vector_store %arg11[%swap3A_1192, %swap3A_1193, %swap3A_1194], %swap3A_1197 {strides = array<i32>} : memref<2x100x128xf32, #tpu.memory_space<vmem>>, vector<1x1x16xf32>,
    }
    %scan3A_84 = arith.constant 25 : i32
    %dma_start3A_85 = arith.constant 1 : i32
    %dma_start3A_86 = arith.constant 1 : i32
    %dma_start3A_87 = arith.constant 0 : i32
    %dma_start3A_88 = arith.constant 0 : i32
    %dma_start3A_89 = tpu.memref_slice %arg11[%dma_start3A_85, %dma_start3A_87, %dma_start3A_88] : memref<2x100x128xf32, #tpu.memory_space<vmem>> -> memref<1x100x128xf32, #tpu.memory_space<vmem>>
    %dma_start3A_90 = tpu.memref_squeeze %dma_start3A_89 : memref<1x100x128xf32, #tpu.memory_space<vmem>> -> memref<100x128xf32, #tpu.memory_space<vmem>>
    %dma_start3A_91 = arith.constant 0 : i32
    %dma_start3A_92 = tpu.memref_slice %arg10[%dma_start3A_86, %dma_start3A_91] : memref<2x100xi32, #tpu.memory_space<vmem>> -> memref<1x100xi32, #tpu.memory_space<vmem>>
    %dma_start3A_93 = tpu.memref_squeeze %dma_start3A_92 : memref<1x100xi32, #tpu.memory_space<vmem>> -> memref<100xi32, #tpu.memory_space<vmem>>
    %dma_start3A_94 = arith.constant 0 : i32
    %dma_start3A_95 = arith.constant 0 : i32
    %dma_start3A_96 = tpu.memref_slice %arg8[%dma_start3A_94, %dma_start3A_95] : memref<10240x128xf32, #tpu.memory_space<vmem_shared>> -> memref<10240x128xf32, #tpu.memory_space<vmem_shared>>
    tpu.enqueue_indirect_dma source(%dma_start3A_90 : memref<100x128xf32, #tpu.memory_space<vmem>>) target(%dma_start3A_96 : memref<10240x128xf32, #tpu.memory_space<vmem_shared>>) offsets(%dma_start3A_93 : memref<100xi32, #tpu.memory_space<vmem>>) semaphore(%arg16 : memref<!tpu.dma_semaphore, #tpu.memory_space<semaphore_mem>>) {add = true}
    %scan3A_97 = arith.constant 0 : i32
    %scan3A_98 = arith.constant 1 : i32
    %scan3A_99 = arith.constant 49 : i32
    %scan3A_100 = arith.addi %scan3A_98, %scan3A_99 : i32
    %scan3A_101 = arith.constant 1 : i32
    scf.for %scan3A_144 = %scan3A_98 to %scan3A_100 step %scan3A_101  : i32 {
      %mul3A_145 = arith.constant 2 : i32
      %mul3A_146 = arith.muli %mul3A_145, %scan3A_144 : i32
      %dma_wait3A_147 = arith.constant 0 : i32
      %dma_wait3A_148 = arith.constant 0 : i32
      %dma_wait3A_149 = tpu.memref_slice %arg3[%add3A, %dma_wait3A_147, %dma_wait3A_148] : memref<32x100x100xi32, #tpu.memory_space<hbm>> -> memref<1x1x100xi32, #tpu.memory_space<hbm>>
      %dma_wait3A_150 = tpu.memref_squeeze %dma_wait3A_149 : memref<1x1x100xi32, #tpu.memory_space<hbm>> -> memref<100xi32, #tpu.memory_space<hbm>>
      %dma_wait3A_151 = arith.constant 0 : i32
      %dma_wait3A_152 = tpu.memref_slice %arg3[%add3A, %dma_wait3A_147, %dma_wait3A_151] : memref<32x100x100xi32, #tpu.memory_space<hbm>> -> memref<1x1x100xi32, #tpu.memory_space<hbm>>
      %dma_wait3A_153 = tpu.memref_squeeze %dma_wait3A_152 : memref<1x1x100xi32, #tpu.memory_space<hbm>> -> memref<100xi32, #tpu.memory_space<hbm>>
      tpu.wait_dma2 semaphore(%arg14 : memref<!tpu.dma_semaphore, #tpu.memory_space<semaphore_mem>>) src(%dma_wait3A_153 : memref<100xi32, #tpu.memory_space<hbm>>) dst(%arg9 : memref<100xi32, #tpu.memory_space<vmem>>)
      %dma_wait3A_154 = arith.constant 0 : i32
      %dma_wait3A_155 = arith.constant 0 : i32
      %dma_wait3A_156 = arith.constant 0 : i32
      %dma_wait3A_157 = arith.constant 0 : i32
      %dma_wait3A_158 = tpu.memref_slice %arg11[%dma_wait3A_155, %dma_wait3A_156, %dma_wait3A_157] : memref<2x100x128xf32, #tpu.memory_space<vmem>> -> memref<1x100x128xf32, #tpu.memory_space<vmem>>
      %dma_wait3A_159 = tpu.memref_squeeze %dma_wait3A_158 : memref<1x100x128xf32, #tpu.memory_space<vmem>> -> memref<100x128xf32, #tpu.memory_space<vmem>>
      %dma_wait3A_160 = arith.constant 0 : i32
      %dma_wait3A_161 = arith.constant 0 : i32
      %dma_wait3A_162 = tpu.memref_slice %arg5[%add3A, %dma_wait3A_154, %dma_wait3A_160, %dma_wait3A_161] : memref<32x100x100x128xf32, #tpu.memory_space<hbm>> -> memref<1x1x100x128xf32, #tpu.memory_space<hbm>>
      %dma_wait3A_163 = tpu.memref_squeeze %dma_wait3A_162 : memref<1x1x100x128xf32, #tpu.memory_space<hbm>> -> memref<100x128xf32, #tpu.memory_space<hbm>>
      %dma_wait3A_164 = arith.constant 0 : i32
      %dma_wait3A_165 = arith.constant 0 : i32
      %dma_wait3A_166 = tpu.memref_slice %arg11[%dma_wait3A_155, %dma_wait3A_164, %dma_wait3A_165] : memref<2x100x128xf32, #tpu.memory_space<vmem>> -> memref<1x100x128xf32, #tpu.memory_space<vmem>>
      %dma_wait3A_167 = tpu.memref_squeeze %dma_wait3A_166 : memref<1x100x128xf32, #tpu.memory_space<vmem>> -> memref<100x128xf32, #tpu.memory_space<vmem>>
      %dma_wait3A_168 = arith.constant 0 : i32
      %dma_wait3A_169 = arith.constant 0 : i32
      %dma_wait3A_170 = tpu.memref_slice %arg5[%add3A, %dma_wait3A_154, %dma_wait3A_168, %dma_wait3A_169] : memref<32x100x100x128xf32, #tpu.memory_space<hbm>> -> memref<1x1x100x128xf32, #tpu.memory_space<hbm>>
      %dma_wait3A_171 = tpu.memref_squeeze %dma_wait3A_170 : memref<1x1x100x128xf32, #tpu.memory_space<hbm>> -> memref<100x128xf32, #tpu.memory_space<hbm>>
      tpu.wait_dma2 semaphore(%arg15 : memref<!tpu.dma_semaphore, #tpu.memory_space<semaphore_mem>>) src(%dma_wait3A_171 : memref<100x128xf32, #tpu.memory_space<hbm>>) dst(%dma_wait3A_167 : memref<100x128xf32, #tpu.memory_space<vmem>>)
      %run_scoped3A_172 = arith.constant 0 : i32
      "tpu.region"() ({
        %run_scoped3A_281 = tpu.sem_alloc : memref<!tpu.dma_semaphore, #tpu.memory_space<semaphore_mem>>
        %dma_start3A_282 = arith.constant 0 : i32
        %dma_start3A_283 = tpu.memref_slice %arg10[%run_scoped3A_172, %dma_start3A_282] : memref<2x100xi32, #tpu.memory_space<vmem>> -> memref<1x100xi32, #tpu.memory_space<vmem>>
        %dma_start3A_284 = tpu.memref_squeeze %dma_start3A_283 : memref<1x100xi32, #tpu.memory_space<vmem>> -> memref<100xi32, #tpu.memory_space<vmem>>
        %dma_start3A_285 = arith.constant 0 : i32
        %dma_start3A_286 = tpu.memref_slice %arg4[%add3A, %mul3A_146, %dma_start3A_285] : memref<32x100x100xi32, #tpu.memory_space<hbm>> -> memref<1x1x100xi32, #tpu.memory_space<hbm>>
        %dma_start3A_287 = tpu.memref_squeeze %dma_start3A_286 : memref<1x1x100xi32, #tpu.memory_space<hbm>> -> memref<100xi32, #tpu.memory_space<hbm>>
        %dma_start3A_288 = arith.constant 0 : i32
        %dma_start3A_289 = tpu.memref_slice %arg10[%run_scoped3A_172, %dma_start3A_288] : memref<2x100xi32, #tpu.memory_space<vmem>> -> memref<1x100xi32, #tpu.memory_space<vmem>>
        %dma_start3A_290 = tpu.memref_squeeze %dma_start3A_289 : memref<1x100xi32, #tpu.memory_space<vmem>> -> memref<100xi32, #tpu.memory_space<vmem>>
        %dma_start3A_291 = arith.constant 0 : i32
        %dma_start3A_292 = tpu.memref_slice %arg4[%add3A, %mul3A_146, %dma_start3A_291] : memref<32x100x100xi32, #tpu.memory_space<hbm>> -> memref<1x1x100xi32, #tpu.memory_space<hbm>>
        %dma_start3A_293 = tpu.memref_squeeze %dma_start3A_292 : memref<1x1x100xi32, #tpu.memory_space<hbm>> -> memref<100xi32, #tpu.memory_space<hbm>>
        tpu.enqueue_dma source(%dma_start3A_293 : memref<100xi32, #tpu.memory_space<hbm>>) target(%dma_start3A_290 : memref<100xi32, #tpu.memory_space<vmem>>) target_semaphore(%run_scoped3A_281 : memref<!tpu.dma_semaphore, #tpu.memory_space<semaphore_mem>>)
        %dma_wait3A_294 = arith.constant 0 : i32
        %dma_wait3A_295 = tpu.memref_slice %arg10[%run_scoped3A_172, %dma_wait3A_294] : memref<2x100xi32, #tpu.memory_space<vmem>> -> memref<1x100xi32, #tpu.memory_space<vmem>>
        %dma_wait3A_296 = tpu.memref_squeeze %dma_wait3A_295 : memref<1x100xi32, #tpu.memory_space<vmem>> -> memref<100xi32, #tpu.memory_space<vmem>>
        %dma_wait3A_297 = arith.constant 0 : i32
        %dma_wait3A_298 = tpu.memref_slice %arg4[%add3A, %mul3A_146, %dma_wait3A_297] : memref<32x100x100xi32, #tpu.memory_space<hbm>> -> memref<1x1x100xi32, #tpu.memory_space<hbm>>
        %dma_wait3A_299 = tpu.memref_squeeze %dma_wait3A_298 : memref<1x1x100xi32, #tpu.memory_space<hbm>> -> memref<100xi32, #tpu.memory_space<hbm>>
        %dma_wait3A_300 = arith.constant 0 : i32
        %dma_wait3A_301 = tpu.memref_slice %arg10[%run_scoped3A_172, %dma_wait3A_300] : memref<2x100xi32, #tpu.memory_space<vmem>> -> memref<1x100xi32, #tpu.memory_space<vmem>>
        %dma_wait3A_302 = tpu.memref_squeeze %dma_wait3A_301 : memref<1x100xi32, #tpu.memory_space<vmem>> -> memref<100xi32, #tpu.memory_space<vmem>>
        %dma_wait3A_303 = arith.constant 0 : i32
        %dma_wait3A_304 = tpu.memref_slice %arg4[%add3A, %mul3A_146, %dma_wait3A_303] : memref<32x100x100xi32, #tpu.memory_space<hbm>> -> memref<1x1x100xi32, #tpu.memory_space<hbm>>
        %dma_wait3A_305 = tpu.memref_squeeze %dma_wait3A_304 : memref<1x1x100xi32, #tpu.memory_space<hbm>> -> memref<100xi32, #tpu.memory_space<hbm>>
        tpu.wait_dma2 semaphore(%run_scoped3A_281 : memref<!tpu.dma_semaphore, #tpu.memory_space<semaphore_mem>>) src(%dma_wait3A_305 : memref<100xi32, #tpu.memory_space<hbm>>) dst(%dma_wait3A_302 : memref<100xi32, #tpu.memory_space<vmem>>)
        tpu.yield
      }) : () -> ()
      %dma_start3A_173 = arith.constant 0 : i32
      %dma_start3A_174 = arith.constant 0 : i32
      %dma_start3A_175 = arith.constant 0 : i32
      %dma_start3A_176 = tpu.memref_slice %arg11[%dma_start3A_173, %dma_start3A_174, %dma_start3A_175] : memref<2x100x128xf32, #tpu.memory_space<vmem>> -> memref<1x100x128xf32, #tpu.memory_space<vmem>>
      %dma_start3A_177 = tpu.memref_squeeze %dma_start3A_176 : memref<1x100x128xf32, #tpu.memory_space<vmem>> -> memref<100x128xf32, #tpu.memory_space<vmem>>
      %dma_start3A_178 = arith.constant 0 : i32
      %dma_start3A_179 = arith.constant 0 : i32
      %dma_start3A_180 = tpu.memref_slice %arg2[%dma_start3A_178, %dma_start3A_179] : memref<10000x128xf32, #tpu.memory_space<hbm>> -> memref<10000x128xf32, #tpu.memory_space<hbm>>
      tpu.enqueue_indirect_dma source(%dma_start3A_180 : memref<10000x128xf32, #tpu.memory_space<hbm>>) target(%dma_start3A_177 : memref<100x128xf32, #tpu.memory_space<vmem>>) offsets(%arg9 : memref<100xi32, #tpu.memory_space<vmem>>) semaphore(%arg13 : memref<!tpu.dma_semaphore, #tpu.memory_space<semaphore_mem>>)
      "tpu.region"() ({
        %run_scoped3A_281 = tpu.sem_alloc : memref<!tpu.dma_semaphore, #tpu.memory_space<semaphore_mem>>
        %dma_start3A_282 = arith.constant 0 : i32
        %dma_start3A_283 = arith.constant 0 : i32
        %dma_start3A_284 = tpu.memref_slice %arg5[%add3A, %mul3A_146, %dma_start3A_282, %dma_start3A_283] : memref<32x100x100x128xf32, #tpu.memory_space<hbm>> -> memref<1x1x100x128xf32, #tpu.memory_space<hbm>>
        %dma_start3A_285 = tpu.memref_squeeze %dma_start3A_284 : memref<1x1x100x128xf32, #tpu.memory_space<hbm>> -> memref<100x128xf32, #tpu.memory_space<hbm>>
        %dma_start3A_286 = arith.constant 0 : i32
        %dma_start3A_287 = arith.constant 0 : i32
        %dma_start3A_288 = tpu.memref_slice %arg5[%add3A, %mul3A_146, %dma_start3A_286, %dma_start3A_287] : memref<32x100x100x128xf32, #tpu.memory_space<hbm>> -> memref<1x1x100x128xf32, #tpu.memory_space<hbm>>
        %dma_start3A_289 = tpu.memref_squeeze %dma_start3A_288 : memref<1x1x100x128xf32, #tpu.memory_space<hbm>> -> memref<100x128xf32, #tpu.memory_space<hbm>>
        tpu.enqueue_dma source(%dma_start3A_289 : memref<100x128xf32, #tpu.memory_space<hbm>>) target(%arg12 : memref<100x128xf32, #tpu.memory_space<vmem>>) target_semaphore(%run_scoped3A_281 : memref<!tpu.dma_semaphore, #tpu.memory_space<semaphore_mem>>)
        %dma_wait3A_290 = arith.constant 0 : i32
        %dma_wait3A_291 = arith.constant 0 : i32
        %dma_wait3A_292 = tpu.memref_slice %arg5[%add3A, %mul3A_146, %dma_wait3A_290, %dma_wait3A_291] : memref<32x100x100x128xf32, #tpu.memory_space<hbm>> -> memref<1x1x100x128xf32, #tpu.memory_space<hbm>>
        %dma_wait3A_293 = tpu.memref_squeeze %dma_wait3A_292 : memref<1x1x100x128xf32, #tpu.memory_space<hbm>> -> memref<100x128xf32, #tpu.memory_space<hbm>>
        %dma_wait3A_294 = arith.constant 0 : i32
        %dma_wait3A_295 = arith.constant 0 : i32
        %dma_wait3A_296 = tpu.memref_slice %arg5[%add3A, %mul3A_146, %dma_wait3A_294, %dma_wait3A_295] : memref<32x100x100x128xf32, #tpu.memory_space<hbm>> -> memref<1x1x100x128xf32, #tpu.memory_space<hbm>>
        %dma_wait3A_297 = tpu.memref_squeeze %dma_wait3A_296 : memref<1x1x100x128xf32, #tpu.memory_space<hbm>> -> memref<100x128xf32, #tpu.memory_space<hbm>>
        tpu.wait_dma2 semaphore(%run_scoped3A_281 : memref<!tpu.dma_semaphore, #tpu.memory_space<semaphore_mem>>) src(%dma_wait3A_297 : memref<100x128xf32, #tpu.memory_space<hbm>>) dst(%arg12 : memref<100x128xf32, #tpu.memory_space<vmem>>)
        tpu.yield
      }) : () -> ()
      %dma_wait3A_181 = arith.constant 0 : i32
      %dma_wait3A_182 = arith.constant 0 : i32
      %dma_wait3A_183 = arith.constant 0 : i32
      %dma_wait3A_184 = tpu.memref_slice %arg11[%dma_wait3A_181, %dma_wait3A_182, %dma_wait3A_183] : memref<2x100x128xf32, #tpu.memory_space<vmem>> -> memref<1x100x128xf32, #tpu.memory_space<vmem>>
      %dma_wait3A_185 = tpu.memref_squeeze %dma_wait3A_184 : memref<1x100x128xf32, #tpu.memory_space<vmem>> -> memref<100x128xf32, #tpu.memory_space<vmem>>
      %dma_wait3A_186 = arith.constant 0 : i32
      %dma_wait3A_187 = arith.constant 0 : i32
      %dma_wait3A_188 = tpu.memref_slice %arg2[%dma_wait3A_186, %dma_wait3A_187] : memref<10000x128xf32, #tpu.memory_space<hbm>> -> memref<10000x128xf32, #tpu.memory_space<hbm>>
      tpu.wait_indirect_dma semaphore(%arg13 : memref<!tpu.dma_semaphore, #tpu.memory_space<semaphore_mem>>) src(%dma_wait3A_188 : memref<10000x128xf32, #tpu.memory_space<hbm>>) dst(%dma_wait3A_185 : memref<100x128xf32, #tpu.memory_space<vmem>>)
      %add3A_189 = arith.constant 1 : i32
      %add3A_190 = arith.addi %mul3A_146, %add3A_189 : i32
      %dma_start3A_191 = arith.constant 0 : i32
      %dma_start3A_192 = tpu.memref_slice %arg3[%add3A, %add3A_190, %dma_start3A_191] : memref<32x100x100xi32, #tpu.memory_space<hbm>> -> memref<1x1x100xi32, #tpu.memory_space<hbm>>
      %dma_start3A_193 = tpu.memref_squeeze %dma_start3A_192 : memref<1x1x100xi32, #tpu.memory_space<hbm>> -> memref<100xi32, #tpu.memory_space<hbm>>
      %dma_start3A_194 = arith.constant 0 : i32
      %dma_start3A_195 = tpu.memref_slice %arg3[%add3A, %add3A_190, %dma_start3A_194] : memref<32x100x100xi32, #tpu.memory_space<hbm>> -> memref<1x1x100xi32, #tpu.memory_space<hbm>>
      %dma_start3A_196 = tpu.memref_squeeze %dma_start3A_195 : memref<1x1x100xi32, #tpu.memory_space<hbm>> -> memref<100xi32, #tpu.memory_space<hbm>>
      tpu.enqueue_dma source(%dma_start3A_196 : memref<100xi32, #tpu.memory_space<hbm>>) target(%arg9 : memref<100xi32, #tpu.memory_space<vmem>>) target_semaphore(%arg14 : memref<!tpu.dma_semaphore, #tpu.memory_space<semaphore_mem>>)
      %scan3A_197 = arith.constant 0 : i32
      %scan3A_198 = arith.constant 0 : i32
      %scan3A_199 = arith.constant 25 : i32
      %scan3A_200 = arith.addi %scan3A_198, %scan3A_199 : i32
      %scan3A_201 = arith.constant 1 : i32
      scf.for %scan3A_281 = %scan3A_198 to %scan3A_200 step %scan3A_201  : i32 {
        %mul3A_282 = arith.constant 4 : i32
        %mul3A_283 = arith.muli %mul3A_282, %scan3A_281 : i32
        %add3A_284 = arith.constant 0 : i32
        %add3A_285 = arith.addi %mul3A_283, %add3A_284 : i32
        %get3A = arith.constant 0 : i32
        %get3A_286 = arith.index_cast %get3A : i32 to index
        %get3A_287 = arith.index_cast %add3A_285 : i32 to index
        %get3A_288 = arith.constant 0 : index
        %get3A_289 = tpu.vector_load %arg11[%get3A_286, %get3A_287, %get3A_288] {strides = array<i32>} : memref<2x100x128xf32, #tpu.memory_space<vmem>>, vector<1x1x16xf32>,
        %get3A_290 = vector.shape_cast %get3A_289 : vector<1x1x16xf32> to vector<16xf32>
        %mul3A_291 = arith.constant 4 : i32
        %mul3A_292 = arith.muli %mul3A_291, %scan3A_281 : i32
        %add3A_293 = arith.constant 0 : i32
        %add3A_294 = arith.addi %mul3A_292, %add3A_293 : i32
        %get3A_295 = arith.index_cast %add3A_294 : i32 to index
        %get3A_296 = arith.constant 0 : index
        %get3A_297 = tpu.vector_load %arg12[%get3A_295, %get3A_296] {strides = array<i32>} : memref<100x128xf32, #tpu.memory_space<vmem>>, vector<1x16xf32>,
        %get3A_298 = vector.shape_cast %get3A_297 : vector<1x16xf32> to vector<16xf32>
        %add3A_299 = arith.addf %get3A_290, %get3A_298 : vector<16xf32>
        %max3A = arith.constant 0.000000e+00 : f32
        %max3A_300 = vector.broadcast %max3A : f32 to vector<16xf32>
        %max3A_301 = arith.maximumf %add3A_299, %max3A_300 : vector<16xf32>
        %mul3A_302 = arith.constant 4 : i32
        %mul3A_303 = arith.muli %mul3A_302, %scan3A_281 : i32
        %add3A_304 = arith.constant 0 : i32
        %add3A_305 = arith.addi %mul3A_303, %add3A_304 : i32
        %swap3A = arith.constant 0 : i32
        %swap3A_306 = arith.index_cast %swap3A : i32 to index
        %swap3A_307 = arith.index_cast %add3A_305 : i32 to index
        %swap3A_308 = arith.constant 0 : index
        %swap3A_309 = tpu.vector_load %arg11[%swap3A_306, %swap3A_307, %swap3A_308] {strides = array<i32>} : memref<2x100x128xf32, #tpu.memory_space<vmem>>, vector<1x1x16xf32>,
        %swap3A_310 = vector.shape_cast %swap3A_309 : vector<1x1x16xf32> to vector<16xf32>
        %swap3A_311 = vector.shape_cast %max3A_301 : vector<16xf32> to vector<1x1x16xf32>
        tpu.vector_store %arg11[%swap3A_306, %swap3A_307, %swap3A_308], %swap3A_311 {strides = array<i32>} : memref<2x100x128xf32, #tpu.memory_space<vmem>>, vector<1x1x16xf32>,
        %mul3A_312 = arith.constant 4 : i32
        %mul3A_313 = arith.muli %mul3A_312, %scan3A_281 : i32
        %add3A_314 = arith.constant 0 : i32
        %add3A_315 = arith.addi %mul3A_313, %add3A_314 : i32
        %get3A_316 = arith.constant 0 : i32
        %get3A_317 = arith.index_cast %get3A_316 : i32 to index
        %get3A_318 = arith.index_cast %add3A_315 : i32 to index
        %get3A_319 = arith.constant 16 : index
        %get3A_320 = tpu.vector_load %arg11[%get3A_317, %get3A_318, %get3A_319] {strides = array<i32>} : memref<2x100x128xf32, #tpu.memory_space<vmem>>, vector<1x1x16xf32>,
        %get3A_321 = vector.shape_cast %get3A_320 : vector<1x1x16xf32> to vector<16xf32>
        %mul3A_322 = arith.constant 4 : i32
        %mul3A_323 = arith.muli %mul3A_322, %scan3A_281 : i32
        %add3A_324 = arith.constant 0 : i32
        %add3A_325 = arith.addi %mul3A_323, %add3A_324 : i32
        %get3A_326 = arith.index_cast %add3A_325 : i32 to index
        %get3A_327 = arith.constant 16 : index
        %get3A_328 = tpu.vector_load %arg12[%get3A_326, %get3A_327] {strides = array<i32>} : memref<100x128xf32, #tpu.memory_space<vmem>>, vector<1x16xf32>,
        %get3A_329 = vector.shape_cast %get3A_328 : vector<1x16xf32> to vector<16xf32>
        %add3A_330 = arith.addf %get3A_321, %get3A_329 : vector<16xf32>
        %max3A_331 = arith.constant 0.000000e+00 : f32
        %max3A_332 = vector.broadcast %max3A_331 : f32 to vector<16xf32>
        %max3A_333 = arith.maximumf %add3A_330, %max3A_332 : vector<16xf32>
        %mul3A_334 = arith.constant 4 : i32
        %mul3A_335 = arith.muli %mul3A_334, %scan3A_281 : i32
        %add3A_336 = arith.constant 0 : i32
        %add3A_337 = arith.addi %mul3A_335, %add3A_336 : i32
        %swap3A_338 = arith.constant 0 : i32
        %swap3A_339 = arith.index_cast %swap3A_338 : i32 to index
        %swap3A_340 = arith.index_cast %add3A_337 : i32 to index
        %swap3A_341 = arith.constant 16 : index
        %swap3A_342 = tpu.vector_load %arg11[%swap3A_339, %swap3A_340, %swap3A_341] {strides = array<i32>} : memref<2x100x128xf32, #tpu.memory_space<vmem>>, vector<1x1x16xf32>,
        %swap3A_343 = vector.shape_cast %swap3A_342 : vector<1x1x16xf32> to vector<16xf32>
        %swap3A_344 = vector.shape_cast %max3A_333 : vector<16xf32> to vector<1x1x16xf32>
        tpu.vector_store %arg11[%swap3A_339, %swap3A_340, %swap3A_341], %swap3A_344 {strides = array<i32>} : memref<2x100x128xf32, #tpu.memory_space<vmem>>, vector<1x1x16xf32>,
        %mul3A_345 = arith.constant 4 : i32
        %mul3A_346 = arith.muli %mul3A_345, %scan3A_281 : i32
        %add3A_347 = arith.constant 0 : i32
        %add3A_348 = arith.addi %mul3A_346, %add3A_347 : i32
        %get3A_349 = arith.constant 0 : i32
        %get3A_350 = arith.index_cast %get3A_349 : i32 to index
        %get3A_351 = arith.index_cast %add3A_348 : i32 to index
        %get3A_352 = arith.constant 32 : index
        %get3A_353 = tpu.vector_load %arg11[%get3A_350, %get3A_351, %get3A_352] {strides = array<i32>} : memref<2x100x128xf32, #tpu.memory_space<vmem>>, vector<1x1x16xf32>,
        %get3A_354 = vector.shape_cast %get3A_353 : vector<1x1x16xf32> to vector<16xf32>
        %mul3A_355 = arith.constant 4 : i32
        %mul3A_356 = arith.muli %mul3A_355, %scan3A_281 : i32
        %add3A_357 = arith.constant 0 : i32
        %add3A_358 = arith.addi %mul3A_356, %add3A_357 : i32
        %get3A_359 = arith.index_cast %add3A_358 : i32 to index
        %get3A_360 = arith.constant 32 : index
        %get3A_361 = tpu.vector_load %arg12[%get3A_359, %get3A_360] {strides = array<i32>} : memref<100x128xf32, #tpu.memory_space<vmem>>, vector<1x16xf32>,
        %get3A_362 = vector.shape_cast %get3A_361 : vector<1x16xf32> to vector<16xf32>
        %add3A_363 = arith.addf %get3A_354, %get3A_362 : vector<16xf32>
        %max3A_364 = arith.constant 0.000000e+00 : f32
        %max3A_365 = vector.broadcast %max3A_364 : f32 to vector<16xf32>
        %max3A_366 = arith.maximumf %add3A_363, %max3A_365 : vector<16xf32>
        %mul3A_367 = arith.constant 4 : i32
        %mul3A_368 = arith.muli %mul3A_367, %scan3A_281 : i32
        %add3A_369 = arith.constant 0 : i32
        %add3A_370 = arith.addi %mul3A_368, %add3A_369 : i32
        %swap3A_371 = arith.constant 0 : i32
        %swap3A_372 = arith.index_cast %swap3A_371 : i32 to index
        %swap3A_373 = arith.index_cast %add3A_370 : i32 to index
        %swap3A_374 = arith.constant 32 : index
        %swap3A_375 = tpu.vector_load %arg11[%swap3A_372, %swap3A_373, %swap3A_374] {strides = array<i32>} : memref<2x100x128xf32, #tpu.memory_space<vmem>>, vector<1x1x16xf32>,
        %swap3A_376 = vector.shape_cast %swap3A_375 : vector<1x1x16xf32> to vector<16xf32>
        %swap3A_377 = vector.shape_cast %max3A_366 : vector<16xf32> to vector<1x1x16xf32>
        tpu.vector_store %arg11[%swap3A_372, %swap3A_373, %swap3A_374], %swap3A_377 {strides = array<i32>} : memref<2x100x128xf32, #tpu.memory_space<vmem>>, vector<1x1x16xf32>,
        %mul3A_378 = arith.constant 4 : i32
        %mul3A_379 = arith.muli %mul3A_378, %scan3A_281 : i32
        %add3A_380 = arith.constant 0 : i32
        %add3A_381 = arith.addi %mul3A_379, %add3A_380 : i32
        %get3A_382 = arith.constant 0 : i32
        %get3A_383 = arith.index_cast %get3A_382 : i32 to index
        %get3A_384 = arith.index_cast %add3A_381 : i32 to index
        %get3A_385 = arith.constant 48 : index
        %get3A_386 = tpu.vector_load %arg11[%get3A_383, %get3A_384, %get3A_385] {strides = array<i32>} : memref<2x100x128xf32, #tpu.memory_space<vmem>>, vector<1x1x16xf32>,
        %get3A_387 = vector.shape_cast %get3A_386 : vector<1x1x16xf32> to vector<16xf32>
        %mul3A_388 = arith.constant 4 : i32
        %mul3A_389 = arith.muli %mul3A_388, %scan3A_281 : i32
        %add3A_390 = arith.constant 0 : i32
        %add3A_391 = arith.addi %mul3A_389, %add3A_390 : i32
        %get3A_392 = arith.index_cast %add3A_391 : i32 to index
        %get3A_393 = arith.constant 48 : index
        %get3A_394 = tpu.vector_load %arg12[%get3A_392, %get3A_393] {strides = array<i32>} : memref<100x128xf32, #tpu.memory_space<vmem>>, vector<1x16xf32>,
        %get3A_395 = vector.shape_cast %get3A_394 : vector<1x16xf32> to vector<16xf32>
        %add3A_396 = arith.addf %get3A_387, %get3A_395 : vector<16xf32>
        %max3A_397 = arith.constant 0.000000e+00 : f32
        %max3A_398 = vector.broadcast %max3A_397 : f32 to vector<16xf32>
        %max3A_399 = arith.maximumf %add3A_396, %max3A_398 : vector<16xf32>
        %mul3A_400 = arith.constant 4 : i32
        %mul3A_401 = arith.muli %mul3A_400, %scan3A_281 : i32
        %add3A_402 = arith.constant 0 : i32
        %add3A_403 = arith.addi %mul3A_401, %add3A_402 : i32
        %swap3A_404 = arith.constant 0 : i32
        %swap3A_405 = arith.index_cast %swap3A_404 : i32 to index
        %swap3A_406 = arith.index_cast %add3A_403 : i32 to index
        %swap3A_407 = arith.constant 48 : index
        %swap3A_408 = tpu.vector_load %arg11[%swap3A_405, %swap3A_406, %swap3A_407] {strides = array<i32>} : memref<2x100x128xf32, #tpu.memory_space<vmem>>, vector<1x1x16xf32>,
        %swap3A_409 = vector.shape_cast %swap3A_408 : vector<1x1x16xf32> to vector<16xf32>
        %swap3A_410 = vector.shape_cast %max3A_399 : vector<16xf32> to vector<1x1x16xf32>
        tpu.vector_store %arg11[%swap3A_405, %swap3A_406, %swap3A_407], %swap3A_410 {strides = array<i32>} : memref<2x100x128xf32, #tpu.memory_space<vmem>>, vector<1x1x16xf32>,
        %mul3A_411 = arith.constant 4 : i32
        %mul3A_412 = arith.muli %mul3A_411, %scan3A_281 : i32
        %add3A_413 = arith.constant 0 : i32
        %add3A_414 = arith.addi %mul3A_412, %add3A_413 : i32
        %get3A_415 = arith.constant 0 : i32
        %get3A_416 = arith.index_cast %get3A_415 : i32 to index
        %get3A_417 = arith.index_cast %add3A_414 : i32 to index
        %get3A_418 = arith.constant 64 : index
        %get3A_419 = tpu.vector_load %arg11[%get3A_416, %get3A_417, %get3A_418] {strides = array<i32>} : memref<2x100x128xf32, #tpu.memory_space<vmem>>, vector<1x1x16xf32>,
        %get3A_420 = vector.shape_cast %get3A_419 : vector<1x1x16xf32> to vector<16xf32>
        %mul3A_421 = arith.constant 4 : i32
        %mul3A_422 = arith.muli %mul3A_421, %scan3A_281 : i32
        %add3A_423 = arith.constant 0 : i32
        %add3A_424 = arith.addi %mul3A_422, %add3A_423 : i32
        %get3A_425 = arith.index_cast %add3A_424 : i32 to index
        %get3A_426 = arith.constant 64 : index
        %get3A_427 = tpu.vector_load %arg12[%get3A_425, %get3A_426] {strides = array<i32>} : memref<100x128xf32, #tpu.memory_space<vmem>>, vector<1x16xf32>,
        %get3A_428 = vector.shape_cast %get3A_427 : vector<1x16xf32> to vector<16xf32>
        %add3A_429 = arith.addf %get3A_420, %get3A_428 : vector<16xf32>
        %max3A_430 = arith.constant 0.000000e+00 : f32
        %max3A_431 = vector.broadcast %max3A_430 : f32 to vector<16xf32>
        %max3A_432 = arith.maximumf %add3A_429, %max3A_431 : vector<16xf32>
        %mul3A_433 = arith.constant 4 : i32
        %mul3A_434 = arith.muli %mul3A_433, %scan3A_281 : i32
        %add3A_435 = arith.constant 0 : i32
        %add3A_436 = arith.addi %mul3A_434, %add3A_435 : i32
        %swap3A_437 = arith.constant 0 : i32
        %swap3A_438 = arith.index_cast %swap3A_437 : i32 to index
        %swap3A_439 = arith.index_cast %add3A_436 : i32 to index
        %swap3A_440 = arith.constant 64 : index
        %swap3A_441 = tpu.vector_load %arg11[%swap3A_438, %swap3A_439, %swap3A_440] {strides = array<i32>} : memref<2x100x128xf32, #tpu.memory_space<vmem>>, vector<1x1x16xf32>,
        %swap3A_442 = vector.shape_cast %swap3A_441 : vector<1x1x16xf32> to vector<16xf32>
        %swap3A_443 = vector.shape_cast %max3A_432 : vector<16xf32> to vector<1x1x16xf32>
        tpu.vector_store %arg11[%swap3A_438, %swap3A_439, %swap3A_440], %swap3A_443 {strides = array<i32>} : memref<2x100x128xf32, #tpu.memory_space<vmem>>, vector<1x1x16xf32>,
        %mul3A_444 = arith.constant 4 : i32
        %mul3A_445 = arith.muli %mul3A_444, %scan3A_281 : i32
        %add3A_446 = arith.constant 0 : i32
        %add3A_447 = arith.addi %mul3A_445, %add3A_446 : i32
        %get3A_448 = arith.constant 0 : i32
        %get3A_449 = arith.index_cast %get3A_448 : i32 to index
        %get3A_450 = arith.index_cast %add3A_447 : i32 to index
        %get3A_451 = arith.constant 80 : index
        %get3A_452 = tpu.vector_load %arg11[%get3A_449, %get3A_450, %get3A_451] {strides = array<i32>} : memref<2x100x128xf32, #tpu.memory_space<vmem>>, vector<1x1x16xf32>,
        %get3A_453 = vector.shape_cast %get3A_452 : vector<1x1x16xf32> to vector<16xf32>
        %mul3A_454 = arith.constant 4 : i32
        %mul3A_455 = arith.muli %mul3A_454, %scan3A_281 : i32
        %add3A_456 = arith.constant 0 : i32
        %add3A_457 = arith.addi %mul3A_455, %add3A_456 : i32
        %get3A_458 = arith.index_cast %add3A_457 : i32 to index
        %get3A_459 = arith.constant 80 : index
        %get3A_460 = tpu.vector_load %arg12[%get3A_458, %get3A_459] {strides = array<i32>} : memref<100x128xf32, #tpu.memory_space<vmem>>, vector<1x16xf32>,
        %get3A_461 = vector.shape_cast %get3A_460 : vector<1x16xf32> to vector<16xf32>
        %add3A_462 = arith.addf %get3A_453, %get3A_461 : vector<16xf32>
        %max3A_463 = arith.constant 0.000000e+00 : f32
        %max3A_464 = vector.broadcast %max3A_463 : f32 to vector<16xf32>
        %max3A_465 = arith.maximumf %add3A_462, %max3A_464 : vector<16xf32>
        %mul3A_466 = arith.constant 4 : i32
        %mul3A_467 = arith.muli %mul3A_466, %scan3A_281 : i32
        %add3A_468 = arith.constant 0 : i32
        %add3A_469 = arith.addi %mul3A_467, %add3A_468 : i32
        %swap3A_470 = arith.constant 0 : i32
        %swap3A_471 = arith.index_cast %swap3A_470 : i32 to index
        %swap3A_472 = arith.index_cast %add3A_469 : i32 to index
        %swap3A_473 = arith.constant 80 : index
        %swap3A_474 = tpu.vector_load %arg11[%swap3A_471, %swap3A_472, %swap3A_473] {strides = array<i32>} : memref<2x100x128xf32, #tpu.memory_space<vmem>>, vector<1x1x16xf32>,
        %swap3A_475 = vector.shape_cast %swap3A_474 : vector<1x1x16xf32> to vector<16xf32>
        %swap3A_476 = vector.shape_cast %max3A_465 : vector<16xf32> to vector<1x1x16xf32>
        tpu.vector_store %arg11[%swap3A_471, %swap3A_472, %swap3A_473], %swap3A_476 {strides = array<i32>} : memref<2x100x128xf32, #tpu.memory_space<vmem>>, vector<1x1x16xf32>,
        %mul3A_477 = arith.constant 4 : i32
        %mul3A_478 = arith.muli %mul3A_477, %scan3A_281 : i32
        %add3A_479 = arith.constant 0 : i32
        %add3A_480 = arith.addi %mul3A_478, %add3A_479 : i32
        %get3A_481 = arith.constant 0 : i32
        %get3A_482 = arith.index_cast %get3A_481 : i32 to index
        %get3A_483 = arith.index_cast %add3A_480 : i32 to index
        %get3A_484 = arith.constant 96 : index
        %get3A_485 = tpu.vector_load %arg11[%get3A_482, %get3A_483, %get3A_484] {strides = array<i32>} : memref<2x100x128xf32, #tpu.memory_space<vmem>>, vector<1x1x16xf32>,
        %get3A_486 = vector.shape_cast %get3A_485 : vector<1x1x16xf32> to vector<16xf32>
        %mul3A_487 = arith.constant 4 : i32
        %mul3A_488 = arith.muli %mul3A_487, %scan3A_281 : i32
        %add3A_489 = arith.constant 0 : i32
        %add3A_490 = arith.addi %mul3A_488, %add3A_489 : i32
        %get3A_491 = arith.index_cast %add3A_490 : i32 to index
        %get3A_492 = arith.constant 96 : index
        %get3A_493 = tpu.vector_load %arg12[%get3A_491, %get3A_492] {strides = array<i32>} : memref<100x128xf32, #tpu.memory_space<vmem>>, vector<1x16xf32>,
        %get3A_494 = vector.shape_cast %get3A_493 : vector<1x16xf32> to vector<16xf32>
        %add3A_495 = arith.addf %get3A_486, %get3A_494 : vector<16xf32>
        %max3A_496 = arith.constant 0.000000e+00 : f32
        %max3A_497 = vector.broadcast %max3A_496 : f32 to vector<16xf32>
        %max3A_498 = arith.maximumf %add3A_495, %max3A_497 : vector<16xf32>
        %mul3A_499 = arith.constant 4 : i32
        %mul3A_500 = arith.muli %mul3A_499, %scan3A_281 : i32
        %add3A_501 = arith.constant 0 : i32
        %add3A_502 = arith.addi %mul3A_500, %add3A_501 : i32
        %swap3A_503 = arith.constant 0 : i32
        %swap3A_504 = arith.index_cast %swap3A_503 : i32 to index
        %swap3A_505 = arith.index_cast %add3A_502 : i32 to index
        %swap3A_506 = arith.constant 96 : index
        %swap3A_507 = tpu.vector_load %arg11[%swap3A_504, %swap3A_505, %swap3A_506] {strides = array<i32>} : memref<2x100x128xf32, #tpu.memory_space<vmem>>, vector<1x1x16xf32>,
        %swap3A_508 = vector.shape_cast %swap3A_507 : vector<1x1x16xf32> to vector<16xf32>
        %swap3A_509 = vector.shape_cast %max3A_498 : vector<16xf32> to vector<1x1x16xf32>
        tpu.vector_store %arg11[%swap3A_504, %swap3A_505, %swap3A_506], %swap3A_509 {strides = array<i32>} : memref<2x100x128xf32, #tpu.memory_space<vmem>>, vector<1x1x16xf32>,
        %mul3A_510 = arith.constant 4 : i32
        %mul3A_511 = arith.muli %mul3A_510, %scan3A_281 : i32
        %add3A_512 = arith.constant 0 : i32
        %add3A_513 = arith.addi %mul3A_511, %add3A_512 : i32
        %get3A_514 = arith.constant 0 : i32
        %get3A_515 = arith.index_cast %get3A_514 : i32 to index
        %get3A_516 = arith.index_cast %add3A_513 : i32 to index
        %get3A_517 = arith.constant 112 : index
        %get3A_518 = tpu.vector_load %arg11[%get3A_515, %get3A_516, %get3A_517] {strides = array<i32>} : memref<2x100x128xf32, #tpu.memory_space<vmem>>, vector<1x1x16xf32>,
        %get3A_519 = vector.shape_cast %get3A_518 : vector<1x1x16xf32> to vector<16xf32>
        %mul3A_520 = arith.constant 4 : i32
        %mul3A_521 = arith.muli %mul3A_520, %scan3A_281 : i32
        %add3A_522 = arith.constant 0 : i32
        %add3A_523 = arith.addi %mul3A_521, %add3A_522 : i32
        %get3A_524 = arith.index_cast %add3A_523 : i32 to index
        %get3A_525 = arith.constant 112 : index
        %get3A_526 = tpu.vector_load %arg12[%get3A_524, %get3A_525] {strides = array<i32>} : memref<100x128xf32, #tpu.memory_space<vmem>>, vector<1x16xf32>,
        %get3A_527 = vector.shape_cast %get3A_526 : vector<1x16xf32> to vector<16xf32>
        %add3A_528 = arith.addf %get3A_519, %get3A_527 : vector<16xf32>
        %max3A_529 = arith.constant 0.000000e+00 : f32
        %max3A_530 = vector.broadcast %max3A_529 : f32 to vector<16xf32>
        %max3A_531 = arith.maximumf %add3A_528, %max3A_530 : vector<16xf32>
        %mul3A_532 = arith.constant 4 : i32
        %mul3A_533 = arith.muli %mul3A_532, %scan3A_281 : i32
        %add3A_534 = arith.constant 0 : i32
        %add3A_535 = arith.addi %mul3A_533, %add3A_534 : i32
        %swap3A_536 = arith.constant 0 : i32
        %swap3A_537 = arith.index_cast %swap3A_536 : i32 to index
        %swap3A_538 = arith.index_cast %add3A_535 : i32 to index
        %swap3A_539 = arith.constant 112 : index
        %swap3A_540 = tpu.vector_load %arg11[%swap3A_537, %swap3A_538, %swap3A_539] {strides = array<i32>} : memref<2x100x128xf32, #tpu.memory_space<vmem>>, vector<1x1x16xf32>,
        %swap3A_541 = vector.shape_cast %swap3A_540 : vector<1x1x16xf32> to vector<16xf32>
        %swap3A_542 = vector.shape_cast %max3A_531 : vector<16xf32> to vector<1x1x16xf32>
        tpu.vector_store %arg11[%swap3A_537, %swap3A_538, %swap3A_539], %swap3A_542 {strides = array<i32>} : memref<2x100x128xf32, #tpu.memory_space<vmem>>, vector<1x1x16xf32>,
        %mul3A_543 = arith.constant 4 : i32
        %mul3A_544 = arith.muli %mul3A_543, %scan3A_281 : i32
        %add3A_545 = arith.constant 1 : i32
        %add3A_546 = arith.addi %mul3A_544, %add3A_545 : i32
        %get3A_547 = arith.constant 0 : i32
        %get3A_548 = arith.index_cast %get3A_547 : i32 to index
        %get3A_549 = arith.index_cast %add3A_546 : i32 to index
        %get3A_550 = arith.constant 0 : index
        %get3A_551 = tpu.vector_load %arg11[%get3A_548, %get3A_549, %get3A_550] {strides = array<i32>} : memref<2x100x128xf32, #tpu.memory_space<vmem>>, vector<1x1x16xf32>,
        %get3A_552 = vector.shape_cast %get3A_551 : vector<1x1x16xf32> to vector<16xf32>
        %mul3A_553 = arith.constant 4 : i32
        %mul3A_554 = arith.muli %mul3A_553, %scan3A_281 : i32
        %add3A_555 = arith.constant 1 : i32
        %add3A_556 = arith.addi %mul3A_554, %add3A_555 : i32
        %get3A_557 = arith.index_cast %add3A_556 : i32 to index
        %get3A_558 = arith.constant 0 : index
        %get3A_559 = tpu.vector_load %arg12[%get3A_557, %get3A_558] {strides = array<i32>} : memref<100x128xf32, #tpu.memory_space<vmem>>, vector<1x16xf32>,
        %get3A_560 = vector.shape_cast %get3A_559 : vector<1x16xf32> to vector<16xf32>
        %add3A_561 = arith.addf %get3A_552, %get3A_560 : vector<16xf32>
        %max3A_562 = arith.constant 0.000000e+00 : f32
        %max3A_563 = vector.broadcast %max3A_562 : f32 to vector<16xf32>
        %max3A_564 = arith.maximumf %add3A_561, %max3A_563 : vector<16xf32>
        %mul3A_565 = arith.constant 4 : i32
        %mul3A_566 = arith.muli %mul3A_565, %scan3A_281 : i32
        %add3A_567 = arith.constant 1 : i32
        %add3A_568 = arith.addi %mul3A_566, %add3A_567 : i32
        %swap3A_569 = arith.constant 0 : i32
        %swap3A_570 = arith.index_cast %swap3A_569 : i32 to index
        %swap3A_571 = arith.index_cast %add3A_568 : i32 to index
        %swap3A_572 = arith.constant 0 : index
        %swap3A_573 = tpu.vector_load %arg11[%swap3A_570, %swap3A_571, %swap3A_572] {strides = array<i32>} : memref<2x100x128xf32, #tpu.memory_space<vmem>>, vector<1x1x16xf32>,
        %swap3A_574 = vector.shape_cast %swap3A_573 : vector<1x1x16xf32> to vector<16xf32>
        %swap3A_575 = vector.shape_cast %max3A_564 : vector<16xf32> to vector<1x1x16xf32>
        tpu.vector_store %arg11[%swap3A_570, %swap3A_571, %swap3A_572], %swap3A_575 {strides = array<i32>} : memref<2x100x128xf32, #tpu.memory_space<vmem>>, vector<1x1x16xf32>,
        %mul3A_576 = arith.constant 4 : i32
        %mul3A_577 = arith.muli %mul3A_576, %scan3A_281 : i32
        %add3A_578 = arith.constant 1 : i32
        %add3A_579 = arith.addi %mul3A_577, %add3A_578 : i32
        %get3A_580 = arith.constant 0 : i32
        %get3A_581 = arith.index_cast %get3A_580 : i32 to index
        %get3A_582 = arith.index_cast %add3A_579 : i32 to index
        %get3A_583 = arith.constant 16 : index
        %get3A_584 = tpu.vector_load %arg11[%get3A_581, %get3A_582, %get3A_583] {strides = array<i32>} : memref<2x100x128xf32, #tpu.memory_space<vmem>>, vector<1x1x16xf32>,
        %get3A_585 = vector.shape_cast %get3A_584 : vector<1x1x16xf32> to vector<16xf32>
        %mul3A_586 = arith.constant 4 : i32
        %mul3A_587 = arith.muli %mul3A_586, %scan3A_281 : i32
        %add3A_588 = arith.constant 1 : i32
        %add3A_589 = arith.addi %mul3A_587, %add3A_588 : i32
        %get3A_590 = arith.index_cast %add3A_589 : i32 to index
        %get3A_591 = arith.constant 16 : index
        %get3A_592 = tpu.vector_load %arg12[%get3A_590, %get3A_591] {strides = array<i32>} : memref<100x128xf32, #tpu.memory_space<vmem>>, vector<1x16xf32>,
        %get3A_593 = vector.shape_cast %get3A_592 : vector<1x16xf32> to vector<16xf32>
        %add3A_594 = arith.addf %get3A_585, %get3A_593 : vector<16xf32>
        %max3A_595 = arith.constant 0.000000e+00 : f32
        %max3A_596 = vector.broadcast %max3A_595 : f32 to vector<16xf32>
        %max3A_597 = arith.maximumf %add3A_594, %max3A_596 : vector<16xf32>
        %mul3A_598 = arith.constant 4 : i32
        %mul3A_599 = arith.muli %mul3A_598, %scan3A_281 : i32
        %add3A_600 = arith.constant 1 : i32
        %add3A_601 = arith.addi %mul3A_599, %add3A_600 : i32
        %swap3A_602 = arith.constant 0 : i32
        %swap3A_603 = arith.index_cast %swap3A_602 : i32 to index
        %swap3A_604 = arith.index_cast %add3A_601 : i32 to index
        %swap3A_605 = arith.constant 16 : index
        %swap3A_606 = tpu.vector_load %arg11[%swap3A_603, %swap3A_604, %swap3A_605] {strides = array<i32>} : memref<2x100x128xf32, #tpu.memory_space<vmem>>, vector<1x1x16xf32>,
        %swap3A_607 = vector.shape_cast %swap3A_606 : vector<1x1x16xf32> to vector<16xf32>
        %swap3A_608 = vector.shape_cast %max3A_597 : vector<16xf32> to vector<1x1x16xf32>
        tpu.vector_store %arg11[%swap3A_603, %swap3A_604, %swap3A_605], %swap3A_608 {strides = array<i32>} : memref<2x100x128xf32, #tpu.memory_space<vmem>>, vector<1x1x16xf32>,
        %mul3A_609 = arith.constant 4 : i32
        %mul3A_610 = arith.muli %mul3A_609, %scan3A_281 : i32
        %add3A_611 = arith.constant 1 : i32
        %add3A_612 = arith.addi %mul3A_610, %add3A_611 : i32
        %get3A_613 = arith.constant 0 : i32
        %get3A_614 = arith.index_cast %get3A_613 : i32 to index
        %get3A_615 = arith.index_cast %add3A_612 : i32 to index
        %get3A_616 = arith.constant 32 : index
        %get3A_617 = tpu.vector_load %arg11[%get3A_614, %get3A_615, %get3A_616] {strides = array<i32>} : memref<2x100x128xf32, #tpu.memory_space<vmem>>, vector<1x1x16xf32>,
        %get3A_618 = vector.shape_cast %get3A_617 : vector<1x1x16xf32> to vector<16xf32>
        %mul3A_619 = arith.constant 4 : i32
        %mul3A_620 = arith.muli %mul3A_619, %scan3A_281 : i32
        %add3A_621 = arith.constant 1 : i32
        %add3A_622 = arith.addi %mul3A_620, %add3A_621 : i32
        %get3A_623 = arith.index_cast %add3A_622 : i32 to index
        %get3A_624 = arith.constant 32 : index
        %get3A_625 = tpu.vector_load %arg12[%get3A_623, %get3A_624] {strides = array<i32>} : memref<100x128xf32, #tpu.memory_space<vmem>>, vector<1x16xf32>,
        %get3A_626 = vector.shape_cast %get3A_625 : vector<1x16xf32> to vector<16xf32>
        %add3A_627 = arith.addf %get3A_618, %get3A_626 : vector<16xf32>
        %max3A_628 = arith.constant 0.000000e+00 : f32
        %max3A_629 = vector.broadcast %max3A_628 : f32 to vector<16xf32>
        %max3A_630 = arith.maximumf %add3A_627, %max3A_629 : vector<16xf32>
        %mul3A_631 = arith.constant 4 : i32
        %mul3A_632 = arith.muli %mul3A_631, %scan3A_281 : i32
        %add3A_633 = arith.constant 1 : i32
        %add3A_634 = arith.addi %mul3A_632, %add3A_633 : i32
        %swap3A_635 = arith.constant 0 : i32
        %swap3A_636 = arith.index_cast %swap3A_635 : i32 to index
        %swap3A_637 = arith.index_cast %add3A_634 : i32 to index
        %swap3A_638 = arith.constant 32 : index
        %swap3A_639 = tpu.vector_load %arg11[%swap3A_636, %swap3A_637, %swap3A_638] {strides = array<i32>} : memref<2x100x128xf32, #tpu.memory_space<vmem>>, vector<1x1x16xf32>,
        %swap3A_640 = vector.shape_cast %swap3A_639 : vector<1x1x16xf32> to vector<16xf32>
        %swap3A_641 = vector.shape_cast %max3A_630 : vector<16xf32> to vector<1x1x16xf32>
        tpu.vector_store %arg11[%swap3A_636, %swap3A_637, %swap3A_638], %swap3A_641 {strides = array<i32>} : memref<2x100x128xf32, #tpu.memory_space<vmem>>, vector<1x1x16xf32>,
        %mul3A_642 = arith.constant 4 : i32
        %mul3A_643 = arith.muli %mul3A_642, %scan3A_281 : i32
        %add3A_644 = arith.constant 1 : i32
        %add3A_645 = arith.addi %mul3A_643, %add3A_644 : i32
        %get3A_646 = arith.constant 0 : i32
        %get3A_647 = arith.index_cast %get3A_646 : i32 to index
        %get3A_648 = arith.index_cast %add3A_645 : i32 to index
        %get3A_649 = arith.constant 48 : index
        %get3A_650 = tpu.vector_load %arg11[%get3A_647, %get3A_648, %get3A_649] {strides = array<i32>} : memref<2x100x128xf32, #tpu.memory_space<vmem>>, vector<1x1x16xf32>,
        %get3A_651 = vector.shape_cast %get3A_650 : vector<1x1x16xf32> to vector<16xf32>
        %mul3A_652 = arith.constant 4 : i32
        %mul3A_653 = arith.muli %mul3A_652, %scan3A_281 : i32
        %add3A_654 = arith.constant 1 : i32
        %add3A_655 = arith.addi %mul3A_653, %add3A_654 : i32
        %get3A_656 = arith.index_cast %add3A_655 : i32 to index
        %get3A_657 = arith.constant 48 : index
        %get3A_658 = tpu.vector_load %arg12[%get3A_656, %get3A_657] {strides = array<i32>} : memref<100x128xf32, #tpu.memory_space<vmem>>, vector<1x16xf32>,
        %get3A_659 = vector.shape_cast %get3A_658 : vector<1x16xf32> to vector<16xf32>
        %add3A_660 = arith.addf %get3A_651, %get3A_659 : vector<16xf32>
        %max3A_661 = arith.constant 0.000000e+00 : f32
        %max3A_662 = vector.broadcast %max3A_661 : f32 to vector<16xf32>
        %max3A_663 = arith.maximumf %add3A_660, %max3A_662 : vector<16xf32>
        %mul3A_664 = arith.constant 4 : i32
        %mul3A_665 = arith.muli %mul3A_664, %scan3A_281 : i32
        %add3A_666 = arith.constant 1 : i32
        %add3A_667 = arith.addi %mul3A_665, %add3A_666 : i32
        %swap3A_668 = arith.constant 0 : i32
        %swap3A_669 = arith.index_cast %swap3A_668 : i32 to index
        %swap3A_670 = arith.index_cast %add3A_667 : i32 to index
        %swap3A_671 = arith.constant 48 : index
        %swap3A_672 = tpu.vector_load %arg11[%swap3A_669, %swap3A_670, %swap3A_671] {strides = array<i32>} : memref<2x100x128xf32, #tpu.memory_space<vmem>>, vector<1x1x16xf32>,
        %swap3A_673 = vector.shape_cast %swap3A_672 : vector<1x1x16xf32> to vector<16xf32>
        %swap3A_674 = vector.shape_cast %max3A_663 : vector<16xf32> to vector<1x1x16xf32>
        tpu.vector_store %arg11[%swap3A_669, %swap3A_670, %swap3A_671], %swap3A_674 {strides = array<i32>} : memref<2x100x128xf32, #tpu.memory_space<vmem>>, vector<1x1x16xf32>,
        %mul3A_675 = arith.constant 4 : i32
        %mul3A_676 = arith.muli %mul3A_675, %scan3A_281 : i32
        %add3A_677 = arith.constant 1 : i32
        %add3A_678 = arith.addi %mul3A_676, %add3A_677 : i32
        %get3A_679 = arith.constant 0 : i32
        %get3A_680 = arith.index_cast %get3A_679 : i32 to index
        %get3A_681 = arith.index_cast %add3A_678 : i32 to index
        %get3A_682 = arith.constant 64 : index
        %get3A_683 = tpu.vector_load %arg11[%get3A_680, %get3A_681, %get3A_682] {strides = array<i32>} : memref<2x100x128xf32, #tpu.memory_space<vmem>>, vector<1x1x16xf32>,
        %get3A_684 = vector.shape_cast %get3A_683 : vector<1x1x16xf32> to vector<16xf32>
        %mul3A_685 = arith.constant 4 : i32
        %mul3A_686 = arith.muli %mul3A_685, %scan3A_281 : i32
        %add3A_687 = arith.constant 1 : i32
        %add3A_688 = arith.addi %mul3A_686, %add3A_687 : i32
        %get3A_689 = arith.index_cast %add3A_688 : i32 to index
        %get3A_690 = arith.constant 64 : index
        %get3A_691 = tpu.vector_load %arg12[%get3A_689, %get3A_690] {strides = array<i32>} : memref<100x128xf32, #tpu.memory_space<vmem>>, vector<1x16xf32>,
        %get3A_692 = vector.shape_cast %get3A_691 : vector<1x16xf32> to vector<16xf32>
        %add3A_693 = arith.addf %get3A_684, %get3A_692 : vector<16xf32>
        %max3A_694 = arith.constant 0.000000e+00 : f32
        %max3A_695 = vector.broadcast %max3A_694 : f32 to vector<16xf32>
        %max3A_696 = arith.maximumf %add3A_693, %max3A_695 : vector<16xf32>
        %mul3A_697 = arith.constant 4 : i32
        %mul3A_698 = arith.muli %mul3A_697, %scan3A_281 : i32
        %add3A_699 = arith.constant 1 : i32
        %add3A_700 = arith.addi %mul3A_698, %add3A_699 : i32
        %swap3A_701 = arith.constant 0 : i32
        %swap3A_702 = arith.index_cast %swap3A_701 : i32 to index
        %swap3A_703 = arith.index_cast %add3A_700 : i32 to index
        %swap3A_704 = arith.constant 64 : index
        %swap3A_705 = tpu.vector_load %arg11[%swap3A_702, %swap3A_703, %swap3A_704] {strides = array<i32>} : memref<2x100x128xf32, #tpu.memory_space<vmem>>, vector<1x1x16xf32>,
        %swap3A_706 = vector.shape_cast %swap3A_705 : vector<1x1x16xf32> to vector<16xf32>
        %swap3A_707 = vector.shape_cast %max3A_696 : vector<16xf32> to vector<1x1x16xf32>
        tpu.vector_store %arg11[%swap3A_702, %swap3A_703, %swap3A_704], %swap3A_707 {strides = array<i32>} : memref<2x100x128xf32, #tpu.memory_space<vmem>>, vector<1x1x16xf32>,
        %mul3A_708 = arith.constant 4 : i32
        %mul3A_709 = arith.muli %mul3A_708, %scan3A_281 : i32
        %add3A_710 = arith.constant 1 : i32
        %add3A_711 = arith.addi %mul3A_709, %add3A_710 : i32
        %get3A_712 = arith.constant 0 : i32
        %get3A_713 = arith.index_cast %get3A_712 : i32 to index
        %get3A_714 = arith.index_cast %add3A_711 : i32 to index
        %get3A_715 = arith.constant 80 : index
        %get3A_716 = tpu.vector_load %arg11[%get3A_713, %get3A_714, %get3A_715] {strides = array<i32>} : memref<2x100x128xf32, #tpu.memory_space<vmem>>, vector<1x1x16xf32>,
        %get3A_717 = vector.shape_cast %get3A_716 : vector<1x1x16xf32> to vector<16xf32>
        %mul3A_718 = arith.constant 4 : i32
        %mul3A_719 = arith.muli %mul3A_718, %scan3A_281 : i32
        %add3A_720 = arith.constant 1 : i32
        %add3A_721 = arith.addi %mul3A_719, %add3A_720 : i32
        %get3A_722 = arith.index_cast %add3A_721 : i32 to index
        %get3A_723 = arith.constant 80 : index
        %get3A_724 = tpu.vector_load %arg12[%get3A_722, %get3A_723] {strides = array<i32>} : memref<100x128xf32, #tpu.memory_space<vmem>>, vector<1x16xf32>,
        %get3A_725 = vector.shape_cast %get3A_724 : vector<1x16xf32> to vector<16xf32>
        %add3A_726 = arith.addf %get3A_717, %get3A_725 : vector<16xf32>
        %max3A_727 = arith.constant 0.000000e+00 : f32
        %max3A_728 = vector.broadcast %max3A_727 : f32 to vector<16xf32>
        %max3A_729 = arith.maximumf %add3A_726, %max3A_728 : vector<16xf32>
        %mul3A_730 = arith.constant 4 : i32
        %mul3A_731 = arith.muli %mul3A_730, %scan3A_281 : i32
        %add3A_732 = arith.constant 1 : i32
        %add3A_733 = arith.addi %mul3A_731, %add3A_732 : i32
        %swap3A_734 = arith.constant 0 : i32
        %swap3A_735 = arith.index_cast %swap3A_734 : i32 to index
        %swap3A_736 = arith.index_cast %add3A_733 : i32 to index
        %swap3A_737 = arith.constant 80 : index
        %swap3A_738 = tpu.vector_load %arg11[%swap3A_735, %swap3A_736, %swap3A_737] {strides = array<i32>} : memref<2x100x128xf32, #tpu.memory_space<vmem>>, vector<1x1x16xf32>,
        %swap3A_739 = vector.shape_cast %swap3A_738 : vector<1x1x16xf32> to vector<16xf32>
        %swap3A_740 = vector.shape_cast %max3A_729 : vector<16xf32> to vector<1x1x16xf32>
        tpu.vector_store %arg11[%swap3A_735, %swap3A_736, %swap3A_737], %swap3A_740 {strides = array<i32>} : memref<2x100x128xf32, #tpu.memory_space<vmem>>, vector<1x1x16xf32>,
        %mul3A_741 = arith.constant 4 : i32
        %mul3A_742 = arith.muli %mul3A_741, %scan3A_281 : i32
        %add3A_743 = arith.constant 1 : i32
        %add3A_744 = arith.addi %mul3A_742, %add3A_743 : i32
        %get3A_745 = arith.constant 0 : i32
        %get3A_746 = arith.index_cast %get3A_745 : i32 to index
        %get3A_747 = arith.index_cast %add3A_744 : i32 to index
        %get3A_748 = arith.constant 96 : index
        %get3A_749 = tpu.vector_load %arg11[%get3A_746, %get3A_747, %get3A_748] {strides = array<i32>} : memref<2x100x128xf32, #tpu.memory_space<vmem>>, vector<1x1x16xf32>,
        %get3A_750 = vector.shape_cast %get3A_749 : vector<1x1x16xf32> to vector<16xf32>
        %mul3A_751 = arith.constant 4 : i32
        %mul3A_752 = arith.muli %mul3A_751, %scan3A_281 : i32
        %add3A_753 = arith.constant 1 : i32
        %add3A_754 = arith.addi %mul3A_752, %add3A_753 : i32
        %get3A_755 = arith.index_cast %add3A_754 : i32 to index
        %get3A_756 = arith.constant 96 : index
        %get3A_757 = tpu.vector_load %arg12[%get3A_755, %get3A_756] {strides = array<i32>} : memref<100x128xf32, #tpu.memory_space<vmem>>, vector<1x16xf32>,
        %get3A_758 = vector.shape_cast %get3A_757 : vector<1x16xf32> to vector<16xf32>
        %add3A_759 = arith.addf %get3A_750, %get3A_758 : vector<16xf32>
        %max3A_760 = arith.constant 0.000000e+00 : f32
        %max3A_761 = vector.broadcast %max3A_760 : f32 to vector<16xf32>
        %max3A_762 = arith.maximumf %add3A_759, %max3A_761 : vector<16xf32>
        %mul3A_763 = arith.constant 4 : i32
        %mul3A_764 = arith.muli %mul3A_763, %scan3A_281 : i32
        %add3A_765 = arith.constant 1 : i32
        %add3A_766 = arith.addi %mul3A_764, %add3A_765 : i32
        %swap3A_767 = arith.constant 0 : i32
        %swap3A_768 = arith.index_cast %swap3A_767 : i32 to index
        %swap3A_769 = arith.index_cast %add3A_766 : i32 to index
        %swap3A_770 = arith.constant 96 : index
        %swap3A_771 = tpu.vector_load %arg11[%swap3A_768, %swap3A_769, %swap3A_770] {strides = array<i32>} : memref<2x100x128xf32, #tpu.memory_space<vmem>>, vector<1x1x16xf32>,
        %swap3A_772 = vector.shape_cast %swap3A_771 : vector<1x1x16xf32> to vector<16xf32>
        %swap3A_773 = vector.shape_cast %max3A_762 : vector<16xf32> to vector<1x1x16xf32>
        tpu.vector_store %arg11[%swap3A_768, %swap3A_769, %swap3A_770], %swap3A_773 {strides = array<i32>} : memref<2x100x128xf32, #tpu.memory_space<vmem>>, vector<1x1x16xf32>,
        %mul3A_774 = arith.constant 4 : i32
        %mul3A_775 = arith.muli %mul3A_774, %scan3A_281 : i32
        %add3A_776 = arith.constant 1 : i32
        %add3A_777 = arith.addi %mul3A_775, %add3A_776 : i32
        %get3A_778 = arith.constant 0 : i32
        %get3A_779 = arith.index_cast %get3A_778 : i32 to index
        %get3A_780 = arith.index_cast %add3A_777 : i32 to index
        %get3A_781 = arith.constant 112 : index
        %get3A_782 = tpu.vector_load %arg11[%get3A_779, %get3A_780, %get3A_781] {strides = array<i32>} : memref<2x100x128xf32, #tpu.memory_space<vmem>>, vector<1x1x16xf32>,
        %get3A_783 = vector.shape_cast %get3A_782 : vector<1x1x16xf32> to vector<16xf32>
        %mul3A_784 = arith.constant 4 : i32
        %mul3A_785 = arith.muli %mul3A_784, %scan3A_281 : i32
        %add3A_786 = arith.constant 1 : i32
        %add3A_787 = arith.addi %mul3A_785, %add3A_786 : i32
        %get3A_788 = arith.index_cast %add3A_787 : i32 to index
        %get3A_789 = arith.constant 112 : index
        %get3A_790 = tpu.vector_load %arg12[%get3A_788, %get3A_789] {strides = array<i32>} : memref<100x128xf32, #tpu.memory_space<vmem>>, vector<1x16xf32>,
        %get3A_791 = vector.shape_cast %get3A_790 : vector<1x16xf32> to vector<16xf32>
        %add3A_792 = arith.addf %get3A_783, %get3A_791 : vector<16xf32>
        %max3A_793 = arith.constant 0.000000e+00 : f32
        %max3A_794 = vector.broadcast %max3A_793 : f32 to vector<16xf32>
        %max3A_795 = arith.maximumf %add3A_792, %max3A_794 : vector<16xf32>
        %mul3A_796 = arith.constant 4 : i32
        %mul3A_797 = arith.muli %mul3A_796, %scan3A_281 : i32
        %add3A_798 = arith.constant 1 : i32
        %add3A_799 = arith.addi %mul3A_797, %add3A_798 : i32
        %swap3A_800 = arith.constant 0 : i32
        %swap3A_801 = arith.index_cast %swap3A_800 : i32 to index
        %swap3A_802 = arith.index_cast %add3A_799 : i32 to index
        %swap3A_803 = arith.constant 112 : index
        %swap3A_804 = tpu.vector_load %arg11[%swap3A_801, %swap3A_802, %swap3A_803] {strides = array<i32>} : memref<2x100x128xf32, #tpu.memory_space<vmem>>, vector<1x1x16xf32>,
        %swap3A_805 = vector.shape_cast %swap3A_804 : vector<1x1x16xf32> to vector<16xf32>
        %swap3A_806 = vector.shape_cast %max3A_795 : vector<16xf32> to vector<1x1x16xf32>
        tpu.vector_store %arg11[%swap3A_801, %swap3A_802, %swap3A_803], %swap3A_806 {strides = array<i32>} : memref<2x100x128xf32, #tpu.memory_space<vmem>>, vector<1x1x16xf32>,
        %mul3A_807 = arith.constant 4 : i32
        %mul3A_808 = arith.muli %mul3A_807, %scan3A_281 : i32
        %add3A_809 = arith.constant 2 : i32
        %add3A_810 = arith.addi %mul3A_808, %add3A_809 : i32
        %get3A_811 = arith.constant 0 : i32
        %get3A_812 = arith.index_cast %get3A_811 : i32 to index
        %get3A_813 = arith.index_cast %add3A_810 : i32 to index
        %get3A_814 = arith.constant 0 : index
        %get3A_815 = tpu.vector_load %arg11[%get3A_812, %get3A_813, %get3A_814] {strides = array<i32>} : memref<2x100x128xf32, #tpu.memory_space<vmem>>, vector<1x1x16xf32>,
        %get3A_816 = vector.shape_cast %get3A_815 : vector<1x1x16xf32> to vector<16xf32>
        %mul3A_817 = arith.constant 4 : i32
        %mul3A_818 = arith.muli %mul3A_817, %scan3A_281 : i32
        %add3A_819 = arith.constant 2 : i32
        %add3A_820 = arith.addi %mul3A_818, %add3A_819 : i32
        %get3A_821 = arith.index_cast %add3A_820 : i32 to index
        %get3A_822 = arith.constant 0 : index
        %get3A_823 = tpu.vector_load %arg12[%get3A_821, %get3A_822] {strides = array<i32>} : memref<100x128xf32, #tpu.memory_space<vmem>>, vector<1x16xf32>,
        %get3A_824 = vector.shape_cast %get3A_823 : vector<1x16xf32> to vector<16xf32>
        %add3A_825 = arith.addf %get3A_816, %get3A_824 : vector<16xf32>
        %max3A_826 = arith.constant 0.000000e+00 : f32
        %max3A_827 = vector.broadcast %max3A_826 : f32 to vector<16xf32>
        %max3A_828 = arith.maximumf %add3A_825, %max3A_827 : vector<16xf32>
        %mul3A_829 = arith.constant 4 : i32
        %mul3A_830 = arith.muli %mul3A_829, %scan3A_281 : i32
        %add3A_831 = arith.constant 2 : i32
        %add3A_832 = arith.addi %mul3A_830, %add3A_831 : i32
        %swap3A_833 = arith.constant 0 : i32
        %swap3A_834 = arith.index_cast %swap3A_833 : i32 to index
        %swap3A_835 = arith.index_cast %add3A_832 : i32 to index
        %swap3A_836 = arith.constant 0 : index
        %swap3A_837 = tpu.vector_load %arg11[%swap3A_834, %swap3A_835, %swap3A_836] {strides = array<i32>} : memref<2x100x128xf32, #tpu.memory_space<vmem>>, vector<1x1x16xf32>,
        %swap3A_838 = vector.shape_cast %swap3A_837 : vector<1x1x16xf32> to vector<16xf32>
        %swap3A_839 = vector.shape_cast %max3A_828 : vector<16xf32> to vector<1x1x16xf32>
        tpu.vector_store %arg11[%swap3A_834, %swap3A_835, %swap3A_836], %swap3A_839 {strides = array<i32>} : memref<2x100x128xf32, #tpu.memory_space<vmem>>, vector<1x1x16xf32>,
        %mul3A_840 = arith.constant 4 : i32
        %mul3A_841 = arith.muli %mul3A_840, %scan3A_281 : i32
        %add3A_842 = arith.constant 2 : i32
        %add3A_843 = arith.addi %mul3A_841, %add3A_842 : i32
        %get3A_844 = arith.constant 0 : i32
        %get3A_845 = arith.index_cast %get3A_844 : i32 to index
        %get3A_846 = arith.index_cast %add3A_843 : i32 to index
        %get3A_847 = arith.constant 16 : index
        %get3A_848 = tpu.vector_load %arg11[%get3A_845, %get3A_846, %get3A_847] {strides = array<i32>} : memref<2x100x128xf32, #tpu.memory_space<vmem>>, vector<1x1x16xf32>,
        %get3A_849 = vector.shape_cast %get3A_848 : vector<1x1x16xf32> to vector<16xf32>
        %mul3A_850 = arith.constant 4 : i32
        %mul3A_851 = arith.muli %mul3A_850, %scan3A_281 : i32
        %add3A_852 = arith.constant 2 : i32
        %add3A_853 = arith.addi %mul3A_851, %add3A_852 : i32
        %get3A_854 = arith.index_cast %add3A_853 : i32 to index
        %get3A_855 = arith.constant 16 : index
        %get3A_856 = tpu.vector_load %arg12[%get3A_854, %get3A_855] {strides = array<i32>} : memref<100x128xf32, #tpu.memory_space<vmem>>, vector<1x16xf32>,
        %get3A_857 = vector.shape_cast %get3A_856 : vector<1x16xf32> to vector<16xf32>
        %add3A_858 = arith.addf %get3A_849, %get3A_857 : vector<16xf32>
        %max3A_859 = arith.constant 0.000000e+00 : f32
        %max3A_860 = vector.broadcast %max3A_859 : f32 to vector<16xf32>
        %max3A_861 = arith.maximumf %add3A_858, %max3A_860 : vector<16xf32>
        %mul3A_862 = arith.constant 4 : i32
        %mul3A_863 = arith.muli %mul3A_862, %scan3A_281 : i32
        %add3A_864 = arith.constant 2 : i32
        %add3A_865 = arith.addi %mul3A_863, %add3A_864 : i32
        %swap3A_866 = arith.constant 0 : i32
        %swap3A_867 = arith.index_cast %swap3A_866 : i32 to index
        %swap3A_868 = arith.index_cast %add3A_865 : i32 to index
        %swap3A_869 = arith.constant 16 : index
        %swap3A_870 = tpu.vector_load %arg11[%swap3A_867, %swap3A_868, %swap3A_869] {strides = array<i32>} : memref<2x100x128xf32, #tpu.memory_space<vmem>>, vector<1x1x16xf32>,
        %swap3A_871 = vector.shape_cast %swap3A_870 : vector<1x1x16xf32> to vector<16xf32>
        %swap3A_872 = vector.shape_cast %max3A_861 : vector<16xf32> to vector<1x1x16xf32>
        tpu.vector_store %arg11[%swap3A_867, %swap3A_868, %swap3A_869], %swap3A_872 {strides = array<i32>} : memref<2x100x128xf32, #tpu.memory_space<vmem>>, vector<1x1x16xf32>,
        %mul3A_873 = arith.constant 4 : i32
        %mul3A_874 = arith.muli %mul3A_873, %scan3A_281 : i32
        %add3A_875 = arith.constant 2 : i32
        %add3A_876 = arith.addi %mul3A_874, %add3A_875 : i32
        %get3A_877 = arith.constant 0 : i32
        %get3A_878 = arith.index_cast %get3A_877 : i32 to index
        %get3A_879 = arith.index_cast %add3A_876 : i32 to index
        %get3A_880 = arith.constant 32 : index
        %get3A_881 = tpu.vector_load %arg11[%get3A_878, %get3A_879, %get3A_880] {strides = array<i32>} : memref<2x100x128xf32, #tpu.memory_space<vmem>>, vector<1x1x16xf32>,
        %get3A_882 = vector.shape_cast %get3A_881 : vector<1x1x16xf32> to vector<16xf32>
        %mul3A_883 = arith.constant 4 : i32
        %mul3A_884 = arith.muli %mul3A_883, %scan3A_281 : i32
        %add3A_885 = arith.constant 2 : i32
        %add3A_886 = arith.addi %mul3A_884, %add3A_885 : i32
        %get3A_887 = arith.index_cast %add3A_886 : i32 to index
        %get3A_888 = arith.constant 32 : index
        %get3A_889 = tpu.vector_load %arg12[%get3A_887, %get3A_888] {strides = array<i32>} : memref<100x128xf32, #tpu.memory_space<vmem>>, vector<1x16xf32>,
        %get3A_890 = vector.shape_cast %get3A_889 : vector<1x16xf32> to vector<16xf32>
        %add3A_891 = arith.addf %get3A_882, %get3A_890 : vector<16xf32>
        %max3A_892 = arith.constant 0.000000e+00 : f32
        %max3A_893 = vector.broadcast %max3A_892 : f32 to vector<16xf32>
        %max3A_894 = arith.maximumf %add3A_891, %max3A_893 : vector<16xf32>
        %mul3A_895 = arith.constant 4 : i32
        %mul3A_896 = arith.muli %mul3A_895, %scan3A_281 : i32
        %add3A_897 = arith.constant 2 : i32
        %add3A_898 = arith.addi %mul3A_896, %add3A_897 : i32
        %swap3A_899 = arith.constant 0 : i32
        %swap3A_900 = arith.index_cast %swap3A_899 : i32 to index
        %swap3A_901 = arith.index_cast %add3A_898 : i32 to index
        %swap3A_902 = arith.constant 32 : index
        %swap3A_903 = tpu.vector_load %arg11[%swap3A_900, %swap3A_901, %swap3A_902] {strides = array<i32>} : memref<2x100x128xf32, #tpu.memory_space<vmem>>, vector<1x1x16xf32>,
        %swap3A_904 = vector.shape_cast %swap3A_903 : vector<1x1x16xf32> to vector<16xf32>
        %swap3A_905 = vector.shape_cast %max3A_894 : vector<16xf32> to vector<1x1x16xf32>
        tpu.vector_store %arg11[%swap3A_900, %swap3A_901, %swap3A_902], %swap3A_905 {strides = array<i32>} : memref<2x100x128xf32, #tpu.memory_space<vmem>>, vector<1x1x16xf32>,
        %mul3A_906 = arith.constant 4 : i32
        %mul3A_907 = arith.muli %mul3A_906, %scan3A_281 : i32
        %add3A_908 = arith.constant 2 : i32
        %add3A_909 = arith.addi %mul3A_907, %add3A_908 : i32
        %get3A_910 = arith.constant 0 : i32
        %get3A_911 = arith.index_cast %get3A_910 : i32 to index
        %get3A_912 = arith.index_cast %add3A_909 : i32 to index
        %get3A_913 = arith.constant 48 : index
        %get3A_914 = tpu.vector_load %arg11[%get3A_911, %get3A_912, %get3A_913] {strides = array<i32>} : memref<2x100x128xf32, #tpu.memory_space<vmem>>, vector<1x1x16xf32>,
        %get3A_915 = vector.shape_cast %get3A_914 : vector<1x1x16xf32> to vector<16xf32>
        %mul3A_916 = arith.constant 4 : i32
        %mul3A_917 = arith.muli %mul3A_916, %scan3A_281 : i32
        %add3A_918 = arith.constant 2 : i32
        %add3A_919 = arith.addi %mul3A_917, %add3A_918 : i32
        %get3A_920 = arith.index_cast %add3A_919 : i32 to index
        %get3A_921 = arith.constant 48 : index
        %get3A_922 = tpu.vector_load %arg12[%get3A_920, %get3A_921] {strides = array<i32>} : memref<100x128xf32, #tpu.memory_space<vmem>>, vector<1x16xf32>,
        %get3A_923 = vector.shape_cast %get3A_922 : vector<1x16xf32> to vector<16xf32>
        %add3A_924 = arith.addf %get3A_915, %get3A_923 : vector<16xf32>
        %max3A_925 = arith.constant 0.000000e+00 : f32
        %max3A_926 = vector.broadcast %max3A_925 : f32 to vector<16xf32>
        %max3A_927 = arith.maximumf %add3A_924, %max3A_926 : vector<16xf32>
        %mul3A_928 = arith.constant 4 : i32
        %mul3A_929 = arith.muli %mul3A_928, %scan3A_281 : i32
        %add3A_930 = arith.constant 2 : i32
        %add3A_931 = arith.addi %mul3A_929, %add3A_930 : i32
        %swap3A_932 = arith.constant 0 : i32
        %swap3A_933 = arith.index_cast %swap3A_932 : i32 to index
        %swap3A_934 = arith.index_cast %add3A_931 : i32 to index
        %swap3A_935 = arith.constant 48 : index
        %swap3A_936 = tpu.vector_load %arg11[%swap3A_933, %swap3A_934, %swap3A_935] {strides = array<i32>} : memref<2x100x128xf32, #tpu.memory_space<vmem>>, vector<1x1x16xf32>,
        %swap3A_937 = vector.shape_cast %swap3A_936 : vector<1x1x16xf32> to vector<16xf32>
        %swap3A_938 = vector.shape_cast %max3A_927 : vector<16xf32> to vector<1x1x16xf32>
        tpu.vector_store %arg11[%swap3A_933, %swap3A_934, %swap3A_935], %swap3A_938 {strides = array<i32>} : memref<2x100x128xf32, #tpu.memory_space<vmem>>, vector<1x1x16xf32>,
        %mul3A_939 = arith.constant 4 : i32
        %mul3A_940 = arith.muli %mul3A_939, %scan3A_281 : i32
        %add3A_941 = arith.constant 2 : i32
        %add3A_942 = arith.addi %mul3A_940, %add3A_941 : i32
        %get3A_943 = arith.constant 0 : i32
        %get3A_944 = arith.index_cast %get3A_943 : i32 to index
        %get3A_945 = arith.index_cast %add3A_942 : i32 to index
        %get3A_946 = arith.constant 64 : index
        %get3A_947 = tpu.vector_load %arg11[%get3A_944, %get3A_945, %get3A_946] {strides = array<i32>} : memref<2x100x128xf32, #tpu.memory_space<vmem>>, vector<1x1x16xf32>,
        %get3A_948 = vector.shape_cast %get3A_947 : vector<1x1x16xf32> to vector<16xf32>
        %mul3A_949 = arith.constant 4 : i32
        %mul3A_950 = arith.muli %mul3A_949, %scan3A_281 : i32
        %add3A_951 = arith.constant 2 : i32
        %add3A_952 = arith.addi %mul3A_950, %add3A_951 : i32
        %get3A_953 = arith.index_cast %add3A_952 : i32 to index
        %get3A_954 = arith.constant 64 : index
        %get3A_955 = tpu.vector_load %arg12[%get3A_953, %get3A_954] {strides = array<i32>} : memref<100x128xf32, #tpu.memory_space<vmem>>, vector<1x16xf32>,
        %get3A_956 = vector.shape_cast %get3A_955 : vector<1x16xf32> to vector<16xf32>
        %add3A_957 = arith.addf %get3A_948, %get3A_956 : vector<16xf32>
        %max3A_958 = arith.constant 0.000000e+00 : f32
        %max3A_959 = vector.broadcast %max3A_958 : f32 to vector<16xf32>
        %max3A_960 = arith.maximumf %add3A_957, %max3A_959 : vector<16xf32>
        %mul3A_961 = arith.constant 4 : i32
        %mul3A_962 = arith.muli %mul3A_961, %scan3A_281 : i32
        %add3A_963 = arith.constant 2 : i32
        %add3A_964 = arith.addi %mul3A_962, %add3A_963 : i32
        %swap3A_965 = arith.constant 0 : i32
        %swap3A_966 = arith.index_cast %swap3A_965 : i32 to index
        %swap3A_967 = arith.index_cast %add3A_964 : i32 to index
        %swap3A_968 = arith.constant 64 : index
        %swap3A_969 = tpu.vector_load %arg11[%swap3A_966, %swap3A_967, %swap3A_968] {strides = array<i32>} : memref<2x100x128xf32, #tpu.memory_space<vmem>>, vector<1x1x16xf32>,
        %swap3A_970 = vector.shape_cast %swap3A_969 : vector<1x1x16xf32> to vector<16xf32>
        %swap3A_971 = vector.shape_cast %max3A_960 : vector<16xf32> to vector<1x1x16xf32>
        tpu.vector_store %arg11[%swap3A_966, %swap3A_967, %swap3A_968], %swap3A_971 {strides = array<i32>} : memref<2x100x128xf32, #tpu.memory_space<vmem>>, vector<1x1x16xf32>,
        %mul3A_972 = arith.constant 4 : i32
        %mul3A_973 = arith.muli %mul3A_972, %scan3A_281 : i32
        %add3A_974 = arith.constant 2 : i32
        %add3A_975 = arith.addi %mul3A_973, %add3A_974 : i32
        %get3A_976 = arith.constant 0 : i32
        %get3A_977 = arith.index_cast %get3A_976 : i32 to index
        %get3A_978 = arith.index_cast %add3A_975 : i32 to index
        %get3A_979 = arith.constant 80 : index
        %get3A_980 = tpu.vector_load %arg11[%get3A_977, %get3A_978, %get3A_979] {strides = array<i32>} : memref<2x100x128xf32, #tpu.memory_space<vmem>>, vector<1x1x16xf32>,
        %get3A_981 = vector.shape_cast %get3A_980 : vector<1x1x16xf32> to vector<16xf32>
        %mul3A_982 = arith.constant 4 : i32
        %mul3A_983 = arith.muli %mul3A_982, %scan3A_281 : i32
        %add3A_984 = arith.constant 2 : i32
        %add3A_985 = arith.addi %mul3A_983, %add3A_984 : i32
        %get3A_986 = arith.index_cast %add3A_985 : i32 to index
        %get3A_987 = arith.constant 80 : index
        %get3A_988 = tpu.vector_load %arg12[%get3A_986, %get3A_987] {strides = array<i32>} : memref<100x128xf32, #tpu.memory_space<vmem>>, vector<1x16xf32>,
        %get3A_989 = vector.shape_cast %get3A_988 : vector<1x16xf32> to vector<16xf32>
        %add3A_990 = arith.addf %get3A_981, %get3A_989 : vector<16xf32>
        %max3A_991 = arith.constant 0.000000e+00 : f32
        %max3A_992 = vector.broadcast %max3A_991 : f32 to vector<16xf32>
        %max3A_993 = arith.maximumf %add3A_990, %max3A_992 : vector<16xf32>
        %mul3A_994 = arith.constant 4 : i32
        %mul3A_995 = arith.muli %mul3A_994, %scan3A_281 : i32
        %add3A_996 = arith.constant 2 : i32
        %add3A_997 = arith.addi %mul3A_995, %add3A_996 : i32
        %swap3A_998 = arith.constant 0 : i32
        %swap3A_999 = arith.index_cast %swap3A_998 : i32 to index
        %swap3A_1000 = arith.index_cast %add3A_997 : i32 to index
        %swap3A_1001 = arith.constant 80 : index
        %swap3A_1002 = tpu.vector_load %arg11[%swap3A_999, %swap3A_1000, %swap3A_1001] {strides = array<i32>} : memref<2x100x128xf32, #tpu.memory_space<vmem>>, vector<1x1x16xf32>,
        %swap3A_1003 = vector.shape_cast %swap3A_1002 : vector<1x1x16xf32> to vector<16xf32>
        %swap3A_1004 = vector.shape_cast %max3A_993 : vector<16xf32> to vector<1x1x16xf32>
        tpu.vector_store %arg11[%swap3A_999, %swap3A_1000, %swap3A_1001], %swap3A_1004 {strides = array<i32>} : memref<2x100x128xf32, #tpu.memory_space<vmem>>, vector<1x1x16xf32>,
        %mul3A_1005 = arith.constant 4 : i32
        %mul3A_1006 = arith.muli %mul3A_1005, %scan3A_281 : i32
        %add3A_1007 = arith.constant 2 : i32
        %add3A_1008 = arith.addi %mul3A_1006, %add3A_1007 : i32
        %get3A_1009 = arith.constant 0 : i32
        %get3A_1010 = arith.index_cast %get3A_1009 : i32 to index
        %get3A_1011 = arith.index_cast %add3A_1008 : i32 to index
        %get3A_1012 = arith.constant 96 : index
        %get3A_1013 = tpu.vector_load %arg11[%get3A_1010, %get3A_1011, %get3A_1012] {strides = array<i32>} : memref<2x100x128xf32, #tpu.memory_space<vmem>>, vector<1x1x16xf32>,
        %get3A_1014 = vector.shape_cast %get3A_1013 : vector<1x1x16xf32> to vector<16xf32>
        %mul3A_1015 = arith.constant 4 : i32
        %mul3A_1016 = arith.muli %mul3A_1015, %scan3A_281 : i32
        %add3A_1017 = arith.constant 2 : i32
        %add3A_1018 = arith.addi %mul3A_1016, %add3A_1017 : i32
        %get3A_1019 = arith.index_cast %add3A_1018 : i32 to index
        %get3A_1020 = arith.constant 96 : index
        %get3A_1021 = tpu.vector_load %arg12[%get3A_1019, %get3A_1020] {strides = array<i32>} : memref<100x128xf32, #tpu.memory_space<vmem>>, vector<1x16xf32>,
        %get3A_1022 = vector.shape_cast %get3A_1021 : vector<1x16xf32> to vector<16xf32>
        %add3A_1023 = arith.addf %get3A_1014, %get3A_1022 : vector<16xf32>
        %max3A_1024 = arith.constant 0.000000e+00 : f32
        %max3A_1025 = vector.broadcast %max3A_1024 : f32 to vector<16xf32>
        %max3A_1026 = arith.maximumf %add3A_1023, %max3A_1025 : vector<16xf32>
        %mul3A_1027 = arith.constant 4 : i32
        %mul3A_1028 = arith.muli %mul3A_1027, %scan3A_281 : i32
        %add3A_1029 = arith.constant 2 : i32
        %add3A_1030 = arith.addi %mul3A_1028, %add3A_1029 : i32
        %swap3A_1031 = arith.constant 0 : i32
        %swap3A_1032 = arith.index_cast %swap3A_1031 : i32 to index
        %swap3A_1033 = arith.index_cast %add3A_1030 : i32 to index
        %swap3A_1034 = arith.constant 96 : index
        %swap3A_1035 = tpu.vector_load %arg11[%swap3A_1032, %swap3A_1033, %swap3A_1034] {strides = array<i32>} : memref<2x100x128xf32, #tpu.memory_space<vmem>>, vector<1x1x16xf32>,
        %swap3A_1036 = vector.shape_cast %swap3A_1035 : vector<1x1x16xf32> to vector<16xf32>
        %swap3A_1037 = vector.shape_cast %max3A_1026 : vector<16xf32> to vector<1x1x16xf32>
        tpu.vector_store %arg11[%swap3A_1032, %swap3A_1033, %swap3A_1034], %swap3A_1037 {strides = array<i32>} : memref<2x100x128xf32, #tpu.memory_space<vmem>>, vector<1x1x16xf32>,
        %mul3A_1038 = arith.constant 4 : i32
        %mul3A_1039 = arith.muli %mul3A_1038, %scan3A_281 : i32
        %add3A_1040 = arith.constant 2 : i32
        %add3A_1041 = arith.addi %mul3A_1039, %add3A_1040 : i32
        %get3A_1042 = arith.constant 0 : i32
        %get3A_1043 = arith.index_cast %get3A_1042 : i32 to index
        %get3A_1044 = arith.index_cast %add3A_1041 : i32 to index
        %get3A_1045 = arith.constant 112 : index
        %get3A_1046 = tpu.vector_load %arg11[%get3A_1043, %get3A_1044, %get3A_1045] {strides = array<i32>} : memref<2x100x128xf32, #tpu.memory_space<vmem>>, vector<1x1x16xf32>,
        %get3A_1047 = vector.shape_cast %get3A_1046 : vector<1x1x16xf32> to vector<16xf32>
        %mul3A_1048 = arith.constant 4 : i32
        %mul3A_1049 = arith.muli %mul3A_1048, %scan3A_281 : i32
        %add3A_1050 = arith.constant 2 : i32
        %add3A_1051 = arith.addi %mul3A_1049, %add3A_1050 : i32
        %get3A_1052 = arith.index_cast %add3A_1051 : i32 to index
        %get3A_1053 = arith.constant 112 : index
        %get3A_1054 = tpu.vector_load %arg12[%get3A_1052, %get3A_1053] {strides = array<i32>} : memref<100x128xf32, #tpu.memory_space<vmem>>, vector<1x16xf32>,
        %get3A_1055 = vector.shape_cast %get3A_1054 : vector<1x16xf32> to vector<16xf32>
        %add3A_1056 = arith.addf %get3A_1047, %get3A_1055 : vector<16xf32>
        %max3A_1057 = arith.constant 0.000000e+00 : f32
        %max3A_1058 = vector.broadcast %max3A_1057 : f32 to vector<16xf32>
        %max3A_1059 = arith.maximumf %add3A_1056, %max3A_1058 : vector<16xf32>
        %mul3A_1060 = arith.constant 4 : i32
        %mul3A_1061 = arith.muli %mul3A_1060, %scan3A_281 : i32
        %add3A_1062 = arith.constant 2 : i32
        %add3A_1063 = arith.addi %mul3A_1061, %add3A_1062 : i32
        %swap3A_1064 = arith.constant 0 : i32
        %swap3A_1065 = arith.index_cast %swap3A_1064 : i32 to index
        %swap3A_1066 = arith.index_cast %add3A_1063 : i32 to index
        %swap3A_1067 = arith.constant 112 : index
        %swap3A_1068 = tpu.vector_load %arg11[%swap3A_1065, %swap3A_1066, %swap3A_1067] {strides = array<i32>} : memref<2x100x128xf32, #tpu.memory_space<vmem>>, vector<1x1x16xf32>,
        %swap3A_1069 = vector.shape_cast %swap3A_1068 : vector<1x1x16xf32> to vector<16xf32>
        %swap3A_1070 = vector.shape_cast %max3A_1059 : vector<16xf32> to vector<1x1x16xf32>
        tpu.vector_store %arg11[%swap3A_1065, %swap3A_1066, %swap3A_1067], %swap3A_1070 {strides = array<i32>} : memref<2x100x128xf32, #tpu.memory_space<vmem>>, vector<1x1x16xf32>,
        %mul3A_1071 = arith.constant 4 : i32
        %mul3A_1072 = arith.muli %mul3A_1071, %scan3A_281 : i32
        %add3A_1073 = arith.constant 3 : i32
        %add3A_1074 = arith.addi %mul3A_1072, %add3A_1073 : i32
        %get3A_1075 = arith.constant 0 : i32
        %get3A_1076 = arith.index_cast %get3A_1075 : i32 to index
        %get3A_1077 = arith.index_cast %add3A_1074 : i32 to index
        %get3A_1078 = arith.constant 0 : index
        %get3A_1079 = tpu.vector_load %arg11[%get3A_1076, %get3A_1077, %get3A_1078] {strides = array<i32>} : memref<2x100x128xf32, #tpu.memory_space<vmem>>, vector<1x1x16xf32>,
        %get3A_1080 = vector.shape_cast %get3A_1079 : vector<1x1x16xf32> to vector<16xf32>
        %mul3A_1081 = arith.constant 4 : i32
        %mul3A_1082 = arith.muli %mul3A_1081, %scan3A_281 : i32
        %add3A_1083 = arith.constant 3 : i32
        %add3A_1084 = arith.addi %mul3A_1082, %add3A_1083 : i32
        %get3A_1085 = arith.index_cast %add3A_1084 : i32 to index
        %get3A_1086 = arith.constant 0 : index
        %get3A_1087 = tpu.vector_load %arg12[%get3A_1085, %get3A_1086] {strides = array<i32>} : memref<100x128xf32, #tpu.memory_space<vmem>>, vector<1x16xf32>,
        %get3A_1088 = vector.shape_cast %get3A_1087 : vector<1x16xf32> to vector<16xf32>
        %add3A_1089 = arith.addf %get3A_1080, %get3A_1088 : vector<16xf32>
        %max3A_1090 = arith.constant 0.000000e+00 : f32
        %max3A_1091 = vector.broadcast %max3A_1090 : f32 to vector<16xf32>
        %max3A_1092 = arith.maximumf %add3A_1089, %max3A_1091 : vector<16xf32>
        %mul3A_1093 = arith.constant 4 : i32
        %mul3A_1094 = arith.muli %mul3A_1093, %scan3A_281 : i32
        %add3A_1095 = arith.constant 3 : i32
        %add3A_1096 = arith.addi %mul3A_1094, %add3A_1095 : i32
        %swap3A_1097 = arith.constant 0 : i32
        %swap3A_1098 = arith.index_cast %swap3A_1097 : i32 to index
        %swap3A_1099 = arith.index_cast %add3A_1096 : i32 to index
        %swap3A_1100 = arith.constant 0 : index
        %swap3A_1101 = tpu.vector_load %arg11[%swap3A_1098, %swap3A_1099, %swap3A_1100] {strides = array<i32>} : memref<2x100x128xf32, #tpu.memory_space<vmem>>, vector<1x1x16xf32>,
        %swap3A_1102 = vector.shape_cast %swap3A_1101 : vector<1x1x16xf32> to vector<16xf32>
        %swap3A_1103 = vector.shape_cast %max3A_1092 : vector<16xf32> to vector<1x1x16xf32>
        tpu.vector_store %arg11[%swap3A_1098, %swap3A_1099, %swap3A_1100], %swap3A_1103 {strides = array<i32>} : memref<2x100x128xf32, #tpu.memory_space<vmem>>, vector<1x1x16xf32>,
        %mul3A_1104 = arith.constant 4 : i32
        %mul3A_1105 = arith.muli %mul3A_1104, %scan3A_281 : i32
        %add3A_1106 = arith.constant 3 : i32
        %add3A_1107 = arith.addi %mul3A_1105, %add3A_1106 : i32
        %get3A_1108 = arith.constant 0 : i32
        %get3A_1109 = arith.index_cast %get3A_1108 : i32 to index
        %get3A_1110 = arith.index_cast %add3A_1107 : i32 to index
        %get3A_1111 = arith.constant 16 : index
        %get3A_1112 = tpu.vector_load %arg11[%get3A_1109, %get3A_1110, %get3A_1111] {strides = array<i32>} : memref<2x100x128xf32, #tpu.memory_space<vmem>>, vector<1x1x16xf32>,
        %get3A_1113 = vector.shape_cast %get3A_1112 : vector<1x1x16xf32> to vector<16xf32>
        %mul3A_1114 = arith.constant 4 : i32
        %mul3A_1115 = arith.muli %mul3A_1114, %scan3A_281 : i32
        %add3A_1116 = arith.constant 3 : i32
        %add3A_1117 = arith.addi %mul3A_1115, %add3A_1116 : i32
        %get3A_1118 = arith.index_cast %add3A_1117 : i32 to index
        %get3A_1119 = arith.constant 16 : index
        %get3A_1120 = tpu.vector_load %arg12[%get3A_1118, %get3A_1119] {strides = array<i32>} : memref<100x128xf32, #tpu.memory_space<vmem>>, vector<1x16xf32>,
        %get3A_1121 = vector.shape_cast %get3A_1120 : vector<1x16xf32> to vector<16xf32>
        %add3A_1122 = arith.addf %get3A_1113, %get3A_1121 : vector<16xf32>
        %max3A_1123 = arith.constant 0.000000e+00 : f32
        %max3A_1124 = vector.broadcast %max3A_1123 : f32 to vector<16xf32>
        %max3A_1125 = arith.maximumf %add3A_1122, %max3A_1124 : vector<16xf32>
        %mul3A_1126 = arith.constant 4 : i32
        %mul3A_1127 = arith.muli %mul3A_1126, %scan3A_281 : i32
        %add3A_1128 = arith.constant 3 : i32
        %add3A_1129 = arith.addi %mul3A_1127, %add3A_1128 : i32
        %swap3A_1130 = arith.constant 0 : i32
        %swap3A_1131 = arith.index_cast %swap3A_1130 : i32 to index
        %swap3A_1132 = arith.index_cast %add3A_1129 : i32 to index
        %swap3A_1133 = arith.constant 16 : index
        %swap3A_1134 = tpu.vector_load %arg11[%swap3A_1131, %swap3A_1132, %swap3A_1133] {strides = array<i32>} : memref<2x100x128xf32, #tpu.memory_space<vmem>>, vector<1x1x16xf32>,
        %swap3A_1135 = vector.shape_cast %swap3A_1134 : vector<1x1x16xf32> to vector<16xf32>
        %swap3A_1136 = vector.shape_cast %max3A_1125 : vector<16xf32> to vector<1x1x16xf32>
        tpu.vector_store %arg11[%swap3A_1131, %swap3A_1132, %swap3A_1133], %swap3A_1136 {strides = array<i32>} : memref<2x100x128xf32, #tpu.memory_space<vmem>>, vector<1x1x16xf32>,
        %mul3A_1137 = arith.constant 4 : i32
        %mul3A_1138 = arith.muli %mul3A_1137, %scan3A_281 : i32
        %add3A_1139 = arith.constant 3 : i32
        %add3A_1140 = arith.addi %mul3A_1138, %add3A_1139 : i32
        %get3A_1141 = arith.constant 0 : i32
        %get3A_1142 = arith.index_cast %get3A_1141 : i32 to index
        %get3A_1143 = arith.index_cast %add3A_1140 : i32 to index
        %get3A_1144 = arith.constant 32 : index
        %get3A_1145 = tpu.vector_load %arg11[%get3A_1142, %get3A_1143, %get3A_1144] {strides = array<i32>} : memref<2x100x128xf32, #tpu.memory_space<vmem>>, vector<1x1x16xf32>,
        %get3A_1146 = vector.shape_cast %get3A_1145 : vector<1x1x16xf32> to vector<16xf32>
        %mul3A_1147 = arith.constant 4 : i32
        %mul3A_1148 = arith.muli %mul3A_1147, %scan3A_281 : i32
        %add3A_1149 = arith.constant 3 : i32
        %add3A_1150 = arith.addi %mul3A_1148, %add3A_1149 : i32
        %get3A_1151 = arith.index_cast %add3A_1150 : i32 to index
        %get3A_1152 = arith.constant 32 : index
        %get3A_1153 = tpu.vector_load %arg12[%get3A_1151, %get3A_1152] {strides = array<i32>} : memref<100x128xf32, #tpu.memory_space<vmem>>, vector<1x16xf32>,
        %get3A_1154 = vector.shape_cast %get3A_1153 : vector<1x16xf32> to vector<16xf32>
        %add3A_1155 = arith.addf %get3A_1146, %get3A_1154 : vector<16xf32>
        %max3A_1156 = arith.constant 0.000000e+00 : f32
        %max3A_1157 = vector.broadcast %max3A_1156 : f32 to vector<16xf32>
        %max3A_1158 = arith.maximumf %add3A_1155, %max3A_1157 : vector<16xf32>
        %mul3A_1159 = arith.constant 4 : i32
        %mul3A_1160 = arith.muli %mul3A_1159, %scan3A_281 : i32
        %add3A_1161 = arith.constant 3 : i32
        %add3A_1162 = arith.addi %mul3A_1160, %add3A_1161 : i32
        %swap3A_1163 = arith.constant 0 : i32
        %swap3A_1164 = arith.index_cast %swap3A_1163 : i32 to index
        %swap3A_1165 = arith.index_cast %add3A_1162 : i32 to index
        %swap3A_1166 = arith.constant 32 : index
        %swap3A_1167 = tpu.vector_load %arg11[%swap3A_1164, %swap3A_1165, %swap3A_1166] {strides = array<i32>} : memref<2x100x128xf32, #tpu.memory_space<vmem>>, vector<1x1x16xf32>,
        %swap3A_1168 = vector.shape_cast %swap3A_1167 : vector<1x1x16xf32> to vector<16xf32>
        %swap3A_1169 = vector.shape_cast %max3A_1158 : vector<16xf32> to vector<1x1x16xf32>
        tpu.vector_store %arg11[%swap3A_1164, %swap3A_1165, %swap3A_1166], %swap3A_1169 {strides = array<i32>} : memref<2x100x128xf32, #tpu.memory_space<vmem>>, vector<1x1x16xf32>,
        %mul3A_1170 = arith.constant 4 : i32
        %mul3A_1171 = arith.muli %mul3A_1170, %scan3A_281 : i32
        %add3A_1172 = arith.constant 3 : i32
        %add3A_1173 = arith.addi %mul3A_1171, %add3A_1172 : i32
        %get3A_1174 = arith.constant 0 : i32
        %get3A_1175 = arith.index_cast %get3A_1174 : i32 to index
        %get3A_1176 = arith.index_cast %add3A_1173 : i32 to index
        %get3A_1177 = arith.constant 48 : index
        %get3A_1178 = tpu.vector_load %arg11[%get3A_1175, %get3A_1176, %get3A_1177] {strides = array<i32>} : memref<2x100x128xf32, #tpu.memory_space<vmem>>, vector<1x1x16xf32>,
        %get3A_1179 = vector.shape_cast %get3A_1178 : vector<1x1x16xf32> to vector<16xf32>
        %mul3A_1180 = arith.constant 4 : i32
        %mul3A_1181 = arith.muli %mul3A_1180, %scan3A_281 : i32
        %add3A_1182 = arith.constant 3 : i32
        %add3A_1183 = arith.addi %mul3A_1181, %add3A_1182 : i32
        %get3A_1184 = arith.index_cast %add3A_1183 : i32 to index
        %get3A_1185 = arith.constant 48 : index
        %get3A_1186 = tpu.vector_load %arg12[%get3A_1184, %get3A_1185] {strides = array<i32>} : memref<100x128xf32, #tpu.memory_space<vmem>>, vector<1x16xf32>,
        %get3A_1187 = vector.shape_cast %get3A_1186 : vector<1x16xf32> to vector<16xf32>
        %add3A_1188 = arith.addf %get3A_1179, %get3A_1187 : vector<16xf32>
        %max3A_1189 = arith.constant 0.000000e+00 : f32
        %max3A_1190 = vector.broadcast %max3A_1189 : f32 to vector<16xf32>
        %max3A_1191 = arith.maximumf %add3A_1188, %max3A_1190 : vector<16xf32>
        %mul3A_1192 = arith.constant 4 : i32
        %mul3A_1193 = arith.muli %mul3A_1192, %scan3A_281 : i32
        %add3A_1194 = arith.constant 3 : i32
        %add3A_1195 = arith.addi %mul3A_1193, %add3A_1194 : i32
        %swap3A_1196 = arith.constant 0 : i32
        %swap3A_1197 = arith.index_cast %swap3A_1196 : i32 to index
        %swap3A_1198 = arith.index_cast %add3A_1195 : i32 to index
        %swap3A_1199 = arith.constant 48 : index
        %swap3A_1200 = tpu.vector_load %arg11[%swap3A_1197, %swap3A_1198, %swap3A_1199] {strides = array<i32>} : memref<2x100x128xf32, #tpu.memory_space<vmem>>, vector<1x1x16xf32>,
        %swap3A_1201 = vector.shape_cast %swap3A_1200 : vector<1x1x16xf32> to vector<16xf32>
        %swap3A_1202 = vector.shape_cast %max3A_1191 : vector<16xf32> to vector<1x1x16xf32>
        tpu.vector_store %arg11[%swap3A_1197, %swap3A_1198, %swap3A_1199], %swap3A_1202 {strides = array<i32>} : memref<2x100x128xf32, #tpu.memory_space<vmem>>, vector<1x1x16xf32>,
        %mul3A_1203 = arith.constant 4 : i32
        %mul3A_1204 = arith.muli %mul3A_1203, %scan3A_281 : i32
        %add3A_1205 = arith.constant 3 : i32
        %add3A_1206 = arith.addi %mul3A_1204, %add3A_1205 : i32
        %get3A_1207 = arith.constant 0 : i32
        %get3A_1208 = arith.index_cast %get3A_1207 : i32 to index
        %get3A_1209 = arith.index_cast %add3A_1206 : i32 to index
        %get3A_1210 = arith.constant 64 : index
        %get3A_1211 = tpu.vector_load %arg11[%get3A_1208, %get3A_1209, %get3A_1210] {strides = array<i32>} : memref<2x100x128xf32, #tpu.memory_space<vmem>>, vector<1x1x16xf32>,
        %get3A_1212 = vector.shape_cast %get3A_1211 : vector<1x1x16xf32> to vector<16xf32>
        %mul3A_1213 = arith.constant 4 : i32
        %mul3A_1214 = arith.muli %mul3A_1213, %scan3A_281 : i32
        %add3A_1215 = arith.constant 3 : i32
        %add3A_1216 = arith.addi %mul3A_1214, %add3A_1215 : i32
        %get3A_1217 = arith.index_cast %add3A_1216 : i32 to index
        %get3A_1218 = arith.constant 64 : index
        %get3A_1219 = tpu.vector_load %arg12[%get3A_1217, %get3A_1218] {strides = array<i32>} : memref<100x128xf32, #tpu.memory_space<vmem>>, vector<1x16xf32>,
        %get3A_1220 = vector.shape_cast %get3A_1219 : vector<1x16xf32> to vector<16xf32>
        %add3A_1221 = arith.addf %get3A_1212, %get3A_1220 : vector<16xf32>
        %max3A_1222 = arith.constant 0.000000e+00 : f32
        %max3A_1223 = vector.broadcast %max3A_1222 : f32 to vector<16xf32>
        %max3A_1224 = arith.maximumf %add3A_1221, %max3A_1223 : vector<16xf32>
        %mul3A_1225 = arith.constant 4 : i32
        %mul3A_1226 = arith.muli %mul3A_1225, %scan3A_281 : i32
        %add3A_1227 = arith.constant 3 : i32
        %add3A_1228 = arith.addi %mul3A_1226, %add3A_1227 : i32
        %swap3A_1229 = arith.constant 0 : i32
        %swap3A_1230 = arith.index_cast %swap3A_1229 : i32 to index
        %swap3A_1231 = arith.index_cast %add3A_1228 : i32 to index
        %swap3A_1232 = arith.constant 64 : index
        %swap3A_1233 = tpu.vector_load %arg11[%swap3A_1230, %swap3A_1231, %swap3A_1232] {strides = array<i32>} : memref<2x100x128xf32, #tpu.memory_space<vmem>>, vector<1x1x16xf32>,
        %swap3A_1234 = vector.shape_cast %swap3A_1233 : vector<1x1x16xf32> to vector<16xf32>
        %swap3A_1235 = vector.shape_cast %max3A_1224 : vector<16xf32> to vector<1x1x16xf32>
        tpu.vector_store %arg11[%swap3A_1230, %swap3A_1231, %swap3A_1232], %swap3A_1235 {strides = array<i32>} : memref<2x100x128xf32, #tpu.memory_space<vmem>>, vector<1x1x16xf32>,
        %mul3A_1236 = arith.constant 4 : i32
        %mul3A_1237 = arith.muli %mul3A_1236, %scan3A_281 : i32
        %add3A_1238 = arith.constant 3 : i32
        %add3A_1239 = arith.addi %mul3A_1237, %add3A_1238 : i32
        %get3A_1240 = arith.constant 0 : i32
        %get3A_1241 = arith.index_cast %get3A_1240 : i32 to index
        %get3A_1242 = arith.index_cast %add3A_1239 : i32 to index
        %get3A_1243 = arith.constant 80 : index
        %get3A_1244 = tpu.vector_load %arg11[%get3A_1241, %get3A_1242, %get3A_1243] {strides = array<i32>} : memref<2x100x128xf32, #tpu.memory_space<vmem>>, vector<1x1x16xf32>,
        %get3A_1245 = vector.shape_cast %get3A_1244 : vector<1x1x16xf32> to vector<16xf32>
        %mul3A_1246 = arith.constant 4 : i32
        %mul3A_1247 = arith.muli %mul3A_1246, %scan3A_281 : i32
        %add3A_1248 = arith.constant 3 : i32
        %add3A_1249 = arith.addi %mul3A_1247, %add3A_1248 : i32
        %get3A_1250 = arith.index_cast %add3A_1249 : i32 to index
        %get3A_1251 = arith.constant 80 : index
        %get3A_1252 = tpu.vector_load %arg12[%get3A_1250, %get3A_1251] {strides = array<i32>} : memref<100x128xf32, #tpu.memory_space<vmem>>, vector<1x16xf32>,
        %get3A_1253 = vector.shape_cast %get3A_1252 : vector<1x16xf32> to vector<16xf32>
        %add3A_1254 = arith.addf %get3A_1245, %get3A_1253 : vector<16xf32>
        %max3A_1255 = arith.constant 0.000000e+00 : f32
        %max3A_1256 = vector.broadcast %max3A_1255 : f32 to vector<16xf32>
        %max3A_1257 = arith.maximumf %add3A_1254, %max3A_1256 : vector<16xf32>
        %mul3A_1258 = arith.constant 4 : i32
        %mul3A_1259 = arith.muli %mul3A_1258, %scan3A_281 : i32
        %add3A_1260 = arith.constant 3 : i32
        %add3A_1261 = arith.addi %mul3A_1259, %add3A_1260 : i32
        %swap3A_1262 = arith.constant 0 : i32
        %swap3A_1263 = arith.index_cast %swap3A_1262 : i32 to index
        %swap3A_1264 = arith.index_cast %add3A_1261 : i32 to index
        %swap3A_1265 = arith.constant 80 : index
        %swap3A_1266 = tpu.vector_load %arg11[%swap3A_1263, %swap3A_1264, %swap3A_1265] {strides = array<i32>} : memref<2x100x128xf32, #tpu.memory_space<vmem>>, vector<1x1x16xf32>,
        %swap3A_1267 = vector.shape_cast %swap3A_1266 : vector<1x1x16xf32> to vector<16xf32>
        %swap3A_1268 = vector.shape_cast %max3A_1257 : vector<16xf32> to vector<1x1x16xf32>
        tpu.vector_store %arg11[%swap3A_1263, %swap3A_1264, %swap3A_1265], %swap3A_1268 {strides = array<i32>} : memref<2x100x128xf32, #tpu.memory_space<vmem>>, vector<1x1x16xf32>,
        %mul3A_1269 = arith.constant 4 : i32
        %mul3A_1270 = arith.muli %mul3A_1269, %scan3A_281 : i32
        %add3A_1271 = arith.constant 3 : i32
        %add3A_1272 = arith.addi %mul3A_1270, %add3A_1271 : i32
        %get3A_1273 = arith.constant 0 : i32
        %get3A_1274 = arith.index_cast %get3A_1273 : i32 to index
        %get3A_1275 = arith.index_cast %add3A_1272 : i32 to index
        %get3A_1276 = arith.constant 96 : index
        %get3A_1277 = tpu.vector_load %arg11[%get3A_1274, %get3A_1275, %get3A_1276] {strides = array<i32>} : memref<2x100x128xf32, #tpu.memory_space<vmem>>, vector<1x1x16xf32>,
        %get3A_1278 = vector.shape_cast %get3A_1277 : vector<1x1x16xf32> to vector<16xf32>
        %mul3A_1279 = arith.constant 4 : i32
        %mul3A_1280 = arith.muli %mul3A_1279, %scan3A_281 : i32
        %add3A_1281 = arith.constant 3 : i32
        %add3A_1282 = arith.addi %mul3A_1280, %add3A_1281 : i32
        %get3A_1283 = arith.index_cast %add3A_1282 : i32 to index
        %get3A_1284 = arith.constant 96 : index
        %get3A_1285 = tpu.vector_load %arg12[%get3A_1283, %get3A_1284] {strides = array<i32>} : memref<100x128xf32, #tpu.memory_space<vmem>>, vector<1x16xf32>,
        %get3A_1286 = vector.shape_cast %get3A_1285 : vector<1x16xf32> to vector<16xf32>
        %add3A_1287 = arith.addf %get3A_1278, %get3A_1286 : vector<16xf32>
        %max3A_1288 = arith.constant 0.000000e+00 : f32
        %max3A_1289 = vector.broadcast %max3A_1288 : f32 to vector<16xf32>
        %max3A_1290 = arith.maximumf %add3A_1287, %max3A_1289 : vector<16xf32>
        %mul3A_1291 = arith.constant 4 : i32
        %mul3A_1292 = arith.muli %mul3A_1291, %scan3A_281 : i32
        %add3A_1293 = arith.constant 3 : i32
        %add3A_1294 = arith.addi %mul3A_1292, %add3A_1293 : i32
        %swap3A_1295 = arith.constant 0 : i32
        %swap3A_1296 = arith.index_cast %swap3A_1295 : i32 to index
        %swap3A_1297 = arith.index_cast %add3A_1294 : i32 to index
        %swap3A_1298 = arith.constant 96 : index
        %swap3A_1299 = tpu.vector_load %arg11[%swap3A_1296, %swap3A_1297, %swap3A_1298] {strides = array<i32>} : memref<2x100x128xf32, #tpu.memory_space<vmem>>, vector<1x1x16xf32>,
        %swap3A_1300 = vector.shape_cast %swap3A_1299 : vector<1x1x16xf32> to vector<16xf32>
        %swap3A_1301 = vector.shape_cast %max3A_1290 : vector<16xf32> to vector<1x1x16xf32>
        tpu.vector_store %arg11[%swap3A_1296, %swap3A_1297, %swap3A_1298], %swap3A_1301 {strides = array<i32>} : memref<2x100x128xf32, #tpu.memory_space<vmem>>, vector<1x1x16xf32>,
        %mul3A_1302 = arith.constant 4 : i32
        %mul3A_1303 = arith.muli %mul3A_1302, %scan3A_281 : i32
        %add3A_1304 = arith.constant 3 : i32
        %add3A_1305 = arith.addi %mul3A_1303, %add3A_1304 : i32
        %get3A_1306 = arith.constant 0 : i32
        %get3A_1307 = arith.index_cast %get3A_1306 : i32 to index
        %get3A_1308 = arith.index_cast %add3A_1305 : i32 to index
        %get3A_1309 = arith.constant 112 : index
        %get3A_1310 = tpu.vector_load %arg11[%get3A_1307, %get3A_1308, %get3A_1309] {strides = array<i32>} : memref<2x100x128xf32, #tpu.memory_space<vmem>>, vector<1x1x16xf32>,
        %get3A_1311 = vector.shape_cast %get3A_1310 : vector<1x1x16xf32> to vector<16xf32>
        %mul3A_1312 = arith.constant 4 : i32
        %mul3A_1313 = arith.muli %mul3A_1312, %scan3A_281 : i32
        %add3A_1314 = arith.constant 3 : i32
        %add3A_1315 = arith.addi %mul3A_1313, %add3A_1314 : i32
        %get3A_1316 = arith.index_cast %add3A_1315 : i32 to index
        %get3A_1317 = arith.constant 112 : index
        %get3A_1318 = tpu.vector_load %arg12[%get3A_1316, %get3A_1317] {strides = array<i32>} : memref<100x128xf32, #tpu.memory_space<vmem>>, vector<1x16xf32>,
        %get3A_1319 = vector.shape_cast %get3A_1318 : vector<1x16xf32> to vector<16xf32>
        %add3A_1320 = arith.addf %get3A_1311, %get3A_1319 : vector<16xf32>
        %max3A_1321 = arith.constant 0.000000e+00 : f32
        %max3A_1322 = vector.broadcast %max3A_1321 : f32 to vector<16xf32>
        %max3A_1323 = arith.maximumf %add3A_1320, %max3A_1322 : vector<16xf32>
        %mul3A_1324 = arith.constant 4 : i32
        %mul3A_1325 = arith.muli %mul3A_1324, %scan3A_281 : i32
        %add3A_1326 = arith.constant 3 : i32
        %add3A_1327 = arith.addi %mul3A_1325, %add3A_1326 : i32
        %swap3A_1328 = arith.constant 0 : i32
        %swap3A_1329 = arith.index_cast %swap3A_1328 : i32 to index
        %swap3A_1330 = arith.index_cast %add3A_1327 : i32 to index
        %swap3A_1331 = arith.constant 112 : index
        %swap3A_1332 = tpu.vector_load %arg11[%swap3A_1329, %swap3A_1330, %swap3A_1331] {strides = array<i32>} : memref<2x100x128xf32, #tpu.memory_space<vmem>>, vector<1x1x16xf32>,
        %swap3A_1333 = vector.shape_cast %swap3A_1332 : vector<1x1x16xf32> to vector<16xf32>
        %swap3A_1334 = vector.shape_cast %max3A_1323 : vector<16xf32> to vector<1x1x16xf32>
        tpu.vector_store %arg11[%swap3A_1329, %swap3A_1330, %swap3A_1331], %swap3A_1334 {strides = array<i32>} : memref<2x100x128xf32, #tpu.memory_space<vmem>>, vector<1x1x16xf32>,
      }
      %scan3A_202 = arith.constant 25 : i32
      %dma_start3A_203 = arith.constant 0 : i32
      %dma_start3A_204 = arith.constant 0 : i32
      %dma_start3A_205 = arith.constant 0 : i32
      %dma_start3A_206 = arith.constant 0 : i32
      %dma_start3A_207 = tpu.memref_slice %arg11[%dma_start3A_203, %dma_start3A_205, %dma_start3A_206] : memref<2x100x128xf32, #tpu.memory_space<vmem>> -> memref<1x100x128xf32, #tpu.memory_space<vmem>>
      %dma_start3A_208 = tpu.memref_squeeze %dma_start3A_207 : memref<1x100x128xf32, #tpu.memory_space<vmem>> -> memref<100x128xf32, #tpu.memory_space<vmem>>
      %dma_start3A_209 = arith.constant 0 : i32
      %dma_start3A_210 = tpu.memref_slice %arg10[%dma_start3A_204, %dma_start3A_209] : memref<2x100xi32, #tpu.memory_space<vmem>> -> memref<1x100xi32, #tpu.memory_space<vmem>>
      %dma_start3A_211 = tpu.memref_squeeze %dma_start3A_210 : memref<1x100xi32, #tpu.memory_space<vmem>> -> memref<100xi32, #tpu.memory_space<vmem>>
      %dma_start3A_212 = arith.constant 0 : i32
      %dma_start3A_213 = arith.constant 0 : i32
      %dma_start3A_214 = tpu.memref_slice %arg8[%dma_start3A_212, %dma_start3A_213] : memref<10240x128xf32, #tpu.memory_space<vmem_shared>> -> memref<10240x128xf32, #tpu.memory_space<vmem_shared>>
      tpu.enqueue_indirect_dma source(%dma_start3A_208 : memref<100x128xf32, #tpu.memory_space<vmem>>) target(%dma_start3A_214 : memref<10240x128xf32, #tpu.memory_space<vmem_shared>>) offsets(%dma_start3A_211 : memref<100xi32, #tpu.memory_space<vmem>>) semaphore(%arg15 : memref<!tpu.dma_semaphore, #tpu.memory_space<semaphore_mem>>) {add = true}
      %mul3A_215 = arith.constant 2 : i32
      %mul3A_216 = arith.muli %mul3A_215, %scan3A_144 : i32
      %add3A_217 = arith.constant 1 : i32
      %add3A_218 = arith.addi %mul3A_216, %add3A_217 : i32
      %dma_wait3A_219 = arith.constant 0 : i32
      %dma_wait3A_220 = arith.constant 0 : i32
      %dma_wait3A_221 = tpu.memref_slice %arg3[%add3A, %dma_wait3A_219, %dma_wait3A_220] : memref<32x100x100xi32, #tpu.memory_space<hbm>> -> memref<1x1x100xi32, #tpu.memory_space<hbm>>
      %dma_wait3A_222 = tpu.memref_squeeze %dma_wait3A_221 : memref<1x1x100xi32, #tpu.memory_space<hbm>> -> memref<100xi32, #tpu.memory_space<hbm>>
      %dma_wait3A_223 = arith.constant 0 : i32
      %dma_wait3A_224 = tpu.memref_slice %arg3[%add3A, %dma_wait3A_219, %dma_wait3A_223] : memref<32x100x100xi32, #tpu.memory_space<hbm>> -> memref<1x1x100xi32, #tpu.memory_space<hbm>>
      %dma_wait3A_225 = tpu.memref_squeeze %dma_wait3A_224 : memref<1x1x100xi32, #tpu.memory_space<hbm>> -> memref<100xi32, #tpu.memory_space<hbm>>
      tpu.wait_dma2 semaphore(%arg14 : memref<!tpu.dma_semaphore, #tpu.memory_space<semaphore_mem>>) src(%dma_wait3A_225 : memref<100xi32, #tpu.memory_space<hbm>>) dst(%arg9 : memref<100xi32, #tpu.memory_space<vmem>>)
      %dma_wait3A_226 = arith.constant 0 : i32
      %dma_wait3A_227 = arith.constant 1 : i32
      %dma_wait3A_228 = arith.constant 0 : i32
      %dma_wait3A_229 = arith.constant 0 : i32
      %dma_wait3A_230 = tpu.memref_slice %arg11[%dma_wait3A_227, %dma_wait3A_228, %dma_wait3A_229] : memref<2x100x128xf32, #tpu.memory_space<vmem>> -> memref<1x100x128xf32, #tpu.memory_space<vmem>>
      %dma_wait3A_231 = tpu.memref_squeeze %dma_wait3A_230 : memref<1x100x128xf32, #tpu.memory_space<vmem>> -> memref<100x128xf32, #tpu.memory_space<vmem>>
      %dma_wait3A_232 = arith.constant 0 : i32
      %dma_wait3A_233 = arith.constant 0 : i32
      %dma_wait3A_234 = tpu.memref_slice %arg5[%add3A, %dma_wait3A_226, %dma_wait3A_232, %dma_wait3A_233] : memref<32x100x100x128xf32, #tpu.memory_space<hbm>> -> memref<1x1x100x128xf32, #tpu.memory_space<hbm>>
      %dma_wait3A_235 = tpu.memref_squeeze %dma_wait3A_234 : memref<1x1x100x128xf32, #tpu.memory_space<hbm>> -> memref<100x128xf32, #tpu.memory_space<hbm>>
      %dma_wait3A_236 = arith.constant 0 : i32
      %dma_wait3A_237 = arith.constant 0 : i32
      %dma_wait3A_238 = tpu.memref_slice %arg11[%dma_wait3A_227, %dma_wait3A_236, %dma_wait3A_237] : memref<2x100x128xf32, #tpu.memory_space<vmem>> -> memref<1x100x128xf32, #tpu.memory_space<vmem>>
      %dma_wait3A_239 = tpu.memref_squeeze %dma_wait3A_238 : memref<1x100x128xf32, #tpu.memory_space<vmem>> -> memref<100x128xf32, #tpu.memory_space<vmem>>
      %dma_wait3A_240 = arith.constant 0 : i32
      %dma_wait3A_241 = arith.constant 0 : i32
      %dma_wait3A_242 = tpu.memref_slice %arg5[%add3A, %dma_wait3A_226, %dma_wait3A_240, %dma_wait3A_241] : memref<32x100x100x128xf32, #tpu.memory_space<hbm>> -> memref<1x1x100x128xf32, #tpu.memory_space<hbm>>
      %dma_wait3A_243 = tpu.memref_squeeze %dma_wait3A_242 : memref<1x1x100x128xf32, #tpu.memory_space<hbm>> -> memref<100x128xf32, #tpu.memory_space<hbm>>
      tpu.wait_dma2 semaphore(%arg16 : memref<!tpu.dma_semaphore, #tpu.memory_space<semaphore_mem>>) src(%dma_wait3A_243 : memref<100x128xf32, #tpu.memory_space<hbm>>) dst(%dma_wait3A_239 : memref<100x128xf32, #tpu.memory_space<vmem>>)
      %run_scoped3A_244 = arith.constant 1 : i32
      "tpu.region"() ({
        %run_scoped3A_281 = tpu.sem_alloc : memref<!tpu.dma_semaphore, #tpu.memory_space<semaphore_mem>>
        %dma_start3A_282 = arith.constant 0 : i32
        %dma_start3A_283 = tpu.memref_slice %arg10[%run_scoped3A_244, %dma_start3A_282] : memref<2x100xi32, #tpu.memory_space<vmem>> -> memref<1x100xi32, #tpu.memory_space<vmem>>
        %dma_start3A_284 = tpu.memref_squeeze %dma_start3A_283 : memref<1x100xi32, #tpu.memory_space<vmem>> -> memref<100xi32, #tpu.memory_space<vmem>>
        %dma_start3A_285 = arith.constant 0 : i32
        %dma_start3A_286 = tpu.memref_slice %arg4[%add3A, %add3A_218, %dma_start3A_285] : memref<32x100x100xi32, #tpu.memory_space<hbm>> -> memref<1x1x100xi32, #tpu.memory_space<hbm>>
        %dma_start3A_287 = tpu.memref_squeeze %dma_start3A_286 : memref<1x1x100xi32, #tpu.memory_space<hbm>> -> memref<100xi32, #tpu.memory_space<hbm>>
        %dma_start3A_288 = arith.constant 0 : i32
        %dma_start3A_289 = tpu.memref_slice %arg10[%run_scoped3A_244, %dma_start3A_288] : memref<2x100xi32, #tpu.memory_space<vmem>> -> memref<1x100xi32, #tpu.memory_space<vmem>>
        %dma_start3A_290 = tpu.memref_squeeze %dma_start3A_289 : memref<1x100xi32, #tpu.memory_space<vmem>> -> memref<100xi32, #tpu.memory_space<vmem>>
        %dma_start3A_291 = arith.constant 0 : i32
        %dma_start3A_292 = tpu.memref_slice %arg4[%add3A, %add3A_218, %dma_start3A_291] : memref<32x100x100xi32, #tpu.memory_space<hbm>> -> memref<1x1x100xi32, #tpu.memory_space<hbm>>
        %dma_start3A_293 = tpu.memref_squeeze %dma_start3A_292 : memref<1x1x100xi32, #tpu.memory_space<hbm>> -> memref<100xi32, #tpu.memory_space<hbm>>
        tpu.enqueue_dma source(%dma_start3A_293 : memref<100xi32, #tpu.memory_space<hbm>>) target(%dma_start3A_290 : memref<100xi32, #tpu.memory_space<vmem>>) target_semaphore(%run_scoped3A_281 : memref<!tpu.dma_semaphore, #tpu.memory_space<semaphore_mem>>)
        %dma_wait3A_294 = arith.constant 0 : i32
        %dma_wait3A_295 = tpu.memref_slice %arg10[%run_scoped3A_244, %dma_wait3A_294] : memref<2x100xi32, #tpu.memory_space<vmem>> -> memref<1x100xi32, #tpu.memory_space<vmem>>
        %dma_wait3A_296 = tpu.memref_squeeze %dma_wait3A_295 : memref<1x100xi32, #tpu.memory_space<vmem>> -> memref<100xi32, #tpu.memory_space<vmem>>
        %dma_wait3A_297 = arith.constant 0 : i32
        %dma_wait3A_298 = tpu.memref_slice %arg4[%add3A, %add3A_218, %dma_wait3A_297] : memref<32x100x100xi32, #tpu.memory_space<hbm>> -> memref<1x1x100xi32, #tpu.memory_space<hbm>>
        %dma_wait3A_299 = tpu.memref_squeeze %dma_wait3A_298 : memref<1x1x100xi32, #tpu.memory_space<hbm>> -> memref<100xi32, #tpu.memory_space<hbm>>
        %dma_wait3A_300 = arith.constant 0 : i32
        %dma_wait3A_301 = tpu.memref_slice %arg10[%run_scoped3A_244, %dma_wait3A_300] : memref<2x100xi32, #tpu.memory_space<vmem>> -> memref<1x100xi32, #tpu.memory_space<vmem>>
        %dma_wait3A_302 = tpu.memref_squeeze %dma_wait3A_301 : memref<1x100xi32, #tpu.memory_space<vmem>> -> memref<100xi32, #tpu.memory_space<vmem>>
        %dma_wait3A_303 = arith.constant 0 : i32
        %dma_wait3A_304 = tpu.memref_slice %arg4[%add3A, %add3A_218, %dma_wait3A_303] : memref<32x100x100xi32, #tpu.memory_space<hbm>> -> memref<1x1x100xi32, #tpu.memory_space<hbm>>
        %dma_wait3A_305 = tpu.memref_squeeze %dma_wait3A_304 : memref<1x1x100xi32, #tpu.memory_space<hbm>> -> memref<100xi32, #tpu.memory_space<hbm>>
        tpu.wait_dma2 semaphore(%run_scoped3A_281 : memref<!tpu.dma_semaphore, #tpu.memory_space<semaphore_mem>>) src(%dma_wait3A_305 : memref<100xi32, #tpu.memory_space<hbm>>) dst(%dma_wait3A_302 : memref<100xi32, #tpu.memory_space<vmem>>)
        tpu.yield
      }) : () -> ()
      %dma_start3A_245 = arith.constant 1 : i32
      %dma_start3A_246 = arith.constant 0 : i32
      %dma_start3A_247 = arith.constant 0 : i32
      %dma_start3A_248 = tpu.memref_slice %arg11[%dma_start3A_245, %dma_start3A_246, %dma_start3A_247] : memref<2x100x128xf32, #tpu.memory_space<vmem>> -> memref<1x100x128xf32, #tpu.memory_space<vmem>>
      %dma_start3A_249 = tpu.memref_squeeze %dma_start3A_248 : memref<1x100x128xf32, #tpu.memory_space<vmem>> -> memref<100x128xf32, #tpu.memory_space<vmem>>
      %dma_start3A_250 = arith.constant 0 : i32
      %dma_start3A_251 = arith.constant 0 : i32
      %dma_start3A_252 = tpu.memref_slice %arg2[%dma_start3A_250, %dma_start3A_251] : memref<10000x128xf32, #tpu.memory_space<hbm>> -> memref<10000x128xf32, #tpu.memory_space<hbm>>
      tpu.enqueue_indirect_dma source(%dma_start3A_252 : memref<10000x128xf32, #tpu.memory_space<hbm>>) target(%dma_start3A_249 : memref<100x128xf32, #tpu.memory_space<vmem>>) offsets(%arg9 : memref<100xi32, #tpu.memory_space<vmem>>) semaphore(%arg13 : memref<!tpu.dma_semaphore, #tpu.memory_space<semaphore_mem>>)
      "tpu.region"() ({
        %run_scoped3A_281 = tpu.sem_alloc : memref<!tpu.dma_semaphore, #tpu.memory_space<semaphore_mem>>
        %dma_start3A_282 = arith.constant 0 : i32
        %dma_start3A_283 = arith.constant 0 : i32
        %dma_start3A_284 = tpu.memref_slice %arg5[%add3A, %add3A_218, %dma_start3A_282, %dma_start3A_283] : memref<32x100x100x128xf32, #tpu.memory_space<hbm>> -> memref<1x1x100x128xf32, #tpu.memory_space<hbm>>
        %dma_start3A_285 = tpu.memref_squeeze %dma_start3A_284 : memref<1x1x100x128xf32, #tpu.memory_space<hbm>> -> memref<100x128xf32, #tpu.memory_space<hbm>>
        %dma_start3A_286 = arith.constant 0 : i32
        %dma_start3A_287 = arith.constant 0 : i32
        %dma_start3A_288 = tpu.memref_slice %arg5[%add3A, %add3A_218, %dma_start3A_286, %dma_start3A_287] : memref<32x100x100x128xf32, #tpu.memory_space<hbm>> -> memref<1x1x100x128xf32, #tpu.memory_space<hbm>>
        %dma_start3A_289 = tpu.memref_squeeze %dma_start3A_288 : memref<1x1x100x128xf32, #tpu.memory_space<hbm>> -> memref<100x128xf32, #tpu.memory_space<hbm>>
        tpu.enqueue_dma source(%dma_start3A_289 : memref<100x128xf32, #tpu.memory_space<hbm>>) target(%arg12 : memref<100x128xf32, #tpu.memory_space<vmem>>) target_semaphore(%run_scoped3A_281 : memref<!tpu.dma_semaphore, #tpu.memory_space<semaphore_mem>>)
        %dma_wait3A_290 = arith.constant 0 : i32
        %dma_wait3A_291 = arith.constant 0 : i32
        %dma_wait3A_292 = tpu.memref_slice %arg5[%add3A, %add3A_218, %dma_wait3A_290, %dma_wait3A_291] : memref<32x100x100x128xf32, #tpu.memory_space<hbm>> -> memref<1x1x100x128xf32, #tpu.memory_space<hbm>>
        %dma_wait3A_293 = tpu.memref_squeeze %dma_wait3A_292 : memref<1x1x100x128xf32, #tpu.memory_space<hbm>> -> memref<100x128xf32, #tpu.memory_space<hbm>>
        %dma_wait3A_294 = arith.constant 0 : i32
        %dma_wait3A_295 = arith.constant 0 : i32
        %dma_wait3A_296 = tpu.memref_slice %arg5[%add3A, %add3A_218, %dma_wait3A_294, %dma_wait3A_295] : memref<32x100x100x128xf32, #tpu.memory_space<hbm>> -> memref<1x1x100x128xf32, #tpu.memory_space<hbm>>
        %dma_wait3A_297 = tpu.memref_squeeze %dma_wait3A_296 : memref<1x1x100x128xf32, #tpu.memory_space<hbm>> -> memref<100x128xf32, #tpu.memory_space<hbm>>
        tpu.wait_dma2 semaphore(%run_scoped3A_281 : memref<!tpu.dma_semaphore, #tpu.memory_space<semaphore_mem>>) src(%dma_wait3A_297 : memref<100x128xf32, #tpu.memory_space<hbm>>) dst(%arg12 : memref<100x128xf32, #tpu.memory_space<vmem>>)
        tpu.yield
      }) : () -> ()
      %dma_wait3A_253 = arith.constant 1 : i32
      %dma_wait3A_254 = arith.constant 0 : i32
      %dma_wait3A_255 = arith.constant 0 : i32
      %dma_wait3A_256 = tpu.memref_slice %arg11[%dma_wait3A_253, %dma_wait3A_254, %dma_wait3A_255] : memref<2x100x128xf32, #tpu.memory_space<vmem>> -> memref<1x100x128xf32, #tpu.memory_space<vmem>>
      %dma_wait3A_257 = tpu.memref_squeeze %dma_wait3A_256 : memref<1x100x128xf32, #tpu.memory_space<vmem>> -> memref<100x128xf32, #tpu.memory_space<vmem>>
      %dma_wait3A_258 = arith.constant 0 : i32
      %dma_wait3A_259 = arith.constant 0 : i32
      %dma_wait3A_260 = tpu.memref_slice %arg2[%dma_wait3A_258, %dma_wait3A_259] : memref<10000x128xf32, #tpu.memory_space<hbm>> -> memref<10000x128xf32, #tpu.memory_space<hbm>>
      tpu.wait_indirect_dma semaphore(%arg13 : memref<!tpu.dma_semaphore, #tpu.memory_space<semaphore_mem>>) src(%dma_wait3A_260 : memref<10000x128xf32, #tpu.memory_space<hbm>>) dst(%dma_wait3A_257 : memref<100x128xf32, #tpu.memory_space<vmem>>)
      %lt3A = arith.constant 99 : i32
      %lt3A_261 = arith.cmpi slt, %add3A_218, %lt3A : i32
      %convert_element_type3A = arith.extui %lt3A_261 : i1 to i32
      %cond3A = arith.constant 0 : i32
      %cond3A_262 = arith.cmpi ne, %convert_element_type3A, %cond3A : i32
      scf.if %cond3A_262 {
        %add3A_281 = arith.constant 1 : i32
        %add3A_282 = arith.addi %add3A_218, %add3A_281 : i32
        %dma_start3A_283 = arith.constant 0 : i32
        %dma_start3A_284 = tpu.memref_slice %arg3[%add3A, %add3A_282, %dma_start3A_283] : memref<32x100x100xi32, #tpu.memory_space<hbm>> -> memref<1x1x100xi32, #tpu.memory_space<hbm>>
        %dma_start3A_285 = tpu.memref_squeeze %dma_start3A_284 : memref<1x1x100xi32, #tpu.memory_space<hbm>> -> memref<100xi32, #tpu.memory_space<hbm>>
        %dma_start3A_286 = arith.constant 0 : i32
        %dma_start3A_287 = tpu.memref_slice %arg3[%add3A, %add3A_282, %dma_start3A_286] : memref<32x100x100xi32, #tpu.memory_space<hbm>> -> memref<1x1x100xi32, #tpu.memory_space<hbm>>
        %dma_start3A_288 = tpu.memref_squeeze %dma_start3A_287 : memref<1x1x100xi32, #tpu.memory_space<hbm>> -> memref<100xi32, #tpu.memory_space<hbm>>
        tpu.enqueue_dma source(%dma_start3A_288 : memref<100xi32, #tpu.memory_space<hbm>>) target(%arg9 : memref<100xi32, #tpu.memory_space<vmem>>) target_semaphore(%arg14 : memref<!tpu.dma_semaphore, #tpu.memory_space<semaphore_mem>>)
      } else {
      }
      %scan3A_263 = arith.constant 0 : i32
      %scan3A_264 = arith.constant 0 : i32
      %scan3A_265 = arith.constant 25 : i32
      %scan3A_266 = arith.addi %scan3A_264, %scan3A_265 : i32
      %scan3A_267 = arith.constant 1 : i32
      scf.for %scan3A_281 = %scan3A_264 to %scan3A_266 step %scan3A_267  : i32 {
        %mul3A_282 = arith.constant 4 : i32
        %mul3A_283 = arith.muli %mul3A_282, %scan3A_281 : i32
        %add3A_284 = arith.constant 0 : i32
        %add3A_285 = arith.addi %mul3A_283, %add3A_284 : i32
        %get3A = arith.constant 1 : i32
        %get3A_286 = arith.index_cast %get3A : i32 to index
        %get3A_287 = arith.index_cast %add3A_285 : i32 to index
        %get3A_288 = arith.constant 0 : index
        %get3A_289 = tpu.vector_load %arg11[%get3A_286, %get3A_287, %get3A_288] {strides = array<i32>} : memref<2x100x128xf32, #tpu.memory_space<vmem>>, vector<1x1x16xf32>,
        %get3A_290 = vector.shape_cast %get3A_289 : vector<1x1x16xf32> to vector<16xf32>
        %mul3A_291 = arith.constant 4 : i32
        %mul3A_292 = arith.muli %mul3A_291, %scan3A_281 : i32
        %add3A_293 = arith.constant 0 : i32
        %add3A_294 = arith.addi %mul3A_292, %add3A_293 : i32
        %get3A_295 = arith.index_cast %add3A_294 : i32 to index
        %get3A_296 = arith.constant 0 : index
        %get3A_297 = tpu.vector_load %arg12[%get3A_295, %get3A_296] {strides = array<i32>} : memref<100x128xf32, #tpu.memory_space<vmem>>, vector<1x16xf32>,
        %get3A_298 = vector.shape_cast %get3A_297 : vector<1x16xf32> to vector<16xf32>
        %add3A_299 = arith.addf %get3A_290, %get3A_298 : vector<16xf32>
        %max3A = arith.constant 0.000000e+00 : f32
        %max3A_300 = vector.broadcast %max3A : f32 to vector<16xf32>
        %max3A_301 = arith.maximumf %add3A_299, %max3A_300 : vector<16xf32>
        %mul3A_302 = arith.constant 4 : i32
        %mul3A_303 = arith.muli %mul3A_302, %scan3A_281 : i32
        %add3A_304 = arith.constant 0 : i32
        %add3A_305 = arith.addi %mul3A_303, %add3A_304 : i32
        %swap3A = arith.constant 1 : i32
        %swap3A_306 = arith.index_cast %swap3A : i32 to index
        %swap3A_307 = arith.index_cast %add3A_305 : i32 to index
        %swap3A_308 = arith.constant 0 : index
        %swap3A_309 = tpu.vector_load %arg11[%swap3A_306, %swap3A_307, %swap3A_308] {strides = array<i32>} : memref<2x100x128xf32, #tpu.memory_space<vmem>>, vector<1x1x16xf32>,
        %swap3A_310 = vector.shape_cast %swap3A_309 : vector<1x1x16xf32> to vector<16xf32>
        %swap3A_311 = vector.shape_cast %max3A_301 : vector<16xf32> to vector<1x1x16xf32>
        tpu.vector_store %arg11[%swap3A_306, %swap3A_307, %swap3A_308], %swap3A_311 {strides = array<i32>} : memref<2x100x128xf32, #tpu.memory_space<vmem>>, vector<1x1x16xf32>,
        %mul3A_312 = arith.constant 4 : i32
        %mul3A_313 = arith.muli %mul3A_312, %scan3A_281 : i32
        %add3A_314 = arith.constant 0 : i32
        %add3A_315 = arith.addi %mul3A_313, %add3A_314 : i32
        %get3A_316 = arith.constant 1 : i32
        %get3A_317 = arith.index_cast %get3A_316 : i32 to index
        %get3A_318 = arith.index_cast %add3A_315 : i32 to index
        %get3A_319 = arith.constant 16 : index
        %get3A_320 = tpu.vector_load %arg11[%get3A_317, %get3A_318, %get3A_319] {strides = array<i32>} : memref<2x100x128xf32, #tpu.memory_space<vmem>>, vector<1x1x16xf32>,
        %get3A_321 = vector.shape_cast %get3A_320 : vector<1x1x16xf32> to vector<16xf32>
        %mul3A_322 = arith.constant 4 : i32
        %mul3A_323 = arith.muli %mul3A_322, %scan3A_281 : i32
        %add3A_324 = arith.constant 0 : i32
        %add3A_325 = arith.addi %mul3A_323, %add3A_324 : i32
        %get3A_326 = arith.index_cast %add3A_325 : i32 to index
        %get3A_327 = arith.constant 16 : index
        %get3A_328 = tpu.vector_load %arg12[%get3A_326, %get3A_327] {strides = array<i32>} : memref<100x128xf32, #tpu.memory_space<vmem>>, vector<1x16xf32>,
        %get3A_329 = vector.shape_cast %get3A_328 : vector<1x16xf32> to vector<16xf32>
        %add3A_330 = arith.addf %get3A_321, %get3A_329 : vector<16xf32>
        %max3A_331 = arith.constant 0.000000e+00 : f32
        %max3A_332 = vector.broadcast %max3A_331 : f32 to vector<16xf32>
        %max3A_333 = arith.maximumf %add3A_330, %max3A_332 : vector<16xf32>
        %mul3A_334 = arith.constant 4 : i32
        %mul3A_335 = arith.muli %mul3A_334, %scan3A_281 : i32
        %add3A_336 = arith.constant 0 : i32
        %add3A_337 = arith.addi %mul3A_335, %add3A_336 : i32
        %swap3A_338 = arith.constant 1 : i32
        %swap3A_339 = arith.index_cast %swap3A_338 : i32 to index
        %swap3A_340 = arith.index_cast %add3A_337 : i32 to index
        %swap3A_341 = arith.constant 16 : index
        %swap3A_342 = tpu.vector_load %arg11[%swap3A_339, %swap3A_340, %swap3A_341] {strides = array<i32>} : memref<2x100x128xf32, #tpu.memory_space<vmem>>, vector<1x1x16xf32>,
        %swap3A_343 = vector.shape_cast %swap3A_342 : vector<1x1x16xf32> to vector<16xf32>
        %swap3A_344 = vector.shape_cast %max3A_333 : vector<16xf32> to vector<1x1x16xf32>
        tpu.vector_store %arg11[%swap3A_339, %swap3A_340, %swap3A_341], %swap3A_344 {strides = array<i32>} : memref<2x100x128xf32, #tpu.memory_space<vmem>>, vector<1x1x16xf32>,
        %mul3A_345 = arith.constant 4 : i32
        %mul3A_346 = arith.muli %mul3A_345, %scan3A_281 : i32
        %add3A_347 = arith.constant 0 : i32
        %add3A_348 = arith.addi %mul3A_346, %add3A_347 : i32
        %get3A_349 = arith.constant 1 : i32
        %get3A_350 = arith.index_cast %get3A_349 : i32 to index
        %get3A_351 = arith.index_cast %add3A_348 : i32 to index
        %get3A_352 = arith.constant 32 : index
        %get3A_353 = tpu.vector_load %arg11[%get3A_350, %get3A_351, %get3A_352] {strides = array<i32>} : memref<2x100x128xf32, #tpu.memory_space<vmem>>, vector<1x1x16xf32>,
        %get3A_354 = vector.shape_cast %get3A_353 : vector<1x1x16xf32> to vector<16xf32>
        %mul3A_355 = arith.constant 4 : i32
        %mul3A_356 = arith.muli %mul3A_355, %scan3A_281 : i32
        %add3A_357 = arith.constant 0 : i32
        %add3A_358 = arith.addi %mul3A_356, %add3A_357 : i32
        %get3A_359 = arith.index_cast %add3A_358 : i32 to index
        %get3A_360 = arith.constant 32 : index
        %get3A_361 = tpu.vector_load %arg12[%get3A_359, %get3A_360] {strides = array<i32>} : memref<100x128xf32, #tpu.memory_space<vmem>>, vector<1x16xf32>,
        %get3A_362 = vector.shape_cast %get3A_361 : vector<1x16xf32> to vector<16xf32>
        %add3A_363 = arith.addf %get3A_354, %get3A_362 : vector<16xf32>
        %max3A_364 = arith.constant 0.000000e+00 : f32
        %max3A_365 = vector.broadcast %max3A_364 : f32 to vector<16xf32>
        %max3A_366 = arith.maximumf %add3A_363, %max3A_365 : vector<16xf32>
        %mul3A_367 = arith.constant 4 : i32
        %mul3A_368 = arith.muli %mul3A_367, %scan3A_281 : i32
        %add3A_369 = arith.constant 0 : i32
        %add3A_370 = arith.addi %mul3A_368, %add3A_369 : i32
        %swap3A_371 = arith.constant 1 : i32
        %swap3A_372 = arith.index_cast %swap3A_371 : i32 to index
        %swap3A_373 = arith.index_cast %add3A_370 : i32 to index
        %swap3A_374 = arith.constant 32 : index
        %swap3A_375 = tpu.vector_load %arg11[%swap3A_372, %swap3A_373, %swap3A_374] {strides = array<i32>} : memref<2x100x128xf32, #tpu.memory_space<vmem>>, vector<1x1x16xf32>,
        %swap3A_376 = vector.shape_cast %swap3A_375 : vector<1x1x16xf32> to vector<16xf32>
        %swap3A_377 = vector.shape_cast %max3A_366 : vector<16xf32> to vector<1x1x16xf32>
        tpu.vector_store %arg11[%swap3A_372, %swap3A_373, %swap3A_374], %swap3A_377 {strides = array<i32>} : memref<2x100x128xf32, #tpu.memory_space<vmem>>, vector<1x1x16xf32>,
        %mul3A_378 = arith.constant 4 : i32
        %mul3A_379 = arith.muli %mul3A_378, %scan3A_281 : i32
        %add3A_380 = arith.constant 0 : i32
        %add3A_381 = arith.addi %mul3A_379, %add3A_380 : i32
        %get3A_382 = arith.constant 1 : i32
        %get3A_383 = arith.index_cast %get3A_382 : i32 to index
        %get3A_384 = arith.index_cast %add3A_381 : i32 to index
        %get3A_385 = arith.constant 48 : index
        %get3A_386 = tpu.vector_load %arg11[%get3A_383, %get3A_384, %get3A_385] {strides = array<i32>} : memref<2x100x128xf32, #tpu.memory_space<vmem>>, vector<1x1x16xf32>,
        %get3A_387 = vector.shape_cast %get3A_386 : vector<1x1x16xf32> to vector<16xf32>
        %mul3A_388 = arith.constant 4 : i32
        %mul3A_389 = arith.muli %mul3A_388, %scan3A_281 : i32
        %add3A_390 = arith.constant 0 : i32
        %add3A_391 = arith.addi %mul3A_389, %add3A_390 : i32
        %get3A_392 = arith.index_cast %add3A_391 : i32 to index
        %get3A_393 = arith.constant 48 : index
        %get3A_394 = tpu.vector_load %arg12[%get3A_392, %get3A_393] {strides = array<i32>} : memref<100x128xf32, #tpu.memory_space<vmem>>, vector<1x16xf32>,
        %get3A_395 = vector.shape_cast %get3A_394 : vector<1x16xf32> to vector<16xf32>
        %add3A_396 = arith.addf %get3A_387, %get3A_395 : vector<16xf32>
        %max3A_397 = arith.constant 0.000000e+00 : f32
        %max3A_398 = vector.broadcast %max3A_397 : f32 to vector<16xf32>
        %max3A_399 = arith.maximumf %add3A_396, %max3A_398 : vector<16xf32>
        %mul3A_400 = arith.constant 4 : i32
        %mul3A_401 = arith.muli %mul3A_400, %scan3A_281 : i32
        %add3A_402 = arith.constant 0 : i32
        %add3A_403 = arith.addi %mul3A_401, %add3A_402 : i32
        %swap3A_404 = arith.constant 1 : i32
        %swap3A_405 = arith.index_cast %swap3A_404 : i32 to index
        %swap3A_406 = arith.index_cast %add3A_403 : i32 to index
        %swap3A_407 = arith.constant 48 : index
        %swap3A_408 = tpu.vector_load %arg11[%swap3A_405, %swap3A_406, %swap3A_407] {strides = array<i32>} : memref<2x100x128xf32, #tpu.memory_space<vmem>>, vector<1x1x16xf32>,
        %swap3A_409 = vector.shape_cast %swap3A_408 : vector<1x1x16xf32> to vector<16xf32>
        %swap3A_410 = vector.shape_cast %max3A_399 : vector<16xf32> to vector<1x1x16xf32>
        tpu.vector_store %arg11[%swap3A_405, %swap3A_406, %swap3A_407], %swap3A_410 {strides = array<i32>} : memref<2x100x128xf32, #tpu.memory_space<vmem>>, vector<1x1x16xf32>,
        %mul3A_411 = arith.constant 4 : i32
        %mul3A_412 = arith.muli %mul3A_411, %scan3A_281 : i32
        %add3A_413 = arith.constant 0 : i32
        %add3A_414 = arith.addi %mul3A_412, %add3A_413 : i32
        %get3A_415 = arith.constant 1 : i32
        %get3A_416 = arith.index_cast %get3A_415 : i32 to index
        %get3A_417 = arith.index_cast %add3A_414 : i32 to index
        %get3A_418 = arith.constant 64 : index
        %get3A_419 = tpu.vector_load %arg11[%get3A_416, %get3A_417, %get3A_418] {strides = array<i32>} : memref<2x100x128xf32, #tpu.memory_space<vmem>>, vector<1x1x16xf32>,
        %get3A_420 = vector.shape_cast %get3A_419 : vector<1x1x16xf32> to vector<16xf32>
        %mul3A_421 = arith.constant 4 : i32
        %mul3A_422 = arith.muli %mul3A_421, %scan3A_281 : i32
        %add3A_423 = arith.constant 0 : i32
        %add3A_424 = arith.addi %mul3A_422, %add3A_423 : i32
        %get3A_425 = arith.index_cast %add3A_424 : i32 to index
        %get3A_426 = arith.constant 64 : index
        %get3A_427 = tpu.vector_load %arg12[%get3A_425, %get3A_426] {strides = array<i32>} : memref<100x128xf32, #tpu.memory_space<vmem>>, vector<1x16xf32>,
        %get3A_428 = vector.shape_cast %get3A_427 : vector<1x16xf32> to vector<16xf32>
        %add3A_429 = arith.addf %get3A_420, %get3A_428 : vector<16xf32>
        %max3A_430 = arith.constant 0.000000e+00 : f32
        %max3A_431 = vector.broadcast %max3A_430 : f32 to vector<16xf32>
        %max3A_432 = arith.maximumf %add3A_429, %max3A_431 : vector<16xf32>
        %mul3A_433 = arith.constant 4 : i32
        %mul3A_434 = arith.muli %mul3A_433, %scan3A_281 : i32
        %add3A_435 = arith.constant 0 : i32
        %add3A_436 = arith.addi %mul3A_434, %add3A_435 : i32
        %swap3A_437 = arith.constant 1 : i32
        %swap3A_438 = arith.index_cast %swap3A_437 : i32 to index
        %swap3A_439 = arith.index_cast %add3A_436 : i32 to index
        %swap3A_440 = arith.constant 64 : index
        %swap3A_441 = tpu.vector_load %arg11[%swap3A_438, %swap3A_439, %swap3A_440] {strides = array<i32>} : memref<2x100x128xf32, #tpu.memory_space<vmem>>, vector<1x1x16xf32>,
        %swap3A_442 = vector.shape_cast %swap3A_441 : vector<1x1x16xf32> to vector<16xf32>
        %swap3A_443 = vector.shape_cast %max3A_432 : vector<16xf32> to vector<1x1x16xf32>
        tpu.vector_store %arg11[%swap3A_438, %swap3A_439, %swap3A_440], %swap3A_443 {strides = array<i32>} : memref<2x100x128xf32, #tpu.memory_space<vmem>>, vector<1x1x16xf32>,
        %mul3A_444 = arith.constant 4 : i32
        %mul3A_445 = arith.muli %mul3A_444, %scan3A_281 : i32
        %add3A_446 = arith.constant 0 : i32
        %add3A_447 = arith.addi %mul3A_445, %add3A_446 : i32
        %get3A_448 = arith.constant 1 : i32
        %get3A_449 = arith.index_cast %get3A_448 : i32 to index
        %get3A_450 = arith.index_cast %add3A_447 : i32 to index
        %get3A_451 = arith.constant 80 : index
        %get3A_452 = tpu.vector_load %arg11[%get3A_449, %get3A_450, %get3A_451] {strides = array<i32>} : memref<2x100x128xf32, #tpu.memory_space<vmem>>, vector<1x1x16xf32>,
        %get3A_453 = vector.shape_cast %get3A_452 : vector<1x1x16xf32> to vector<16xf32>
        %mul3A_454 = arith.constant 4 : i32
        %mul3A_455 = arith.muli %mul3A_454, %scan3A_281 : i32
        %add3A_456 = arith.constant 0 : i32
        %add3A_457 = arith.addi %mul3A_455, %add3A_456 : i32
        %get3A_458 = arith.index_cast %add3A_457 : i32 to index
        %get3A_459 = arith.constant 80 : index
        %get3A_460 = tpu.vector_load %arg12[%get3A_458, %get3A_459] {strides = array<i32>} : memref<100x128xf32, #tpu.memory_space<vmem>>, vector<1x16xf32>,
        %get3A_461 = vector.shape_cast %get3A_460 : vector<1x16xf32> to vector<16xf32>
        %add3A_462 = arith.addf %get3A_453, %get3A_461 : vector<16xf32>
        %max3A_463 = arith.constant 0.000000e+00 : f32
        %max3A_464 = vector.broadcast %max3A_463 : f32 to vector<16xf32>
        %max3A_465 = arith.maximumf %add3A_462, %max3A_464 : vector<16xf32>
        %mul3A_466 = arith.constant 4 : i32
        %mul3A_467 = arith.muli %mul3A_466, %scan3A_281 : i32
        %add3A_468 = arith.constant 0 : i32
        %add3A_469 = arith.addi %mul3A_467, %add3A_468 : i32
        %swap3A_470 = arith.constant 1 : i32
        %swap3A_471 = arith.index_cast %swap3A_470 : i32 to index
        %swap3A_472 = arith.index_cast %add3A_469 : i32 to index
        %swap3A_473 = arith.constant 80 : index
        %swap3A_474 = tpu.vector_load %arg11[%swap3A_471, %swap3A_472, %swap3A_473] {strides = array<i32>} : memref<2x100x128xf32, #tpu.memory_space<vmem>>, vector<1x1x16xf32>,
        %swap3A_475 = vector.shape_cast %swap3A_474 : vector<1x1x16xf32> to vector<16xf32>
        %swap3A_476 = vector.shape_cast %max3A_465 : vector<16xf32> to vector<1x1x16xf32>
        tpu.vector_store %arg11[%swap3A_471, %swap3A_472, %swap3A_473], %swap3A_476 {strides = array<i32>} : memref<2x100x128xf32, #tpu.memory_space<vmem>>, vector<1x1x16xf32>,
        %mul3A_477 = arith.constant 4 : i32
        %mul3A_478 = arith.muli %mul3A_477, %scan3A_281 : i32
        %add3A_479 = arith.constant 0 : i32
        %add3A_480 = arith.addi %mul3A_478, %add3A_479 : i32
        %get3A_481 = arith.constant 1 : i32
        %get3A_482 = arith.index_cast %get3A_481 : i32 to index
        %get3A_483 = arith.index_cast %add3A_480 : i32 to index
        %get3A_484 = arith.constant 96 : index
        %get3A_485 = tpu.vector_load %arg11[%get3A_482, %get3A_483, %get3A_484] {strides = array<i32>} : memref<2x100x128xf32, #tpu.memory_space<vmem>>, vector<1x1x16xf32>,
        %get3A_486 = vector.shape_cast %get3A_485 : vector<1x1x16xf32> to vector<16xf32>
        %mul3A_487 = arith.constant 4 : i32
        %mul3A_488 = arith.muli %mul3A_487, %scan3A_281 : i32
        %add3A_489 = arith.constant 0 : i32
        %add3A_490 = arith.addi %mul3A_488, %add3A_489 : i32
        %get3A_491 = arith.index_cast %add3A_490 : i32 to index
        %get3A_492 = arith.constant 96 : index
        %get3A_493 = tpu.vector_load %arg12[%get3A_491, %get3A_492] {strides = array<i32>} : memref<100x128xf32, #tpu.memory_space<vmem>>, vector<1x16xf32>,
        %get3A_494 = vector.shape_cast %get3A_493 : vector<1x16xf32> to vector<16xf32>
        %add3A_495 = arith.addf %get3A_486, %get3A_494 : vector<16xf32>
        %max3A_496 = arith.constant 0.000000e+00 : f32
        %max3A_497 = vector.broadcast %max3A_496 : f32 to vector<16xf32>
        %max3A_498 = arith.maximumf %add3A_495, %max3A_497 : vector<16xf32>
        %mul3A_499 = arith.constant 4 : i32
        %mul3A_500 = arith.muli %mul3A_499, %scan3A_281 : i32
        %add3A_501 = arith.constant 0 : i32
        %add3A_502 = arith.addi %mul3A_500, %add3A_501 : i32
        %swap3A_503 = arith.constant 1 : i32
        %swap3A_504 = arith.index_cast %swap3A_503 : i32 to index
        %swap3A_505 = arith.index_cast %add3A_502 : i32 to index
        %swap3A_506 = arith.constant 96 : index
        %swap3A_507 = tpu.vector_load %arg11[%swap3A_504, %swap3A_505, %swap3A_506] {strides = array<i32>} : memref<2x100x128xf32, #tpu.memory_space<vmem>>, vector<1x1x16xf32>,
        %swap3A_508 = vector.shape_cast %swap3A_507 : vector<1x1x16xf32> to vector<16xf32>
        %swap3A_509 = vector.shape_cast %max3A_498 : vector<16xf32> to vector<1x1x16xf32>
        tpu.vector_store %arg11[%swap3A_504, %swap3A_505, %swap3A_506], %swap3A_509 {strides = array<i32>} : memref<2x100x128xf32, #tpu.memory_space<vmem>>, vector<1x1x16xf32>,
        %mul3A_510 = arith.constant 4 : i32
        %mul3A_511 = arith.muli %mul3A_510, %scan3A_281 : i32
        %add3A_512 = arith.constant 0 : i32
        %add3A_513 = arith.addi %mul3A_511, %add3A_512 : i32
        %get3A_514 = arith.constant 1 : i32
        %get3A_515 = arith.index_cast %get3A_514 : i32 to index
        %get3A_516 = arith.index_cast %add3A_513 : i32 to index
        %get3A_517 = arith.constant 112 : index
        %get3A_518 = tpu.vector_load %arg11[%get3A_515, %get3A_516, %get3A_517] {strides = array<i32>} : memref<2x100x128xf32, #tpu.memory_space<vmem>>, vector<1x1x16xf32>,
        %get3A_519 = vector.shape_cast %get3A_518 : vector<1x1x16xf32> to vector<16xf32>
        %mul3A_520 = arith.constant 4 : i32
        %mul3A_521 = arith.muli %mul3A_520, %scan3A_281 : i32
        %add3A_522 = arith.constant 0 : i32
        %add3A_523 = arith.addi %mul3A_521, %add3A_522 : i32
        %get3A_524 = arith.index_cast %add3A_523 : i32 to index
        %get3A_525 = arith.constant 112 : index
        %get3A_526 = tpu.vector_load %arg12[%get3A_524, %get3A_525] {strides = array<i32>} : memref<100x128xf32, #tpu.memory_space<vmem>>, vector<1x16xf32>,
        %get3A_527 = vector.shape_cast %get3A_526 : vector<1x16xf32> to vector<16xf32>
        %add3A_528 = arith.addf %get3A_519, %get3A_527 : vector<16xf32>
        %max3A_529 = arith.constant 0.000000e+00 : f32
        %max3A_530 = vector.broadcast %max3A_529 : f32 to vector<16xf32>
        %max3A_531 = arith.maximumf %add3A_528, %max3A_530 : vector<16xf32>
        %mul3A_532 = arith.constant 4 : i32
        %mul3A_533 = arith.muli %mul3A_532, %scan3A_281 : i32
        %add3A_534 = arith.constant 0 : i32
        %add3A_535 = arith.addi %mul3A_533, %add3A_534 : i32
        %swap3A_536 = arith.constant 1 : i32
        %swap3A_537 = arith.index_cast %swap3A_536 : i32 to index
        %swap3A_538 = arith.index_cast %add3A_535 : i32 to index
        %swap3A_539 = arith.constant 112 : index
        %swap3A_540 = tpu.vector_load %arg11[%swap3A_537, %swap3A_538, %swap3A_539] {strides = array<i32>} : memref<2x100x128xf32, #tpu.memory_space<vmem>>, vector<1x1x16xf32>,
        %swap3A_541 = vector.shape_cast %swap3A_540 : vector<1x1x16xf32> to vector<16xf32>
        %swap3A_542 = vector.shape_cast %max3A_531 : vector<16xf32> to vector<1x1x16xf32>
        tpu.vector_store %arg11[%swap3A_537, %swap3A_538, %swap3A_539], %swap3A_542 {strides = array<i32>} : memref<2x100x128xf32, #tpu.memory_space<vmem>>, vector<1x1x16xf32>,
        %mul3A_543 = arith.constant 4 : i32
        %mul3A_544 = arith.muli %mul3A_543, %scan3A_281 : i32
        %add3A_545 = arith.constant 1 : i32
        %add3A_546 = arith.addi %mul3A_544, %add3A_545 : i32
        %get3A_547 = arith.constant 1 : i32
        %get3A_548 = arith.index_cast %get3A_547 : i32 to index
        %get3A_549 = arith.index_cast %add3A_546 : i32 to index
        %get3A_550 = arith.constant 0 : index
        %get3A_551 = tpu.vector_load %arg11[%get3A_548, %get3A_549, %get3A_550] {strides = array<i32>} : memref<2x100x128xf32, #tpu.memory_space<vmem>>, vector<1x1x16xf32>,
        %get3A_552 = vector.shape_cast %get3A_551 : vector<1x1x16xf32> to vector<16xf32>
        %mul3A_553 = arith.constant 4 : i32
        %mul3A_554 = arith.muli %mul3A_553, %scan3A_281 : i32
        %add3A_555 = arith.constant 1 : i32
        %add3A_556 = arith.addi %mul3A_554, %add3A_555 : i32
        %get3A_557 = arith.index_cast %add3A_556 : i32 to index
        %get3A_558 = arith.constant 0 : index
        %get3A_559 = tpu.vector_load %arg12[%get3A_557, %get3A_558] {strides = array<i32>} : memref<100x128xf32, #tpu.memory_space<vmem>>, vector<1x16xf32>,
        %get3A_560 = vector.shape_cast %get3A_559 : vector<1x16xf32> to vector<16xf32>
        %add3A_561 = arith.addf %get3A_552, %get3A_560 : vector<16xf32>
        %max3A_562 = arith.constant 0.000000e+00 : f32
        %max3A_563 = vector.broadcast %max3A_562 : f32 to vector<16xf32>
        %max3A_564 = arith.maximumf %add3A_561, %max3A_563 : vector<16xf32>
        %mul3A_565 = arith.constant 4 : i32
        %mul3A_566 = arith.muli %mul3A_565, %scan3A_281 : i32
        %add3A_567 = arith.constant 1 : i32
        %add3A_568 = arith.addi %mul3A_566, %add3A_567 : i32
        %swap3A_569 = arith.constant 1 : i32
        %swap3A_570 = arith.index_cast %swap3A_569 : i32 to index
        %swap3A_571 = arith.index_cast %add3A_568 : i32 to index
        %swap3A_572 = arith.constant 0 : index
        %swap3A_573 = tpu.vector_load %arg11[%swap3A_570, %swap3A_571, %swap3A_572] {strides = array<i32>} : memref<2x100x128xf32, #tpu.memory_space<vmem>>, vector<1x1x16xf32>,
        %swap3A_574 = vector.shape_cast %swap3A_573 : vector<1x1x16xf32> to vector<16xf32>
        %swap3A_575 = vector.shape_cast %max3A_564 : vector<16xf32> to vector<1x1x16xf32>
        tpu.vector_store %arg11[%swap3A_570, %swap3A_571, %swap3A_572], %swap3A_575 {strides = array<i32>} : memref<2x100x128xf32, #tpu.memory_space<vmem>>, vector<1x1x16xf32>,
        %mul3A_576 = arith.constant 4 : i32
        %mul3A_577 = arith.muli %mul3A_576, %scan3A_281 : i32
        %add3A_578 = arith.constant 1 : i32
        %add3A_579 = arith.addi %mul3A_577, %add3A_578 : i32
        %get3A_580 = arith.constant 1 : i32
        %get3A_581 = arith.index_cast %get3A_580 : i32 to index
        %get3A_582 = arith.index_cast %add3A_579 : i32 to index
        %get3A_583 = arith.constant 16 : index
        %get3A_584 = tpu.vector_load %arg11[%get3A_581, %get3A_582, %get3A_583] {strides = array<i32>} : memref<2x100x128xf32, #tpu.memory_space<vmem>>, vector<1x1x16xf32>,
        %get3A_585 = vector.shape_cast %get3A_584 : vector<1x1x16xf32> to vector<16xf32>
        %mul3A_586 = arith.constant 4 : i32
        %mul3A_587 = arith.muli %mul3A_586, %scan3A_281 : i32
        %add3A_588 = arith.constant 1 : i32
        %add3A_589 = arith.addi %mul3A_587, %add3A_588 : i32
        %get3A_590 = arith.index_cast %add3A_589 : i32 to index
        %get3A_591 = arith.constant 16 : index
        %get3A_592 = tpu.vector_load %arg12[%get3A_590, %get3A_591] {strides = array<i32>} : memref<100x128xf32, #tpu.memory_space<vmem>>, vector<1x16xf32>,
        %get3A_593 = vector.shape_cast %get3A_592 : vector<1x16xf32> to vector<16xf32>
        %add3A_594 = arith.addf %get3A_585, %get3A_593 : vector<16xf32>
        %max3A_595 = arith.constant 0.000000e+00 : f32
        %max3A_596 = vector.broadcast %max3A_595 : f32 to vector<16xf32>
        %max3A_597 = arith.maximumf %add3A_594, %max3A_596 : vector<16xf32>
        %mul3A_598 = arith.constant 4 : i32
        %mul3A_599 = arith.muli %mul3A_598, %scan3A_281 : i32
        %add3A_600 = arith.constant 1 : i32
        %add3A_601 = arith.addi %mul3A_599, %add3A_600 : i32
        %swap3A_602 = arith.constant 1 : i32
        %swap3A_603 = arith.index_cast %swap3A_602 : i32 to index
        %swap3A_604 = arith.index_cast %add3A_601 : i32 to index
        %swap3A_605 = arith.constant 16 : index
        %swap3A_606 = tpu.vector_load %arg11[%swap3A_603, %swap3A_604, %swap3A_605] {strides = array<i32>} : memref<2x100x128xf32, #tpu.memory_space<vmem>>, vector<1x1x16xf32>,
        %swap3A_607 = vector.shape_cast %swap3A_606 : vector<1x1x16xf32> to vector<16xf32>
        %swap3A_608 = vector.shape_cast %max3A_597 : vector<16xf32> to vector<1x1x16xf32>
        tpu.vector_store %arg11[%swap3A_603, %swap3A_604, %swap3A_605], %swap3A_608 {strides = array<i32>} : memref<2x100x128xf32, #tpu.memory_space<vmem>>, vector<1x1x16xf32>,
        %mul3A_609 = arith.constant 4 : i32
        %mul3A_610 = arith.muli %mul3A_609, %scan3A_281 : i32
        %add3A_611 = arith.constant 1 : i32
        %add3A_612 = arith.addi %mul3A_610, %add3A_611 : i32
        %get3A_613 = arith.constant 1 : i32
        %get3A_614 = arith.index_cast %get3A_613 : i32 to index
        %get3A_615 = arith.index_cast %add3A_612 : i32 to index
        %get3A_616 = arith.constant 32 : index
        %get3A_617 = tpu.vector_load %arg11[%get3A_614, %get3A_615, %get3A_616] {strides = array<i32>} : memref<2x100x128xf32, #tpu.memory_space<vmem>>, vector<1x1x16xf32>,
        %get3A_618 = vector.shape_cast %get3A_617 : vector<1x1x16xf32> to vector<16xf32>
        %mul3A_619 = arith.constant 4 : i32
        %mul3A_620 = arith.muli %mul3A_619, %scan3A_281 : i32
        %add3A_621 = arith.constant 1 : i32
        %add3A_622 = arith.addi %mul3A_620, %add3A_621 : i32
        %get3A_623 = arith.index_cast %add3A_622 : i32 to index
        %get3A_624 = arith.constant 32 : index
        %get3A_625 = tpu.vector_load %arg12[%get3A_623, %get3A_624] {strides = array<i32>} : memref<100x128xf32, #tpu.memory_space<vmem>>, vector<1x16xf32>,
        %get3A_626 = vector.shape_cast %get3A_625 : vector<1x16xf32> to vector<16xf32>
        %add3A_627 = arith.addf %get3A_618, %get3A_626 : vector<16xf32>
        %max3A_628 = arith.constant 0.000000e+00 : f32
        %max3A_629 = vector.broadcast %max3A_628 : f32 to vector<16xf32>
        %max3A_630 = arith.maximumf %add3A_627, %max3A_629 : vector<16xf32>
        %mul3A_631 = arith.constant 4 : i32
        %mul3A_632 = arith.muli %mul3A_631, %scan3A_281 : i32
        %add3A_633 = arith.constant 1 : i32
        %add3A_634 = arith.addi %mul3A_632, %add3A_633 : i32
        %swap3A_635 = arith.constant 1 : i32
        %swap3A_636 = arith.index_cast %swap3A_635 : i32 to index
        %swap3A_637 = arith.index_cast %add3A_634 : i32 to index
        %swap3A_638 = arith.constant 32 : index
        %swap3A_639 = tpu.vector_load %arg11[%swap3A_636, %swap3A_637, %swap3A_638] {strides = array<i32>} : memref<2x100x128xf32, #tpu.memory_space<vmem>>, vector<1x1x16xf32>,
        %swap3A_640 = vector.shape_cast %swap3A_639 : vector<1x1x16xf32> to vector<16xf32>
        %swap3A_641 = vector.shape_cast %max3A_630 : vector<16xf32> to vector<1x1x16xf32>
        tpu.vector_store %arg11[%swap3A_636, %swap3A_637, %swap3A_638], %swap3A_641 {strides = array<i32>} : memref<2x100x128xf32, #tpu.memory_space<vmem>>, vector<1x1x16xf32>,
        %mul3A_642 = arith.constant 4 : i32
        %mul3A_643 = arith.muli %mul3A_642, %scan3A_281 : i32
        %add3A_644 = arith.constant 1 : i32
        %add3A_645 = arith.addi %mul3A_643, %add3A_644 : i32
        %get3A_646 = arith.constant 1 : i32
        %get3A_647 = arith.index_cast %get3A_646 : i32 to index
        %get3A_648 = arith.index_cast %add3A_645 : i32 to index
        %get3A_649 = arith.constant 48 : index
        %get3A_650 = tpu.vector_load %arg11[%get3A_647, %get3A_648, %get3A_649] {strides = array<i32>} : memref<2x100x128xf32, #tpu.memory_space<vmem>>, vector<1x1x16xf32>,
        %get3A_651 = vector.shape_cast %get3A_650 : vector<1x1x16xf32> to vector<16xf32>
        %mul3A_652 = arith.constant 4 : i32
        %mul3A_653 = arith.muli %mul3A_652, %scan3A_281 : i32
        %add3A_654 = arith.constant 1 : i32
        %add3A_655 = arith.addi %mul3A_653, %add3A_654 : i32
        %get3A_656 = arith.index_cast %add3A_655 : i32 to index
        %get3A_657 = arith.constant 48 : index
        %get3A_658 = tpu.vector_load %arg12[%get3A_656, %get3A_657] {strides = array<i32>} : memref<100x128xf32, #tpu.memory_space<vmem>>, vector<1x16xf32>,
        %get3A_659 = vector.shape_cast %get3A_658 : vector<1x16xf32> to vector<16xf32>
        %add3A_660 = arith.addf %get3A_651, %get3A_659 : vector<16xf32>
        %max3A_661 = arith.constant 0.000000e+00 : f32
        %max3A_662 = vector.broadcast %max3A_661 : f32 to vector<16xf32>
        %max3A_663 = arith.maximumf %add3A_660, %max3A_662 : vector<16xf32>
        %mul3A_664 = arith.constant 4 : i32
        %mul3A_665 = arith.muli %mul3A_664, %scan3A_281 : i32
        %add3A_666 = arith.constant 1 : i32
        %add3A_667 = arith.addi %mul3A_665, %add3A_666 : i32
        %swap3A_668 = arith.constant 1 : i32
        %swap3A_669 = arith.index_cast %swap3A_668 : i32 to index
        %swap3A_670 = arith.index_cast %add3A_667 : i32 to index
        %swap3A_671 = arith.constant 48 : index
        %swap3A_672 = tpu.vector_load %arg11[%swap3A_669, %swap3A_670, %swap3A_671] {strides = array<i32>} : memref<2x100x128xf32, #tpu.memory_space<vmem>>, vector<1x1x16xf32>,
        %swap3A_673 = vector.shape_cast %swap3A_672 : vector<1x1x16xf32> to vector<16xf32>
        %swap3A_674 = vector.shape_cast %max3A_663 : vector<16xf32> to vector<1x1x16xf32>
        tpu.vector_store %arg11[%swap3A_669, %swap3A_670, %swap3A_671], %swap3A_674 {strides = array<i32>} : memref<2x100x128xf32, #tpu.memory_space<vmem>>, vector<1x1x16xf32>,
        %mul3A_675 = arith.constant 4 : i32
        %mul3A_676 = arith.muli %mul3A_675, %scan3A_281 : i32
        %add3A_677 = arith.constant 1 : i32
        %add3A_678 = arith.addi %mul3A_676, %add3A_677 : i32
        %get3A_679 = arith.constant 1 : i32
        %get3A_680 = arith.index_cast %get3A_679 : i32 to index
        %get3A_681 = arith.index_cast %add3A_678 : i32 to index
        %get3A_682 = arith.constant 64 : index
        %get3A_683 = tpu.vector_load %arg11[%get3A_680, %get3A_681, %get3A_682] {strides = array<i32>} : memref<2x100x128xf32, #tpu.memory_space<vmem>>, vector<1x1x16xf32>,
        %get3A_684 = vector.shape_cast %get3A_683 : vector<1x1x16xf32> to vector<16xf32>
        %mul3A_685 = arith.constant 4 : i32
        %mul3A_686 = arith.muli %mul3A_685, %scan3A_281 : i32
        %add3A_687 = arith.constant 1 : i32
        %add3A_688 = arith.addi %mul3A_686, %add3A_687 : i32
        %get3A_689 = arith.index_cast %add3A_688 : i32 to index
        %get3A_690 = arith.constant 64 : index
        %get3A_691 = tpu.vector_load %arg12[%get3A_689, %get3A_690] {strides = array<i32>} : memref<100x128xf32, #tpu.memory_space<vmem>>, vector<1x16xf32>,
        %get3A_692 = vector.shape_cast %get3A_691 : vector<1x16xf32> to vector<16xf32>
        %add3A_693 = arith.addf %get3A_684, %get3A_692 : vector<16xf32>
        %max3A_694 = arith.constant 0.000000e+00 : f32
        %max3A_695 = vector.broadcast %max3A_694 : f32 to vector<16xf32>
        %max3A_696 = arith.maximumf %add3A_693, %max3A_695 : vector<16xf32>
        %mul3A_697 = arith.constant 4 : i32
        %mul3A_698 = arith.muli %mul3A_697, %scan3A_281 : i32
        %add3A_699 = arith.constant 1 : i32
        %add3A_700 = arith.addi %mul3A_698, %add3A_699 : i32
        %swap3A_701 = arith.constant 1 : i32
        %swap3A_702 = arith.index_cast %swap3A_701 : i32 to index
        %swap3A_703 = arith.index_cast %add3A_700 : i32 to index
        %swap3A_704 = arith.constant 64 : index
        %swap3A_705 = tpu.vector_load %arg11[%swap3A_702, %swap3A_703, %swap3A_704] {strides = array<i32>} : memref<2x100x128xf32, #tpu.memory_space<vmem>>, vector<1x1x16xf32>,
        %swap3A_706 = vector.shape_cast %swap3A_705 : vector<1x1x16xf32> to vector<16xf32>
        %swap3A_707 = vector.shape_cast %max3A_696 : vector<16xf32> to vector<1x1x16xf32>
        tpu.vector_store %arg11[%swap3A_702, %swap3A_703, %swap3A_704], %swap3A_707 {strides = array<i32>} : memref<2x100x128xf32, #tpu.memory_space<vmem>>, vector<1x1x16xf32>,
        %mul3A_708 = arith.constant 4 : i32
        %mul3A_709 = arith.muli %mul3A_708, %scan3A_281 : i32
        %add3A_710 = arith.constant 1 : i32
        %add3A_711 = arith.addi %mul3A_709, %add3A_710 : i32
        %get3A_712 = arith.constant 1 : i32
        %get3A_713 = arith.index_cast %get3A_712 : i32 to index
        %get3A_714 = arith.index_cast %add3A_711 : i32 to index
        %get3A_715 = arith.constant 80 : index
        %get3A_716 = tpu.vector_load %arg11[%get3A_713, %get3A_714, %get3A_715] {strides = array<i32>} : memref<2x100x128xf32, #tpu.memory_space<vmem>>, vector<1x1x16xf32>,
        %get3A_717 = vector.shape_cast %get3A_716 : vector<1x1x16xf32> to vector<16xf32>
        %mul3A_718 = arith.constant 4 : i32
        %mul3A_719 = arith.muli %mul3A_718, %scan3A_281 : i32
        %add3A_720 = arith.constant 1 : i32
        %add3A_721 = arith.addi %mul3A_719, %add3A_720 : i32
        %get3A_722 = arith.index_cast %add3A_721 : i32 to index
        %get3A_723 = arith.constant 80 : index
        %get3A_724 = tpu.vector_load %arg12[%get3A_722, %get3A_723] {strides = array<i32>} : memref<100x128xf32, #tpu.memory_space<vmem>>, vector<1x16xf32>,
        %get3A_725 = vector.shape_cast %get3A_724 : vector<1x16xf32> to vector<16xf32>
        %add3A_726 = arith.addf %get3A_717, %get3A_725 : vector<16xf32>
        %max3A_727 = arith.constant 0.000000e+00 : f32
        %max3A_728 = vector.broadcast %max3A_727 : f32 to vector<16xf32>
        %max3A_729 = arith.maximumf %add3A_726, %max3A_728 : vector<16xf32>
        %mul3A_730 = arith.constant 4 : i32
        %mul3A_731 = arith.muli %mul3A_730, %scan3A_281 : i32
        %add3A_732 = arith.constant 1 : i32
        %add3A_733 = arith.addi %mul3A_731, %add3A_732 : i32
        %swap3A_734 = arith.constant 1 : i32
        %swap3A_735 = arith.index_cast %swap3A_734 : i32 to index
        %swap3A_736 = arith.index_cast %add3A_733 : i32 to index
        %swap3A_737 = arith.constant 80 : index
        %swap3A_738 = tpu.vector_load %arg11[%swap3A_735, %swap3A_736, %swap3A_737] {strides = array<i32>} : memref<2x100x128xf32, #tpu.memory_space<vmem>>, vector<1x1x16xf32>,
        %swap3A_739 = vector.shape_cast %swap3A_738 : vector<1x1x16xf32> to vector<16xf32>
        %swap3A_740 = vector.shape_cast %max3A_729 : vector<16xf32> to vector<1x1x16xf32>
        tpu.vector_store %arg11[%swap3A_735, %swap3A_736, %swap3A_737], %swap3A_740 {strides = array<i32>} : memref<2x100x128xf32, #tpu.memory_space<vmem>>, vector<1x1x16xf32>,
        %mul3A_741 = arith.constant 4 : i32
        %mul3A_742 = arith.muli %mul3A_741, %scan3A_281 : i32
        %add3A_743 = arith.constant 1 : i32
        %add3A_744 = arith.addi %mul3A_742, %add3A_743 : i32
        %get3A_745 = arith.constant 1 : i32
        %get3A_746 = arith.index_cast %get3A_745 : i32 to index
        %get3A_747 = arith.index_cast %add3A_744 : i32 to index
        %get3A_748 = arith.constant 96 : index
        %get3A_749 = tpu.vector_load %arg11[%get3A_746, %get3A_747, %get3A_748] {strides = array<i32>} : memref<2x100x128xf32, #tpu.memory_space<vmem>>, vector<1x1x16xf32>,
        %get3A_750 = vector.shape_cast %get3A_749 : vector<1x1x16xf32> to vector<16xf32>
        %mul3A_751 = arith.constant 4 : i32
        %mul3A_752 = arith.muli %mul3A_751, %scan3A_281 : i32
        %add3A_753 = arith.constant 1 : i32
        %add3A_754 = arith.addi %mul3A_752, %add3A_753 : i32
        %get3A_755 = arith.index_cast %add3A_754 : i32 to index
        %get3A_756 = arith.constant 96 : index
        %get3A_757 = tpu.vector_load %arg12[%get3A_755, %get3A_756] {strides = array<i32>} : memref<100x128xf32, #tpu.memory_space<vmem>>, vector<1x16xf32>,
        %get3A_758 = vector.shape_cast %get3A_757 : vector<1x16xf32> to vector<16xf32>
        %add3A_759 = arith.addf %get3A_750, %get3A_758 : vector<16xf32>
        %max3A_760 = arith.constant 0.000000e+00 : f32
        %max3A_761 = vector.broadcast %max3A_760 : f32 to vector<16xf32>
        %max3A_762 = arith.maximumf %add3A_759, %max3A_761 : vector<16xf32>
        %mul3A_763 = arith.constant 4 : i32
        %mul3A_764 = arith.muli %mul3A_763, %scan3A_281 : i32
        %add3A_765 = arith.constant 1 : i32
        %add3A_766 = arith.addi %mul3A_764, %add3A_765 : i32
        %swap3A_767 = arith.constant 1 : i32
        %swap3A_768 = arith.index_cast %swap3A_767 : i32 to index
        %swap3A_769 = arith.index_cast %add3A_766 : i32 to index
        %swap3A_770 = arith.constant 96 : index
        %swap3A_771 = tpu.vector_load %arg11[%swap3A_768, %swap3A_769, %swap3A_770] {strides = array<i32>} : memref<2x100x128xf32, #tpu.memory_space<vmem>>, vector<1x1x16xf32>,
        %swap3A_772 = vector.shape_cast %swap3A_771 : vector<1x1x16xf32> to vector<16xf32>
        %swap3A_773 = vector.shape_cast %max3A_762 : vector<16xf32> to vector<1x1x16xf32>
        tpu.vector_store %arg11[%swap3A_768, %swap3A_769, %swap3A_770], %swap3A_773 {strides = array<i32>} : memref<2x100x128xf32, #tpu.memory_space<vmem>>, vector<1x1x16xf32>,
        %mul3A_774 = arith.constant 4 : i32
        %mul3A_775 = arith.muli %mul3A_774, %scan3A_281 : i32
        %add3A_776 = arith.constant 1 : i32
        %add3A_777 = arith.addi %mul3A_775, %add3A_776 : i32
        %get3A_778 = arith.constant 1 : i32
        %get3A_779 = arith.index_cast %get3A_778 : i32 to index
        %get3A_780 = arith.index_cast %add3A_777 : i32 to index
        %get3A_781 = arith.constant 112 : index
        %get3A_782 = tpu.vector_load %arg11[%get3A_779, %get3A_780, %get3A_781] {strides = array<i32>} : memref<2x100x128xf32, #tpu.memory_space<vmem>>, vector<1x1x16xf32>,
        %get3A_783 = vector.shape_cast %get3A_782 : vector<1x1x16xf32> to vector<16xf32>
        %mul3A_784 = arith.constant 4 : i32
        %mul3A_785 = arith.muli %mul3A_784, %scan3A_281 : i32
        %add3A_786 = arith.constant 1 : i32
        %add3A_787 = arith.addi %mul3A_785, %add3A_786 : i32
        %get3A_788 = arith.index_cast %add3A_787 : i32 to index
        %get3A_789 = arith.constant 112 : index
        %get3A_790 = tpu.vector_load %arg12[%get3A_788, %get3A_789] {strides = array<i32>} : memref<100x128xf32, #tpu.memory_space<vmem>>, vector<1x16xf32>,
        %get3A_791 = vector.shape_cast %get3A_790 : vector<1x16xf32> to vector<16xf32>
        %add3A_792 = arith.addf %get3A_783, %get3A_791 : vector<16xf32>
        %max3A_793 = arith.constant 0.000000e+00 : f32
        %max3A_794 = vector.broadcast %max3A_793 : f32 to vector<16xf32>
        %max3A_795 = arith.maximumf %add3A_792, %max3A_794 : vector<16xf32>
        %mul3A_796 = arith.constant 4 : i32
        %mul3A_797 = arith.muli %mul3A_796, %scan3A_281 : i32
        %add3A_798 = arith.constant 1 : i32
        %add3A_799 = arith.addi %mul3A_797, %add3A_798 : i32
        %swap3A_800 = arith.constant 1 : i32
        %swap3A_801 = arith.index_cast %swap3A_800 : i32 to index
        %swap3A_802 = arith.index_cast %add3A_799 : i32 to index
        %swap3A_803 = arith.constant 112 : index
        %swap3A_804 = tpu.vector_load %arg11[%swap3A_801, %swap3A_802, %swap3A_803] {strides = array<i32>} : memref<2x100x128xf32, #tpu.memory_space<vmem>>, vector<1x1x16xf32>,
        %swap3A_805 = vector.shape_cast %swap3A_804 : vector<1x1x16xf32> to vector<16xf32>
        %swap3A_806 = vector.shape_cast %max3A_795 : vector<16xf32> to vector<1x1x16xf32>
        tpu.vector_store %arg11[%swap3A_801, %swap3A_802, %swap3A_803], %swap3A_806 {strides = array<i32>} : memref<2x100x128xf32, #tpu.memory_space<vmem>>, vector<1x1x16xf32>,
        %mul3A_807 = arith.constant 4 : i32
        %mul3A_808 = arith.muli %mul3A_807, %scan3A_281 : i32
        %add3A_809 = arith.constant 2 : i32
        %add3A_810 = arith.addi %mul3A_808, %add3A_809 : i32
        %get3A_811 = arith.constant 1 : i32
        %get3A_812 = arith.index_cast %get3A_811 : i32 to index
        %get3A_813 = arith.index_cast %add3A_810 : i32 to index
        %get3A_814 = arith.constant 0 : index
        %get3A_815 = tpu.vector_load %arg11[%get3A_812, %get3A_813, %get3A_814] {strides = array<i32>} : memref<2x100x128xf32, #tpu.memory_space<vmem>>, vector<1x1x16xf32>,
        %get3A_816 = vector.shape_cast %get3A_815 : vector<1x1x16xf32> to vector<16xf32>
        %mul3A_817 = arith.constant 4 : i32
        %mul3A_818 = arith.muli %mul3A_817, %scan3A_281 : i32
        %add3A_819 = arith.constant 2 : i32
        %add3A_820 = arith.addi %mul3A_818, %add3A_819 : i32
        %get3A_821 = arith.index_cast %add3A_820 : i32 to index
        %get3A_822 = arith.constant 0 : index
        %get3A_823 = tpu.vector_load %arg12[%get3A_821, %get3A_822] {strides = array<i32>} : memref<100x128xf32, #tpu.memory_space<vmem>>, vector<1x16xf32>,
        %get3A_824 = vector.shape_cast %get3A_823 : vector<1x16xf32> to vector<16xf32>
        %add3A_825 = arith.addf %get3A_816, %get3A_824 : vector<16xf32>
        %max3A_826 = arith.constant 0.000000e+00 : f32
        %max3A_827 = vector.broadcast %max3A_826 : f32 to vector<16xf32>
        %max3A_828 = arith.maximumf %add3A_825, %max3A_827 : vector<16xf32>
        %mul3A_829 = arith.constant 4 : i32
        %mul3A_830 = arith.muli %mul3A_829, %scan3A_281 : i32
        %add3A_831 = arith.constant 2 : i32
        %add3A_832 = arith.addi %mul3A_830, %add3A_831 : i32
        %swap3A_833 = arith.constant 1 : i32
        %swap3A_834 = arith.index_cast %swap3A_833 : i32 to index
        %swap3A_835 = arith.index_cast %add3A_832 : i32 to index
        %swap3A_836 = arith.constant 0 : index
        %swap3A_837 = tpu.vector_load %arg11[%swap3A_834, %swap3A_835, %swap3A_836] {strides = array<i32>} : memref<2x100x128xf32, #tpu.memory_space<vmem>>, vector<1x1x16xf32>,
        %swap3A_838 = vector.shape_cast %swap3A_837 : vector<1x1x16xf32> to vector<16xf32>
        %swap3A_839 = vector.shape_cast %max3A_828 : vector<16xf32> to vector<1x1x16xf32>
        tpu.vector_store %arg11[%swap3A_834, %swap3A_835, %swap3A_836], %swap3A_839 {strides = array<i32>} : memref<2x100x128xf32, #tpu.memory_space<vmem>>, vector<1x1x16xf32>,
        %mul3A_840 = arith.constant 4 : i32
        %mul3A_841 = arith.muli %mul3A_840, %scan3A_281 : i32
        %add3A_842 = arith.constant 2 : i32
        %add3A_843 = arith.addi %mul3A_841, %add3A_842 : i32
        %get3A_844 = arith.constant 1 : i32
        %get3A_845 = arith.index_cast %get3A_844 : i32 to index
        %get3A_846 = arith.index_cast %add3A_843 : i32 to index
        %get3A_847 = arith.constant 16 : index
        %get3A_848 = tpu.vector_load %arg11[%get3A_845, %get3A_846, %get3A_847] {strides = array<i32>} : memref<2x100x128xf32, #tpu.memory_space<vmem>>, vector<1x1x16xf32>,
        %get3A_849 = vector.shape_cast %get3A_848 : vector<1x1x16xf32> to vector<16xf32>
        %mul3A_850 = arith.constant 4 : i32
        %mul3A_851 = arith.muli %mul3A_850, %scan3A_281 : i32
        %add3A_852 = arith.constant 2 : i32
        %add3A_853 = arith.addi %mul3A_851, %add3A_852 : i32
        %get3A_854 = arith.index_cast %add3A_853 : i32 to index
        %get3A_855 = arith.constant 16 : index
        %get3A_856 = tpu.vector_load %arg12[%get3A_854, %get3A_855] {strides = array<i32>} : memref<100x128xf32, #tpu.memory_space<vmem>>, vector<1x16xf32>,
        %get3A_857 = vector.shape_cast %get3A_856 : vector<1x16xf32> to vector<16xf32>
        %add3A_858 = arith.addf %get3A_849, %get3A_857 : vector<16xf32>
        %max3A_859 = arith.constant 0.000000e+00 : f32
        %max3A_860 = vector.broadcast %max3A_859 : f32 to vector<16xf32>
        %max3A_861 = arith.maximumf %add3A_858, %max3A_860 : vector<16xf32>
        %mul3A_862 = arith.constant 4 : i32
        %mul3A_863 = arith.muli %mul3A_862, %scan3A_281 : i32
        %add3A_864 = arith.constant 2 : i32
        %add3A_865 = arith.addi %mul3A_863, %add3A_864 : i32
        %swap3A_866 = arith.constant 1 : i32
        %swap3A_867 = arith.index_cast %swap3A_866 : i32 to index
        %swap3A_868 = arith.index_cast %add3A_865 : i32 to index
        %swap3A_869 = arith.constant 16 : index
        %swap3A_870 = tpu.vector_load %arg11[%swap3A_867, %swap3A_868, %swap3A_869] {strides = array<i32>} : memref<2x100x128xf32, #tpu.memory_space<vmem>>, vector<1x1x16xf32>,
        %swap3A_871 = vector.shape_cast %swap3A_870 : vector<1x1x16xf32> to vector<16xf32>
        %swap3A_872 = vector.shape_cast %max3A_861 : vector<16xf32> to vector<1x1x16xf32>
        tpu.vector_store %arg11[%swap3A_867, %swap3A_868, %swap3A_869], %swap3A_872 {strides = array<i32>} : memref<2x100x128xf32, #tpu.memory_space<vmem>>, vector<1x1x16xf32>,
        %mul3A_873 = arith.constant 4 : i32
        %mul3A_874 = arith.muli %mul3A_873, %scan3A_281 : i32
        %add3A_875 = arith.constant 2 : i32
        %add3A_876 = arith.addi %mul3A_874, %add3A_875 : i32
        %get3A_877 = arith.constant 1 : i32
        %get3A_878 = arith.index_cast %get3A_877 : i32 to index
        %get3A_879 = arith.index_cast %add3A_876 : i32 to index
        %get3A_880 = arith.constant 32 : index
        %get3A_881 = tpu.vector_load %arg11[%get3A_878, %get3A_879, %get3A_880] {strides = array<i32>} : memref<2x100x128xf32, #tpu.memory_space<vmem>>, vector<1x1x16xf32>,
        %get3A_882 = vector.shape_cast %get3A_881 : vector<1x1x16xf32> to vector<16xf32>
        %mul3A_883 = arith.constant 4 : i32
        %mul3A_884 = arith.muli %mul3A_883, %scan3A_281 : i32
        %add3A_885 = arith.constant 2 : i32
        %add3A_886 = arith.addi %mul3A_884, %add3A_885 : i32
        %get3A_887 = arith.index_cast %add3A_886 : i32 to index
        %get3A_888 = arith.constant 32 : index
        %get3A_889 = tpu.vector_load %arg12[%get3A_887, %get3A_888] {strides = array<i32>} : memref<100x128xf32, #tpu.memory_space<vmem>>, vector<1x16xf32>,
        %get3A_890 = vector.shape_cast %get3A_889 : vector<1x16xf32> to vector<16xf32>
        %add3A_891 = arith.addf %get3A_882, %get3A_890 : vector<16xf32>
        %max3A_892 = arith.constant 0.000000e+00 : f32
        %max3A_893 = vector.broadcast %max3A_892 : f32 to vector<16xf32>
        %max3A_894 = arith.maximumf %add3A_891, %max3A_893 : vector<16xf32>
        %mul3A_895 = arith.constant 4 : i32
        %mul3A_896 = arith.muli %mul3A_895, %scan3A_281 : i32
        %add3A_897 = arith.constant 2 : i32
        %add3A_898 = arith.addi %mul3A_896, %add3A_897 : i32
        %swap3A_899 = arith.constant 1 : i32
        %swap3A_900 = arith.index_cast %swap3A_899 : i32 to index
        %swap3A_901 = arith.index_cast %add3A_898 : i32 to index
        %swap3A_902 = arith.constant 32 : index
        %swap3A_903 = tpu.vector_load %arg11[%swap3A_900, %swap3A_901, %swap3A_902] {strides = array<i32>} : memref<2x100x128xf32, #tpu.memory_space<vmem>>, vector<1x1x16xf32>,
        %swap3A_904 = vector.shape_cast %swap3A_903 : vector<1x1x16xf32> to vector<16xf32>
        %swap3A_905 = vector.shape_cast %max3A_894 : vector<16xf32> to vector<1x1x16xf32>
        tpu.vector_store %arg11[%swap3A_900, %swap3A_901, %swap3A_902], %swap3A_905 {strides = array<i32>} : memref<2x100x128xf32, #tpu.memory_space<vmem>>, vector<1x1x16xf32>,
        %mul3A_906 = arith.constant 4 : i32
        %mul3A_907 = arith.muli %mul3A_906, %scan3A_281 : i32
        %add3A_908 = arith.constant 2 : i32
        %add3A_909 = arith.addi %mul3A_907, %add3A_908 : i32
        %get3A_910 = arith.constant 1 : i32
        %get3A_911 = arith.index_cast %get3A_910 : i32 to index
        %get3A_912 = arith.index_cast %add3A_909 : i32 to index
        %get3A_913 = arith.constant 48 : index
        %get3A_914 = tpu.vector_load %arg11[%get3A_911, %get3A_912, %get3A_913] {strides = array<i32>} : memref<2x100x128xf32, #tpu.memory_space<vmem>>, vector<1x1x16xf32>,
        %get3A_915 = vector.shape_cast %get3A_914 : vector<1x1x16xf32> to vector<16xf32>
        %mul3A_916 = arith.constant 4 : i32
        %mul3A_917 = arith.muli %mul3A_916, %scan3A_281 : i32
        %add3A_918 = arith.constant 2 : i32
        %add3A_919 = arith.addi %mul3A_917, %add3A_918 : i32
        %get3A_920 = arith.index_cast %add3A_919 : i32 to index
        %get3A_921 = arith.constant 48 : index
        %get3A_922 = tpu.vector_load %arg12[%get3A_920, %get3A_921] {strides = array<i32>} : memref<100x128xf32, #tpu.memory_space<vmem>>, vector<1x16xf32>,
        %get3A_923 = vector.shape_cast %get3A_922 : vector<1x16xf32> to vector<16xf32>
        %add3A_924 = arith.addf %get3A_915, %get3A_923 : vector<16xf32>
        %max3A_925 = arith.constant 0.000000e+00 : f32
        %max3A_926 = vector.broadcast %max3A_925 : f32 to vector<16xf32>
        %max3A_927 = arith.maximumf %add3A_924, %max3A_926 : vector<16xf32>
        %mul3A_928 = arith.constant 4 : i32
        %mul3A_929 = arith.muli %mul3A_928, %scan3A_281 : i32
        %add3A_930 = arith.constant 2 : i32
        %add3A_931 = arith.addi %mul3A_929, %add3A_930 : i32
        %swap3A_932 = arith.constant 1 : i32
        %swap3A_933 = arith.index_cast %swap3A_932 : i32 to index
        %swap3A_934 = arith.index_cast %add3A_931 : i32 to index
        %swap3A_935 = arith.constant 48 : index
        %swap3A_936 = tpu.vector_load %arg11[%swap3A_933, %swap3A_934, %swap3A_935] {strides = array<i32>} : memref<2x100x128xf32, #tpu.memory_space<vmem>>, vector<1x1x16xf32>,
        %swap3A_937 = vector.shape_cast %swap3A_936 : vector<1x1x16xf32> to vector<16xf32>
        %swap3A_938 = vector.shape_cast %max3A_927 : vector<16xf32> to vector<1x1x16xf32>
        tpu.vector_store %arg11[%swap3A_933, %swap3A_934, %swap3A_935], %swap3A_938 {strides = array<i32>} : memref<2x100x128xf32, #tpu.memory_space<vmem>>, vector<1x1x16xf32>,
        %mul3A_939 = arith.constant 4 : i32
        %mul3A_940 = arith.muli %mul3A_939, %scan3A_281 : i32
        %add3A_941 = arith.constant 2 : i32
        %add3A_942 = arith.addi %mul3A_940, %add3A_941 : i32
        %get3A_943 = arith.constant 1 : i32
        %get3A_944 = arith.index_cast %get3A_943 : i32 to index
        %get3A_945 = arith.index_cast %add3A_942 : i32 to index
        %get3A_946 = arith.constant 64 : index
        %get3A_947 = tpu.vector_load %arg11[%get3A_944, %get3A_945, %get3A_946] {strides = array<i32>} : memref<2x100x128xf32, #tpu.memory_space<vmem>>, vector<1x1x16xf32>,
        %get3A_948 = vector.shape_cast %get3A_947 : vector<1x1x16xf32> to vector<16xf32>
        %mul3A_949 = arith.constant 4 : i32
        %mul3A_950 = arith.muli %mul3A_949, %scan3A_281 : i32
        %add3A_951 = arith.constant 2 : i32
        %add3A_952 = arith.addi %mul3A_950, %add3A_951 : i32
        %get3A_953 = arith.index_cast %add3A_952 : i32 to index
        %get3A_954 = arith.constant 64 : index
        %get3A_955 = tpu.vector_load %arg12[%get3A_953, %get3A_954] {strides = array<i32>} : memref<100x128xf32, #tpu.memory_space<vmem>>, vector<1x16xf32>,
        %get3A_956 = vector.shape_cast %get3A_955 : vector<1x16xf32> to vector<16xf32>
        %add3A_957 = arith.addf %get3A_948, %get3A_956 : vector<16xf32>
        %max3A_958 = arith.constant 0.000000e+00 : f32
        %max3A_959 = vector.broadcast %max3A_958 : f32 to vector<16xf32>
        %max3A_960 = arith.maximumf %add3A_957, %max3A_959 : vector<16xf32>
        %mul3A_961 = arith.constant 4 : i32
        %mul3A_962 = arith.muli %mul3A_961, %scan3A_281 : i32
        %add3A_963 = arith.constant 2 : i32
        %add3A_964 = arith.addi %mul3A_962, %add3A_963 : i32
        %swap3A_965 = arith.constant 1 : i32
        %swap3A_966 = arith.index_cast %swap3A_965 : i32 to index
        %swap3A_967 = arith.index_cast %add3A_964 : i32 to index
        %swap3A_968 = arith.constant 64 : index
        %swap3A_969 = tpu.vector_load %arg11[%swap3A_966, %swap3A_967, %swap3A_968] {strides = array<i32>} : memref<2x100x128xf32, #tpu.memory_space<vmem>>, vector<1x1x16xf32>,
        %swap3A_970 = vector.shape_cast %swap3A_969 : vector<1x1x16xf32> to vector<16xf32>
        %swap3A_971 = vector.shape_cast %max3A_960 : vector<16xf32> to vector<1x1x16xf32>
        tpu.vector_store %arg11[%swap3A_966, %swap3A_967, %swap3A_968], %swap3A_971 {strides = array<i32>} : memref<2x100x128xf32, #tpu.memory_space<vmem>>, vector<1x1x16xf32>,
        %mul3A_972 = arith.constant 4 : i32
        %mul3A_973 = arith.muli %mul3A_972, %scan3A_281 : i32
        %add3A_974 = arith.constant 2 : i32
        %add3A_975 = arith.addi %mul3A_973, %add3A_974 : i32
        %get3A_976 = arith.constant 1 : i32
        %get3A_977 = arith.index_cast %get3A_976 : i32 to index
        %get3A_978 = arith.index_cast %add3A_975 : i32 to index
        %get3A_979 = arith.constant 80 : index
        %get3A_980 = tpu.vector_load %arg11[%get3A_977, %get3A_978, %get3A_979] {strides = array<i32>} : memref<2x100x128xf32, #tpu.memory_space<vmem>>, vector<1x1x16xf32>,
        %get3A_981 = vector.shape_cast %get3A_980 : vector<1x1x16xf32> to vector<16xf32>
        %mul3A_982 = arith.constant 4 : i32
        %mul3A_983 = arith.muli %mul3A_982, %scan3A_281 : i32
        %add3A_984 = arith.constant 2 : i32
        %add3A_985 = arith.addi %mul3A_983, %add3A_984 : i32
        %get3A_986 = arith.index_cast %add3A_985 : i32 to index
        %get3A_987 = arith.constant 80 : index
        %get3A_988 = tpu.vector_load %arg12[%get3A_986, %get3A_987] {strides = array<i32>} : memref<100x128xf32, #tpu.memory_space<vmem>>, vector<1x16xf32>,
        %get3A_989 = vector.shape_cast %get3A_988 : vector<1x16xf32> to vector<16xf32>
        %add3A_990 = arith.addf %get3A_981, %get3A_989 : vector<16xf32>
        %max3A_991 = arith.constant 0.000000e+00 : f32
        %max3A_992 = vector.broadcast %max3A_991 : f32 to vector<16xf32>
        %max3A_993 = arith.maximumf %add3A_990, %max3A_992 : vector<16xf32>
        %mul3A_994 = arith.constant 4 : i32
        %mul3A_995 = arith.muli %mul3A_994, %scan3A_281 : i32
        %add3A_996 = arith.constant 2 : i32
        %add3A_997 = arith.addi %mul3A_995, %add3A_996 : i32
        %swap3A_998 = arith.constant 1 : i32
        %swap3A_999 = arith.index_cast %swap3A_998 : i32 to index
        %swap3A_1000 = arith.index_cast %add3A_997 : i32 to index
        %swap3A_1001 = arith.constant 80 : index
        %swap3A_1002 = tpu.vector_load %arg11[%swap3A_999, %swap3A_1000, %swap3A_1001] {strides = array<i32>} : memref<2x100x128xf32, #tpu.memory_space<vmem>>, vector<1x1x16xf32>,
        %swap3A_1003 = vector.shape_cast %swap3A_1002 : vector<1x1x16xf32> to vector<16xf32>
        %swap3A_1004 = vector.shape_cast %max3A_993 : vector<16xf32> to vector<1x1x16xf32>
        tpu.vector_store %arg11[%swap3A_999, %swap3A_1000, %swap3A_1001], %swap3A_1004 {strides = array<i32>} : memref<2x100x128xf32, #tpu.memory_space<vmem>>, vector<1x1x16xf32>,
        %mul3A_1005 = arith.constant 4 : i32
        %mul3A_1006 = arith.muli %mul3A_1005, %scan3A_281 : i32
        %add3A_1007 = arith.constant 2 : i32
        %add3A_1008 = arith.addi %mul3A_1006, %add3A_1007 : i32
        %get3A_1009 = arith.constant 1 : i32
        %get3A_1010 = arith.index_cast %get3A_1009 : i32 to index
        %get3A_1011 = arith.index_cast %add3A_1008 : i32 to index
        %get3A_1012 = arith.constant 96 : index
        %get3A_1013 = tpu.vector_load %arg11[%get3A_1010, %get3A_1011, %get3A_1012] {strides = array<i32>} : memref<2x100x128xf32, #tpu.memory_space<vmem>>, vector<1x1x16xf32>,
        %get3A_1014 = vector.shape_cast %get3A_1013 : vector<1x1x16xf32> to vector<16xf32>
        %mul3A_1015 = arith.constant 4 : i32
        %mul3A_1016 = arith.muli %mul3A_1015, %scan3A_281 : i32
        %add3A_1017 = arith.constant 2 : i32
        %add3A_1018 = arith.addi %mul3A_1016, %add3A_1017 : i32
        %get3A_1019 = arith.index_cast %add3A_1018 : i32 to index
        %get3A_1020 = arith.constant 96 : index
        %get3A_1021 = tpu.vector_load %arg12[%get3A_1019, %get3A_1020] {strides = array<i32>} : memref<100x128xf32, #tpu.memory_space<vmem>>, vector<1x16xf32>,
        %get3A_1022 = vector.shape_cast %get3A_1021 : vector<1x16xf32> to vector<16xf32>
        %add3A_1023 = arith.addf %get3A_1014, %get3A_1022 : vector<16xf32>
        %max3A_1024 = arith.constant 0.000000e+00 : f32
        %max3A_1025 = vector.broadcast %max3A_1024 : f32 to vector<16xf32>
        %max3A_1026 = arith.maximumf %add3A_1023, %max3A_1025 : vector<16xf32>
        %mul3A_1027 = arith.constant 4 : i32
        %mul3A_1028 = arith.muli %mul3A_1027, %scan3A_281 : i32
        %add3A_1029 = arith.constant 2 : i32
        %add3A_1030 = arith.addi %mul3A_1028, %add3A_1029 : i32
        %swap3A_1031 = arith.constant 1 : i32
        %swap3A_1032 = arith.index_cast %swap3A_1031 : i32 to index
        %swap3A_1033 = arith.index_cast %add3A_1030 : i32 to index
        %swap3A_1034 = arith.constant 96 : index
        %swap3A_1035 = tpu.vector_load %arg11[%swap3A_1032, %swap3A_1033, %swap3A_1034] {strides = array<i32>} : memref<2x100x128xf32, #tpu.memory_space<vmem>>, vector<1x1x16xf32>,
        %swap3A_1036 = vector.shape_cast %swap3A_1035 : vector<1x1x16xf32> to vector<16xf32>
        %swap3A_1037 = vector.shape_cast %max3A_1026 : vector<16xf32> to vector<1x1x16xf32>
        tpu.vector_store %arg11[%swap3A_1032, %swap3A_1033, %swap3A_1034], %swap3A_1037 {strides = array<i32>} : memref<2x100x128xf32, #tpu.memory_space<vmem>>, vector<1x1x16xf32>,
        %mul3A_1038 = arith.constant 4 : i32
        %mul3A_1039 = arith.muli %mul3A_1038, %scan3A_281 : i32
        %add3A_1040 = arith.constant 2 : i32
        %add3A_1041 = arith.addi %mul3A_1039, %add3A_1040 : i32
        %get3A_1042 = arith.constant 1 : i32
        %get3A_1043 = arith.index_cast %get3A_1042 : i32 to index
        %get3A_1044 = arith.index_cast %add3A_1041 : i32 to index
        %get3A_1045 = arith.constant 112 : index
        %get3A_1046 = tpu.vector_load %arg11[%get3A_1043, %get3A_1044, %get3A_1045] {strides = array<i32>} : memref<2x100x128xf32, #tpu.memory_space<vmem>>, vector<1x1x16xf32>,
        %get3A_1047 = vector.shape_cast %get3A_1046 : vector<1x1x16xf32> to vector<16xf32>
        %mul3A_1048 = arith.constant 4 : i32
        %mul3A_1049 = arith.muli %mul3A_1048, %scan3A_281 : i32
        %add3A_1050 = arith.constant 2 : i32
        %add3A_1051 = arith.addi %mul3A_1049, %add3A_1050 : i32
        %get3A_1052 = arith.index_cast %add3A_1051 : i32 to index
        %get3A_1053 = arith.constant 112 : index
        %get3A_1054 = tpu.vector_load %arg12[%get3A_1052, %get3A_1053] {strides = array<i32>} : memref<100x128xf32, #tpu.memory_space<vmem>>, vector<1x16xf32>,
        %get3A_1055 = vector.shape_cast %get3A_1054 : vector<1x16xf32> to vector<16xf32>
        %add3A_1056 = arith.addf %get3A_1047, %get3A_1055 : vector<16xf32>
        %max3A_1057 = arith.constant 0.000000e+00 : f32
        %max3A_1058 = vector.broadcast %max3A_1057 : f32 to vector<16xf32>
        %max3A_1059 = arith.maximumf %add3A_1056, %max3A_1058 : vector<16xf32>
        %mul3A_1060 = arith.constant 4 : i32
        %mul3A_1061 = arith.muli %mul3A_1060, %scan3A_281 : i32
        %add3A_1062 = arith.constant 2 : i32
        %add3A_1063 = arith.addi %mul3A_1061, %add3A_1062 : i32
        %swap3A_1064 = arith.constant 1 : i32
        %swap3A_1065 = arith.index_cast %swap3A_1064 : i32 to index
        %swap3A_1066 = arith.index_cast %add3A_1063 : i32 to index
        %swap3A_1067 = arith.constant 112 : index
        %swap3A_1068 = tpu.vector_load %arg11[%swap3A_1065, %swap3A_1066, %swap3A_1067] {strides = array<i32>} : memref<2x100x128xf32, #tpu.memory_space<vmem>>, vector<1x1x16xf32>,
        %swap3A_1069 = vector.shape_cast %swap3A_1068 : vector<1x1x16xf32> to vector<16xf32>
        %swap3A_1070 = vector.shape_cast %max3A_1059 : vector<16xf32> to vector<1x1x16xf32>
        tpu.vector_store %arg11[%swap3A_1065, %swap3A_1066, %swap3A_1067], %swap3A_1070 {strides = array<i32>} : memref<2x100x128xf32, #tpu.memory_space<vmem>>, vector<1x1x16xf32>,
        %mul3A_1071 = arith.constant 4 : i32
        %mul3A_1072 = arith.muli %mul3A_1071, %scan3A_281 : i32
        %add3A_1073 = arith.constant 3 : i32
        %add3A_1074 = arith.addi %mul3A_1072, %add3A_1073 : i32
        %get3A_1075 = arith.constant 1 : i32
        %get3A_1076 = arith.index_cast %get3A_1075 : i32 to index
        %get3A_1077 = arith.index_cast %add3A_1074 : i32 to index
        %get3A_1078 = arith.constant 0 : index
        %get3A_1079 = tpu.vector_load %arg11[%get3A_1076, %get3A_1077, %get3A_1078] {strides = array<i32>} : memref<2x100x128xf32, #tpu.memory_space<vmem>>, vector<1x1x16xf32>,
        %get3A_1080 = vector.shape_cast %get3A_1079 : vector<1x1x16xf32> to vector<16xf32>
        %mul3A_1081 = arith.constant 4 : i32
        %mul3A_1082 = arith.muli %mul3A_1081, %scan3A_281 : i32
        %add3A_1083 = arith.constant 3 : i32
        %add3A_1084 = arith.addi %mul3A_1082, %add3A_1083 : i32
        %get3A_1085 = arith.index_cast %add3A_1084 : i32 to index
        %get3A_1086 = arith.constant 0 : index
        %get3A_1087 = tpu.vector_load %arg12[%get3A_1085, %get3A_1086] {strides = array<i32>} : memref<100x128xf32, #tpu.memory_space<vmem>>, vector<1x16xf32>,
        %get3A_1088 = vector.shape_cast %get3A_1087 : vector<1x16xf32> to vector<16xf32>
        %add3A_1089 = arith.addf %get3A_1080, %get3A_1088 : vector<16xf32>
        %max3A_1090 = arith.constant 0.000000e+00 : f32
        %max3A_1091 = vector.broadcast %max3A_1090 : f32 to vector<16xf32>
        %max3A_1092 = arith.maximumf %add3A_1089, %max3A_1091 : vector<16xf32>
        %mul3A_1093 = arith.constant 4 : i32
        %mul3A_1094 = arith.muli %mul3A_1093, %scan3A_281 : i32
        %add3A_1095 = arith.constant 3 : i32
        %add3A_1096 = arith.addi %mul3A_1094, %add3A_1095 : i32
        %swap3A_1097 = arith.constant 1 : i32
        %swap3A_1098 = arith.index_cast %swap3A_1097 : i32 to index
        %swap3A_1099 = arith.index_cast %add3A_1096 : i32 to index
        %swap3A_1100 = arith.constant 0 : index
        %swap3A_1101 = tpu.vector_load %arg11[%swap3A_1098, %swap3A_1099, %swap3A_1100] {strides = array<i32>} : memref<2x100x128xf32, #tpu.memory_space<vmem>>, vector<1x1x16xf32>,
        %swap3A_1102 = vector.shape_cast %swap3A_1101 : vector<1x1x16xf32> to vector<16xf32>
        %swap3A_1103 = vector.shape_cast %max3A_1092 : vector<16xf32> to vector<1x1x16xf32>
        tpu.vector_store %arg11[%swap3A_1098, %swap3A_1099, %swap3A_1100], %swap3A_1103 {strides = array<i32>} : memref<2x100x128xf32, #tpu.memory_space<vmem>>, vector<1x1x16xf32>,
        %mul3A_1104 = arith.constant 4 : i32
        %mul3A_1105 = arith.muli %mul3A_1104, %scan3A_281 : i32
        %add3A_1106 = arith.constant 3 : i32
        %add3A_1107 = arith.addi %mul3A_1105, %add3A_1106 : i32
        %get3A_1108 = arith.constant 1 : i32
        %get3A_1109 = arith.index_cast %get3A_1108 : i32 to index
        %get3A_1110 = arith.index_cast %add3A_1107 : i32 to index
        %get3A_1111 = arith.constant 16 : index
        %get3A_1112 = tpu.vector_load %arg11[%get3A_1109, %get3A_1110, %get3A_1111] {strides = array<i32>} : memref<2x100x128xf32, #tpu.memory_space<vmem>>, vector<1x1x16xf32>,
        %get3A_1113 = vector.shape_cast %get3A_1112 : vector<1x1x16xf32> to vector<16xf32>
        %mul3A_1114 = arith.constant 4 : i32
        %mul3A_1115 = arith.muli %mul3A_1114, %scan3A_281 : i32
        %add3A_1116 = arith.constant 3 : i32
        %add3A_1117 = arith.addi %mul3A_1115, %add3A_1116 : i32
        %get3A_1118 = arith.index_cast %add3A_1117 : i32 to index
        %get3A_1119 = arith.constant 16 : index
        %get3A_1120 = tpu.vector_load %arg12[%get3A_1118, %get3A_1119] {strides = array<i32>} : memref<100x128xf32, #tpu.memory_space<vmem>>, vector<1x16xf32>,
        %get3A_1121 = vector.shape_cast %get3A_1120 : vector<1x16xf32> to vector<16xf32>
        %add3A_1122 = arith.addf %get3A_1113, %get3A_1121 : vector<16xf32>
        %max3A_1123 = arith.constant 0.000000e+00 : f32
        %max3A_1124 = vector.broadcast %max3A_1123 : f32 to vector<16xf32>
        %max3A_1125 = arith.maximumf %add3A_1122, %max3A_1124 : vector<16xf32>
        %mul3A_1126 = arith.constant 4 : i32
        %mul3A_1127 = arith.muli %mul3A_1126, %scan3A_281 : i32
        %add3A_1128 = arith.constant 3 : i32
        %add3A_1129 = arith.addi %mul3A_1127, %add3A_1128 : i32
        %swap3A_1130 = arith.constant 1 : i32
        %swap3A_1131 = arith.index_cast %swap3A_1130 : i32 to index
        %swap3A_1132 = arith.index_cast %add3A_1129 : i32 to index
        %swap3A_1133 = arith.constant 16 : index
        %swap3A_1134 = tpu.vector_load %arg11[%swap3A_1131, %swap3A_1132, %swap3A_1133] {strides = array<i32>} : memref<2x100x128xf32, #tpu.memory_space<vmem>>, vector<1x1x16xf32>,
        %swap3A_1135 = vector.shape_cast %swap3A_1134 : vector<1x1x16xf32> to vector<16xf32>
        %swap3A_1136 = vector.shape_cast %max3A_1125 : vector<16xf32> to vector<1x1x16xf32>
        tpu.vector_store %arg11[%swap3A_1131, %swap3A_1132, %swap3A_1133], %swap3A_1136 {strides = array<i32>} : memref<2x100x128xf32, #tpu.memory_space<vmem>>, vector<1x1x16xf32>,
        %mul3A_1137 = arith.constant 4 : i32
        %mul3A_1138 = arith.muli %mul3A_1137, %scan3A_281 : i32
        %add3A_1139 = arith.constant 3 : i32
        %add3A_1140 = arith.addi %mul3A_1138, %add3A_1139 : i32
        %get3A_1141 = arith.constant 1 : i32
        %get3A_1142 = arith.index_cast %get3A_1141 : i32 to index
        %get3A_1143 = arith.index_cast %add3A_1140 : i32 to index
        %get3A_1144 = arith.constant 32 : index
        %get3A_1145 = tpu.vector_load %arg11[%get3A_1142, %get3A_1143, %get3A_1144] {strides = array<i32>} : memref<2x100x128xf32, #tpu.memory_space<vmem>>, vector<1x1x16xf32>,
        %get3A_1146 = vector.shape_cast %get3A_1145 : vector<1x1x16xf32> to vector<16xf32>
        %mul3A_1147 = arith.constant 4 : i32
        %mul3A_1148 = arith.muli %mul3A_1147, %scan3A_281 : i32
        %add3A_1149 = arith.constant 3 : i32
        %add3A_1150 = arith.addi %mul3A_1148, %add3A_1149 : i32
        %get3A_1151 = arith.index_cast %add3A_1150 : i32 to index
        %get3A_1152 = arith.constant 32 : index
        %get3A_1153 = tpu.vector_load %arg12[%get3A_1151, %get3A_1152] {strides = array<i32>} : memref<100x128xf32, #tpu.memory_space<vmem>>, vector<1x16xf32>,
        %get3A_1154 = vector.shape_cast %get3A_1153 : vector<1x16xf32> to vector<16xf32>
        %add3A_1155 = arith.addf %get3A_1146, %get3A_1154 : vector<16xf32>
        %max3A_1156 = arith.constant 0.000000e+00 : f32
        %max3A_1157 = vector.broadcast %max3A_1156 : f32 to vector<16xf32>
        %max3A_1158 = arith.maximumf %add3A_1155, %max3A_1157 : vector<16xf32>
        %mul3A_1159 = arith.constant 4 : i32
        %mul3A_1160 = arith.muli %mul3A_1159, %scan3A_281 : i32
        %add3A_1161 = arith.constant 3 : i32
        %add3A_1162 = arith.addi %mul3A_1160, %add3A_1161 : i32
        %swap3A_1163 = arith.constant 1 : i32
        %swap3A_1164 = arith.index_cast %swap3A_1163 : i32 to index
        %swap3A_1165 = arith.index_cast %add3A_1162 : i32 to index
        %swap3A_1166 = arith.constant 32 : index
        %swap3A_1167 = tpu.vector_load %arg11[%swap3A_1164, %swap3A_1165, %swap3A_1166] {strides = array<i32>} : memref<2x100x128xf32, #tpu.memory_space<vmem>>, vector<1x1x16xf32>,
        %swap3A_1168 = vector.shape_cast %swap3A_1167 : vector<1x1x16xf32> to vector<16xf32>
        %swap3A_1169 = vector.shape_cast %max3A_1158 : vector<16xf32> to vector<1x1x16xf32>
        tpu.vector_store %arg11[%swap3A_1164, %swap3A_1165, %swap3A_1166], %swap3A_1169 {strides = array<i32>} : memref<2x100x128xf32, #tpu.memory_space<vmem>>, vector<1x1x16xf32>,
        %mul3A_1170 = arith.constant 4 : i32
        %mul3A_1171 = arith.muli %mul3A_1170, %scan3A_281 : i32
        %add3A_1172 = arith.constant 3 : i32
        %add3A_1173 = arith.addi %mul3A_1171, %add3A_1172 : i32
        %get3A_1174 = arith.constant 1 : i32
        %get3A_1175 = arith.index_cast %get3A_1174 : i32 to index
        %get3A_1176 = arith.index_cast %add3A_1173 : i32 to index
        %get3A_1177 = arith.constant 48 : index
        %get3A_1178 = tpu.vector_load %arg11[%get3A_1175, %get3A_1176, %get3A_1177] {strides = array<i32>} : memref<2x100x128xf32, #tpu.memory_space<vmem>>, vector<1x1x16xf32>,
        %get3A_1179 = vector.shape_cast %get3A_1178 : vector<1x1x16xf32> to vector<16xf32>
        %mul3A_1180 = arith.constant 4 : i32
        %mul3A_1181 = arith.muli %mul3A_1180, %scan3A_281 : i32
        %add3A_1182 = arith.constant 3 : i32
        %add3A_1183 = arith.addi %mul3A_1181, %add3A_1182 : i32
        %get3A_1184 = arith.index_cast %add3A_1183 : i32 to index
        %get3A_1185 = arith.constant 48 : index
        %get3A_1186 = tpu.vector_load %arg12[%get3A_1184, %get3A_1185] {strides = array<i32>} : memref<100x128xf32, #tpu.memory_space<vmem>>, vector<1x16xf32>,
        %get3A_1187 = vector.shape_cast %get3A_1186 : vector<1x16xf32> to vector<16xf32>
        %add3A_1188 = arith.addf %get3A_1179, %get3A_1187 : vector<16xf32>
        %max3A_1189 = arith.constant 0.000000e+00 : f32
        %max3A_1190 = vector.broadcast %max3A_1189 : f32 to vector<16xf32>
        %max3A_1191 = arith.maximumf %add3A_1188, %max3A_1190 : vector<16xf32>
        %mul3A_1192 = arith.constant 4 : i32
        %mul3A_1193 = arith.muli %mul3A_1192, %scan3A_281 : i32
        %add3A_1194 = arith.constant 3 : i32
        %add3A_1195 = arith.addi %mul3A_1193, %add3A_1194 : i32
        %swap3A_1196 = arith.constant 1 : i32
        %swap3A_1197 = arith.index_cast %swap3A_1196 : i32 to index
        %swap3A_1198 = arith.index_cast %add3A_1195 : i32 to index
        %swap3A_1199 = arith.constant 48 : index
        %swap3A_1200 = tpu.vector_load %arg11[%swap3A_1197, %swap3A_1198, %swap3A_1199] {strides = array<i32>} : memref<2x100x128xf32, #tpu.memory_space<vmem>>, vector<1x1x16xf32>,
        %swap3A_1201 = vector.shape_cast %swap3A_1200 : vector<1x1x16xf32> to vector<16xf32>
        %swap3A_1202 = vector.shape_cast %max3A_1191 : vector<16xf32> to vector<1x1x16xf32>
        tpu.vector_store %arg11[%swap3A_1197, %swap3A_1198, %swap3A_1199], %swap3A_1202 {strides = array<i32>} : memref<2x100x128xf32, #tpu.memory_space<vmem>>, vector<1x1x16xf32>,
        %mul3A_1203 = arith.constant 4 : i32
        %mul3A_1204 = arith.muli %mul3A_1203, %scan3A_281 : i32
        %add3A_1205 = arith.constant 3 : i32
        %add3A_1206 = arith.addi %mul3A_1204, %add3A_1205 : i32
        %get3A_1207 = arith.constant 1 : i32
        %get3A_1208 = arith.index_cast %get3A_1207 : i32 to index
        %get3A_1209 = arith.index_cast %add3A_1206 : i32 to index
        %get3A_1210 = arith.constant 64 : index
        %get3A_1211 = tpu.vector_load %arg11[%get3A_1208, %get3A_1209, %get3A_1210] {strides = array<i32>} : memref<2x100x128xf32, #tpu.memory_space<vmem>>, vector<1x1x16xf32>,
        %get3A_1212 = vector.shape_cast %get3A_1211 : vector<1x1x16xf32> to vector<16xf32>
        %mul3A_1213 = arith.constant 4 : i32
        %mul3A_1214 = arith.muli %mul3A_1213, %scan3A_281 : i32
        %add3A_1215 = arith.constant 3 : i32
        %add3A_1216 = arith.addi %mul3A_1214, %add3A_1215 : i32
        %get3A_1217 = arith.index_cast %add3A_1216 : i32 to index
        %get3A_1218 = arith.constant 64 : index
        %get3A_1219 = tpu.vector_load %arg12[%get3A_1217, %get3A_1218] {strides = array<i32>} : memref<100x128xf32, #tpu.memory_space<vmem>>, vector<1x16xf32>,
        %get3A_1220 = vector.shape_cast %get3A_1219 : vector<1x16xf32> to vector<16xf32>
        %add3A_1221 = arith.addf %get3A_1212, %get3A_1220 : vector<16xf32>
        %max3A_1222 = arith.constant 0.000000e+00 : f32
        %max3A_1223 = vector.broadcast %max3A_1222 : f32 to vector<16xf32>
        %max3A_1224 = arith.maximumf %add3A_1221, %max3A_1223 : vector<16xf32>
        %mul3A_1225 = arith.constant 4 : i32
        %mul3A_1226 = arith.muli %mul3A_1225, %scan3A_281 : i32
        %add3A_1227 = arith.constant 3 : i32
        %add3A_1228 = arith.addi %mul3A_1226, %add3A_1227 : i32
        %swap3A_1229 = arith.constant 1 : i32
        %swap3A_1230 = arith.index_cast %swap3A_1229 : i32 to index
        %swap3A_1231 = arith.index_cast %add3A_1228 : i32 to index
        %swap3A_1232 = arith.constant 64 : index
        %swap3A_1233 = tpu.vector_load %arg11[%swap3A_1230, %swap3A_1231, %swap3A_1232] {strides = array<i32>} : memref<2x100x128xf32, #tpu.memory_space<vmem>>, vector<1x1x16xf32>,
        %swap3A_1234 = vector.shape_cast %swap3A_1233 : vector<1x1x16xf32> to vector<16xf32>
        %swap3A_1235 = vector.shape_cast %max3A_1224 : vector<16xf32> to vector<1x1x16xf32>
        tpu.vector_store %arg11[%swap3A_1230, %swap3A_1231, %swap3A_1232], %swap3A_1235 {strides = array<i32>} : memref<2x100x128xf32, #tpu.memory_space<vmem>>, vector<1x1x16xf32>,
        %mul3A_1236 = arith.constant 4 : i32
        %mul3A_1237 = arith.muli %mul3A_1236, %scan3A_281 : i32
        %add3A_1238 = arith.constant 3 : i32
        %add3A_1239 = arith.addi %mul3A_1237, %add3A_1238 : i32
        %get3A_1240 = arith.constant 1 : i32
        %get3A_1241 = arith.index_cast %get3A_1240 : i32 to index
        %get3A_1242 = arith.index_cast %add3A_1239 : i32 to index
        %get3A_1243 = arith.constant 80 : index
        %get3A_1244 = tpu.vector_load %arg11[%get3A_1241, %get3A_1242, %get3A_1243] {strides = array<i32>} : memref<2x100x128xf32, #tpu.memory_space<vmem>>, vector<1x1x16xf32>,
        %get3A_1245 = vector.shape_cast %get3A_1244 : vector<1x1x16xf32> to vector<16xf32>
        %mul3A_1246 = arith.constant 4 : i32
        %mul3A_1247 = arith.muli %mul3A_1246, %scan3A_281 : i32
        %add3A_1248 = arith.constant 3 : i32
        %add3A_1249 = arith.addi %mul3A_1247, %add3A_1248 : i32
        %get3A_1250 = arith.index_cast %add3A_1249 : i32 to index
        %get3A_1251 = arith.constant 80 : index
        %get3A_1252 = tpu.vector_load %arg12[%get3A_1250, %get3A_1251] {strides = array<i32>} : memref<100x128xf32, #tpu.memory_space<vmem>>, vector<1x16xf32>,
        %get3A_1253 = vector.shape_cast %get3A_1252 : vector<1x16xf32> to vector<16xf32>
        %add3A_1254 = arith.addf %get3A_1245, %get3A_1253 : vector<16xf32>
        %max3A_1255 = arith.constant 0.000000e+00 : f32
        %max3A_1256 = vector.broadcast %max3A_1255 : f32 to vector<16xf32>
        %max3A_1257 = arith.maximumf %add3A_1254, %max3A_1256 : vector<16xf32>
        %mul3A_1258 = arith.constant 4 : i32
        %mul3A_1259 = arith.muli %mul3A_1258, %scan3A_281 : i32
        %add3A_1260 = arith.constant 3 : i32
        %add3A_1261 = arith.addi %mul3A_1259, %add3A_1260 : i32
        %swap3A_1262 = arith.constant 1 : i32
        %swap3A_1263 = arith.index_cast %swap3A_1262 : i32 to index
        %swap3A_1264 = arith.index_cast %add3A_1261 : i32 to index
        %swap3A_1265 = arith.constant 80 : index
        %swap3A_1266 = tpu.vector_load %arg11[%swap3A_1263, %swap3A_1264, %swap3A_1265] {strides = array<i32>} : memref<2x100x128xf32, #tpu.memory_space<vmem>>, vector<1x1x16xf32>,
        %swap3A_1267 = vector.shape_cast %swap3A_1266 : vector<1x1x16xf32> to vector<16xf32>
        %swap3A_1268 = vector.shape_cast %max3A_1257 : vector<16xf32> to vector<1x1x16xf32>
        tpu.vector_store %arg11[%swap3A_1263, %swap3A_1264, %swap3A_1265], %swap3A_1268 {strides = array<i32>} : memref<2x100x128xf32, #tpu.memory_space<vmem>>, vector<1x1x16xf32>,
        %mul3A_1269 = arith.constant 4 : i32
        %mul3A_1270 = arith.muli %mul3A_1269, %scan3A_281 : i32
        %add3A_1271 = arith.constant 3 : i32
        %add3A_1272 = arith.addi %mul3A_1270, %add3A_1271 : i32
        %get3A_1273 = arith.constant 1 : i32
        %get3A_1274 = arith.index_cast %get3A_1273 : i32 to index
        %get3A_1275 = arith.index_cast %add3A_1272 : i32 to index
        %get3A_1276 = arith.constant 96 : index
        %get3A_1277 = tpu.vector_load %arg11[%get3A_1274, %get3A_1275, %get3A_1276] {strides = array<i32>} : memref<2x100x128xf32, #tpu.memory_space<vmem>>, vector<1x1x16xf32>,
        %get3A_1278 = vector.shape_cast %get3A_1277 : vector<1x1x16xf32> to vector<16xf32>
        %mul3A_1279 = arith.constant 4 : i32
        %mul3A_1280 = arith.muli %mul3A_1279, %scan3A_281 : i32
        %add3A_1281 = arith.constant 3 : i32
        %add3A_1282 = arith.addi %mul3A_1280, %add3A_1281 : i32
        %get3A_1283 = arith.index_cast %add3A_1282 : i32 to index
        %get3A_1284 = arith.constant 96 : index
        %get3A_1285 = tpu.vector_load %arg12[%get3A_1283, %get3A_1284] {strides = array<i32>} : memref<100x128xf32, #tpu.memory_space<vmem>>, vector<1x16xf32>,
        %get3A_1286 = vector.shape_cast %get3A_1285 : vector<1x16xf32> to vector<16xf32>
        %add3A_1287 = arith.addf %get3A_1278, %get3A_1286 : vector<16xf32>
        %max3A_1288 = arith.constant 0.000000e+00 : f32
        %max3A_1289 = vector.broadcast %max3A_1288 : f32 to vector<16xf32>
        %max3A_1290 = arith.maximumf %add3A_1287, %max3A_1289 : vector<16xf32>
        %mul3A_1291 = arith.constant 4 : i32
        %mul3A_1292 = arith.muli %mul3A_1291, %scan3A_281 : i32
        %add3A_1293 = arith.constant 3 : i32
        %add3A_1294 = arith.addi %mul3A_1292, %add3A_1293 : i32
        %swap3A_1295 = arith.constant 1 : i32
        %swap3A_1296 = arith.index_cast %swap3A_1295 : i32 to index
        %swap3A_1297 = arith.index_cast %add3A_1294 : i32 to index
        %swap3A_1298 = arith.constant 96 : index
        %swap3A_1299 = tpu.vector_load %arg11[%swap3A_1296, %swap3A_1297, %swap3A_1298] {strides = array<i32>} : memref<2x100x128xf32, #tpu.memory_space<vmem>>, vector<1x1x16xf32>,
        %swap3A_1300 = vector.shape_cast %swap3A_1299 : vector<1x1x16xf32> to vector<16xf32>
        %swap3A_1301 = vector.shape_cast %max3A_1290 : vector<16xf32> to vector<1x1x16xf32>
        tpu.vector_store %arg11[%swap3A_1296, %swap3A_1297, %swap3A_1298], %swap3A_1301 {strides = array<i32>} : memref<2x100x128xf32, #tpu.memory_space<vmem>>, vector<1x1x16xf32>,
        %mul3A_1302 = arith.constant 4 : i32
        %mul3A_1303 = arith.muli %mul3A_1302, %scan3A_281 : i32
        %add3A_1304 = arith.constant 3 : i32
        %add3A_1305 = arith.addi %mul3A_1303, %add3A_1304 : i32
        %get3A_1306 = arith.constant 1 : i32
        %get3A_1307 = arith.index_cast %get3A_1306 : i32 to index
        %get3A_1308 = arith.index_cast %add3A_1305 : i32 to index
        %get3A_1309 = arith.constant 112 : index
        %get3A_1310 = tpu.vector_load %arg11[%get3A_1307, %get3A_1308, %get3A_1309] {strides = array<i32>} : memref<2x100x128xf32, #tpu.memory_space<vmem>>, vector<1x1x16xf32>,
        %get3A_1311 = vector.shape_cast %get3A_1310 : vector<1x1x16xf32> to vector<16xf32>
        %mul3A_1312 = arith.constant 4 : i32
        %mul3A_1313 = arith.muli %mul3A_1312, %scan3A_281 : i32
        %add3A_1314 = arith.constant 3 : i32
        %add3A_1315 = arith.addi %mul3A_1313, %add3A_1314 : i32
        %get3A_1316 = arith.index_cast %add3A_1315 : i32 to index
        %get3A_1317 = arith.constant 112 : index
        %get3A_1318 = tpu.vector_load %arg12[%get3A_1316, %get3A_1317] {strides = array<i32>} : memref<100x128xf32, #tpu.memory_space<vmem>>, vector<1x16xf32>,
        %get3A_1319 = vector.shape_cast %get3A_1318 : vector<1x16xf32> to vector<16xf32>
        %add3A_1320 = arith.addf %get3A_1311, %get3A_1319 : vector<16xf32>
        %max3A_1321 = arith.constant 0.000000e+00 : f32
        %max3A_1322 = vector.broadcast %max3A_1321 : f32 to vector<16xf32>
        %max3A_1323 = arith.maximumf %add3A_1320, %max3A_1322 : vector<16xf32>
        %mul3A_1324 = arith.constant 4 : i32
        %mul3A_1325 = arith.muli %mul3A_1324, %scan3A_281 : i32
        %add3A_1326 = arith.constant 3 : i32
        %add3A_1327 = arith.addi %mul3A_1325, %add3A_1326 : i32
        %swap3A_1328 = arith.constant 1 : i32
        %swap3A_1329 = arith.index_cast %swap3A_1328 : i32 to index
        %swap3A_1330 = arith.index_cast %add3A_1327 : i32 to index
        %swap3A_1331 = arith.constant 112 : index
        %swap3A_1332 = tpu.vector_load %arg11[%swap3A_1329, %swap3A_1330, %swap3A_1331] {strides = array<i32>} : memref<2x100x128xf32, #tpu.memory_space<vmem>>, vector<1x1x16xf32>,
        %swap3A_1333 = vector.shape_cast %swap3A_1332 : vector<1x1x16xf32> to vector<16xf32>
        %swap3A_1334 = vector.shape_cast %max3A_1323 : vector<16xf32> to vector<1x1x16xf32>
        tpu.vector_store %arg11[%swap3A_1329, %swap3A_1330, %swap3A_1331], %swap3A_1334 {strides = array<i32>} : memref<2x100x128xf32, #tpu.memory_space<vmem>>, vector<1x1x16xf32>,
      }
      %scan3A_268 = arith.constant 25 : i32
      %dma_start3A_269 = arith.constant 1 : i32
      %dma_start3A_270 = arith.constant 1 : i32
      %dma_start3A_271 = arith.constant 0 : i32
      %dma_start3A_272 = arith.constant 0 : i32
      %dma_start3A_273 = tpu.memref_slice %arg11[%dma_start3A_269, %dma_start3A_271, %dma_start3A_272] : memref<2x100x128xf32, #tpu.memory_space<vmem>> -> memref<1x100x128xf32, #tpu.memory_space<vmem>>
      %dma_start3A_274 = tpu.memref_squeeze %dma_start3A_273 : memref<1x100x128xf32, #tpu.memory_space<vmem>> -> memref<100x128xf32, #tpu.memory_space<vmem>>
      %dma_start3A_275 = arith.constant 0 : i32
      %dma_start3A_276 = tpu.memref_slice %arg10[%dma_start3A_270, %dma_start3A_275] : memref<2x100xi32, #tpu.memory_space<vmem>> -> memref<1x100xi32, #tpu.memory_space<vmem>>
      %dma_start3A_277 = tpu.memref_squeeze %dma_start3A_276 : memref<1x100xi32, #tpu.memory_space<vmem>> -> memref<100xi32, #tpu.memory_space<vmem>>
      %dma_start3A_278 = arith.constant 0 : i32
      %dma_start3A_279 = arith.constant 0 : i32
      %dma_start3A_280 = tpu.memref_slice %arg8[%dma_start3A_278, %dma_start3A_279] : memref<10240x128xf32, #tpu.memory_space<vmem_shared>> -> memref<10240x128xf32, #tpu.memory_space<vmem_shared>>
      tpu.enqueue_indirect_dma source(%dma_start3A_274 : memref<100x128xf32, #tpu.memory_space<vmem>>) target(%dma_start3A_280 : memref<10240x128xf32, #tpu.memory_space<vmem_shared>>) offsets(%dma_start3A_277 : memref<100xi32, #tpu.memory_space<vmem>>) semaphore(%arg16 : memref<!tpu.dma_semaphore, #tpu.memory_space<semaphore_mem>>) {add = true}
    }
    %scan3A_102 = arith.constant 49 : i32
    %dma_wait3A_103 = arith.constant 0 : i32
    %dma_wait3A_104 = arith.constant 0 : i32
    %dma_wait3A_105 = arith.constant 0 : i32
    %dma_wait3A_106 = arith.constant 0 : i32
    %dma_wait3A_107 = tpu.memref_slice %arg11[%dma_wait3A_104, %dma_wait3A_105, %dma_wait3A_106] : memref<2x100x128xf32, #tpu.memory_space<vmem>> -> memref<1x100x128xf32, #tpu.memory_space<vmem>>
    %dma_wait3A_108 = tpu.memref_squeeze %dma_wait3A_107 : memref<1x100x128xf32, #tpu.memory_space<vmem>> -> memref<100x128xf32, #tpu.memory_space<vmem>>
    %dma_wait3A_109 = arith.constant 0 : i32
    %dma_wait3A_110 = arith.constant 0 : i32
    %dma_wait3A_111 = tpu.memref_slice %arg5[%add3A, %dma_wait3A_103, %dma_wait3A_109, %dma_wait3A_110] : memref<32x100x100x128xf32, #tpu.memory_space<hbm>> -> memref<1x1x100x128xf32, #tpu.memory_space<hbm>>
    %dma_wait3A_112 = tpu.memref_squeeze %dma_wait3A_111 : memref<1x1x100x128xf32, #tpu.memory_space<hbm>> -> memref<100x128xf32, #tpu.memory_space<hbm>>
    %dma_wait3A_113 = arith.constant 0 : i32
    %dma_wait3A_114 = arith.constant 0 : i32
    %dma_wait3A_115 = tpu.memref_slice %arg11[%dma_wait3A_104, %dma_wait3A_113, %dma_wait3A_114] : memref<2x100x128xf32, #tpu.memory_space<vmem>> -> memref<1x100x128xf32, #tpu.memory_space<vmem>>
    %dma_wait3A_116 = tpu.memref_squeeze %dma_wait3A_115 : memref<1x100x128xf32, #tpu.memory_space<vmem>> -> memref<100x128xf32, #tpu.memory_space<vmem>>
    %dma_wait3A_117 = arith.constant 0 : i32
    %dma_wait3A_118 = arith.constant 0 : i32
    %dma_wait3A_119 = tpu.memref_slice %arg5[%add3A, %dma_wait3A_103, %dma_wait3A_117, %dma_wait3A_118] : memref<32x100x100x128xf32, #tpu.memory_space<hbm>> -> memref<1x1x100x128xf32, #tpu.memory_space<hbm>>
    %dma_wait3A_120 = tpu.memref_squeeze %dma_wait3A_119 : memref<1x1x100x128xf32, #tpu.memory_space<hbm>> -> memref<100x128xf32, #tpu.memory_space<hbm>>
    tpu.wait_dma2 semaphore(%arg15 : memref<!tpu.dma_semaphore, #tpu.memory_space<semaphore_mem>>) src(%dma_wait3A_120 : memref<100x128xf32, #tpu.memory_space<hbm>>) dst(%dma_wait3A_116 : memref<100x128xf32, #tpu.memory_space<vmem>>)
    %dma_wait3A_121 = arith.constant 0 : i32
    %dma_wait3A_122 = arith.constant 1 : i32
    %dma_wait3A_123 = arith.constant 0 : i32
    %dma_wait3A_124 = arith.constant 0 : i32
    %dma_wait3A_125 = tpu.memref_slice %arg11[%dma_wait3A_122, %dma_wait3A_123, %dma_wait3A_124] : memref<2x100x128xf32, #tpu.memory_space<vmem>> -> memref<1x100x128xf32, #tpu.memory_space<vmem>>
    %dma_wait3A_126 = tpu.memref_squeeze %dma_wait3A_125 : memref<1x100x128xf32, #tpu.memory_space<vmem>> -> memref<100x128xf32, #tpu.memory_space<vmem>>
    %dma_wait3A_127 = arith.constant 0 : i32
    %dma_wait3A_128 = arith.constant 0 : i32
    %dma_wait3A_129 = tpu.memref_slice %arg5[%add3A, %dma_wait3A_121, %dma_wait3A_127, %dma_wait3A_128] : memref<32x100x100x128xf32, #tpu.memory_space<hbm>> -> memref<1x1x100x128xf32, #tpu.memory_space<hbm>>
    %dma_wait3A_130 = tpu.memref_squeeze %dma_wait3A_129 : memref<1x1x100x128xf32, #tpu.memory_space<hbm>> -> memref<100x128xf32, #tpu.memory_space<hbm>>
    %dma_wait3A_131 = arith.constant 0 : i32
    %dma_wait3A_132 = arith.constant 0 : i32
    %dma_wait3A_133 = tpu.memref_slice %arg11[%dma_wait3A_122, %dma_wait3A_131, %dma_wait3A_132] : memref<2x100x128xf32, #tpu.memory_space<vmem>> -> memref<1x100x128xf32, #tpu.memory_space<vmem>>
    %dma_wait3A_134 = tpu.memref_squeeze %dma_wait3A_133 : memref<1x100x128xf32, #tpu.memory_space<vmem>> -> memref<100x128xf32, #tpu.memory_space<vmem>>
    %dma_wait3A_135 = arith.constant 0 : i32
    %dma_wait3A_136 = arith.constant 0 : i32
    %dma_wait3A_137 = tpu.memref_slice %arg5[%add3A, %dma_wait3A_121, %dma_wait3A_135, %dma_wait3A_136] : memref<32x100x100x128xf32, #tpu.memory_space<hbm>> -> memref<1x1x100x128xf32, #tpu.memory_space<hbm>>
    %dma_wait3A_138 = tpu.memref_squeeze %dma_wait3A_137 : memref<1x1x100x128xf32, #tpu.memory_space<hbm>> -> memref<100x128xf32, #tpu.memory_space<hbm>>
    tpu.wait_dma2 semaphore(%arg16 : memref<!tpu.dma_semaphore, #tpu.memory_space<semaphore_mem>>) src(%dma_wait3A_138 : memref<100x128xf32, #tpu.memory_space<hbm>>) dst(%dma_wait3A_134 : memref<100x128xf32, #tpu.memory_space<vmem>>)
    %barrier3A_139 = arith.constant 0 : index
    tpu.barrier barrier_id(%barrier3A_139)
    %mul3A_140 = arith.constant 640 : i32
    %mul3A_141 = arith.muli %arg1, %mul3A_140 : i32
    %mul3A_142 = arith.constant 640 : i32
    %mul3A_143 = arith.muli %arg1, %mul3A_142 : i32
    "tpu.region"() ({
      %run_scoped3A_144 = tpu.sem_alloc : memref<!tpu.dma_semaphore, #tpu.memory_space<semaphore_mem>>
      %dma_start3A_145 = arith.constant 0 : i32
      %dma_start3A_146 = tpu.memref_slice %arg7[%arg0, %mul3A_143, %dma_start3A_145] : memref<2x10240x128xf32, #tpu.memory_space<hbm>> -> memref<1x640x128xf32, #tpu.memory_space<hbm>>
      %dma_start3A_147 = tpu.memref_squeeze %dma_start3A_146 : memref<1x640x128xf32, #tpu.memory_space<hbm>> -> memref<640x128xf32, #tpu.memory_space<hbm>>
      %dma_start3A_148 = arith.constant 0 : i32
      %dma_start3A_149 = tpu.memref_slice %arg8[%mul3A_141, %dma_start3A_148] : memref<10240x128xf32, #tpu.memory_space<vmem_shared>> -> memref<640x128xf32, #tpu.memory_space<vmem_shared>>
      tpu.enqueue_dma source(%dma_start3A_149 : memref<640x128xf32, #tpu.memory_space<vmem_shared>>) target(%dma_start3A_147 : memref<640x128xf32, #tpu.memory_space<hbm>>) target_semaphore(%run_scoped3A_144 : memref<!tpu.dma_semaphore, #tpu.memory_space<semaphore_mem>>)
      %dma_wait3A_150 = arith.constant 0 : i32
      %dma_wait3A_151 = tpu.memref_slice %arg7[%arg0, %mul3A_143, %dma_wait3A_150] : memref<2x10240x128xf32, #tpu.memory_space<hbm>> -> memref<1x640x128xf32, #tpu.memory_space<hbm>>
      %dma_wait3A_152 = tpu.memref_squeeze %dma_wait3A_151 : memref<1x640x128xf32, #tpu.memory_space<hbm>> -> memref<640x128xf32, #tpu.memory_space<hbm>>
      %dma_wait3A_153 = arith.constant 0 : i32
      %dma_wait3A_154 = tpu.memref_slice %arg8[%mul3A_141, %dma_wait3A_153] : memref<10240x128xf32, #tpu.memory_space<vmem_shared>> -> memref<640x128xf32, #tpu.memory_space<vmem_shared>>
      tpu.wait_dma2 semaphore(%run_scoped3A_144 : memref<!tpu.dma_semaphore, #tpu.memory_space<semaphore_mem>>) src(%dma_wait3A_154 : memref<640x128xf32, #tpu.memory_space<vmem_shared>>) dst(%dma_wait3A_152 : memref<640x128xf32, #tpu.memory_space<hbm>>)
      tpu.yield
    }) : () -> ()
    return
  }
}

</mosaic_0001>

<sc_bundles>
// kernel: _edge_aggregate.3.cloned.1.call-start
scs
__scs_entry_jumppad:
0x0: {  	(pc) =	sbr.rel $0x88, $3  }
0x1: {  	(tag) =	ssettag $0x0;
	lr =	simm.s32 $0x1  }
0x2: {  	[smem:$0x3F9C] =	sst lr;
	_ =	strace $0xD0000000  }
0x3: {  	_ = 	snop  }
0x4: {  	_ = 	snop  }
0x5: {  	_ = 	snop  }
0x6: {  	_ = 	snop  }
0x7: {  	_ = 	snop  }
__scs_overlays_trampoline_lowered:
0x8: {  	[smem:$0x3FAB] =	sst s0  }
0x9: {  	[smem:$0x3FAC] =	sst s1  }
0xa: {  	[smem:$0x3FAD] =	sst s2  }
0xb: {  	[smem:$0x3FAE] =	sst s3  }
0xc: {  	[smem:$0x3FAF] =	sst s4  }
0xd: {  	[smem:$0x3FB0] =	sst s5  }
0xe: {  	[smem:$0x3FB1] =	sst s6  }
0xf: {  	[smem:$0x3FB2] =	sst s7  }
0x10: {  	[smem:$0x3FB3] =	sst s8  }
0x11: {  	[smem:$0x3FB4] =	sst s9;
	s0 =	simm.s32 @!p0 $0x0  }
0x12: {  	s1 =	sld [smem:$0x3F9A];
	s0 =	simm.s32 @p0 $0x1  }
0x13: {  	[smem:$0x3FB5] =	sst s0;
	s0 =	simm.s32 @!p1 $0x0  }
0x14: {  	s2 =	sld [smem:$0x3F99];
	s0 =	simm.s32 @p1 $0x1  }
0x15: {  	[smem:$0x3FB6] =	sst s0;
	s0 =	simm.s32 @!p2 $0x0  }
0x16: {  	s3 =	sld [smem:$0x3FDB];
	s0 =	simm.s32 @p2 $0x1  }
0x17: {  	s4 =	simm.s32 $0x1BF5;
	[smem:$0x3FB8] =	sst s0  }
0x18: {  	s0 =	sld [smem:$0x3F9B];
	_ =	swait.ge [sflag:s4], $0x0  }
0x19: {  	s7 =	sld [smem:$0x3F9C]  }
0x1a: {  	s8 =	sadd.s32 $0xFFFFE003, lr  }
0x1b: {  	s9 =	sadd.s32 $0xFFFFFEF7, lr;
	s5 =	simm.s32 $0xFFFFFFFF;
	p2 =	slt.u32 s8, $0xFFFFF086  }
0x1c: {  	p1 =	slt.u32 s9, $0xF7A;
	s5 =	simm.s32 @!p2 $0x0  }
0x1d: {  	s5 =	simm.s32 @p1 $0x1;
	p0 =	seq.s32 s7, s2  }
0x1e: {  	s7 =	smul.u32 @!p0 $0xF7A, s2;
	p2 =	seq.s32 @!p0 s5, $0x0  }
0x1f: {  	s9 =	smul.u32 $0xF7A, s1;
	s8 =	simm.s32 @!p0 $0x1BF5;
	p2 =	por !p2, p0  }
0x20: {  	[sflag:s8] =	ssyncset.s32 @!p0 $0xFFFFF086;
	s6 =	sadd.s32 @!p0 s3, s7;
	s7 =	simm.s32 @!p0 $0x108  }
0x21: {  	s3 =	sadd.s32 s3, s9;
	s6 =	sadd.s32 @!p0 $0x88, s6;
	s7 =	simm.s32 @p2 $0x1082  }
0x22: {  	[simem:s7], [sflag:s8] =	dma.local @!p0 [hbm:s6], $0xF7A  }
0x23: {  	s9 =	sor.u32 $0xD0000000, s2;
	s6 =	simm.s32 $0x108;
	_ =	swait.ge @!p0 [sflag:s8], $0x0  }
0x24: {  	s3 =	sadd.s32 $0x88, s3;
	s6 =	simm.s32 @!p1 $0x1082;
	[sflag:s4] =	ssyncset.s32 $0xFFFFF086  }
0x25: {  	[simem:s6], [sflag:s4] =	dma.local [hbm:s3], $0xF7A  }
0x26: {  	[smem:$0x3F9C] =	sst s1;
	(tag) =	ssettag s2;
	_ =	strace s9  }
0x27: {  	s1 =	sld [smem:$0x3FAC]  }
0x28: {  	s2 =	sld [smem:$0x3FAD]  }
0x29: {  	s4 =	sld [smem:$0x3FAF]  }
0x2a: {  	p0 =	seq.s32 s5, $0x0;
	s5 =	sld [smem:$0x3FB0]  }
0x2b: {  	s6 =	sld [smem:$0x3FB1]  }
0x2c: {  	s7 =	sld [smem:$0x3FB2]  }
0x2d: {  	s3 =	simm.s32 $0x108;
	s8 =	sld [smem:$0x3FB3]  }
0x2e: {  	s3 =	simm.s32 @!p0 $0x1082;
	s9 =	sld [smem:$0x3FB4]  }
0x2f: {  	lr =	sadd.s32 s0, s3;
	s0 =	sld [smem:$0x3FAB]  }
0x30: {  	s3 =	sld [smem:$0x3FAE]  }
0x31: {  	[smem:$0x3FB7] =	sst s10  }
0x32: {  	s10 =	sld [smem:$0x3FB5];
	_ =	sdelay $0x3  }
0x33: {  	p0 =	seq.s32 s10, $0x1;
	s10 =	sld [smem:$0x3FB7];
	_ =	sdelay $0x3  }
0x34: {  	[smem:$0x3FB7] =	sst s10  }
0x35: {  	s10 =	sld [smem:$0x3FB6];
	_ =	sdelay $0x3  }
0x36: {  	p1 =	seq.s32 s10, $0x1;
	s10 =	sld [smem:$0x3FB7];
	_ =	sdelay $0x3  }
0x37: {  	[smem:$0x3FB7] =	sst s10  }
0x38: {  	s10 =	sld [smem:$0x3FB8]  }
0x39: {  	_ = 	snop;
	(pc) =	sbr.ind lr, $3  }
0x3a: {  	_ = 	snop  }
0x3b: {  	_ = 	snop  }
0x3c: {  	p2 =	seq.s32 s10, $0x1;
	s10 =	sld [smem:$0x3FB7]  }
0x3d: {  	_ =	shalt  }
0x3e: {  	_ =	shalt  }
0x3f: {  	_ =	shalt  }
0x40: {  	_ =	shalt  }
0x41: {  	_ =	shalt  }
0x42: {  	_ =	shalt  }
0x43: {  	_ =	shalt  }
0x44: {  	_ =	shalt  }
0x45: {  	_ =	shalt  }
0x46: {  	_ =	shalt  }
0x47: {  	_ =	shalt  }
0x48: {  	_ =	shalt  }
0x49: {  	_ =	shalt  }
0x4a: {  	_ =	shalt  }
0x4b: {  	_ =	shalt  }
0x4c: {  	_ =	shalt  }
0x4d: {  	_ =	shalt  }
0x4e: {  	_ =	shalt  }
0x4f: {  	_ =	shalt  }
0x50: {  	_ =	shalt  }
0x51: {  	_ =	shalt  }
0x52: {  	_ =	shalt  }
0x53: {  	_ =	shalt  }
0x54: {  	_ =	shalt  }
0x55: {  	_ =	shalt  }
0x56: {  	_ =	shalt  }
0x57: {  	_ =	shalt  }
0x58: {  	_ =	shalt  }
0x59: {  	_ =	shalt  }
0x5a: {  	_ =	shalt  }
0x5b: {  	_ =	shalt  }
0x5c: {  	_ =	shalt  }
0x5d: {  	_ =	shalt  }
0x5e: {  	_ =	shalt  }
0x5f: {  	_ =	shalt  }
0x60: {  	_ =	shalt  }
0x61: {  	_ =	shalt  }
0x62: {  	_ =	shalt  }
0x63: {  	_ =	shalt  }
0x64: {  	_ =	shalt  }
0x65: {  	_ =	shalt  }
0x66: {  	_ =	shalt  }
0x67: {  	_ =	shalt  }
0x68: {  	_ =	shalt  }
0x69: {  	_ =	shalt  }
0x6a: {  	_ =	shalt  }
0x6b: {  	_ =	shalt  }
0x6c: {  	_ =	shalt  }
0x6d: {  	_ =	shalt  }
0x6e: {  	_ =	shalt  }
0x6f: {  	_ =	shalt  }
0x70: {  	_ =	shalt  }
0x71: {  	_ =	shalt  }
0x72: {  	_ =	shalt  }
0x73: {  	_ =	shalt  }
0x74: {  	_ =	shalt  }
0x75: {  	_ =	shalt  }
0x76: {  	_ =	shalt  }
0x77: {  	_ =	shalt  }
0x78: {  	_ =	shalt  }
0x79: {  	_ =	shalt  }
0x7a: {  	_ =	shalt  }
0x7b: {  	_ =	shalt  }
0x7c: {  	_ =	shalt  }
0x7d: {  	_ =	shalt  }
0x7e: {  	_ =	shalt  }
0x7f: {  	_ =	shalt  }
0x80: {  	_ =	shalt  }
0x81: {  	_ =	shalt  }
0x82: {  	_ =	shalt  }
0x83: {  	_ =	shalt  }
0x84: {  	_ =	shalt  }
0x85: {  	_ =	shalt  }
0x86: {  	_ =	shalt  }
0x87: {  	_ =	shalt  }
.Lfunc_end0:
.L_simem_size_0:
called_computation_lowered:
.L_overlay_start_0:
0x88: {  	s2 =	sld [smem:$0x3FD9]  }
0x89: {  	s3 =	sld [smem:$0x3FFE];
	_ =	sdelay $0x1  }
0x8a: {  	s1 =	srdreg.scid  }
0x8b: {  	s0 =	sand.u32 $0x1, s1  }
0x8c: {  	s17 =	sshll.u32 s0, $0xA;
	s2 =	sadd.s32 s3, s2  }
0x8d: {  	s2 =	sadd.s32 s2, s17  }
0x8e: {  	[smem:$0x3FC3] =	sst s2  }
0x8f: {  	_ = 	snop  }
0x90: {  	s2 =	sld [smem:$0x3FC9]  }
0x91: {  	s18 =	sld [smem:$0x3FC5]  }
0x92: {  	s4 =	sld [smem:$0x3FD0];
	(tm) =	ssettm $0x1  }
0x93: {  	s5 =	sld [smem:$0x3FFB];
	_ =	sdelay $0x3  }
0x94: {  	_ =	strace s5  }
0x95: {  	s5 =	sld [smem:$0x3FFC];
	_ =	sdelay $0x3  }
0x96: {  	_ =	strace s5  }
0x97: {  	s5 =	sld [smem:$0x3FFD];
	_ =	sdelay $0x3  }
0x98: {  	_ =	strace s5  }
0x99: {  	_ =	strace $0x8FFFFFFF  }
0x9a: {  	s19 =	sld [smem:$0x3FDB];
	_ =	sdelay $0x1  }
0x9b: {  	s6 =	simm.s32 $_scs_section_size  }
0x9c: {  	s7 =	simm.s32 $_size__tile_overlayer_lowered;
	s8 =	simm.s32 $_tile_overlayer_lowered  }
0x9d: {  	s22 =	simm.s32 $0x1BFF;
	s21 =	sshll.u32 s8, $0x1;
	s5 =	sadd.s32 s6, s19  }
0x9e: {  	s9 =	simm.s32 $0x0;
	s20 =	sshll.u32 s7, $0x1;
	s7 =	sadd.s32 s21, s5  }
0x9f: {  	[timem:s9], [sflag:s22] =	dma.local [hbm:s7], s20  }
0xa0: {  	_ =	swait.ge [sflag:s22], s20  }
0xa1: {  	s6 =	ssub.s32 $0x0, s20;
	[sflag:s22] =	ssyncset.done $0x0  }
0xa2: {  	[sflag:s22] =	ssyncadd.s32 s6;
	_ =	sdelay $0x1  }
0xa3: {  	s23 =	simm.s32 $0x1B8B  }
0xa4: {  	_ =	swait.ge [sflag:s23], $0x1  }
0xa5: {  	[sflag:s23] =	ssyncset.done $0x0  }
0xa6: {  	s25 =	simm.s32 $0x1B8E;
	s24 =	sld [smem:$0x3FFE];
	[sflag:s23] =	ssyncadd.s32 $0xFFFFFFFF  }
0xa7: {  	s26 =	simm.s32 $execute0_lowered;
	[smem:$0x3FD2] =	sst s25  }
0xa8: {  	s7 =	sshll.u32 s26, $0x1;
	_ =	strace $0x80000046;
	[dreg:$0x1] =	wrdreg $0xFFFFFFFF  }
0xa9: {  	s28 =	simm.s32 $_size_execute0_lowered;
	s5 =	sadd.s32 s5, s7;
	[dreg:$0x0] =	wrdreg $0x0  }
0xaa: {  	s7 =	sshll.u32 s28, $0x1;
	[dreg:$0x2] =	wrdreg s5  }
0xab: {  	[dreg:$0x3] =	wrdreg s7  }
0xac: {  	[dreg:$0x4] =	wrdreg $0xC0  }
0xad: {  	_ =	task [dreg:s9], $0x5FFFF  }
0xae: {  	[dreg:$0x1] =	wrdreg $0xFFFFFFFF  }
0xaf: {  	[dreg:$0x0] =	wrdreg $0x60  }
0xb0: {  	[dreg:$0x2] =	wrdreg s2  }
0xb1: {  	[dreg:$0x3] =	wrdreg s24  }
0xb2: {  	[dreg:$0x4] =	wrdreg s18  }
0xb3: {  	[dreg:$0x5] =	wrdreg s4  }
0xb4: {  	[dreg:$0x6] =	wrdreg $0x0  }
0xb5: {  	[dreg:$0x7] =	wrdreg $0x9  }
0xb6: {  	_ =	task.clear_ibuf [dreg:s9], $0x8FFFF;
	_ =	strace $0x90000046  }
0xb7: {  	s29 =	simm.s32 $0x9;
	_ =	strace $0x80000048  }
0xb8: {  	_ =	swait.ge [sflag:s29], $0x1  }
0xb9: {  	[sflag:s29] =	ssyncadd.s32 $0xFFFFFFFF  }
0xba: {  	_ =	strace $0x90000048  }
0xbb: {  	_ =	sfence  }
0xbc: {  	s30 =	sld [smem:$0x0];
	_ =	sdelay $0x2  }
0xbd: {  	s31 =	sshll.u32 s1, $0xD;
	s1 =	sshrl.u32 s1, $0x2  }
0xbe: {  	s3 =	sand.u32 $0x4000, s31;
	s1 =	sadd.s32 s1, s30  }
0xbf: {  	s0 =	sor.u32 s3, s0;
	s1 =	sshll.u32 s1, $0x11  }
0xc0: {  	s0 =	sor.u32 s1, s0  }
0xc1: {  	s0 =	sadd.s32 $0x8F2B, s0  }
0xc2: {  	[sflag:s0] =	ssyncadd.remote.s32 $0x1  }
0xc3: {  	_ =	sfence.sel $0xFFFF  }
0xc4: {  	[dreg:$0x0] =	wrdreg $0xFFFFFFFF;
	(pc) =	sbr.abs _section_cstart, $3  }
0xc5: {  	[dreg:$0x1] =	wrdreg $0xFFFFFFFF  }
0xc6: {  	_ =	task.clear_ibuf [dreg:s9], $0x2FFFF;
	_ =	strace $0x9FFFFFFF  }
0xc7: {  	(tm) =	ssettm $0x7FFFFFFF  }
tec
execute0_lowered:
.L_overlay_start_1:
0x0: {  	(tag) =	ssettag $0x1  }
0x1: {  	s1 =	rddreg [dreg:$0x0]  }
0x2: {  	s0 =	rddreg [dreg:$0x1]  }
0x3: {  	s4 =	rddreg [dreg:$0x2]  }
0x4: {  	s9 =	rddreg [dreg:$0x3]  }
0x5: {  	s2 =	rddreg [dreg:$0x4];
	s3 =	simm.s32 $0x0;
	s7 =	srdreg.scid  }
0x6: {  	s14 =	stileid.u32;
	s28 =	simm.s32 $0x1A980;
	s29 =	simm.s32 $0x1  }
0x7: {  	s30 =	simm.s32 $0x2;
	s31 =	simm.s32 $0x14100;
	[smem:$0x7FF] =	sst s3  }
0x8: {  	s5 =	sadd.s32 $0x400, s0;
	s6 =	sadd.s32 $0xD400, s0;
	s8 =	smul.u32 $0x50000, s14  }
0x9: {  	s12 =	sand.u32 $0x1, s7;
	s7 =	sadd.s32 $0x1A400, s0;
	s13 =	smul.u32 $0x14000, s14  }
0xa: {  	s19 =	sshll.u32 s14, $0x6;
	_ =	strace $0x80000047;
	s11 =	sshll.u32 s12, $0x4  }
0xb: {  	s16 =	ssub.s32 $0x2, s12;
	s17 =	sor.u32 s14, s11;
	s8 =	sshrl.u32 s8, $0x2  }
0xc: {  	s10 =	sshrl.u32 s16, $0x1;
	s15 =	sadd.s32 s8, s2;
	s8 =	smul.u32 $0x3400, s17  }
0xd: {  	s18 =	sshrl.u32 s13, $0x3;
	s0 =	ssub.s32 s16, s10;
	s10 =	smul.u32 $0x145000, s17  }
0xe: {  	s11 =	sor.u32 $0x1C05, s19;
	s4 =	sadd.s32 s4, s18;
	s16 =	smul.u32 $0x140000, s12  }
0xf: {  	[dreg:$0x6] =	wrdreg s4;
	s0 =	smax.u32 s0, $0x1;
	s20 =	sshrl.u32 s8, $0x3  }
0x10: {  	s23 =	sshrl.u32 s10, $0x3;
	s13 =	sadd.s32 s13, s16;
	[dreg:$0xe] =	wrdreg s0  }
0x11: {  	s0 =	simm.s32 $0x17580;
	s21 =	sadd.s32 s5, s20;
	s22 =	sadd.s32 s6, s20  }
0x12: {  	s14 =	sadd.s32 s7, s23;
	s4 =	sor.u32 $0x10, s20;
	[dreg:$0x8] =	wrdreg s22  }
0x13: {  	s25 =	sshrl.u32 s13, $0x3;
	s24 =	sadd.s32 s5, s4;
	[dreg:$0x7] =	wrdreg s21  }
0x14: {  	s23 =	simm.s32 $0x14000;
	s4 =	sadd.s32 s6, s4;
	[dreg:$0x9] =	wrdreg s24  }
0x15: {  	s13 =	simm.s32 $0x0;
	s26 =	sadd.s32 $0x680, s14;
	[dreg:$0xa] =	wrdreg s4  }
0x16: {  	s12 =	sadd.s32 $0x20, s21;
	s21 =	sshrl.u32 s15, $0x3;
	[dreg:$0xb] =	wrdreg s26  }
0x17: {  	s22 =	simm.s32 $0x5;
	[dreg:$0xc] =	wrdreg s12;
	s4 =	sadd.s32 s9, s25  }
0x18: {  	s24 =	simm.s32 $0x14080;
	s25 =	simm.s32 $0x64;
	s26 =	simm.s32 $0x14180  }
0x19: {  	s9 =	simm.s32 $0x4;
	[dreg:$0xd] =	wrdreg s4;
	s4 =	simm.s32 $0x3  }
.LBB2_1:
0x1a: {  	s12 =	rddreg [dreg:$0x6]  }
0x1b: {  	[spmem:s21], [sflag:s11] =	dma.local [hbm:s12], $0x2800  }
0x1c: {  	_ =	swait.ge [sflag:s22], $0x2800  }
0x1d: {  	[sflag:s22] =	ssyncset.done $0x0  }
0x1e: {  	[sflag:s22] =	ssyncadd.s32 $0xFFFFD800  }
0x1f: {  	[bflag:$0x0] =	sbarrier.arrive $0xFFFF  }
0x20: {  	s18 =	rddreg [dreg:$0x7]  }
0x21: {  	[tilespmem:s23], [sflag:$0x5] =	stream.linear.gather [hbm4b:s18+s3], $0x80, $0x38;
	[tilespmem:$0x1DD80] =	vst v63  }
0x22: {  	_ =	swait.ge [sflag:s22], $0x80  }
0x23: {  	[sflag:s22] =	ssyncset.done $0x0  }
0x24: {  	s19 =	rddreg [dreg:$0x8];
	[sflag:s22] =	ssyncadd.s32 $0xFFFFFF80  }
0x25: {  	[tilespmem:s24], [sflag:$0x5] =	stream.linear.gather [hbm4b:s19+s3], $0x80, $0x38;
	[tilespmem:$0x1DD80] =	vst v63  }
0x26: {  	_ =	swait.ge [sflag:s22], $0x80  }
0x27: {  	[sflag:s22] =	ssyncset.done $0x0  }
0x28: {  	[sflag:s22] =	ssyncadd.s32 $0xFFFFFF80  }
0x29: {  	[tilespmem:s26], [sflag:$0x1] =	stream.indirect.gather [hbm4b:s1+s25], $0x80, s23, s25, $0xb8;
	[tilespmem:$0x1DD80] =	vst v63  }
0x2a: {  	_ = 	snop  }
0x2b: {  	[tilespmem:s28], [sflag:$0x5] =	stream.linear.gather [hbm4b:s14+s3], $0x3200, $0x38;
	[tilespmem:$0x1DD80] =	vst v63  }
0x2c: {  	_ =	swait.ge [sflag:s22], $0x3200  }
0x2d: {  	[sflag:s22] =	ssyncset.done $0x0  }
0x2e: {  	[sflag:s22] =	ssyncadd.s32 $0xFFFFCE00  }
0x2f: {  	_ =	swait.ge [sflag:s29], $0x3200  }
0x30: {  	[sflag:s29] =	ssyncset.done $0x0  }
0x31: {  	s15 =	simm.s32 $0x0;
	s20 =	rddreg [dreg:$0x9];
	[sflag:s29] =	ssyncadd.s32 $0xFFFFCE00  }
0x32: {  	[tilespmem:s23], [sflag:$0x2] =	stream.linear.gather [hbm4b:s20+s3], $0x80, $0x38;
	[tilespmem:$0x1DD80] =	vst v63  }
0x33: {  	v6 =	vld [tilespmem:s15+$0x1A980]  }
0x34: {  	v7 =	vld [tilespmem:s15+$0x1A990]  }
0x35: {  	v8 =	vld [tilespmem:s15+$0x1A9A0]  }
0x36: {  	v9 =	vld [tilespmem:s15+$0x1A9B0]  }
0x37: {  	v10 =	vld [tilespmem:s15+$0x1A9C0]  }
0x38: {  	v11 =	vld [tilespmem:s15+$0x1A9D0]  }
0x39: {  	v12 =	vld [tilespmem:s15+$0x1A9E0]  }
0x3a: {  	v13 =	vld [tilespmem:s15+$0x1A9F0]  }
0x3b: {  	v14 =	vld [tilespmem:s15+$0x1AA00]  }
0x3c: {  	v15 =	vld [tilespmem:s15+$0x1AA10]  }
0x3d: {  	v16 =	vld [tilespmem:s15+$0x1AA20]  }
0x3e: {  	v17 =	vld [tilespmem:s15+$0x1AA30]  }
0x3f: {  	v18 =	vld [tilespmem:s15+$0x1AA40]  }
0x40: {  	v19 =	vld [tilespmem:s15+$0x1AA50]  }
0x41: {  	v20 =	vld [tilespmem:s15+$0x1AA60]  }
0x42: {  	v21 =	vld [tilespmem:s15+$0x1AA70]  }
0x43: {  	v22 =	vld [tilespmem:s15+$0x1AA80]  }
0x44: {  	v23 =	vld [tilespmem:s15+$0x1AA90]  }
0x45: {  	v24 =	vld [tilespmem:s15+$0x1AAA0]  }
0x46: {  	v25 =	vld [tilespmem:s15+$0x1AAB0]  }
0x47: {  	v26 =	vld [tilespmem:s15+$0x1AAC0]  }
0x48: {  	v32 =	vld [tilespmem:s15+$0x14180]  }
0x49: {  	v27 =	vld [tilespmem:s15+$0x1AAD0]  }
0x4a: {  	v33 =	vld [tilespmem:s15+$0x14190]  }
0x4b: {  	v34 =	vld [tilespmem:s15+$0x141A0]  }
0x4c: {  	v28 =	vld [tilespmem:s15+$0x1AAE0]  }
0x4d: {  	v35 =	vld [tilespmem:s15+$0x141B0];
	v6 =	vadd.f32 v6, v32  }
0x4e: {  	v36 =	vld [tilespmem:s15+$0x141C0]  }
0x4f: {  	v29 =	vld [tilespmem:s15+$0x1AAF0];
	v7 =	vadd.f32 v7, v33;
	v6 =	vmax.f32 v6, $0.0e+00  }
0x50: {  	v62 =	vld [tilespmem:s15+$0x141D0];
	[tilespmem:s15+$0x14180] =	vst v6;
	v6 =	vadd.f32 v8, v34  }
0x51: {  	v37 =	vld [tilespmem:s15+$0x141E0];
	v7 =	vmax.f32 v7, $0.0e+00  }
0x52: {  	v30 =	vld [tilespmem:s15+$0x1AB00];
	[tilespmem:s15+$0x14190] =	vst v7;
	v7 =	vadd.f32 v9, v35;
	v6 =	vmax.f32 v6, $0.0e+00  }
0x53: {  	v63 =	vld [tilespmem:s15+$0x141F0];
	[tilespmem:s15+$0x141A0] =	vst v6;
	v6 =	vadd.f32 v10, v36  }
0x54: {  	v8 =	vld [tilespmem:s15+$0x14200];
	v7 =	vmax.f32 v7, $0.0e+00  }
0x55: {  	v31 =	vld [tilespmem:s15+$0x1AB10];
	[tilespmem:s15+$0x141B0] =	vst v7;
	v7 =	vadd.f32 v11, v62;
	v6 =	vmax.f32 v6, $0.0e+00  }
0x56: {  	v9 =	vld [tilespmem:s15+$0x14210];
	[tilespmem:s15+$0x141C0] =	vst v6;
	v6 =	vadd.f32 v12, v37  }
0x57: {  	v10 =	vld [tilespmem:s15+$0x14220];
	v7 =	vmax.f32 v7, $0.0e+00  }
0x58: {  	v5 =	vld [tilespmem:s15+$0x1AB20];
	[tilespmem:s15+$0x141D0] =	vst v7;
	v7 =	vadd.f32 v13, v63;
	v6 =	vmax.f32 v6, $0.0e+00  }
0x59: {  	v11 =	vld [tilespmem:s15+$0x14230];
	[tilespmem:s15+$0x141E0] =	vst v6;
	v6 =	vadd.f32 v14, v8  }
0x5a: {  	v12 =	vld [tilespmem:s15+$0x14240];
	v7 =	vmax.f32 v7, $0.0e+00  }
0x5b: {  	v4 =	vld [tilespmem:s15+$0x1AB30];
	[tilespmem:s15+$0x141F0] =	vst v7;
	v7 =	vadd.f32 v15, v9;
	v6 =	vmax.f32 v6, $0.0e+00  }
0x5c: {  	v13 =	vld [tilespmem:s15+$0x14250];
	[tilespmem:s15+$0x14200] =	vst v6;
	v6 =	vadd.f32 v16, v10  }
0x5d: {  	v8 =	vld [tilespmem:s15+$0x14260];
	v7 =	vmax.f32 v7, $0.0e+00  }
0x5e: {  	v3 =	vld [tilespmem:s15+$0x1AB40];
	[tilespmem:s15+$0x14210] =	vst v7;
	v7 =	vadd.f32 v17, v11;
	v6 =	vmax.f32 v6, $0.0e+00  }
0x5f: {  	v9 =	vld [tilespmem:s15+$0x14270];
	[tilespmem:s15+$0x14220] =	vst v6;
	v6 =	vadd.f32 v18, v12  }
0x60: {  	v10 =	vld [tilespmem:s15+$0x14280];
	v7 =	vmax.f32 v7, $0.0e+00  }
0x61: {  	v2 =	vld [tilespmem:s15+$0x1AB50];
	[tilespmem:s15+$0x14230] =	vst v7;
	v7 =	vadd.f32 v19, v13;
	v6 =	vmax.f32 v6, $0.0e+00  }
0x62: {  	v11 =	vld [tilespmem:s15+$0x14290];
	[tilespmem:s15+$0x14240] =	vst v6;
	v6 =	vadd.f32 v20, v8  }
0x63: {  	v12 =	vld [tilespmem:s15+$0x142A0];
	v7 =	vmax.f32 v7, $0.0e+00  }
0x64: {  	v1 =	vld [tilespmem:s15+$0x1AB60];
	[tilespmem:s15+$0x14250] =	vst v7;
	v7 =	vadd.f32 v21, v9;
	v6 =	vmax.f32 v6, $0.0e+00  }
0x65: {  	v13 =	vld [tilespmem:s15+$0x142B0];
	[tilespmem:s15+$0x14260] =	vst v6;
	v6 =	vadd.f32 v22, v10  }
0x66: {  	v8 =	vld [tilespmem:s15+$0x142C0];
	v7 =	vmax.f32 v7, $0.0e+00  }
0x67: {  	v0 =	vld [tilespmem:s15+$0x1AB70];
	[tilespmem:s15+$0x14270] =	vst v7;
	v7 =	vadd.f32 v23, v11;
	v6 =	vmax.f32 v6, $0.0e+00  }
0x68: {  	v9 =	vld [tilespmem:s15+$0x142D0];
	[tilespmem:s15+$0x14280] =	vst v6;
	v6 =	vadd.f32 v24, v12  }
0x69: {  	v14 =	vld [tilespmem:s15+$0x142E0];
	v7 =	vmax.f32 v7, $0.0e+00  }
0x6a: {  	v11 =	vld [tilespmem:s15+$0x142F0];
	[tilespmem:s15+$0x14290] =	vst v7;
	v7 =	vadd.f32 v25, v13;
	v6 =	vmax.f32 v6, $0.0e+00  }
0x6b: {  	v12 =	vld [tilespmem:s15+$0x14300];
	[tilespmem:s15+$0x142A0] =	vst v6;
	v6 =	vadd.f32 v26, v8  }
0x6c: {  	v15 =	vld [tilespmem:s15+$0x14310];
	v7 =	vmax.f32 v7, $0.0e+00  }
0x6d: {  	v10 =	vld [tilespmem:s15+$0x14320];
	[tilespmem:s15+$0x142B0] =	vst v7;
	v7 =	vadd.f32 v27, v9;
	v6 =	vmax.f32 v6, $0.0e+00  }
0x6e: {  	v9 =	vld [tilespmem:s15+$0x14330];
	[tilespmem:s15+$0x142C0] =	vst v6;
	v6 =	vadd.f32 v28, v14  }
0x6f: {  	v11 =	vadd.f32 v29, v11;
	v8 =	vld [tilespmem:s15+$0x14340];
	v7 =	vmax.f32 v7, $0.0e+00  }
0x70: {  	v12 =	vadd.f32 v30, v12;
	[tilespmem:s15+$0x142D0] =	vst v7;
	v7 =	vld [tilespmem:s15+$0x14350];
	v6 =	vmax.f32 v6, $0.0e+00  }
0x71: {  	s16 =	simm.s32 $0x800;
	v13 =	vmax.f32 v11, $0.0e+00;
	v11 =	vadd.f32 v31, v15;
	[tilespmem:s15+$0x142E0] =	vst v6;
	v6 =	vld [tilespmem:s15+$0x14360]  }
.LBB2_2:
0x72: {  	s17 =	sshra.s32 s16, $0x2;
	p0 =	sne.s32 s16, $0xC000;
	[tilespmem:s15+$0x142F0] =	vst v13;
	v12 =	vmax.f32 v12, $0.0e+00;
	v5 =	vadd.f32 v5, v10;
	v10 =	vld [tilespmem:s15+$0x14370]  }
0x73: {  	v13 =	vld [tilespmem:s17+$0x1A980];
	[tilespmem:s15+$0x14300] =	vst v12;
	v11 =	vmax.f32 v11, $0.0e+00;
	v4 =	vadd.f32 v4, v9  }
0x74: {  	v12 =	vld [tilespmem:s17+$0x1A990];
	[tilespmem:s15+$0x14310] =	vst v11;
	v5 =	vmax.f32 v5, $0.0e+00;
	v3 =	vadd.f32 v3, v8  }
0x75: {  	v14 =	vld [tilespmem:s17+$0x1A9A0];
	[tilespmem:s15+$0x14320] =	vst v5;
	v4 =	vmax.f32 v4, $0.0e+00;
	v2 =	vadd.f32 v2, v7  }
0x76: {  	v15 =	vld [tilespmem:s17+$0x1A9B0];
	[tilespmem:s15+$0x14330] =	vst v4;
	v3 =	vmax.f32 v3, $0.0e+00;
	v1 =	vadd.f32 v1, v6  }
0x77: {  	v16 =	vld [tilespmem:s17+$0x1A9C0];
	[tilespmem:s15+$0x14340] =	vst v3;
	v2 =	vmax.f32 v2, $0.0e+00;
	v0 =	vadd.f32 v0, v10  }
0x78: {  	v17 =	vld [tilespmem:s17+$0x1A9D0];
	[tilespmem:s15+$0x14350] =	vst v2;
	v1 =	vmax.f32 v1, $0.0e+00  }
0x79: {  	v18 =	vld [tilespmem:s17+$0x1A9E0];
	[tilespmem:s15+$0x14360] =	vst v1;
	v0 =	vmax.f32 v0, $0.0e+00  }
0x7a: {  	v19 =	vld [tilespmem:s17+$0x1A9F0];
	[tilespmem:s15+$0x14370] =	vst v0;
	s15 =	smov.u32 s17  }
0x7b: {  	v20 =	vld [tilespmem:s15+$0x1AA00]  }
0x7c: {  	v21 =	vld [tilespmem:s15+$0x1AA10]  }
0x7d: {  	v22 =	vld [tilespmem:s15+$0x1AA20]  }
0x7e: {  	v23 =	vld [tilespmem:s15+$0x1AA30]  }
0x7f: {  	v24 =	vld [tilespmem:s15+$0x1AA40]  }
0x80: {  	v25 =	vld [tilespmem:s15+$0x1AA50]  }
0x81: {  	v26 =	vld [tilespmem:s15+$0x1AA60]  }
0x82: {  	v27 =	vld [tilespmem:s15+$0x1AA70]  }
0x83: {  	v28 =	vld [tilespmem:s15+$0x1AA80]  }
0x84: {  	v29 =	vld [tilespmem:s15+$0x1AA90]  }
0x85: {  	v30 =	vld [tilespmem:s15+$0x1AAA0]  }
0x86: {  	v31 =	vld [tilespmem:s15+$0x1AAB0]  }
0x87: {  	v11 =	vld [tilespmem:s15+$0x1AAC0]  }
0x88: {  	v10 =	vld [tilespmem:s15+$0x1AAD0]  }
0x89: {  	v9 =	vld [tilespmem:s15+$0x1AAE0]  }
0x8a: {  	v8 =	vld [tilespmem:s15+$0x1AAF0]  }
0x8b: {  	v7 =	vld [tilespmem:s15+$0x1AB00]  }
0x8c: {  	v6 =	vld [tilespmem:s15+$0x1AB10]  }
0x8d: {  	v5 =	vld [tilespmem:s15+$0x1AB20]  }
0x8e: {  	v4 =	vld [tilespmem:s15+$0x1AB30]  }
0x8f: {  	v3 =	vld [tilespmem:s15+$0x1AB40]  }
0x90: {  	v2 =	vld [tilespmem:s15+$0x1AB50]  }
0x91: {  	v1 =	vld [tilespmem:s15+$0x1AB60]  }
0x92: {  	v0 =	vld [tilespmem:s15+$0x1AB70]  }
0x93: {  	v32 =	vld [tilespmem:s15+$0x14180]  }
0x94: {  	v33 =	vld [tilespmem:s15+$0x14190]  }
0x95: {  	v34 =	vld [tilespmem:s15+$0x141A0]  }
0x96: {  	v35 =	vld [tilespmem:s15+$0x141B0]  }
0x97: {  	v36 =	vld [tilespmem:s15+$0x141C0]  }
0x98: {  	v13 =	vadd.f32 v13, v32;
	v32 =	vld [tilespmem:s15+$0x141D0]  }
0x99: {  	v12 =	vadd.f32 v12, v33;
	v33 =	vld [tilespmem:s15+$0x141E0]  }
0x9a: {  	v13 =	vmax.f32 v13, $0.0e+00;
	v14 =	vadd.f32 v14, v34;
	v34 =	vld [tilespmem:s15+$0x141F0]  }
0x9b: {  	[tilespmem:s15+$0x14180] =	vst v13;
	v12 =	vmax.f32 v12, $0.0e+00;
	v13 =	vadd.f32 v15, v35;
	v15 =	vld [tilespmem:s15+$0x14200]  }
0x9c: {  	[tilespmem:s15+$0x14190] =	vst v12;
	v12 =	vmax.f32 v14, $0.0e+00;
	v14 =	vadd.f32 v16, v36;
	v16 =	vld [tilespmem:s15+$0x14210]  }
0x9d: {  	[tilespmem:s15+$0x141A0] =	vst v12;
	v12 =	vmax.f32 v13, $0.0e+00;
	v13 =	vadd.f32 v17, v32;
	v17 =	vld [tilespmem:s15+$0x14220]  }
0x9e: {  	[tilespmem:s15+$0x141B0] =	vst v12;
	v12 =	vmax.f32 v14, $0.0e+00;
	v14 =	vadd.f32 v18, v33;
	v18 =	vld [tilespmem:s15+$0x14230]  }
0x9f: {  	[tilespmem:s15+$0x141C0] =	vst v12;
	v12 =	vmax.f32 v13, $0.0e+00;
	v13 =	vadd.f32 v19, v34;
	v19 =	vld [tilespmem:s15+$0x14240]  }
0xa0: {  	[tilespmem:s15+$0x141D0] =	vst v12;
	v12 =	vmax.f32 v14, $0.0e+00;
	v14 =	vadd.f32 v20, v15;
	v15 =	vld [tilespmem:s15+$0x14250]  }
0xa1: {  	[tilespmem:s15+$0x141E0] =	vst v12;
	v12 =	vmax.f32 v13, $0.0e+00;
	v13 =	vadd.f32 v21, v16;
	v16 =	vld [tilespmem:s15+$0x14260]  }
0xa2: {  	[tilespmem:s15+$0x141F0] =	vst v12;
	v12 =	vmax.f32 v14, $0.0e+00;
	v14 =	vadd.f32 v22, v17;
	v17 =	vld [tilespmem:s15+$0x14270]  }
0xa3: {  	[tilespmem:s15+$0x14200] =	vst v12;
	v12 =	vmax.f32 v13, $0.0e+00;
	v13 =	vadd.f32 v23, v18;
	v18 =	vld [tilespmem:s15+$0x14280]  }
0xa4: {  	[tilespmem:s15+$0x14210] =	vst v12;
	v12 =	vmax.f32 v14, $0.0e+00;
	v14 =	vadd.f32 v24, v19;
	v19 =	vld [tilespmem:s15+$0x14290]  }
0xa5: {  	[tilespmem:s15+$0x14220] =	vst v12;
	v12 =	vmax.f32 v13, $0.0e+00;
	v13 =	vadd.f32 v25, v15;
	v15 =	vld [tilespmem:s15+$0x142A0]  }
0xa6: {  	[tilespmem:s15+$0x14230] =	vst v12;
	v12 =	vmax.f32 v14, $0.0e+00;
	v14 =	vadd.f32 v26, v16;
	v16 =	vld [tilespmem:s15+$0x142B0]  }
0xa7: {  	[tilespmem:s15+$0x14240] =	vst v12;
	v12 =	vmax.f32 v13, $0.0e+00;
	v13 =	vadd.f32 v27, v17;
	v17 =	vld [tilespmem:s15+$0x142C0]  }
0xa8: {  	[tilespmem:s15+$0x14250] =	vst v12;
	v12 =	vmax.f32 v14, $0.0e+00;
	v14 =	vadd.f32 v28, v18;
	v18 =	vld [tilespmem:s15+$0x142D0]  }
0xa9: {  	[tilespmem:s15+$0x14260] =	vst v12;
	v12 =	vmax.f32 v13, $0.0e+00;
	v13 =	vadd.f32 v29, v19;
	v19 =	vld [tilespmem:s15+$0x142E0]  }
0xaa: {  	[tilespmem:s15+$0x14270] =	vst v12;
	v12 =	vmax.f32 v14, $0.0e+00;
	v14 =	vadd.f32 v30, v15;
	v15 =	vld [tilespmem:s15+$0x142F0]  }
0xab: {  	[tilespmem:s15+$0x14280] =	vst v12;
	v12 =	vmax.f32 v13, $0.0e+00;
	v13 =	vadd.f32 v31, v16;
	v16 =	vld [tilespmem:s15+$0x14300]  }
0xac: {  	[tilespmem:s15+$0x14290] =	vst v12;
	v12 =	vmax.f32 v14, $0.0e+00;
	v11 =	vadd.f32 v11, v17;
	v14 =	vld [tilespmem:s15+$0x14310]  }
.Ltmp0:
0xad: {  	[tilespmem:s15+$0x142A0] =	vst v12;
	v12 =	vmax.f32 v13, $0.0e+00;
	v13 =	vadd.f32 v10, v18;
	v10 =	vld [tilespmem:s15+$0x14320];
	(pc) =	sbr.rel @p0 .LBB2_2-.Ltmp0, $4  }
0xae: {  	[tilespmem:s15+$0x142B0] =	vst v12;
	v11 =	vmax.f32 v11, $0.0e+00;
	v12 =	vadd.f32 v9, v19;
	v9 =	vld [tilespmem:s15+$0x14330]  }
0xaf: {  	[tilespmem:s15+$0x142C0] =	vst v11;
	v11 =	vmax.f32 v13, $0.0e+00;
	v13 =	vadd.f32 v8, v15;
	v8 =	vld [tilespmem:s15+$0x14340]  }
0xb0: {  	[tilespmem:s15+$0x142D0] =	vst v11;
	v11 =	vmax.f32 v12, $0.0e+00;
	v12 =	vadd.f32 v7, v16;
	v7 =	vld [tilespmem:s15+$0x14350]  }
0xb1: {  	s16 =	sadd.s32 $0x800, s16;
	[tilespmem:s15+$0x142E0] =	vst v11;
	v13 =	vmax.f32 v13, $0.0e+00;
	v11 =	vadd.f32 v6, v14;
	v6 =	vld [tilespmem:s15+$0x14360]  }
0xb2: {  	[tilespmem:s15+$0x142F0] =	vst v13;
	v12 =	vmax.f32 v12, $0.0e+00;
	v5 =	vadd.f32 v5, v10;
	v10 =	vld [tilespmem:s15+$0x14370]  }
0xb3: {  	[tilespmem:s15+$0x14300] =	vst v12;
	v11 =	vmax.f32 v11, $0.0e+00;
	v4 =	vadd.f32 v4, v9  }
0xb4: {  	[tilespmem:s15+$0x14310] =	vst v11;
	v5 =	vmax.f32 v5, $0.0e+00;
	v3 =	vadd.f32 v3, v8  }
0xb5: {  	[tilespmem:s15+$0x14320] =	vst v5;
	v4 =	vmax.f32 v4, $0.0e+00;
	v2 =	vadd.f32 v2, v7  }
0xb6: {  	[tilespmem:s15+$0x14330] =	vst v4;
	v3 =	vmax.f32 v3, $0.0e+00;
	v1 =	vadd.f32 v1, v6  }
0xb7: {  	[tilespmem:s15+$0x14340] =	vst v3;
	v2 =	vmax.f32 v2, $0.0e+00;
	v0 =	vadd.f32 v0, v10  }
0xb8: {  	[tilespmem:s15+$0x14350] =	vst v2;
	v1 =	vmax.f32 v1, $0.0e+00  }
0xb9: {  	[tilespmem:s15+$0x14360] =	vst v1;
	v0 =	vmax.f32 v0, $0.0e+00  }
0xba: {  	[tilespmem:s15+$0x14370] =	vst v0  }
0xbb: {  	[spmem:s2] =	stream.indirect.scatter.add.f32 [tilespmem:s26], [sflag:$0x3], $0x80, s24, s25, $0xb8;
	[tilespmem:$0x1DD80] =	vst v63  }
0xbc: {  	_ =	swait.ge [sflag:s30], $0x80  }
0xbd: {  	[sflag:s30] =	ssyncset.done $0x0  }
0xbe: {  	s18 =	simm.s32 $0x0;
	s12 =	rddreg [dreg:$0xa];
	[sflag:s30] =	ssyncadd.s32 $0xFFFFFF80  }
0xbf: {  	[tilespmem:s31], [sflag:$0x5] =	stream.linear.gather [hbm4b:s12+s18], $0x80, $0x38;
	[tilespmem:$0x1DD80] =	vst v63  }
0xc0: {  	_ =	swait.ge [sflag:s22], $0x80  }
0xc1: {  	[sflag:s22] =	ssyncset.done $0x0  }
0xc2: {  	[sflag:s22] =	ssyncadd.s32 $0xFFFFFF80  }
0xc3: {  	[tilespmem:s0], [sflag:$0x1] =	stream.indirect.gather [hbm4b:s1+s25], $0x80, s23, s25, $0xb8;
	[tilespmem:$0x1DD80] =	vst v63  }
0xc4: {  	s19 =	rddreg [dreg:$0xb]  }
0xc5: {  	[tilespmem:s28], [sflag:$0x5] =	stream.linear.gather [hbm4b:s19+s18], $0x3200, $0x38;
	[tilespmem:$0x1DD80] =	vst v63  }
0xc6: {  	_ =	swait.ge [sflag:s22], $0x3200  }
0xc7: {  	[sflag:s22] =	ssyncset.done $0x0  }
0xc8: {  	[sflag:s22] =	ssyncadd.s32 $0xFFFFCE00  }
0xc9: {  	_ =	swait.ge [sflag:s29], $0x3200  }
0xca: {  	[sflag:s29] =	ssyncset.done $0x0  }
0xcb: {  	s15 =	simm.s32 $0x0;
	s20 =	rddreg [dreg:$0xc];
	[sflag:s29] =	ssyncadd.s32 $0xFFFFCE00  }
0xcc: {  	[tilespmem:s23], [sflag:$0x2] =	stream.linear.gather [hbm4b:s20+s18], $0x80, $0x38;
	[tilespmem:$0x1DD80] =	vst v63  }
0xcd: {  	v6 =	vld [tilespmem:s15+$0x1A980]  }
0xce: {  	v7 =	vld [tilespmem:s15+$0x1A990]  }
0xcf: {  	v8 =	vld [tilespmem:s15+$0x1A9A0]  }
0xd0: {  	v9 =	vld [tilespmem:s15+$0x1A9B0]  }
0xd1: {  	v10 =	vld [tilespmem:s15+$0x1A9C0]  }
0xd2: {  	v11 =	vld [tilespmem:s15+$0x1A9D0]  }
0xd3: {  	v12 =	vld [tilespmem:s15+$0x1A9E0]  }
0xd4: {  	v13 =	vld [tilespmem:s15+$0x1A9F0]  }
0xd5: {  	v14 =	vld [tilespmem:s15+$0x1AA00]  }
0xd6: {  	v15 =	vld [tilespmem:s15+$0x1AA10]  }
0xd7: {  	v16 =	vld [tilespmem:s15+$0x1AA20]  }
0xd8: {  	v17 =	vld [tilespmem:s15+$0x1AA30]  }
0xd9: {  	v18 =	vld [tilespmem:s15+$0x1AA40]  }
0xda: {  	v19 =	vld [tilespmem:s15+$0x1AA50]  }
0xdb: {  	v20 =	vld [tilespmem:s15+$0x1AA60]  }
0xdc: {  	v21 =	vld [tilespmem:s15+$0x1AA70]  }
0xdd: {  	v22 =	vld [tilespmem:s15+$0x1AA80]  }
0xde: {  	v23 =	vld [tilespmem:s15+$0x1AA90]  }
0xdf: {  	v24 =	vld [tilespmem:s15+$0x1AAA0]  }
0xe0: {  	v25 =	vld [tilespmem:s15+$0x1AAB0]  }
0xe1: {  	v26 =	vld [tilespmem:s15+$0x1AAC0]  }
0xe2: {  	v32 =	vld [tilespmem:s15+$0x17580]  }
0xe3: {  	v27 =	vld [tilespmem:s15+$0x1AAD0]  }
0xe4: {  	v33 =	vld [tilespmem:s15+$0x17590]  }
0xe5: {  	v34 =	vld [tilespmem:s15+$0x175A0]  }
0xe6: {  	v28 =	vld [tilespmem:s15+$0x1AAE0]  }
0xe7: {  	v35 =	vld [tilespmem:s15+$0x175B0];
	v6 =	vadd.f32 v6, v32  }
0xe8: {  	v36 =	vld [tilespmem:s15+$0x175C0]  }
0xe9: {  	v29 =	vld [tilespmem:s15+$0x1AAF0];
	v7 =	vadd.f32 v7, v33;
	v6 =	vmax.f32 v6, $0.0e+00  }
0xea: {  	v62 =	vld [tilespmem:s15+$0x175D0];
	[tilespmem:s15+$0x17580] =	vst v6;
	v6 =	vadd.f32 v8, v34  }
0xeb: {  	v37 =	vld [tilespmem:s15+$0x175E0];
	v7 =	vmax.f32 v7, $0.0e+00  }
0xec: {  	v30 =	vld [tilespmem:s15+$0x1AB00];
	[tilespmem:s15+$0x17590] =	vst v7;
	v7 =	vadd.f32 v9, v35;
	v6 =	vmax.f32 v6, $0.0e+00  }
0xed: {  	v63 =	vld [tilespmem:s15+$0x175F0];
	[tilespmem:s15+$0x175A0] =	vst v6;
	v6 =	vadd.f32 v10, v36  }
0xee: {  	v8 =	vld [tilespmem:s15+$0x17600];
	v7 =	vmax.f32 v7, $0.0e+00  }
0xef: {  	v31 =	vld [tilespmem:s15+$0x1AB10];
	[tilespmem:s15+$0x175B0] =	vst v7;
	v7 =	vadd.f32 v11, v62;
	v6 =	vmax.f32 v6, $0.0e+00  }
0xf0: {  	v9 =	vld [tilespmem:s15+$0x17610];
	[tilespmem:s15+$0x175C0] =	vst v6;
	v6 =	vadd.f32 v12, v37  }
0xf1: {  	v10 =	vld [tilespmem:s15+$0x17620];
	v7 =	vmax.f32 v7, $0.0e+00  }
0xf2: {  	v5 =	vld [tilespmem:s15+$0x1AB20];
	[tilespmem:s15+$0x175D0] =	vst v7;
	v7 =	vadd.f32 v13, v63;
	v6 =	vmax.f32 v6, $0.0e+00  }
0xf3: {  	v11 =	vld [tilespmem:s15+$0x17630];
	[tilespmem:s15+$0x175E0] =	vst v6;
	v6 =	vadd.f32 v14, v8  }
0xf4: {  	v12 =	vld [tilespmem:s15+$0x17640];
	v7 =	vmax.f32 v7, $0.0e+00  }
0xf5: {  	v4 =	vld [tilespmem:s15+$0x1AB30];
	[tilespmem:s15+$0x175F0] =	vst v7;
	v7 =	vadd.f32 v15, v9;
	v6 =	vmax.f32 v6, $0.0e+00  }
0xf6: {  	v13 =	vld [tilespmem:s15+$0x17650];
	[tilespmem:s15+$0x17600] =	vst v6;
	v6 =	vadd.f32 v16, v10  }
0xf7: {  	v8 =	vld [tilespmem:s15+$0x17660];
	v7 =	vmax.f32 v7, $0.0e+00  }
0xf8: {  	v3 =	vld [tilespmem:s15+$0x1AB40];
	[tilespmem:s15+$0x17610] =	vst v7;
	v7 =	vadd.f32 v17, v11;
	v6 =	vmax.f32 v6, $0.0e+00  }
0xf9: {  	v9 =	vld [tilespmem:s15+$0x17670];
	[tilespmem:s15+$0x17620] =	vst v6;
	v6 =	vadd.f32 v18, v12  }
0xfa: {  	v10 =	vld [tilespmem:s15+$0x17680];
	v7 =	vmax.f32 v7, $0.0e+00  }
0xfb: {  	v2 =	vld [tilespmem:s15+$0x1AB50];
	[tilespmem:s15+$0x17630] =	vst v7;
	v7 =	vadd.f32 v19, v13;
	v6 =	vmax.f32 v6, $0.0e+00  }
0xfc: {  	v11 =	vld [tilespmem:s15+$0x17690];
	[tilespmem:s15+$0x17640] =	vst v6;
	v6 =	vadd.f32 v20, v8  }
0xfd: {  	v12 =	vld [tilespmem:s15+$0x176A0];
	v7 =	vmax.f32 v7, $0.0e+00  }
0xfe: {  	v1 =	vld [tilespmem:s15+$0x1AB60];
	[tilespmem:s15+$0x17650] =	vst v7;
	v7 =	vadd.f32 v21, v9;
	v6 =	vmax.f32 v6, $0.0e+00  }
0xff: {  	v13 =	vld [tilespmem:s15+$0x176B0];
	[tilespmem:s15+$0x17660] =	vst v6;
	v6 =	vadd.f32 v22, v10  }
0x100: {  	v8 =	vld [tilespmem:s15+$0x176C0];
	v7 =	vmax.f32 v7, $0.0e+00  }
0x101: {  	v0 =	vld [tilespmem:s15+$0x1AB70];
	[tilespmem:s15+$0x17670] =	vst v7;
	v7 =	vadd.f32 v23, v11;
	v6 =	vmax.f32 v6, $0.0e+00  }
0x102: {  	v9 =	vld [tilespmem:s15+$0x176D0];
	[tilespmem:s15+$0x17680] =	vst v6;
	v6 =	vadd.f32 v24, v12  }
0x103: {  	v14 =	vld [tilespmem:s15+$0x176E0];
	v7 =	vmax.f32 v7, $0.0e+00  }
0x104: {  	v11 =	vld [tilespmem:s15+$0x176F0];
	[tilespmem:s15+$0x17690] =	vst v7;
	v7 =	vadd.f32 v25, v13;
	v6 =	vmax.f32 v6, $0.0e+00  }
0x105: {  	v12 =	vld [tilespmem:s15+$0x17700];
	[tilespmem:s15+$0x176A0] =	vst v6;
	v6 =	vadd.f32 v26, v8  }
0x106: {  	v15 =	vld [tilespmem:s15+$0x17710];
	v7 =	vmax.f32 v7, $0.0e+00  }
0x107: {  	v10 =	vld [tilespmem:s15+$0x17720];
	[tilespmem:s15+$0x176B0] =	vst v7;
	v7 =	vadd.f32 v27, v9;
	v6 =	vmax.f32 v6, $0.0e+00  }
0x108: {  	v9 =	vld [tilespmem:s15+$0x17730];
	[tilespmem:s15+$0x176C0] =	vst v6;
	v6 =	vadd.f32 v28, v14  }
0x109: {  	v11 =	vadd.f32 v29, v11;
	v8 =	vld [tilespmem:s15+$0x17740];
	v7 =	vmax.f32 v7, $0.0e+00  }
0x10a: {  	v12 =	vadd.f32 v30, v12;
	[tilespmem:s15+$0x176D0] =	vst v7;
	v7 =	vld [tilespmem:s15+$0x17750];
	v6 =	vmax.f32 v6, $0.0e+00  }
0x10b: {  	s16 =	simm.s32 $0x800;
	v13 =	vmax.f32 v11, $0.0e+00;
	v11 =	vadd.f32 v31, v15;
	[tilespmem:s15+$0x176E0] =	vst v6;
	v6 =	vld [tilespmem:s15+$0x17760]  }
.LBB2_4:
0x10c: {  	s17 =	sshra.s32 s16, $0x2;
	p0 =	sne.s32 s16, $0xC000;
	[tilespmem:s15+$0x176F0] =	vst v13;
	v12 =	vmax.f32 v12, $0.0e+00;
	v5 =	vadd.f32 v5, v10;
	v10 =	vld [tilespmem:s15+$0x17770]  }
0x10d: {  	v13 =	vld [tilespmem:s17+$0x1A980];
	[tilespmem:s15+$0x17700] =	vst v12;
	v11 =	vmax.f32 v11, $0.0e+00;
	v4 =	vadd.f32 v4, v9  }
0x10e: {  	v12 =	vld [tilespmem:s17+$0x1A990];
	[tilespmem:s15+$0x17710] =	vst v11;
	v5 =	vmax.f32 v5, $0.0e+00;
	v3 =	vadd.f32 v3, v8  }
0x10f: {  	v14 =	vld [tilespmem:s17+$0x1A9A0];
	[tilespmem:s15+$0x17720] =	vst v5;
	v4 =	vmax.f32 v4, $0.0e+00;
	v2 =	vadd.f32 v2, v7  }
0x110: {  	v15 =	vld [tilespmem:s17+$0x1A9B0];
	[tilespmem:s15+$0x17730] =	vst v4;
	v3 =	vmax.f32 v3, $0.0e+00;
	v1 =	vadd.f32 v1, v6  }
0x111: {  	v16 =	vld [tilespmem:s17+$0x1A9C0];
	[tilespmem:s15+$0x17740] =	vst v3;
	v2 =	vmax.f32 v2, $0.0e+00;
	v0 =	vadd.f32 v0, v10  }
0x112: {  	v17 =	vld [tilespmem:s17+$0x1A9D0];
	[tilespmem:s15+$0x17750] =	vst v2;
	v1 =	vmax.f32 v1, $0.0e+00  }
0x113: {  	v18 =	vld [tilespmem:s17+$0x1A9E0];
	[tilespmem:s15+$0x17760] =	vst v1;
	v0 =	vmax.f32 v0, $0.0e+00  }
0x114: {  	v19 =	vld [tilespmem:s17+$0x1A9F0];
	[tilespmem:s15+$0x17770] =	vst v0;
	s15 =	smov.u32 s17  }
0x115: {  	v20 =	vld [tilespmem:s15+$0x1AA00]  }
0x116: {  	v21 =	vld [tilespmem:s15+$0x1AA10]  }
0x117: {  	v22 =	vld [tilespmem:s15+$0x1AA20]  }
0x118: {  	v23 =	vld [tilespmem:s15+$0x1AA30]  }
0x119: {  	v24 =	vld [tilespmem:s15+$0x1AA40]  }
0x11a: {  	v25 =	vld [tilespmem:s15+$0x1AA50]  }
0x11b: {  	v26 =	vld [tilespmem:s15+$0x1AA60]  }
0x11c: {  	v27 =	vld [tilespmem:s15+$0x1AA70]  }
0x11d: {  	v28 =	vld [tilespmem:s15+$0x1AA80]  }
0x11e: {  	v29 =	vld [tilespmem:s15+$0x1AA90]  }
0x11f: {  	v30 =	vld [tilespmem:s15+$0x1AAA0]  }
0x120: {  	v31 =	vld [tilespmem:s15+$0x1AAB0]  }
0x121: {  	v11 =	vld [tilespmem:s15+$0x1AAC0]  }
0x122: {  	v10 =	vld [tilespmem:s15+$0x1AAD0]  }
0x123: {  	v9 =	vld [tilespmem:s15+$0x1AAE0]  }
0x124: {  	v8 =	vld [tilespmem:s15+$0x1AAF0]  }
0x125: {  	v7 =	vld [tilespmem:s15+$0x1AB00]  }
0x126: {  	v6 =	vld [tilespmem:s15+$0x1AB10]  }
0x127: {  	v5 =	vld [tilespmem:s15+$0x1AB20]  }
0x128: {  	v4 =	vld [tilespmem:s15+$0x1AB30]  }
0x129: {  	v3 =	vld [tilespmem:s15+$0x1AB40]  }
0x12a: {  	v2 =	vld [tilespmem:s15+$0x1AB50]  }
0x12b: {  	v1 =	vld [tilespmem:s15+$0x1AB60]  }
0x12c: {  	v0 =	vld [tilespmem:s15+$0x1AB70]  }
0x12d: {  	v32 =	vld [tilespmem:s15+$0x17580]  }
0x12e: {  	v33 =	vld [tilespmem:s15+$0x17590]  }
0x12f: {  	v34 =	vld [tilespmem:s15+$0x175A0]  }
0x130: {  	v35 =	vld [tilespmem:s15+$0x175B0]  }
0x131: {  	v36 =	vld [tilespmem:s15+$0x175C0]  }
0x132: {  	v13 =	vadd.f32 v13, v32;
	v32 =	vld [tilespmem:s15+$0x175D0]  }
0x133: {  	v12 =	vadd.f32 v12, v33;
	v33 =	vld [tilespmem:s15+$0x175E0]  }
0x134: {  	v13 =	vmax.f32 v13, $0.0e+00;
	v14 =	vadd.f32 v14, v34;
	v34 =	vld [tilespmem:s15+$0x175F0]  }
0x135: {  	[tilespmem:s15+$0x17580] =	vst v13;
	v12 =	vmax.f32 v12, $0.0e+00;
	v13 =	vadd.f32 v15, v35;
	v15 =	vld [tilespmem:s15+$0x17600]  }
0x136: {  	[tilespmem:s15+$0x17590] =	vst v12;
	v12 =	vmax.f32 v14, $0.0e+00;
	v14 =	vadd.f32 v16, v36;
	v16 =	vld [tilespmem:s15+$0x17610]  }
0x137: {  	[tilespmem:s15+$0x175A0] =	vst v12;
	v12 =	vmax.f32 v13, $0.0e+00;
	v13 =	vadd.f32 v17, v32;
	v17 =	vld [tilespmem:s15+$0x17620]  }
0x138: {  	[tilespmem:s15+$0x175B0] =	vst v12;
	v12 =	vmax.f32 v14, $0.0e+00;
	v14 =	vadd.f32 v18, v33;
	v18 =	vld [tilespmem:s15+$0x17630]  }
0x139: {  	[tilespmem:s15+$0x175C0] =	vst v12;
	v12 =	vmax.f32 v13, $0.0e+00;
	v13 =	vadd.f32 v19, v34;
	v19 =	vld [tilespmem:s15+$0x17640]  }
0x13a: {  	[tilespmem:s15+$0x175D0] =	vst v12;
	v12 =	vmax.f32 v14, $0.0e+00;
	v14 =	vadd.f32 v20, v15;
	v15 =	vld [tilespmem:s15+$0x17650]  }
0x13b: {  	[tilespmem:s15+$0x175E0] =	vst v12;
	v12 =	vmax.f32 v13, $0.0e+00;
	v13 =	vadd.f32 v21, v16;
	v16 =	vld [tilespmem:s15+$0x17660]  }
0x13c: {  	[tilespmem:s15+$0x175F0] =	vst v12;
	v12 =	vmax.f32 v14, $0.0e+00;
	v14 =	vadd.f32 v22, v17;
	v17 =	vld [tilespmem:s15+$0x17670]  }
0x13d: {  	[tilespmem:s15+$0x17600] =	vst v12;
	v12 =	vmax.f32 v13, $0.0e+00;
	v13 =	vadd.f32 v23, v18;
	v18 =	vld [tilespmem:s15+$0x17680]  }
0x13e: {  	[tilespmem:s15+$0x17610] =	vst v12;
	v12 =	vmax.f32 v14, $0.0e+00;
	v14 =	vadd.f32 v24, v19;
	v19 =	vld [tilespmem:s15+$0x17690]  }
0x13f: {  	[tilespmem:s15+$0x17620] =	vst v12;
	v12 =	vmax.f32 v13, $0.0e+00;
	v13 =	vadd.f32 v25, v15;
	v15 =	vld [tilespmem:s15+$0x176A0]  }
0x140: {  	[tilespmem:s15+$0x17630] =	vst v12;
	v12 =	vmax.f32 v14, $0.0e+00;
	v14 =	vadd.f32 v26, v16;
	v16 =	vld [tilespmem:s15+$0x176B0]  }
0x141: {  	[tilespmem:s15+$0x17640] =	vst v12;
	v12 =	vmax.f32 v13, $0.0e+00;
	v13 =	vadd.f32 v27, v17;
	v17 =	vld [tilespmem:s15+$0x176C0]  }
0x142: {  	[tilespmem:s15+$0x17650] =	vst v12;
	v12 =	vmax.f32 v14, $0.0e+00;
	v14 =	vadd.f32 v28, v18;
	v18 =	vld [tilespmem:s15+$0x176D0]  }
0x143: {  	[tilespmem:s15+$0x17660] =	vst v12;
	v12 =	vmax.f32 v13, $0.0e+00;
	v13 =	vadd.f32 v29, v19;
	v19 =	vld [tilespmem:s15+$0x176E0]  }
0x144: {  	[tilespmem:s15+$0x17670] =	vst v12;
	v12 =	vmax.f32 v14, $0.0e+00;
	v14 =	vadd.f32 v30, v15;
	v15 =	vld [tilespmem:s15+$0x176F0]  }
0x145: {  	[tilespmem:s15+$0x17680] =	vst v12;
	v12 =	vmax.f32 v13, $0.0e+00;
	v13 =	vadd.f32 v31, v16;
	v16 =	vld [tilespmem:s15+$0x17700]  }
0x146: {  	[tilespmem:s15+$0x17690] =	vst v12;
	v12 =	vmax.f32 v14, $0.0e+00;
	v11 =	vadd.f32 v11, v17;
	v14 =	vld [tilespmem:s15+$0x17710]  }
.Ltmp1:
0x147: {  	[tilespmem:s15+$0x176A0] =	vst v12;
	v12 =	vmax.f32 v13, $0.0e+00;
	v13 =	vadd.f32 v10, v18;
	v10 =	vld [tilespmem:s15+$0x17720];
	(pc) =	sbr.rel @p0 .LBB2_4-.Ltmp1, $4  }
0x148: {  	[tilespmem:s15+$0x176B0] =	vst v12;
	v11 =	vmax.f32 v11, $0.0e+00;
	v12 =	vadd.f32 v9, v19;
	v9 =	vld [tilespmem:s15+$0x17730]  }
0x149: {  	[tilespmem:s15+$0x176C0] =	vst v11;
	v11 =	vmax.f32 v13, $0.0e+00;
	v13 =	vadd.f32 v8, v15;
	v8 =	vld [tilespmem:s15+$0x17740]  }
0x14a: {  	[tilespmem:s15+$0x176D0] =	vst v11;
	v11 =	vmax.f32 v12, $0.0e+00;
	v12 =	vadd.f32 v7, v16;
	v7 =	vld [tilespmem:s15+$0x17750]  }
0x14b: {  	s16 =	sadd.s32 $0x800, s16;
	[tilespmem:s15+$0x176E0] =	vst v11;
	v13 =	vmax.f32 v13, $0.0e+00;
	v11 =	vadd.f32 v6, v14;
	v6 =	vld [tilespmem:s15+$0x17760]  }
0x14c: {  	[tilespmem:s15+$0x176F0] =	vst v13;
	v12 =	vmax.f32 v12, $0.0e+00;
	v5 =	vadd.f32 v5, v10;
	v63 =	vld [tilespmem:s15+$0x17770]  }
0x14d: {  	[tilespmem:s15+$0x17700] =	vst v12;
	v11 =	vmax.f32 v11, $0.0e+00;
	v4 =	vadd.f32 v4, v9  }
0x14e: {  	[tilespmem:s15+$0x17710] =	vst v11;
	v5 =	vmax.f32 v5, $0.0e+00;
	v3 =	vadd.f32 v3, v8  }
0x14f: {  	[tilespmem:s15+$0x17720] =	vst v5;
	v4 =	vmax.f32 v4, $0.0e+00;
	v2 =	vadd.f32 v2, v7  }
0x150: {  	[tilespmem:s15+$0x17730] =	vst v4;
	v3 =	vmax.f32 v3, $0.0e+00;
	v1 =	vadd.f32 v1, v6  }
0x151: {  	[tilespmem:s15+$0x17740] =	vst v3;
	v2 =	vmax.f32 v2, $0.0e+00;
	v0 =	vadd.f32 v0, v63  }
0x152: {  	[tilespmem:s15+$0x17750] =	vst v2;
	v1 =	vmax.f32 v1, $0.0e+00  }
0x153: {  	[tilespmem:s15+$0x17760] =	vst v1;
	v0 =	vmax.f32 v0, $0.0e+00  }
0x154: {  	[tilespmem:s15+$0x17770] =	vst v0;
	s15 =	simm.s32 $0x1  }
0x155: {  	[spmem:s2] =	stream.indirect.scatter.add.f32 [tilespmem:s0], [sflag:$0x4], $0x80, s31, s25, $0xb8;
	[tilespmem:$0x1DD80] =	vst v63  }
.LBB2_6:
0x156: {  	_ =	swait.ge [sflag:s30], $0x80;
	s16 =	sshll.u32 s15, $0x8  }
0x157: {  	[sflag:s30] =	ssyncset.done $0x0;
	s17 =	sand.u32 $0x3C00, s16  }
0x158: {  	s19 =	sand.u32 $0x300, s16;
	[sflag:s30] =	ssyncadd.s32 $0xFFFFFF80;
	s18 =	sadd.s32 s8, s17  }
0x159: {  	_ =	swait.ge [sflag:s4], $0x3200;
	s17 =	sor.u32 s19, s18  }
0x15a: {  	s20 =	smul.u32 $0x6800, s15;
	[sflag:s4] =	ssyncset.done $0x0;
	s17 =	sshrl.u32 s17, $0x3  }
0x15b: {  	s19 =	simm.s32 $0x0;
	[sflag:s4] =	ssyncadd.s32 $0xFFFFCE00;
	s17 =	sadd.s32 s6, s17  }
0x15c: {  	[tilespmem:s24], [sflag:$0x5] =	stream.linear.gather [hbm4b:s17+s19], $0x80, $0x38;
	[tilespmem:$0x1DD80] =	vst v63  }
0x15d: {  	_ =	swait.ge [sflag:s22], $0x80  }
0x15e: {  	s17 =	sadd.s32 s10, s20;
	[sflag:s22] =	ssyncset.done $0x0  }
0x15f: {  	s17 =	sshrl.u32 s17, $0x3;
	[sflag:s22] =	ssyncadd.s32 $0xFFFFFF80  }
0x160: {  	[tilespmem:s26], [sflag:$0x1] =	stream.indirect.gather [hbm4b:s1+s25], $0x80, s23, s25, $0xb8;
	[tilespmem:$0x1DD80] =	vst v63  }
0x161: {  	s17 =	sadd.s32 s7, s17  }
0x162: {  	[tilespmem:s28], [sflag:$0x5] =	stream.linear.gather [hbm4b:s17+s19], $0x3200, $0x38;
	[tilespmem:$0x1DD80] =	vst v63  }
0x163: {  	s17 =	sshllo.u32 s15, $0x1;
	_ =	swait.ge [sflag:s22], $0x3200  }
0x164: {  	s20 =	sshll.u32 s17, $0x7;
	[sflag:s22] =	ssyncset.done $0x0  }
0x165: {  	s20 =	sand.u32 $0x380, s20;
	[sflag:s22] =	ssyncadd.s32 $0xFFFFCE00  }
0x166: {  	s18 =	sor.u32 s18, s20;
	_ =	swait.ge [sflag:s29], $0x3200  }
0x167: {  	s18 =	sshrl.u32 s18, $0x3;
	[sflag:s29] =	ssyncset.done $0x0  }
0x168: {  	s12 =	sadd.s32 s5, s18;
	[sflag:s29] =	ssyncadd.s32 $0xFFFFCE00  }
0x169: {  	[tilespmem:s23], [sflag:$0x2] =	stream.linear.gather [hbm4b:s12+s19], $0x80, $0x38;
	[tilespmem:$0x1DD80] =	vst v63  }
0x16a: {  	s19 =	simm.s32 $0x0  }
0x16b: {  	v6 =	vld [tilespmem:s19+$0x1A980]  }
0x16c: {  	v7 =	vld [tilespmem:s19+$0x1A990]  }
0x16d: {  	v8 =	vld [tilespmem:s19+$0x1A9A0]  }
0x16e: {  	v9 =	vld [tilespmem:s19+$0x1A9B0]  }
0x16f: {  	v10 =	vld [tilespmem:s19+$0x1A9C0]  }
0x170: {  	v11 =	vld [tilespmem:s19+$0x1A9D0]  }
0x171: {  	v12 =	vld [tilespmem:s19+$0x1A9E0]  }
0x172: {  	v13 =	vld [tilespmem:s19+$0x1A9F0]  }
0x173: {  	v14 =	vld [tilespmem:s19+$0x1AA00]  }
0x174: {  	v15 =	vld [tilespmem:s19+$0x1AA10]  }
0x175: {  	v16 =	vld [tilespmem:s19+$0x1AA20]  }
0x176: {  	v17 =	vld [tilespmem:s19+$0x1AA30]  }
0x177: {  	v18 =	vld [tilespmem:s19+$0x1AA40]  }
0x178: {  	v19 =	vld [tilespmem:s19+$0x1AA50]  }
0x179: {  	v20 =	vld [tilespmem:s19+$0x1AA60]  }
0x17a: {  	v21 =	vld [tilespmem:s19+$0x1AA70]  }
0x17b: {  	v22 =	vld [tilespmem:s19+$0x1AA80]  }
0x17c: {  	v23 =	vld [tilespmem:s19+$0x1AA90]  }
0x17d: {  	v24 =	vld [tilespmem:s19+$0x1AAA0]  }
0x17e: {  	v25 =	vld [tilespmem:s19+$0x1AAB0]  }
0x17f: {  	v26 =	vld [tilespmem:s19+$0x1AAC0]  }
0x180: {  	v32 =	vld [tilespmem:s19+$0x14180]  }
0x181: {  	v27 =	vld [tilespmem:s19+$0x1AAD0]  }
0x182: {  	v33 =	vld [tilespmem:s19+$0x14190]  }
0x183: {  	v34 =	vld [tilespmem:s19+$0x141A0]  }
0x184: {  	v28 =	vld [tilespmem:s19+$0x1AAE0]  }
0x185: {  	v35 =	vld [tilespmem:s19+$0x141B0];
	v6 =	vadd.f32 v6, v32  }
0x186: {  	v36 =	vld [tilespmem:s19+$0x141C0]  }
0x187: {  	v29 =	vld [tilespmem:s19+$0x1AAF0];
	v7 =	vadd.f32 v7, v33;
	v6 =	vmax.f32 v6, $0.0e+00  }
0x188: {  	v62 =	vld [tilespmem:s19+$0x141D0];
	[tilespmem:s19+$0x14180] =	vst v6;
	v6 =	vadd.f32 v8, v34  }
0x189: {  	v37 =	vld [tilespmem:s19+$0x141E0];
	v7 =	vmax.f32 v7, $0.0e+00  }
0x18a: {  	v30 =	vld [tilespmem:s19+$0x1AB00];
	[tilespmem:s19+$0x14190] =	vst v7;
	v7 =	vadd.f32 v9, v35;
	v6 =	vmax.f32 v6, $0.0e+00  }
0x18b: {  	v63 =	vld [tilespmem:s19+$0x141F0];
	[tilespmem:s19+$0x141A0] =	vst v6;
	v6 =	vadd.f32 v10, v36  }
0x18c: {  	v8 =	vld [tilespmem:s19+$0x14200];
	v7 =	vmax.f32 v7, $0.0e+00  }
0x18d: {  	v31 =	vld [tilespmem:s19+$0x1AB10];
	[tilespmem:s19+$0x141B0] =	vst v7;
	v7 =	vadd.f32 v11, v62;
	v6 =	vmax.f32 v6, $0.0e+00  }
0x18e: {  	v9 =	vld [tilespmem:s19+$0x14210];
	[tilespmem:s19+$0x141C0] =	vst v6;
	v6 =	vadd.f32 v12, v37  }
0x18f: {  	v10 =	vld [tilespmem:s19+$0x14220];
	v7 =	vmax.f32 v7, $0.0e+00  }
0x190: {  	v5 =	vld [tilespmem:s19+$0x1AB20];
	[tilespmem:s19+$0x141D0] =	vst v7;
	v7 =	vadd.f32 v13, v63;
	v6 =	vmax.f32 v6, $0.0e+00  }
0x191: {  	v11 =	vld [tilespmem:s19+$0x14230];
	[tilespmem:s19+$0x141E0] =	vst v6;
	v6 =	vadd.f32 v14, v8  }
0x192: {  	v12 =	vld [tilespmem:s19+$0x14240];
	v7 =	vmax.f32 v7, $0.0e+00  }
0x193: {  	v4 =	vld [tilespmem:s19+$0x1AB30];
	[tilespmem:s19+$0x141F0] =	vst v7;
	v7 =	vadd.f32 v15, v9;
	v6 =	vmax.f32 v6, $0.0e+00  }
0x194: {  	v13 =	vld [tilespmem:s19+$0x14250];
	[tilespmem:s19+$0x14200] =	vst v6;
	v6 =	vadd.f32 v16, v10  }
0x195: {  	v8 =	vld [tilespmem:s19+$0x14260];
	v7 =	vmax.f32 v7, $0.0e+00  }
0x196: {  	v3 =	vld [tilespmem:s19+$0x1AB40];
	[tilespmem:s19+$0x14210] =	vst v7;
	v7 =	vadd.f32 v17, v11;
	v6 =	vmax.f32 v6, $0.0e+00  }
0x197: {  	v9 =	vld [tilespmem:s19+$0x14270];
	[tilespmem:s19+$0x14220] =	vst v6;
	v6 =	vadd.f32 v18, v12  }
0x198: {  	v10 =	vld [tilespmem:s19+$0x14280];
	v7 =	vmax.f32 v7, $0.0e+00  }
0x199: {  	v2 =	vld [tilespmem:s19+$0x1AB50];
	[tilespmem:s19+$0x14230] =	vst v7;
	v7 =	vadd.f32 v19, v13;
	v6 =	vmax.f32 v6, $0.0e+00  }
0x19a: {  	v11 =	vld [tilespmem:s19+$0x14290];
	[tilespmem:s19+$0x14240] =	vst v6;
	v6 =	vadd.f32 v20, v8  }
0x19b: {  	v12 =	vld [tilespmem:s19+$0x142A0];
	v7 =	vmax.f32 v7, $0.0e+00  }
0x19c: {  	v1 =	vld [tilespmem:s19+$0x1AB60];
	[tilespmem:s19+$0x14250] =	vst v7;
	v7 =	vadd.f32 v21, v9;
	v6 =	vmax.f32 v6, $0.0e+00  }
0x19d: {  	v13 =	vld [tilespmem:s19+$0x142B0];
	[tilespmem:s19+$0x14260] =	vst v6;
	v6 =	vadd.f32 v22, v10  }
0x19e: {  	v8 =	vld [tilespmem:s19+$0x142C0];
	v7 =	vmax.f32 v7, $0.0e+00  }
0x19f: {  	v0 =	vld [tilespmem:s19+$0x1AB70];
	[tilespmem:s19+$0x14270] =	vst v7;
	v7 =	vadd.f32 v23, v11;
	v6 =	vmax.f32 v6, $0.0e+00  }
0x1a0: {  	v9 =	vld [tilespmem:s19+$0x142D0];
	[tilespmem:s19+$0x14280] =	vst v6;
	v6 =	vadd.f32 v24, v12  }
0x1a1: {  	v14 =	vld [tilespmem:s19+$0x142E0];
	v7 =	vmax.f32 v7, $0.0e+00  }
0x1a2: {  	v11 =	vld [tilespmem:s19+$0x142F0];
	[tilespmem:s19+$0x14290] =	vst v7;
	v7 =	vadd.f32 v25, v13;
	v6 =	vmax.f32 v6, $0.0e+00  }
0x1a3: {  	v12 =	vld [tilespmem:s19+$0x14300];
	[tilespmem:s19+$0x142A0] =	vst v6;
	v6 =	vadd.f32 v26, v8  }
0x1a4: {  	v15 =	vld [tilespmem:s19+$0x14310];
	v7 =	vmax.f32 v7, $0.0e+00  }
0x1a5: {  	v10 =	vld [tilespmem:s19+$0x14320];
	[tilespmem:s19+$0x142B0] =	vst v7;
	v7 =	vadd.f32 v27, v9;
	v6 =	vmax.f32 v6, $0.0e+00  }
0x1a6: {  	v9 =	vld [tilespmem:s19+$0x14330];
	[tilespmem:s19+$0x142C0] =	vst v6;
	v6 =	vadd.f32 v28, v14  }
0x1a7: {  	v11 =	vadd.f32 v29, v11;
	v8 =	vld [tilespmem:s19+$0x14340];
	v7 =	vmax.f32 v7, $0.0e+00  }
0x1a8: {  	v12 =	vadd.f32 v30, v12;
	[tilespmem:s19+$0x142D0] =	vst v7;
	v7 =	vld [tilespmem:s19+$0x14350];
	v6 =	vmax.f32 v6, $0.0e+00  }
0x1a9: {  	s20 =	simm.s32 $0x800;
	v13 =	vmax.f32 v11, $0.0e+00;
	v11 =	vadd.f32 v31, v15;
	[tilespmem:s19+$0x142E0] =	vst v6;
	v6 =	vld [tilespmem:s19+$0x14360]  }
.LBB2_7:
0x1aa: {  	s12 =	sshra.s32 s20, $0x2;
	p0 =	sne.s32 s20, $0xC000;
	[tilespmem:s19+$0x142F0] =	vst v13;
	v12 =	vmax.f32 v12, $0.0e+00;
	v5 =	vadd.f32 v5, v10;
	v10 =	vld [tilespmem:s19+$0x14370]  }
0x1ab: {  	v13 =	vld [tilespmem:s12+$0x1A980];
	[tilespmem:s19+$0x14300] =	vst v12;
	v11 =	vmax.f32 v11, $0.0e+00;
	v4 =	vadd.f32 v4, v9  }
0x1ac: {  	v12 =	vld [tilespmem:s12+$0x1A990];
	[tilespmem:s19+$0x14310] =	vst v11;
	v5 =	vmax.f32 v5, $0.0e+00;
	v3 =	vadd.f32 v3, v8  }
0x1ad: {  	v14 =	vld [tilespmem:s12+$0x1A9A0];
	[tilespmem:s19+$0x14320] =	vst v5;
	v4 =	vmax.f32 v4, $0.0e+00;
	v2 =	vadd.f32 v2, v7  }
0x1ae: {  	v15 =	vld [tilespmem:s12+$0x1A9B0];
	[tilespmem:s19+$0x14330] =	vst v4;
	v3 =	vmax.f32 v3, $0.0e+00;
	v1 =	vadd.f32 v1, v6  }
0x1af: {  	v16 =	vld [tilespmem:s12+$0x1A9C0];
	[tilespmem:s19+$0x14340] =	vst v3;
	v2 =	vmax.f32 v2, $0.0e+00;
	v0 =	vadd.f32 v0, v10  }
0x1b0: {  	v17 =	vld [tilespmem:s12+$0x1A9D0];
	[tilespmem:s19+$0x14350] =	vst v2;
	v1 =	vmax.f32 v1, $0.0e+00  }
0x1b1: {  	v18 =	vld [tilespmem:s12+$0x1A9E0];
	[tilespmem:s19+$0x14360] =	vst v1;
	v0 =	vmax.f32 v0, $0.0e+00  }
0x1b2: {  	v19 =	vld [tilespmem:s12+$0x1A9F0];
	[tilespmem:s19+$0x14370] =	vst v0;
	s19 =	smov.u32 s12  }
0x1b3: {  	v20 =	vld [tilespmem:s19+$0x1AA00]  }
0x1b4: {  	v21 =	vld [tilespmem:s19+$0x1AA10]  }
0x1b5: {  	v22 =	vld [tilespmem:s19+$0x1AA20]  }
0x1b6: {  	v23 =	vld [tilespmem:s19+$0x1AA30]  }
0x1b7: {  	v24 =	vld [tilespmem:s19+$0x1AA40]  }
0x1b8: {  	v25 =	vld [tilespmem:s19+$0x1AA50]  }
0x1b9: {  	v26 =	vld [tilespmem:s19+$0x1AA60]  }
0x1ba: {  	v27 =	vld [tilespmem:s19+$0x1AA70]  }
0x1bb: {  	v28 =	vld [tilespmem:s19+$0x1AA80]  }
0x1bc: {  	v29 =	vld [tilespmem:s19+$0x1AA90]  }
0x1bd: {  	v30 =	vld [tilespmem:s19+$0x1AAA0]  }
0x1be: {  	v31 =	vld [tilespmem:s19+$0x1AAB0]  }
0x1bf: {  	v11 =	vld [tilespmem:s19+$0x1AAC0]  }
0x1c0: {  	v10 =	vld [tilespmem:s19+$0x1AAD0]  }
0x1c1: {  	v9 =	vld [tilespmem:s19+$0x1AAE0]  }
0x1c2: {  	v8 =	vld [tilespmem:s19+$0x1AAF0]  }
0x1c3: {  	v7 =	vld [tilespmem:s19+$0x1AB00]  }
0x1c4: {  	v6 =	vld [tilespmem:s19+$0x1AB10]  }
0x1c5: {  	v5 =	vld [tilespmem:s19+$0x1AB20]  }
0x1c6: {  	v4 =	vld [tilespmem:s19+$0x1AB30]  }
0x1c7: {  	v3 =	vld [tilespmem:s19+$0x1AB40]  }
0x1c8: {  	v2 =	vld [tilespmem:s19+$0x1AB50]  }
0x1c9: {  	v1 =	vld [tilespmem:s19+$0x1AB60]  }
0x1ca: {  	v0 =	vld [tilespmem:s19+$0x1AB70]  }
0x1cb: {  	v32 =	vld [tilespmem:s19+$0x14180]  }
0x1cc: {  	v33 =	vld [tilespmem:s19+$0x14190]  }
0x1cd: {  	v34 =	vld [tilespmem:s19+$0x141A0]  }
0x1ce: {  	v35 =	vld [tilespmem:s19+$0x141B0]  }
0x1cf: {  	v36 =	vld [tilespmem:s19+$0x141C0]  }
0x1d0: {  	v13 =	vadd.f32 v13, v32;
	v32 =	vld [tilespmem:s19+$0x141D0]  }
0x1d1: {  	v12 =	vadd.f32 v12, v33;
	v33 =	vld [tilespmem:s19+$0x141E0]  }
0x1d2: {  	v13 =	vmax.f32 v13, $0.0e+00;
	v14 =	vadd.f32 v14, v34;
	v34 =	vld [tilespmem:s19+$0x141F0]  }
0x1d3: {  	[tilespmem:s19+$0x14180] =	vst v13;
	v12 =	vmax.f32 v12, $0.0e+00;
	v13 =	vadd.f32 v15, v35;
	v15 =	vld [tilespmem:s19+$0x14200]  }
0x1d4: {  	[tilespmem:s19+$0x14190] =	vst v12;
	v12 =	vmax.f32 v14, $0.0e+00;
	v14 =	vadd.f32 v16, v36;
	v16 =	vld [tilespmem:s19+$0x14210]  }
0x1d5: {  	[tilespmem:s19+$0x141A0] =	vst v12;
	v12 =	vmax.f32 v13, $0.0e+00;
	v13 =	vadd.f32 v17, v32;
	v17 =	vld [tilespmem:s19+$0x14220]  }
0x1d6: {  	[tilespmem:s19+$0x141B0] =	vst v12;
	v12 =	vmax.f32 v14, $0.0e+00;
	v14 =	vadd.f32 v18, v33;
	v18 =	vld [tilespmem:s19+$0x14230]  }
0x1d7: {  	[tilespmem:s19+$0x141C0] =	vst v12;
	v12 =	vmax.f32 v13, $0.0e+00;
	v13 =	vadd.f32 v19, v34;
	v19 =	vld [tilespmem:s19+$0x14240]  }
0x1d8: {  	[tilespmem:s19+$0x141D0] =	vst v12;
	v12 =	vmax.f32 v14, $0.0e+00;
	v14 =	vadd.f32 v20, v15;
	v15 =	vld [tilespmem:s19+$0x14250]  }
0x1d9: {  	[tilespmem:s19+$0x141E0] =	vst v12;
	v12 =	vmax.f32 v13, $0.0e+00;
	v13 =	vadd.f32 v21, v16;
	v16 =	vld [tilespmem:s19+$0x14260]  }
0x1da: {  	[tilespmem:s19+$0x141F0] =	vst v12;
	v12 =	vmax.f32 v14, $0.0e+00;
	v14 =	vadd.f32 v22, v17;
	v17 =	vld [tilespmem:s19+$0x14270]  }
0x1db: {  	[tilespmem:s19+$0x14200] =	vst v12;
	v12 =	vmax.f32 v13, $0.0e+00;
	v13 =	vadd.f32 v23, v18;
	v18 =	vld [tilespmem:s19+$0x14280]  }
0x1dc: {  	[tilespmem:s19+$0x14210] =	vst v12;
	v12 =	vmax.f32 v14, $0.0e+00;
	v14 =	vadd.f32 v24, v19;
	v19 =	vld [tilespmem:s19+$0x14290]  }
0x1dd: {  	[tilespmem:s19+$0x14220] =	vst v12;
	v12 =	vmax.f32 v13, $0.0e+00;
	v13 =	vadd.f32 v25, v15;
	v15 =	vld [tilespmem:s19+$0x142A0]  }
0x1de: {  	[tilespmem:s19+$0x14230] =	vst v12;
	v12 =	vmax.f32 v14, $0.0e+00;
	v14 =	vadd.f32 v26, v16;
	v16 =	vld [tilespmem:s19+$0x142B0]  }
0x1df: {  	[tilespmem:s19+$0x14240] =	vst v12;
	v12 =	vmax.f32 v13, $0.0e+00;
	v13 =	vadd.f32 v27, v17;
	v17 =	vld [tilespmem:s19+$0x142C0]  }
0x1e0: {  	[tilespmem:s19+$0x14250] =	vst v12;
	v12 =	vmax.f32 v14, $0.0e+00;
	v14 =	vadd.f32 v28, v18;
	v18 =	vld [tilespmem:s19+$0x142D0]  }
0x1e1: {  	[tilespmem:s19+$0x14260] =	vst v12;
	v12 =	vmax.f32 v13, $0.0e+00;
	v13 =	vadd.f32 v29, v19;
	v19 =	vld [tilespmem:s19+$0x142E0]  }
0x1e2: {  	[tilespmem:s19+$0x14270] =	vst v12;
	v12 =	vmax.f32 v14, $0.0e+00;
	v14 =	vadd.f32 v30, v15;
	v15 =	vld [tilespmem:s19+$0x142F0]  }
0x1e3: {  	[tilespmem:s19+$0x14280] =	vst v12;
	v12 =	vmax.f32 v13, $0.0e+00;
	v13 =	vadd.f32 v31, v16;
	v16 =	vld [tilespmem:s19+$0x14300]  }
0x1e4: {  	[tilespmem:s19+$0x14290] =	vst v12;
	v12 =	vmax.f32 v14, $0.0e+00;
	v11 =	vadd.f32 v11, v17;
	v14 =	vld [tilespmem:s19+$0x14310]  }
.Ltmp2:
0x1e5: {  	[tilespmem:s19+$0x142A0] =	vst v12;
	v12 =	vmax.f32 v13, $0.0e+00;
	v13 =	vadd.f32 v10, v18;
	v10 =	vld [tilespmem:s19+$0x14320];
	(pc) =	sbr.rel @p0 .LBB2_7-.Ltmp2, $4  }
0x1e6: {  	[tilespmem:s19+$0x142B0] =	vst v12;
	v11 =	vmax.f32 v11, $0.0e+00;
	v12 =	vadd.f32 v9, v19;
	v9 =	vld [tilespmem:s19+$0x14330]  }
0x1e7: {  	[tilespmem:s19+$0x142C0] =	vst v11;
	v11 =	vmax.f32 v13, $0.0e+00;
	v13 =	vadd.f32 v8, v15;
	v8 =	vld [tilespmem:s19+$0x14340]  }
0x1e8: {  	[tilespmem:s19+$0x142D0] =	vst v11;
	v11 =	vmax.f32 v12, $0.0e+00;
	v12 =	vadd.f32 v7, v16;
	v7 =	vld [tilespmem:s19+$0x14350]  }
0x1e9: {  	s20 =	sadd.s32 $0x800, s20;
	[tilespmem:s19+$0x142E0] =	vst v11;
	v13 =	vmax.f32 v13, $0.0e+00;
	v11 =	vadd.f32 v6, v14;
	v6 =	vld [tilespmem:s19+$0x14360]  }
0x1ea: {  	[tilespmem:s19+$0x142F0] =	vst v13;
	v12 =	vmax.f32 v12, $0.0e+00;
	v5 =	vadd.f32 v5, v10;
	v10 =	vld [tilespmem:s19+$0x14370]  }
0x1eb: {  	[tilespmem:s19+$0x14300] =	vst v12;
	v11 =	vmax.f32 v11, $0.0e+00;
	v4 =	vadd.f32 v4, v9  }
0x1ec: {  	[tilespmem:s19+$0x14310] =	vst v11;
	v5 =	vmax.f32 v5, $0.0e+00;
	v3 =	vadd.f32 v3, v8  }
0x1ed: {  	[tilespmem:s19+$0x14320] =	vst v5;
	v4 =	vmax.f32 v4, $0.0e+00;
	v2 =	vadd.f32 v2, v7  }
0x1ee: {  	[tilespmem:s19+$0x14330] =	vst v4;
	v3 =	vmax.f32 v3, $0.0e+00;
	v1 =	vadd.f32 v1, v6  }
0x1ef: {  	[tilespmem:s19+$0x14340] =	vst v3;
	v2 =	vmax.f32 v2, $0.0e+00;
	v0 =	vadd.f32 v0, v10  }
0x1f0: {  	[tilespmem:s19+$0x14350] =	vst v2;
	v1 =	vmax.f32 v1, $0.0e+00  }
0x1f1: {  	[tilespmem:s19+$0x14360] =	vst v1;
	v0 =	vmax.f32 v0, $0.0e+00  }
0x1f2: {  	[tilespmem:s19+$0x14370] =	vst v0  }
0x1f3: {  	[spmem:s2] =	stream.indirect.scatter.add.f32 [tilespmem:s26], [sflag:$0x3], $0x80, s24, s25, $0xb8;
	[tilespmem:$0x1DD80] =	vst v63  }
0x1f4: {  	_ =	swait.ge [sflag:s30], $0x80  }
0x1f5: {  	[sflag:s30] =	ssyncset.done $0x0  }
0x1f6: {  	[sflag:s30] =	ssyncadd.s32 $0xFFFFFF80  }
0x1f7: {  	_ =	swait.ge [sflag:s9], $0x3200  }
0x1f8: {  	[sflag:s9] =	ssyncset.done $0x0  }
0x1f9: {  	s12 =	sadd.s32 s6, s18;
	s20 =	smul.u32 $0x3400, s17;
	[sflag:s9] =	ssyncadd.s32 $0xFFFFCE00  }
0x1fa: {  	[tilespmem:s31], [sflag:$0x5] =	stream.linear.gather [hbm4b:s12+s3], $0x80, $0x38;
	[tilespmem:$0x1DD80] =	vst v63  }
0x1fb: {  	_ =	swait.ge [sflag:s22], $0x80  }
0x1fc: {  	s12 =	sadd.s32 s10, s20;
	[sflag:s22] =	ssyncset.done $0x0  }
0x1fd: {  	s12 =	sshrl.u32 s12, $0x3;
	[sflag:s22] =	ssyncadd.s32 $0xFFFFFF80  }
0x1fe: {  	[tilespmem:s0], [sflag:$0x1] =	stream.indirect.gather [hbm4b:s1+s25], $0x80, s23, s25, $0xb8;
	[tilespmem:$0x1DD80] =	vst v63  }
0x1ff: {  	p0 =	sgt.u32 s17, $0x62;
	s12 =	sadd.s32 s7, s12  }
0x200: {  	[tilespmem:s28], [sflag:$0x5] =	stream.linear.gather [hbm4b:s12+s3], $0x3200, $0x38;
	[tilespmem:$0x1DD80] =	vst v63  }
0x201: {  	s12 =	sadd.s32 @!p0 $0x100, s16;
	_ =	swait.ge [sflag:s22], $0x3200  }
0x202: {  	s16 =	sand.u32 @!p0 $0x7C00, s12;
	[sflag:s22] =	ssyncset.done $0x0  }
0x203: {  	s12 =	sand.u32 @!p0 $0x300, s12;
	s16 =	sadd.s32 @!p0 s8, s16;
	[sflag:s22] =	ssyncadd.s32 $0xFFFFCE00  }
0x204: {  	s12 =	sor.u32 @!p0 s12, s16;
	_ =	swait.ge [sflag:s29], $0x3200  }
0x205: {  	s17 =	simm.s32 @!p0 $0x14000;
	s12 =	sshrl.u32 @!p0 s12, $0x3;
	[sflag:s29] =	ssyncset.done $0x0  }
0x206: {  	s16 =	simm.s32 @!p0 $0x0;
	s12 =	sadd.s32 @!p0 s5, s12;
	[sflag:s29] =	ssyncadd.s32 $0xFFFFCE00  }
0x207: {  	[tilespmem:s17], [sflag:$0x2] =	stream.linear.gather @!p0 [hbm4b:s12+s16], $0x80, $0x38;
	[tilespmem:$0x1DD80] =	vst v63  }
0x208: {  	s16 =	simm.s32 $0x0  }
0x209: {  	v6 =	vld [tilespmem:s16+$0x1A980]  }
0x20a: {  	v7 =	vld [tilespmem:s16+$0x1A990]  }
0x20b: {  	v8 =	vld [tilespmem:s16+$0x1A9A0]  }
0x20c: {  	v9 =	vld [tilespmem:s16+$0x1A9B0]  }
0x20d: {  	v10 =	vld [tilespmem:s16+$0x1A9C0]  }
0x20e: {  	v11 =	vld [tilespmem:s16+$0x1A9D0]  }
0x20f: {  	v12 =	vld [tilespmem:s16+$0x1A9E0]  }
0x210: {  	v13 =	vld [tilespmem:s16+$0x1A9F0]  }
0x211: {  	v14 =	vld [tilespmem:s16+$0x1AA00]  }
0x212: {  	v15 =	vld [tilespmem:s16+$0x1AA10]  }
0x213: {  	v16 =	vld [tilespmem:s16+$0x1AA20]  }
0x214: {  	v17 =	vld [tilespmem:s16+$0x1AA30]  }
0x215: {  	v18 =	vld [tilespmem:s16+$0x1AA40]  }
0x216: {  	v19 =	vld [tilespmem:s16+$0x1AA50]  }
0x217: {  	v20 =	vld [tilespmem:s16+$0x1AA60]  }
0x218: {  	v21 =	vld [tilespmem:s16+$0x1AA70]  }
0x219: {  	v22 =	vld [tilespmem:s16+$0x1AA80]  }
0x21a: {  	v23 =	vld [tilespmem:s16+$0x1AA90]  }
0x21b: {  	v24 =	vld [tilespmem:s16+$0x1AAA0]  }
0x21c: {  	v25 =	vld [tilespmem:s16+$0x1AAB0]  }
0x21d: {  	v26 =	vld [tilespmem:s16+$0x1AAC0]  }
0x21e: {  	v32 =	vld [tilespmem:s16+$0x17580]  }
0x21f: {  	v27 =	vld [tilespmem:s16+$0x1AAD0]  }
0x220: {  	v33 =	vld [tilespmem:s16+$0x17590]  }
0x221: {  	v34 =	vld [tilespmem:s16+$0x175A0]  }
0x222: {  	v28 =	vld [tilespmem:s16+$0x1AAE0]  }
0x223: {  	v35 =	vld [tilespmem:s16+$0x175B0];
	v6 =	vadd.f32 v6, v32  }
0x224: {  	v36 =	vld [tilespmem:s16+$0x175C0]  }
0x225: {  	v29 =	vld [tilespmem:s16+$0x1AAF0];
	v7 =	vadd.f32 v7, v33;
	v6 =	vmax.f32 v6, $0.0e+00  }
0x226: {  	v62 =	vld [tilespmem:s16+$0x175D0];
	[tilespmem:s16+$0x17580] =	vst v6;
	v6 =	vadd.f32 v8, v34  }
0x227: {  	v37 =	vld [tilespmem:s16+$0x175E0];
	v7 =	vmax.f32 v7, $0.0e+00  }
0x228: {  	v30 =	vld [tilespmem:s16+$0x1AB00];
	[tilespmem:s16+$0x17590] =	vst v7;
	v7 =	vadd.f32 v9, v35;
	v6 =	vmax.f32 v6, $0.0e+00  }
0x229: {  	v63 =	vld [tilespmem:s16+$0x175F0];
	[tilespmem:s16+$0x175A0] =	vst v6;
	v6 =	vadd.f32 v10, v36  }
0x22a: {  	v8 =	vld [tilespmem:s16+$0x17600];
	v7 =	vmax.f32 v7, $0.0e+00  }
0x22b: {  	v31 =	vld [tilespmem:s16+$0x1AB10];
	[tilespmem:s16+$0x175B0] =	vst v7;
	v7 =	vadd.f32 v11, v62;
	v6 =	vmax.f32 v6, $0.0e+00  }
0x22c: {  	v9 =	vld [tilespmem:s16+$0x17610];
	[tilespmem:s16+$0x175C0] =	vst v6;
	v6 =	vadd.f32 v12, v37  }
0x22d: {  	v10 =	vld [tilespmem:s16+$0x17620];
	v7 =	vmax.f32 v7, $0.0e+00  }
0x22e: {  	v5 =	vld [tilespmem:s16+$0x1AB20];
	[tilespmem:s16+$0x175D0] =	vst v7;
	v7 =	vadd.f32 v13, v63;
	v6 =	vmax.f32 v6, $0.0e+00  }
0x22f: {  	v11 =	vld [tilespmem:s16+$0x17630];
	[tilespmem:s16+$0x175E0] =	vst v6;
	v6 =	vadd.f32 v14, v8  }
0x230: {  	v12 =	vld [tilespmem:s16+$0x17640];
	v7 =	vmax.f32 v7, $0.0e+00  }
0x231: {  	v4 =	vld [tilespmem:s16+$0x1AB30];
	[tilespmem:s16+$0x175F0] =	vst v7;
	v7 =	vadd.f32 v15, v9;
	v6 =	vmax.f32 v6, $0.0e+00  }
0x232: {  	v13 =	vld [tilespmem:s16+$0x17650];
	[tilespmem:s16+$0x17600] =	vst v6;
	v6 =	vadd.f32 v16, v10  }
0x233: {  	v8 =	vld [tilespmem:s16+$0x17660];
	v7 =	vmax.f32 v7, $0.0e+00  }
0x234: {  	v3 =	vld [tilespmem:s16+$0x1AB40];
	[tilespmem:s16+$0x17610] =	vst v7;
	v7 =	vadd.f32 v17, v11;
	v6 =	vmax.f32 v6, $0.0e+00  }
0x235: {  	v9 =	vld [tilespmem:s16+$0x17670];
	[tilespmem:s16+$0x17620] =	vst v6;
	v6 =	vadd.f32 v18, v12  }
0x236: {  	v10 =	vld [tilespmem:s16+$0x17680];
	v7 =	vmax.f32 v7, $0.0e+00  }
0x237: {  	v2 =	vld [tilespmem:s16+$0x1AB50];
	[tilespmem:s16+$0x17630] =	vst v7;
	v7 =	vadd.f32 v19, v13;
	v6 =	vmax.f32 v6, $0.0e+00  }
0x238: {  	v11 =	vld [tilespmem:s16+$0x17690];
	[tilespmem:s16+$0x17640] =	vst v6;
	v6 =	vadd.f32 v20, v8  }
0x239: {  	v12 =	vld [tilespmem:s16+$0x176A0];
	v7 =	vmax.f32 v7, $0.0e+00  }
0x23a: {  	v1 =	vld [tilespmem:s16+$0x1AB60];
	[tilespmem:s16+$0x17650] =	vst v7;
	v7 =	vadd.f32 v21, v9;
	v6 =	vmax.f32 v6, $0.0e+00  }
0x23b: {  	v13 =	vld [tilespmem:s16+$0x176B0];
	[tilespmem:s16+$0x17660] =	vst v6;
	v6 =	vadd.f32 v22, v10  }
0x23c: {  	v8 =	vld [tilespmem:s16+$0x176C0];
	v7 =	vmax.f32 v7, $0.0e+00  }
0x23d: {  	v0 =	vld [tilespmem:s16+$0x1AB70];
	[tilespmem:s16+$0x17670] =	vst v7;
	v7 =	vadd.f32 v23, v11;
	v6 =	vmax.f32 v6, $0.0e+00  }
0x23e: {  	v9 =	vld [tilespmem:s16+$0x176D0];
	[tilespmem:s16+$0x17680] =	vst v6;
	v6 =	vadd.f32 v24, v12  }
0x23f: {  	v14 =	vld [tilespmem:s16+$0x176E0];
	v7 =	vmax.f32 v7, $0.0e+00  }
0x240: {  	v11 =	vld [tilespmem:s16+$0x176F0];
	[tilespmem:s16+$0x17690] =	vst v7;
	v7 =	vadd.f32 v25, v13;
	v6 =	vmax.f32 v6, $0.0e+00  }
0x241: {  	v12 =	vld [tilespmem:s16+$0x17700];
	[tilespmem:s16+$0x176A0] =	vst v6;
	v6 =	vadd.f32 v26, v8  }
0x242: {  	v15 =	vld [tilespmem:s16+$0x17710];
	v7 =	vmax.f32 v7, $0.0e+00  }
0x243: {  	v10 =	vld [tilespmem:s16+$0x17720];
	[tilespmem:s16+$0x176B0] =	vst v7;
	v7 =	vadd.f32 v27, v9;
	v6 =	vmax.f32 v6, $0.0e+00  }
0x244: {  	v9 =	vld [tilespmem:s16+$0x17730];
	[tilespmem:s16+$0x176C0] =	vst v6;
	v6 =	vadd.f32 v28, v14  }
0x245: {  	v11 =	vadd.f32 v29, v11;
	v8 =	vld [tilespmem:s16+$0x17740];
	v7 =	vmax.f32 v7, $0.0e+00  }
0x246: {  	v12 =	vadd.f32 v30, v12;
	[tilespmem:s16+$0x176D0] =	vst v7;
	v7 =	vld [tilespmem:s16+$0x17750];
	v6 =	vmax.f32 v6, $0.0e+00  }
0x247: {  	s17 =	simm.s32 $0x800;
	v13 =	vmax.f32 v11, $0.0e+00;
	v11 =	vadd.f32 v31, v15;
	[tilespmem:s16+$0x176E0] =	vst v6;
	v6 =	vld [tilespmem:s16+$0x17760]  }
.LBB2_9:
0x248: {  	s12 =	sshra.s32 s17, $0x2;
	p0 =	sne.s32 s17, $0xC000;
	[tilespmem:s16+$0x176F0] =	vst v13;
	v12 =	vmax.f32 v12, $0.0e+00;
	v5 =	vadd.f32 v5, v10;
	v10 =	vld [tilespmem:s16+$0x17770]  }
0x249: {  	v13 =	vld [tilespmem:s12+$0x1A980];
	[tilespmem:s16+$0x17700] =	vst v12;
	v11 =	vmax.f32 v11, $0.0e+00;
	v4 =	vadd.f32 v4, v9  }
0x24a: {  	v12 =	vld [tilespmem:s12+$0x1A990];
	[tilespmem:s16+$0x17710] =	vst v11;
	v5 =	vmax.f32 v5, $0.0e+00;
	v3 =	vadd.f32 v3, v8  }
0x24b: {  	v14 =	vld [tilespmem:s12+$0x1A9A0];
	[tilespmem:s16+$0x17720] =	vst v5;
	v4 =	vmax.f32 v4, $0.0e+00;
	v2 =	vadd.f32 v2, v7  }
0x24c: {  	v15 =	vld [tilespmem:s12+$0x1A9B0];
	[tilespmem:s16+$0x17730] =	vst v4;
	v3 =	vmax.f32 v3, $0.0e+00;
	v1 =	vadd.f32 v1, v6  }
0x24d: {  	v16 =	vld [tilespmem:s12+$0x1A9C0];
	[tilespmem:s16+$0x17740] =	vst v3;
	v2 =	vmax.f32 v2, $0.0e+00;
	v0 =	vadd.f32 v0, v10  }
0x24e: {  	v17 =	vld [tilespmem:s12+$0x1A9D0];
	[tilespmem:s16+$0x17750] =	vst v2;
	v1 =	vmax.f32 v1, $0.0e+00  }
0x24f: {  	v18 =	vld [tilespmem:s12+$0x1A9E0];
	[tilespmem:s16+$0x17760] =	vst v1;
	v0 =	vmax.f32 v0, $0.0e+00  }
0x250: {  	v19 =	vld [tilespmem:s12+$0x1A9F0];
	[tilespmem:s16+$0x17770] =	vst v0;
	s16 =	smov.u32 s12  }
0x251: {  	v20 =	vld [tilespmem:s16+$0x1AA00]  }
0x252: {  	v21 =	vld [tilespmem:s16+$0x1AA10]  }
0x253: {  	v22 =	vld [tilespmem:s16+$0x1AA20]  }
0x254: {  	v23 =	vld [tilespmem:s16+$0x1AA30]  }
0x255: {  	v24 =	vld [tilespmem:s16+$0x1AA40]  }
0x256: {  	v25 =	vld [tilespmem:s16+$0x1AA50]  }
0x257: {  	v26 =	vld [tilespmem:s16+$0x1AA60]  }
0x258: {  	v27 =	vld [tilespmem:s16+$0x1AA70]  }
0x259: {  	v28 =	vld [tilespmem:s16+$0x1AA80]  }
0x25a: {  	v29 =	vld [tilespmem:s16+$0x1AA90]  }
0x25b: {  	v30 =	vld [tilespmem:s16+$0x1AAA0]  }
0x25c: {  	v31 =	vld [tilespmem:s16+$0x1AAB0]  }
0x25d: {  	v11 =	vld [tilespmem:s16+$0x1AAC0]  }
0x25e: {  	v10 =	vld [tilespmem:s16+$0x1AAD0]  }
0x25f: {  	v9 =	vld [tilespmem:s16+$0x1AAE0]  }
0x260: {  	v8 =	vld [tilespmem:s16+$0x1AAF0]  }
0x261: {  	v7 =	vld [tilespmem:s16+$0x1AB00]  }
0x262: {  	v6 =	vld [tilespmem:s16+$0x1AB10]  }
0x263: {  	v5 =	vld [tilespmem:s16+$0x1AB20]  }
0x264: {  	v4 =	vld [tilespmem:s16+$0x1AB30]  }
0x265: {  	v3 =	vld [tilespmem:s16+$0x1AB40]  }
0x266: {  	v2 =	vld [tilespmem:s16+$0x1AB50]  }
0x267: {  	v1 =	vld [tilespmem:s16+$0x1AB60]  }
0x268: {  	v0 =	vld [tilespmem:s16+$0x1AB70]  }
0x269: {  	v32 =	vld [tilespmem:s16+$0x17580]  }
0x26a: {  	v33 =	vld [tilespmem:s16+$0x17590]  }
0x26b: {  	v34 =	vld [tilespmem:s16+$0x175A0]  }
0x26c: {  	v35 =	vld [tilespmem:s16+$0x175B0]  }
0x26d: {  	v36 =	vld [tilespmem:s16+$0x175C0]  }
0x26e: {  	v13 =	vadd.f32 v13, v32;
	v32 =	vld [tilespmem:s16+$0x175D0]  }
0x26f: {  	v12 =	vadd.f32 v12, v33;
	v33 =	vld [tilespmem:s16+$0x175E0]  }
0x270: {  	v13 =	vmax.f32 v13, $0.0e+00;
	v14 =	vadd.f32 v14, v34;
	v34 =	vld [tilespmem:s16+$0x175F0]  }
0x271: {  	[tilespmem:s16+$0x17580] =	vst v13;
	v12 =	vmax.f32 v12, $0.0e+00;
	v13 =	vadd.f32 v15, v35;
	v15 =	vld [tilespmem:s16+$0x17600]  }
0x272: {  	[tilespmem:s16+$0x17590] =	vst v12;
	v12 =	vmax.f32 v14, $0.0e+00;
	v14 =	vadd.f32 v16, v36;
	v16 =	vld [tilespmem:s16+$0x17610]  }
0x273: {  	[tilespmem:s16+$0x175A0] =	vst v12;
	v12 =	vmax.f32 v13, $0.0e+00;
	v13 =	vadd.f32 v17, v32;
	v17 =	vld [tilespmem:s16+$0x17620]  }
0x274: {  	[tilespmem:s16+$0x175B0] =	vst v12;
	v12 =	vmax.f32 v14, $0.0e+00;
	v14 =	vadd.f32 v18, v33;
	v18 =	vld [tilespmem:s16+$0x17630]  }
0x275: {  	[tilespmem:s16+$0x175C0] =	vst v12;
	v12 =	vmax.f32 v13, $0.0e+00;
	v13 =	vadd.f32 v19, v34;
	v19 =	vld [tilespmem:s16+$0x17640]  }
0x276: {  	[tilespmem:s16+$0x175D0] =	vst v12;
	v12 =	vmax.f32 v14, $0.0e+00;
	v14 =	vadd.f32 v20, v15;
	v15 =	vld [tilespmem:s16+$0x17650]  }
0x277: {  	[tilespmem:s16+$0x175E0] =	vst v12;
	v12 =	vmax.f32 v13, $0.0e+00;
	v13 =	vadd.f32 v21, v16;
	v16 =	vld [tilespmem:s16+$0x17660]  }
0x278: {  	[tilespmem:s16+$0x175F0] =	vst v12;
	v12 =	vmax.f32 v14, $0.0e+00;
	v14 =	vadd.f32 v22, v17;
	v17 =	vld [tilespmem:s16+$0x17670]  }
0x279: {  	[tilespmem:s16+$0x17600] =	vst v12;
	v12 =	vmax.f32 v13, $0.0e+00;
	v13 =	vadd.f32 v23, v18;
	v18 =	vld [tilespmem:s16+$0x17680]  }
0x27a: {  	[tilespmem:s16+$0x17610] =	vst v12;
	v12 =	vmax.f32 v14, $0.0e+00;
	v14 =	vadd.f32 v24, v19;
	v19 =	vld [tilespmem:s16+$0x17690]  }
0x27b: {  	[tilespmem:s16+$0x17620] =	vst v12;
	v12 =	vmax.f32 v13, $0.0e+00;
	v13 =	vadd.f32 v25, v15;
	v15 =	vld [tilespmem:s16+$0x176A0]  }
0x27c: {  	[tilespmem:s16+$0x17630] =	vst v12;
	v12 =	vmax.f32 v14, $0.0e+00;
	v14 =	vadd.f32 v26, v16;
	v16 =	vld [tilespmem:s16+$0x176B0]  }
0x27d: {  	[tilespmem:s16+$0x17640] =	vst v12;
	v12 =	vmax.f32 v13, $0.0e+00;
	v13 =	vadd.f32 v27, v17;
	v17 =	vld [tilespmem:s16+$0x176C0]  }
0x27e: {  	[tilespmem:s16+$0x17650] =	vst v12;
	v12 =	vmax.f32 v14, $0.0e+00;
	v14 =	vadd.f32 v28, v18;
	v18 =	vld [tilespmem:s16+$0x176D0]  }
0x27f: {  	[tilespmem:s16+$0x17660] =	vst v12;
	v12 =	vmax.f32 v13, $0.0e+00;
	v13 =	vadd.f32 v29, v19;
	v19 =	vld [tilespmem:s16+$0x176E0]  }
0x280: {  	[tilespmem:s16+$0x17670] =	vst v12;
	v12 =	vmax.f32 v14, $0.0e+00;
	v14 =	vadd.f32 v30, v15;
	v15 =	vld [tilespmem:s16+$0x176F0]  }
0x281: {  	[tilespmem:s16+$0x17680] =	vst v12;
	v12 =	vmax.f32 v13, $0.0e+00;
	v13 =	vadd.f32 v31, v16;
	v16 =	vld [tilespmem:s16+$0x17700]  }
0x282: {  	[tilespmem:s16+$0x17690] =	vst v12;
	v12 =	vmax.f32 v14, $0.0e+00;
	v11 =	vadd.f32 v11, v17;
	v14 =	vld [tilespmem:s16+$0x17710]  }
.Ltmp3:
0x283: {  	[tilespmem:s16+$0x176A0] =	vst v12;
	v12 =	vmax.f32 v13, $0.0e+00;
	v13 =	vadd.f32 v10, v18;
	v10 =	vld [tilespmem:s16+$0x17720];
	(pc) =	sbr.rel @p0 .LBB2_9-.Ltmp3, $4  }
0x284: {  	[tilespmem:s16+$0x176B0] =	vst v12;
	v11 =	vmax.f32 v11, $0.0e+00;
	v12 =	vadd.f32 v9, v19;
	v9 =	vld [tilespmem:s16+$0x17730]  }
0x285: {  	[tilespmem:s16+$0x176C0] =	vst v11;
	v11 =	vmax.f32 v13, $0.0e+00;
	v13 =	vadd.f32 v8, v15;
	v8 =	vld [tilespmem:s16+$0x17740]  }
0x286: {  	[tilespmem:s16+$0x176D0] =	vst v11;
	v11 =	vmax.f32 v12, $0.0e+00;
	v12 =	vadd.f32 v7, v16;
	v7 =	vld [tilespmem:s16+$0x17750]  }
0x287: {  	s17 =	sadd.s32 $0x800, s17;
	[tilespmem:s16+$0x176E0] =	vst v11;
	v13 =	vmax.f32 v13, $0.0e+00;
	v11 =	vadd.f32 v6, v14;
	v6 =	vld [tilespmem:s16+$0x17760]  }
0x288: {  	[tilespmem:s16+$0x176F0] =	vst v13;
	v12 =	vmax.f32 v12, $0.0e+00;
	v5 =	vadd.f32 v5, v10;
	v63 =	vld [tilespmem:s16+$0x17770]  }
0x289: {  	[tilespmem:s16+$0x17700] =	vst v12;
	v11 =	vmax.f32 v11, $0.0e+00;
	v4 =	vadd.f32 v4, v9  }
0x28a: {  	[tilespmem:s16+$0x17710] =	vst v11;
	v5 =	vmax.f32 v5, $0.0e+00;
	v3 =	vadd.f32 v3, v8  }
0x28b: {  	s15 =	sadd.s32 $0x1, s15;
	[tilespmem:s16+$0x17720] =	vst v5;
	v4 =	vmax.f32 v4, $0.0e+00;
	v2 =	vadd.f32 v2, v7  }
0x28c: {  	p0 =	sne.s32 s15, $0x32;
	[tilespmem:s16+$0x17730] =	vst v4;
	v3 =	vmax.f32 v3, $0.0e+00;
	v1 =	vadd.f32 v1, v6  }
.Ltmp4:
0x28d: {  	[tilespmem:s16+$0x17740] =	vst v3;
	v2 =	vmax.f32 v2, $0.0e+00;
	v0 =	vadd.f32 v0, v63;
	(pc) =	sbr.rel @p0 .LBB2_6-.Ltmp4, $4  }
0x28e: {  	[tilespmem:s16+$0x17750] =	vst v2;
	v1 =	vmax.f32 v1, $0.0e+00  }
0x28f: {  	[tilespmem:s16+$0x17760] =	vst v1;
	v0 =	vmax.f32 v0, $0.0e+00  }
0x290: {  	[tilespmem:s16+$0x17770] =	vst v0  }
0x291: {  	[spmem:s2] =	stream.indirect.scatter.add.f32 [tilespmem:s0], [sflag:$0x4], $0x80, s31, s25, $0xb8;
	[tilespmem:$0x1DD80] =	vst v63  }
0x292: {  	_ =	swait.ge [sflag:s4], $0x3200  }
0x293: {  	[sflag:s4] =	ssyncset.done $0x0  }
0x294: {  	[sflag:s4] =	ssyncadd.s32 $0xFFFFCE00  }
0x295: {  	_ =	swait.ge [sflag:s9], $0x3200  }
0x296: {  	[sflag:s9] =	ssyncset.done $0x0  }
0x297: {  	[sflag:s9] =	ssyncadd.s32 $0xFFFFCE00  }
0x298: {  	[bflag:$0x0] =	sbarrier.arrive $0xFFFF  }
0x299: {  	s12 =	rddreg [dreg:$0xd]  }
0x29a: {  	[hbm:s12], [sflag:s11] =	dma.local [spmem:s21], $0x2800  }
0x29b: {  	_ =	swait.ge [sflag:s22], $0x2800  }
0x29c: {  	s13 =	sadd.s32 $0x1, s13;
	s20 =	rddreg [dreg:$0xe]  }
0x29d: {  	p0 =	sne.s32 s13, s20  }
.Ltmp5:
0x29e: {  	_ = 	snop;
	(pc) =	sbr.rel @p0 .LBB2_1-.Ltmp5, $3  }
0x29f: {  	_ =	sdelay $0x1  }
0x2a0: {  	[sflag:s22] =	ssyncset.done $0x0  }
0x2a1: {  	[sflag:s22] =	ssyncadd.s32 $0xFFFFD800  }
0x2a2: {  	_ =	sfence.sel $0x180000  }
0x2a3: {  	[bflag:$0x0] =	sbarrier.arrive $0xFFFF  }
0x2a4: {  	_ =	strace $0x90000047  }
0x2a5: {  	s0 =	stileid.u32;
	[bflag:$0x2] =	sbarrier.arrive $0xFFFF  }
0x2a6: {  	p0 =	sne.s32 s0, $0x0;
	s0 =	rddreg [dreg:$0x5]  }
0x2a7: {  	s0 =	sadd.s32 @!p0 $0x100000, s0  }
0x2a8: {  	[sflag:s0] =	ssyncadd.tile.s32 @!p0 $0x1;
	_ =	shalt  }
.Lfunc_end2:
_tile_overlayer_lowered:
.L_overlay_start_2:
0x2a9: {  	(tag) =	ssettag $0x2  }
0x2aa: {  	s0 =	rddreg [dreg:$0x0];
	s2 =	stileid.u32  }
0x2ab: {  	s1 =	rddreg [dreg:$0x1];
	p0 =	sne.s32 s2, $0x0  }
0x2ac: {  	s3 =	rddreg [dreg:$0x2];
	[bflag:$0x3] =	sbarrier.arrive $0xFFFF;
	s2 =	simm.s32 @!p0 $0x1C05  }
0x2ad: {  	[timem:s3], [sflag:s2] =	dma.local @!p0 [hbm:s0], s1  }
0x2ae: {  	s0 =	simm.s32 @!p0 $0x5  }
0x2af: {  	_ =	swait.ge @!p0 [sflag:s0], s1  }
0x2b0: {  	s1 =	ssub.s32 @!p0 $0x0, s1;
	[sflag:s0] =	ssyncset.done @!p0 $0x0  }
0x2b1: {  	[sflag:s0] =	ssyncadd.s32 @!p0 s1  }
0x2b2: {  	[bflag:$0x3] =	sbarrier.arrive $0xFFFF  }
0x2b3: {  	_ =	shalt  }

</sc_bundles>
